<compile_context>
chip_gen: v7x
topology: tpu7x:2x2x1
jax: 0.10.2.dev20260603
libtpu: 0.0.44.dev20260713+nightly
codegen_flags: <defaults>
</compile_context>

<pallas_src>
import jax
import jax.numpy as jnp
from jax import lax
from jax.experimental import pallas as pl
from jax.experimental.pallas import tpu as pltpu
from jax.experimental.pallas import tpu_sc as plsc

N_NODES = 10000
N_EDGES = 160000
DIM = 256
NC = 2
NS = 16
LANES = 16
CH = DIM // NC
EPT = N_EDGES // NS
CHUNK = 80
NSUP = 5
NSUB = 25
EGR = EPT // LANES
ZCH = 80
NZCH = N_NODES // ZCH


def _nrsqrt(x):
    i = plsc.bitcast(x, jnp.int32)
    i = jnp.int32(0x5F3759DF) - (i >> 1)
    y = plsc.bitcast(i, jnp.float32)
    for _ in range(3):
        y = y * (1.5 - 0.5 * x * y * y)
    return y




def _sc_dist_body(pos4, prows, pcols, out, postab, idxr, idxc, distbuf, sem):
    s = lax.axis_index("s")
    c = lax.axis_index("c")
    pltpu.sync_copy(pos4, postab)
    pltpu.sync_copy(prows.at[c, s], idxr)
    pltpu.sync_copy(pcols.at[c, s], idxc)

    def groupD(g, carry):
        rb = idxr[pl.ds(g * LANES, LANES)] * 4
        cb = idxc[pl.ds(g * LANES, LANES)] * 4

        def pcomp(base, comp):
            return plsc.load_gather(postab, [base + comp])

        dx = pcomp(rb, 0) - pcomp(cb, 0)
        dy = pcomp(rb, 1) - pcomp(cb, 1)
        dz = pcomp(rb, 2) - pcomp(cb, 2)
        d2 = jnp.maximum(dx * dx + dy * dy + dz * dz, 1e-24)
        distbuf[pl.ds(g * LANES, LANES)] = d2 * _nrsqrt(d2)
        return carry

    lax.fori_loop(0, EGR, groupD, None, unroll=False)
    pltpu.sync_copy(distbuf, out.at[c, s])


def _sc_dist(pos4, prows, pcols):
    mesh = plsc.VectorSubcoreMesh(core_axis_name="c", subcore_axis_name="s",
                                  num_cores=NC, num_subcores=NS)
    fn = pl.kernel(
        _sc_dist_body,
        out_type=jax.ShapeDtypeStruct((2, NS, EPT), jnp.float32),
        mesh=mesh,
        scratch_types=[
            pltpu.VMEM((4 * N_NODES,), jnp.float32),
            pltpu.VMEM((EPT,), jnp.int32),
            pltpu.VMEM((EPT,), jnp.int32),
            pltpu.VMEM((EPT,), jnp.float32),
            pltpu.SemaphoreType.DMA,
        ],
        compiler_params=pltpu.CompilerParams(needs_layout_passes=False),
    )
    return fn(pos4, prows, pcols)



_RBLK = 1600


def _tc_radial_body(dist_ref, wc_ref, vec_ref, out_ref):
    d = jnp.broadcast_to(dist_ref[...], (_RBLK, 128))
    lane = lax.broadcasted_iota(jnp.int32, (_RBLK, 128), 1)
    t = d - lane.astype(jnp.float32) * 1.125
    rbf = jnp.where(lane < 9, jnp.exp(-(t * t)), 0.0)
    h = jnp.dot(rbf.astype(jnp.bfloat16), wc_ref[...],
                preferred_element_type=jnp.float32)
    h = h + vec_ref[0:1, :]
    m = jnp.mean(h, axis=-1, keepdims=True)
    v = jnp.mean(h * h, axis=-1, keepdims=True) - m * m
    ln = (h - m) * lax.rsqrt(v + 1e-5) * vec_ref[1:2, :] + vec_ref[2:3, :]
    r = jnp.maximum(ln, 0.1 * ln)
    out_ref[0, ...] = r[:, :CH]
    out_ref[1, ...] = r[:, CH:]


def _tc_radial(dist, wcp, vec):
    grid = (N_EDGES // _RBLK,)
    return pl.pallas_call(
        _tc_radial_body,
        grid=grid,
        in_specs=[pl.BlockSpec((_RBLK, 1), lambda i: (i, 0)),
                  pl.BlockSpec((128, DIM), lambda i: (0, 0)),
                  pl.BlockSpec((3, DIM), lambda i: (0, 0))],
        out_specs=pl.BlockSpec((NC, _RBLK, CH), lambda i: (0, i, 0)),
        out_shape=jax.ShapeDtypeStruct((NC, N_EDGES, CH), jnp.float32),
    )(dist, wcp, vec)




def _sc_body(xcat, gidx, pcol4, rad, zblk, out,
             idxg, idxc, rb0, rb1, xb0, xb1, aggsh,
             sg0, sg1, sr0, sr1):
    c = lax.axis_index("c")
    s = lax.axis_index("s")
    slots = ((xb0, rb0, sg0, sr0), (xb1, rb1, sg1, sr1))

    for i in range((NZCH + NS - 1) // NS):
        zi = s + i * NS

        @pl.when(zi < NZCH)
        def _():
            pltpu.sync_copy(zblk, aggsh.at[pl.ds(zi * ZCH, ZCH)])
    plsc.subcore_barrier()

    def sup_body(sc, carry0):
        pltpu.sync_copy(gidx.at[c, s, sc], idxg)
        pltpu.sync_copy(pcol4.at[s, sc], idxc)
        e00 = s * EPT + sc * (NSUB * CHUNK)

        def issue(slot, j):
            xb, rb, sg, sr = slots[slot]
            pltpu.async_copy(xcat.at[idxg.at[j]], xb, sg)
            pltpu.async_copy(rad.at[c, pl.ds(e00 + j * CHUNK, CHUNK)],
                             rb, sr)

        def process(slot, j, nxt):
            xb, rb, sg, sr = slots[slot]
            pltpu.make_async_copy(xcat.at[idxg.at[j]], xb, sg).wait()
            pltpu.make_async_copy(
                rad.at[c, pl.ds(e00 + j * CHUNK, CHUNK)], rb, sr).wait()

            def edge_mul(e, carry2):
                for t in range(CH // LANES):
                    sl = pl.ds(t * LANES, LANES)
                    xb[e, sl] = rb[e, sl] * xb[e, sl]
                return carry2

            lax.fori_loop(0, CHUNK, edge_mul, None, unroll=False)
            pltpu.sync_copy(xb, aggsh.at[idxc.at[j]], add=True)
            if nxt is not None:
                @pl.when(nxt < NSUB)
                def _():
                    issue(slot, nxt)

        issue(0, 0)
        issue(1, 1)

        def pair(kk, carry):
            j = kk * 2
            process(0, j, j + 2)
            process(1, j + 1, j + 3)
            return carry

        lax.fori_loop(0, NSUB // 2, pair, None, unroll=False)
        process(0, NSUB - 1, None)
        return carry0

    lax.fori_loop(0, NSUP, sup_body, None, unroll=False)
    plsc.subcore_barrier()

    for i in range((NZCH + NS - 1) // NS):
        zi = s + i * NS

        @pl.when(zi < NZCH)
        def _():
            pltpu.sync_copy(aggsh.at[pl.ds(zi * ZCH, ZCH)], xb0)
            pltpu.sync_copy(xb0, out.at[c, pl.ds(zi * ZCH, ZCH)])


_SC_SCRATCH = [
    pltpu.VMEM((NSUB, CHUNK), jnp.int32),
    pltpu.VMEM((NSUB, CHUNK), jnp.int32),
    pltpu.VMEM((CHUNK, CH), jnp.float32),
    pltpu.VMEM((CHUNK, CH), jnp.float32),
    pltpu.VMEM((CHUNK, CH), jnp.float32),
    pltpu.VMEM((CHUNK, CH), jnp.float32),
    pltpu.VMEM_SHARED((N_NODES, CH), jnp.float32),
    pltpu.SemaphoreType.DMA,
    pltpu.SemaphoreType.DMA,
    pltpu.SemaphoreType.DMA,
    pltpu.SemaphoreType.DMA,
]


def _sc_pass(xcat, gidx, pcol4, rad, zblk):
    mesh = plsc.VectorSubcoreMesh(core_axis_name="c", subcore_axis_name="s",
                                  num_cores=NC, num_subcores=NS)
    fn = pl.kernel(
        _sc_body,
        out_type=jax.ShapeDtypeStruct((NC, N_NODES, CH), jnp.float32),
        mesh=mesh,
        scratch_types=_SC_SCRATCH,
        compiler_params=pltpu.CompilerParams(needs_layout_passes=False),
    )
    return fn(xcat, gidx, pcol4, rad, zblk)



_BLK = 400


def _tc_body(alo_a, ahi_a, alo_b, ahi_b, x, Wo_a, Wo_b, vecs, out_ref):
    xb = x[...]

    def branch(alo, ahi, Wo, bo, go, betao):
        a = jnp.concatenate([alo[...], ahi[...]], axis=-1)
        h = jnp.dot(a, Wo[...], preferred_element_type=jnp.float32) + bo
        m = jnp.mean(h, axis=-1, keepdims=True)
        v = jnp.mean(h * h, axis=-1, keepdims=True) - m * m
        ln = (h - m) * lax.rsqrt(v + 1e-5) * go + betao
        return jnp.maximum(ln, 0.1 * ln)

    la = branch(alo_a, ahi_a, Wo_a, vecs[0:1, :], vecs[1:2, :], vecs[2:3, :])
    lb = branch(alo_b, ahi_b, Wo_b, vecs[3:4, :], vecs[4:5, :], vecs[5:6, :])
    out_ref[...] = 0.5 * (la + lb) + xb


def _tc_out(agg_a, agg_b, x, Wo_a, Wo_b, vecs):
    grid = (N_NODES // _BLK,)
    half_spec = pl.BlockSpec((_BLK, CH), lambda i: (i, 0))
    full_spec = pl.BlockSpec((_BLK, DIM), lambda i: (i, 0))
    w_spec = pl.BlockSpec((DIM, DIM), lambda i: (0, 0))
    v_spec = pl.BlockSpec((6, DIM), lambda i: (0, 0))
    return pl.pallas_call(
        _tc_body,
        grid=grid,
        in_specs=[half_spec, half_spec, half_spec, half_spec, full_spec,
                  w_spec, w_spec, v_spec],
        out_specs=full_spec,
        out_shape=jax.ShapeDtypeStruct((N_NODES, DIM), jnp.float32),
    )(agg_a[0], agg_a[1], agg_b[0], agg_b[1], x, Wo_a, Wo_b, vecs)


def kernel(x, pos, edge_index_intra, edge_index_inter, Wc_a, bc_a, gc_a, betac_a, Wo_a, bo_a, go_a, betao_a, Wc_b, bc_b, gc_b, betac_b, Wo_b, bo_b, go_b, betao_b):
    xcat = jnp.concatenate([x[:, :CH], x[:, CH:]], axis=0)
    pos4 = jnp.pad(pos, ((0, 0), (0, 1))).reshape(-1)
    zblk = jnp.zeros((ZCH, CH), jnp.float32)

    rows = [edge_index_intra[0], edge_index_inter[0]]
    cols = [edge_index_intra[1], edge_index_inter[1]]
    prows = jnp.stack(rows).reshape(2, NS, EPT)
    pcols = jnp.stack(cols).reshape(2, NS, EPT)
    dist = _sc_dist(pos4, prows, pcols)

    def wprep(Wc, bc, gc, betac):
        wcp = jnp.zeros((128, DIM), jnp.bfloat16).at[:9, :].set(
            Wc.astype(jnp.bfloat16))
        vec = jnp.stack([bc, gc, betac])
        return wcp, vec

    def run_pass(p, Wc, bc, gc, betac):
        wcp, vec = wprep(Wc, bc, gc, betac)
        rad = _tc_radial(dist[p].reshape(N_EDGES, 1), wcp, vec)
        gidx = jnp.stack([rows[p], rows[p] + N_NODES]).reshape(
            NC, NS, NSUP, NSUB, CHUNK)
        pcol4 = cols[p].reshape(NS, NSUP, NSUB, CHUNK)
        return _sc_pass(xcat, gidx, pcol4, rad, zblk)

    agg_a = run_pass(0, Wc_a, bc_a, gc_a, betac_a)
    agg_b = run_pass(1, Wc_b, bc_b, gc_b, betac_b)

    vecs = jnp.stack([bo_a, go_a, betao_a, bo_b, go_b, betao_b])
    return _tc_out(agg_a, agg_b, x, Wo_a, Wo_b, vecs)

# --- scband reference (transcript-rebuilt; emitter-appended) ---
"""Pipeline reference for scband-gignblock-56083682951195 (READ-ONLY COPY).

The authoritative reference and input builder live on the scoring server;
editing this copy changes nothing except your own understanding.
"""

import jax, jax.numpy as jnp
import numpy as np

N = 10000
E = 160000
D = 256


def _rbf(dist):
    mu = jnp.linspace(0.0, 9.0, 9)[None, :]
    sigma = (9.0 - 0.0) / 9
    return jnp.exp(-((dist[:, None] - mu) / sigma) ** 2)


def _layernorm(h, g, b, eps=1e-5):
    m = jnp.mean(h, axis=-1, keepdims=True)
    v = jnp.var(h, axis=-1, keepdims=True)
    return (h - m) / jnp.sqrt(v + eps) * g + b


def _leaky(h):
    return jnp.where(h >= 0, h, 0.1 * h)


def _hil(x, pos, edge_index, Wc, bc, gc, betac, Wo, bo, go, betao):
    row = edge_index[0]
    col = edge_index[1]
    coord_diff = pos[row] - pos[col]
    dist = jnp.sqrt(jnp.sum(coord_diff * coord_diff, axis=-1))
    radial = _leaky(_layernorm(_rbf(dist) @ Wc + bc, gc, betac))
    msg = x[row] * radial
    agg = jax.ops.segment_sum(msg, col, num_segments=x.shape[0])
    out = _leaky(_layernorm(agg @ Wo + bo, go, betao))
    return out + x


def setup_inputs(seed: int = 0):
    key = jax.random.key(seed)
    ks = jax.random.split(key, 12)
    inp = {}
    inp['x'] = jax.random.normal(ks[0], (N, D), dtype=jnp.float32)
    inp['pos'] = jax.random.normal(ks[1], (N, 3), dtype=jnp.float32)
    inp['edge_index_intra'] = jax.random.randint(ks[2], (2, E), 0, N, dtype=jnp.int32)
    inp['edge_index_inter'] = jax.random.randint(ks[3], (2, E), 0, N, dtype=jnp.int32)
    for i, tag in enumerate(['a', 'b']):
        inp['Wc_' + tag] = jax.random.normal(ks[4 + 4 * i], (9, D), dtype=jnp.float32) / np.sqrt(9.0)
        inp['bc_' + tag] = jnp.zeros((D,), dtype=jnp.float32)
        inp['gc_' + tag] = jnp.ones((D,), dtype=jnp.float32)
        inp['betac_' + tag] = jnp.zeros((D,), dtype=jnp.float32)
        inp['Wo_' + tag] = jax.random.normal(ks[5 + 4 * i], (D, D), dtype=jnp.float32) / np.sqrt(float(D))
        inp['bo_' + tag] = jnp.zeros((D,), dtype=jnp.float32)
        inp['go_' + tag] = jnp.ones((D,), dtype=jnp.float32)
        inp['betao_' + tag] = jnp.zeros((D,), dtype=jnp.float32)
    return inp


def reference(x, pos, edge_index_intra, edge_index_inter,
              Wc_a, bc_a, gc_a, betac_a, Wo_a, bo_a, go_a, betao_a,
              Wc_b, bc_b, gc_b, betac_b, Wo_b, bo_b, go_b, betao_b):
    x_intra = _hil(x, pos, edge_index_intra, Wc_a, bc_a, gc_a, betac_a, Wo_a, bo_a, go_a, betao_a)
    x_inter = _hil(x, pos, edge_index_inter, Wc_b, bc_b, gc_b, betac_b, Wo_b, bo_b, go_b, betao_b)
    return (x_intra + x_inter) / 2.0

if __name__ == "__main__":
    import jax
    _d = setup_inputs()
    print(jax.jit(kernel)(*tuple(_d.values())))

</pallas_src>

<mosaic_0001>
#map = affine_map<(d0, d1) -> (0, 0)>
#map1 = affine_map<(d0, d1) -> (0, 0, 0, 0, 0)>
#map2 = affine_map<(d0, d1) -> (0, 0, 0, 0)>
#map3 = affine_map<(d0, d1) -> (0, 0, 0)>
module attributes {stable_mosaic.version = 14 : i64} {
  func.func @_sc_body(%arg0: i32, %arg1: i32, %arg2: memref<20000x128xf32, #tpu.memory_space<hbm>>, %arg3: memref<2x16x5x25x80xi32, #tpu.memory_space<hbm>>, %arg4: memref<16x5x25x80xi32, #tpu.memory_space<hbm>>, %arg5: memref<2x160000x128xf32, #tpu.memory_space<hbm>>, %arg6: memref<80x128xf32, #tpu.memory_space<hbm>>, %arg7: memref<2x10000x128xf32, #tpu.memory_space<hbm>>, %arg8: memref<25x80xi32, #tpu.memory_space<vmem>>, %arg9: memref<25x80xi32, #tpu.memory_space<vmem>>, %arg10: memref<80x128xf32, #tpu.memory_space<vmem>>, %arg11: memref<80x128xf32, #tpu.memory_space<vmem>>, %arg12: memref<80x128xf32, #tpu.memory_space<vmem>>, %arg13: memref<80x128xf32, #tpu.memory_space<vmem>>, %arg14: memref<10000x128xf32, #tpu.memory_space<vmem_shared>>, %arg15: memref<!tpu.dma_semaphore, #tpu.memory_space<semaphore_mem>>, %arg16: memref<!tpu.dma_semaphore, #tpu.memory_space<semaphore_mem>>, %arg17: memref<!tpu.dma_semaphore, #tpu.memory_space<semaphore_mem>>, %arg18: memref<!tpu.dma_semaphore, #tpu.memory_space<semaphore_mem>>) attributes {dimension_semantics = [#tpu.dimension_semantics<core_parallel>, #tpu.dimension_semantics<subcore_parallel>], iteration_bounds = array<i64: 2, 16>, scalar_prefetch = 0 : i64, scratch_operands = 11 : i64, tpu.core_type = #tpu.core_type<sc_vector_subcore>, window_params = [{transform_indices = #map}, {transform_indices = #map1}, {transform_indices = #map2}, {transform_indices = #map3}, {transform_indices = #map}, {transform_indices = #map3}]} {
    %add3A = arith.constant 0 : i32
    %add3A_0 = arith.addi %arg1, %add3A : i32
    %lt3A = arith.constant 125 : i32
    %lt3A_1 = arith.cmpi slt, %add3A_0, %lt3A : i32
    %convert_element_type3A = arith.extui %lt3A_1 : i1 to i32
    %cond3A = arith.constant 0 : i32
    %cond3A_2 = arith.cmpi ne, %convert_element_type3A, %cond3A : i32
    scf.if %cond3A_2 {
      %mul3A = arith.constant 80 : i32
      %mul3A_113 = arith.muli %add3A_0, %mul3A : i32
      "tpu.region"() ({
        %run_scoped3A = tpu.sem_alloc : memref<!tpu.dma_semaphore, #tpu.memory_space<semaphore_mem>>
        %dma_start3A = arith.constant 0 : i32
        %dma_start3A_114 = tpu.memref_slice %arg14[%mul3A_113, %dma_start3A] : memref<10000x128xf32, #tpu.memory_space<vmem_shared>> -> memref<80x128xf32, #tpu.memory_space<vmem_shared>>
        tpu.enqueue_dma source(%arg6 : memref<80x128xf32, #tpu.memory_space<hbm>>) target(%dma_start3A_114 : memref<80x128xf32, #tpu.memory_space<vmem_shared>>) target_semaphore(%run_scoped3A : memref<!tpu.dma_semaphore, #tpu.memory_space<semaphore_mem>>)
        %dma_wait3A = arith.constant 0 : i32
        %dma_wait3A_115 = tpu.memref_slice %arg14[%mul3A_113, %dma_wait3A] : memref<10000x128xf32, #tpu.memory_space<vmem_shared>> -> memref<80x128xf32, #tpu.memory_space<vmem_shared>>
        tpu.wait_dma2 semaphore(%run_scoped3A : memref<!tpu.dma_semaphore, #tpu.memory_space<semaphore_mem>>) src(%arg6 : memref<80x128xf32, #tpu.memory_space<hbm>>) dst(%dma_wait3A_115 : memref<80x128xf32, #tpu.memory_space<vmem_shared>>)
        tpu.yield
      }) : () -> ()
    } else {
    }
    %add3A_3 = arith.constant 16 : i32
    %add3A_4 = arith.addi %arg1, %add3A_3 : i32
    %lt3A_5 = arith.constant 125 : i32
    %lt3A_6 = arith.cmpi slt, %add3A_4, %lt3A_5 : i32
    %convert_element_type3A_7 = arith.extui %lt3A_6 : i1 to i32
    %cond3A_8 = arith.constant 0 : i32
    %cond3A_9 = arith.cmpi ne, %convert_element_type3A_7, %cond3A_8 : i32
    scf.if %cond3A_9 {
      %mul3A = arith.constant 80 : i32
      %mul3A_113 = arith.muli %add3A_4, %mul3A : i32
      "tpu.region"() ({
        %run_scoped3A = tpu.sem_alloc : memref<!tpu.dma_semaphore, #tpu.memory_space<semaphore_mem>>
        %dma_start3A = arith.constant 0 : i32
        %dma_start3A_114 = tpu.memref_slice %arg14[%mul3A_113, %dma_start3A] : memref<10000x128xf32, #tpu.memory_space<vmem_shared>> -> memref<80x128xf32, #tpu.memory_space<vmem_shared>>
        tpu.enqueue_dma source(%arg6 : memref<80x128xf32, #tpu.memory_space<hbm>>) target(%dma_start3A_114 : memref<80x128xf32, #tpu.memory_space<vmem_shared>>) target_semaphore(%run_scoped3A : memref<!tpu.dma_semaphore, #tpu.memory_space<semaphore_mem>>)
        %dma_wait3A = arith.constant 0 : i32
        %dma_wait3A_115 = tpu.memref_slice %arg14[%mul3A_113, %dma_wait3A] : memref<10000x128xf32, #tpu.memory_space<vmem_shared>> -> memref<80x128xf32, #tpu.memory_space<vmem_shared>>
        tpu.wait_dma2 semaphore(%run_scoped3A : memref<!tpu.dma_semaphore, #tpu.memory_space<semaphore_mem>>) src(%arg6 : memref<80x128xf32, #tpu.memory_space<hbm>>) dst(%dma_wait3A_115 : memref<80x128xf32, #tpu.memory_space<vmem_shared>>)
        tpu.yield
      }) : () -> ()
    } else {
    }
    %add3A_10 = arith.constant 32 : i32
    %add3A_11 = arith.addi %arg1, %add3A_10 : i32
    %lt3A_12 = arith.constant 125 : i32
    %lt3A_13 = arith.cmpi slt, %add3A_11, %lt3A_12 : i32
    %convert_element_type3A_14 = arith.extui %lt3A_13 : i1 to i32
    %cond3A_15 = arith.constant 0 : i32
    %cond3A_16 = arith.cmpi ne, %convert_element_type3A_14, %cond3A_15 : i32
    scf.if %cond3A_16 {
      %mul3A = arith.constant 80 : i32
      %mul3A_113 = arith.muli %add3A_11, %mul3A : i32
      "tpu.region"() ({
        %run_scoped3A = tpu.sem_alloc : memref<!tpu.dma_semaphore, #tpu.memory_space<semaphore_mem>>
        %dma_start3A = arith.constant 0 : i32
        %dma_start3A_114 = tpu.memref_slice %arg14[%mul3A_113, %dma_start3A] : memref<10000x128xf32, #tpu.memory_space<vmem_shared>> -> memref<80x128xf32, #tpu.memory_space<vmem_shared>>
        tpu.enqueue_dma source(%arg6 : memref<80x128xf32, #tpu.memory_space<hbm>>) target(%dma_start3A_114 : memref<80x128xf32, #tpu.memory_space<vmem_shared>>) target_semaphore(%run_scoped3A : memref<!tpu.dma_semaphore, #tpu.memory_space<semaphore_mem>>)
        %dma_wait3A = arith.constant 0 : i32
        %dma_wait3A_115 = tpu.memref_slice %arg14[%mul3A_113, %dma_wait3A] : memref<10000x128xf32, #tpu.memory_space<vmem_shared>> -> memref<80x128xf32, #tpu.memory_space<vmem_shared>>
        tpu.wait_dma2 semaphore(%run_scoped3A : memref<!tpu.dma_semaphore, #tpu.memory_space<semaphore_mem>>) src(%arg6 : memref<80x128xf32, #tpu.memory_space<hbm>>) dst(%dma_wait3A_115 : memref<80x128xf32, #tpu.memory_space<vmem_shared>>)
        tpu.yield
      }) : () -> ()
    } else {
    }
    %add3A_17 = arith.constant 48 : i32
    %add3A_18 = arith.addi %arg1, %add3A_17 : i32
    %lt3A_19 = arith.constant 125 : i32
    %lt3A_20 = arith.cmpi slt, %add3A_18, %lt3A_19 : i32
    %convert_element_type3A_21 = arith.extui %lt3A_20 : i1 to i32
    %cond3A_22 = arith.constant 0 : i32
    %cond3A_23 = arith.cmpi ne, %convert_element_type3A_21, %cond3A_22 : i32
    scf.if %cond3A_23 {
      %mul3A = arith.constant 80 : i32
      %mul3A_113 = arith.muli %add3A_18, %mul3A : i32
      "tpu.region"() ({
        %run_scoped3A = tpu.sem_alloc : memref<!tpu.dma_semaphore, #tpu.memory_space<semaphore_mem>>
        %dma_start3A = arith.constant 0 : i32
        %dma_start3A_114 = tpu.memref_slice %arg14[%mul3A_113, %dma_start3A] : memref<10000x128xf32, #tpu.memory_space<vmem_shared>> -> memref<80x128xf32, #tpu.memory_space<vmem_shared>>
        tpu.enqueue_dma source(%arg6 : memref<80x128xf32, #tpu.memory_space<hbm>>) target(%dma_start3A_114 : memref<80x128xf32, #tpu.memory_space<vmem_shared>>) target_semaphore(%run_scoped3A : memref<!tpu.dma_semaphore, #tpu.memory_space<semaphore_mem>>)
        %dma_wait3A = arith.constant 0 : i32
        %dma_wait3A_115 = tpu.memref_slice %arg14[%mul3A_113, %dma_wait3A] : memref<10000x128xf32, #tpu.memory_space<vmem_shared>> -> memref<80x128xf32, #tpu.memory_space<vmem_shared>>
        tpu.wait_dma2 semaphore(%run_scoped3A : memref<!tpu.dma_semaphore, #tpu.memory_space<semaphore_mem>>) src(%arg6 : memref<80x128xf32, #tpu.memory_space<hbm>>) dst(%dma_wait3A_115 : memref<80x128xf32, #tpu.memory_space<vmem_shared>>)
        tpu.yield
      }) : () -> ()
    } else {
    }
    %add3A_24 = arith.constant 64 : i32
    %add3A_25 = arith.addi %arg1, %add3A_24 : i32
    %lt3A_26 = arith.constant 125 : i32
    %lt3A_27 = arith.cmpi slt, %add3A_25, %lt3A_26 : i32
    %convert_element_type3A_28 = arith.extui %lt3A_27 : i1 to i32
    %cond3A_29 = arith.constant 0 : i32
    %cond3A_30 = arith.cmpi ne, %convert_element_type3A_28, %cond3A_29 : i32
    scf.if %cond3A_30 {
      %mul3A = arith.constant 80 : i32
      %mul3A_113 = arith.muli %add3A_25, %mul3A : i32
      "tpu.region"() ({
        %run_scoped3A = tpu.sem_alloc : memref<!tpu.dma_semaphore, #tpu.memory_space<semaphore_mem>>
        %dma_start3A = arith.constant 0 : i32
        %dma_start3A_114 = tpu.memref_slice %arg14[%mul3A_113, %dma_start3A] : memref<10000x128xf32, #tpu.memory_space<vmem_shared>> -> memref<80x128xf32, #tpu.memory_space<vmem_shared>>
        tpu.enqueue_dma source(%arg6 : memref<80x128xf32, #tpu.memory_space<hbm>>) target(%dma_start3A_114 : memref<80x128xf32, #tpu.memory_space<vmem_shared>>) target_semaphore(%run_scoped3A : memref<!tpu.dma_semaphore, #tpu.memory_space<semaphore_mem>>)
        %dma_wait3A = arith.constant 0 : i32
        %dma_wait3A_115 = tpu.memref_slice %arg14[%mul3A_113, %dma_wait3A] : memref<10000x128xf32, #tpu.memory_space<vmem_shared>> -> memref<80x128xf32, #tpu.memory_space<vmem_shared>>
        tpu.wait_dma2 semaphore(%run_scoped3A : memref<!tpu.dma_semaphore, #tpu.memory_space<semaphore_mem>>) src(%arg6 : memref<80x128xf32, #tpu.memory_space<hbm>>) dst(%dma_wait3A_115 : memref<80x128xf32, #tpu.memory_space<vmem_shared>>)
        tpu.yield
      }) : () -> ()
    } else {
    }
    %add3A_31 = arith.constant 80 : i32
    %add3A_32 = arith.addi %arg1, %add3A_31 : i32
    %lt3A_33 = arith.constant 125 : i32
    %lt3A_34 = arith.cmpi slt, %add3A_32, %lt3A_33 : i32
    %convert_element_type3A_35 = arith.extui %lt3A_34 : i1 to i32
    %cond3A_36 = arith.constant 0 : i32
    %cond3A_37 = arith.cmpi ne, %convert_element_type3A_35, %cond3A_36 : i32
    scf.if %cond3A_37 {
      %mul3A = arith.constant 80 : i32
      %mul3A_113 = arith.muli %add3A_32, %mul3A : i32
      "tpu.region"() ({
        %run_scoped3A = tpu.sem_alloc : memref<!tpu.dma_semaphore, #tpu.memory_space<semaphore_mem>>
        %dma_start3A = arith.constant 0 : i32
        %dma_start3A_114 = tpu.memref_slice %arg14[%mul3A_113, %dma_start3A] : memref<10000x128xf32, #tpu.memory_space<vmem_shared>> -> memref<80x128xf32, #tpu.memory_space<vmem_shared>>
        tpu.enqueue_dma source(%arg6 : memref<80x128xf32, #tpu.memory_space<hbm>>) target(%dma_start3A_114 : memref<80x128xf32, #tpu.memory_space<vmem_shared>>) target_semaphore(%run_scoped3A : memref<!tpu.dma_semaphore, #tpu.memory_space<semaphore_mem>>)
        %dma_wait3A = arith.constant 0 : i32
        %dma_wait3A_115 = tpu.memref_slice %arg14[%mul3A_113, %dma_wait3A] : memref<10000x128xf32, #tpu.memory_space<vmem_shared>> -> memref<80x128xf32, #tpu.memory_space<vmem_shared>>
        tpu.wait_dma2 semaphore(%run_scoped3A : memref<!tpu.dma_semaphore, #tpu.memory_space<semaphore_mem>>) src(%arg6 : memref<80x128xf32, #tpu.memory_space<hbm>>) dst(%dma_wait3A_115 : memref<80x128xf32, #tpu.memory_space<vmem_shared>>)
        tpu.yield
      }) : () -> ()
    } else {
    }
    %add3A_38 = arith.constant 96 : i32
    %add3A_39 = arith.addi %arg1, %add3A_38 : i32
    %lt3A_40 = arith.constant 125 : i32
    %lt3A_41 = arith.cmpi slt, %add3A_39, %lt3A_40 : i32
    %convert_element_type3A_42 = arith.extui %lt3A_41 : i1 to i32
    %cond3A_43 = arith.constant 0 : i32
    %cond3A_44 = arith.cmpi ne, %convert_element_type3A_42, %cond3A_43 : i32
    scf.if %cond3A_44 {
      %mul3A = arith.constant 80 : i32
      %mul3A_113 = arith.muli %add3A_39, %mul3A : i32
      "tpu.region"() ({
        %run_scoped3A = tpu.sem_alloc : memref<!tpu.dma_semaphore, #tpu.memory_space<semaphore_mem>>
        %dma_start3A = arith.constant 0 : i32
        %dma_start3A_114 = tpu.memref_slice %arg14[%mul3A_113, %dma_start3A] : memref<10000x128xf32, #tpu.memory_space<vmem_shared>> -> memref<80x128xf32, #tpu.memory_space<vmem_shared>>
        tpu.enqueue_dma source(%arg6 : memref<80x128xf32, #tpu.memory_space<hbm>>) target(%dma_start3A_114 : memref<80x128xf32, #tpu.memory_space<vmem_shared>>) target_semaphore(%run_scoped3A : memref<!tpu.dma_semaphore, #tpu.memory_space<semaphore_mem>>)
        %dma_wait3A = arith.constant 0 : i32
        %dma_wait3A_115 = tpu.memref_slice %arg14[%mul3A_113, %dma_wait3A] : memref<10000x128xf32, #tpu.memory_space<vmem_shared>> -> memref<80x128xf32, #tpu.memory_space<vmem_shared>>
        tpu.wait_dma2 semaphore(%run_scoped3A : memref<!tpu.dma_semaphore, #tpu.memory_space<semaphore_mem>>) src(%arg6 : memref<80x128xf32, #tpu.memory_space<hbm>>) dst(%dma_wait3A_115 : memref<80x128xf32, #tpu.memory_space<vmem_shared>>)
        tpu.yield
      }) : () -> ()
    } else {
    }
    %add3A_45 = arith.constant 112 : i32
    %add3A_46 = arith.addi %arg1, %add3A_45 : i32
    %lt3A_47 = arith.constant 125 : i32
    %lt3A_48 = arith.cmpi slt, %add3A_46, %lt3A_47 : i32
    %convert_element_type3A_49 = arith.extui %lt3A_48 : i1 to i32
    %cond3A_50 = arith.constant 0 : i32
    %cond3A_51 = arith.cmpi ne, %convert_element_type3A_49, %cond3A_50 : i32
    scf.if %cond3A_51 {
      %mul3A = arith.constant 80 : i32
      %mul3A_113 = arith.muli %add3A_46, %mul3A : i32
      "tpu.region"() ({
        %run_scoped3A = tpu.sem_alloc : memref<!tpu.dma_semaphore, #tpu.memory_space<semaphore_mem>>
        %dma_start3A = arith.constant 0 : i32
        %dma_start3A_114 = tpu.memref_slice %arg14[%mul3A_113, %dma_start3A] : memref<10000x128xf32, #tpu.memory_space<vmem_shared>> -> memref<80x128xf32, #tpu.memory_space<vmem_shared>>
        tpu.enqueue_dma source(%arg6 : memref<80x128xf32, #tpu.memory_space<hbm>>) target(%dma_start3A_114 : memref<80x128xf32, #tpu.memory_space<vmem_shared>>) target_semaphore(%run_scoped3A : memref<!tpu.dma_semaphore, #tpu.memory_space<semaphore_mem>>)
        %dma_wait3A = arith.constant 0 : i32
        %dma_wait3A_115 = tpu.memref_slice %arg14[%mul3A_113, %dma_wait3A] : memref<10000x128xf32, #tpu.memory_space<vmem_shared>> -> memref<80x128xf32, #tpu.memory_space<vmem_shared>>
        tpu.wait_dma2 semaphore(%run_scoped3A : memref<!tpu.dma_semaphore, #tpu.memory_space<semaphore_mem>>) src(%arg6 : memref<80x128xf32, #tpu.memory_space<hbm>>) dst(%dma_wait3A_115 : memref<80x128xf32, #tpu.memory_space<vmem_shared>>)
        tpu.yield
      }) : () -> ()
    } else {
    }
    %barrier3A = arith.constant 0 : index
    tpu.barrier barrier_id(%barrier3A)
    %scan3A = arith.constant 0 : i32
    %scan3A_52 = arith.constant 5 : i32
    %scan3A_53 = arith.addi %scan3A, %scan3A_52 : i32
    %scan3A_54 = arith.constant 1 : i32
    scf.for %scan3A_113 = %scan3A to %scan3A_53 step %scan3A_54  : i32 {
      "tpu.region"() ({
        %run_scoped3A_171 = tpu.sem_alloc : memref<!tpu.dma_semaphore, #tpu.memory_space<semaphore_mem>>
        %dma_start3A_172 = arith.constant 0 : i32
        %dma_start3A_173 = arith.constant 0 : i32
        %dma_start3A_174 = tpu.memref_slice %arg3[%arg0, %arg1, %scan3A_113, %dma_start3A_172, %dma_start3A_173] : memref<2x16x5x25x80xi32, #tpu.memory_space<hbm>> -> memref<1x1x1x25x80xi32, #tpu.memory_space<hbm>>
        %dma_start3A_175 = tpu.memref_squeeze %dma_start3A_174 : memref<1x1x1x25x80xi32, #tpu.memory_space<hbm>> -> memref<25x80xi32, #tpu.memory_space<hbm>>
        %dma_start3A_176 = arith.constant 0 : i32
        %dma_start3A_177 = arith.constant 0 : i32
        %dma_start3A_178 = tpu.memref_slice %arg3[%arg0, %arg1, %scan3A_113, %dma_start3A_176, %dma_start3A_177] : memref<2x16x5x25x80xi32, #tpu.memory_space<hbm>> -> memref<1x1x1x25x80xi32, #tpu.memory_space<hbm>>
        %dma_start3A_179 = tpu.memref_squeeze %dma_start3A_178 : memref<1x1x1x25x80xi32, #tpu.memory_space<hbm>> -> memref<25x80xi32, #tpu.memory_space<hbm>>
        tpu.enqueue_dma source(%dma_start3A_179 : memref<25x80xi32, #tpu.memory_space<hbm>>) target(%arg8 : memref<25x80xi32, #tpu.memory_space<vmem>>) target_semaphore(%run_scoped3A_171 : memref<!tpu.dma_semaphore, #tpu.memory_space<semaphore_mem>>)
        %dma_wait3A_180 = arith.constant 0 : i32
        %dma_wait3A_181 = arith.constant 0 : i32
        %dma_wait3A_182 = tpu.memref_slice %arg3[%arg0, %arg1, %scan3A_113, %dma_wait3A_180, %dma_wait3A_181] : memref<2x16x5x25x80xi32, #tpu.memory_space<hbm>> -> memref<1x1x1x25x80xi32, #tpu.memory_space<hbm>>
        %dma_wait3A_183 = tpu.memref_squeeze %dma_wait3A_182 : memref<1x1x1x25x80xi32, #tpu.memory_space<hbm>> -> memref<25x80xi32, #tpu.memory_space<hbm>>
        %dma_wait3A_184 = arith.constant 0 : i32
        %dma_wait3A_185 = arith.constant 0 : i32
        %dma_wait3A_186 = tpu.memref_slice %arg3[%arg0, %arg1, %scan3A_113, %dma_wait3A_184, %dma_wait3A_185] : memref<2x16x5x25x80xi32, #tpu.memory_space<hbm>> -> memref<1x1x1x25x80xi32, #tpu.memory_space<hbm>>
        %dma_wait3A_187 = tpu.memref_squeeze %dma_wait3A_186 : memref<1x1x1x25x80xi32, #tpu.memory_space<hbm>> -> memref<25x80xi32, #tpu.memory_space<hbm>>
        tpu.wait_dma2 semaphore(%run_scoped3A_171 : memref<!tpu.dma_semaphore, #tpu.memory_space<semaphore_mem>>) src(%dma_wait3A_187 : memref<25x80xi32, #tpu.memory_space<hbm>>) dst(%arg8 : memref<25x80xi32, #tpu.memory_space<vmem>>)
        tpu.yield
      }) : () -> ()
      "tpu.region"() ({
        %run_scoped3A_171 = tpu.sem_alloc : memref<!tpu.dma_semaphore, #tpu.memory_space<semaphore_mem>>
        %dma_start3A_172 = arith.constant 0 : i32
        %dma_start3A_173 = arith.constant 0 : i32
        %dma_start3A_174 = tpu.memref_slice %arg4[%arg1, %scan3A_113, %dma_start3A_172, %dma_start3A_173] : memref<16x5x25x80xi32, #tpu.memory_space<hbm>> -> memref<1x1x25x80xi32, #tpu.memory_space<hbm>>
        %dma_start3A_175 = tpu.memref_squeeze %dma_start3A_174 : memref<1x1x25x80xi32, #tpu.memory_space<hbm>> -> memref<25x80xi32, #tpu.memory_space<hbm>>
        %dma_start3A_176 = arith.constant 0 : i32
        %dma_start3A_177 = arith.constant 0 : i32
        %dma_start3A_178 = tpu.memref_slice %arg4[%arg1, %scan3A_113, %dma_start3A_176, %dma_start3A_177] : memref<16x5x25x80xi32, #tpu.memory_space<hbm>> -> memref<1x1x25x80xi32, #tpu.memory_space<hbm>>
        %dma_start3A_179 = tpu.memref_squeeze %dma_start3A_178 : memref<1x1x25x80xi32, #tpu.memory_space<hbm>> -> memref<25x80xi32, #tpu.memory_space<hbm>>
        tpu.enqueue_dma source(%dma_start3A_179 : memref<25x80xi32, #tpu.memory_space<hbm>>) target(%arg9 : memref<25x80xi32, #tpu.memory_space<vmem>>) target_semaphore(%run_scoped3A_171 : memref<!tpu.dma_semaphore, #tpu.memory_space<semaphore_mem>>)
        %dma_wait3A_180 = arith.constant 0 : i32
        %dma_wait3A_181 = arith.constant 0 : i32
        %dma_wait3A_182 = tpu.memref_slice %arg4[%arg1, %scan3A_113, %dma_wait3A_180, %dma_wait3A_181] : memref<16x5x25x80xi32, #tpu.memory_space<hbm>> -> memref<1x1x25x80xi32, #tpu.memory_space<hbm>>
        %dma_wait3A_183 = tpu.memref_squeeze %dma_wait3A_182 : memref<1x1x25x80xi32, #tpu.memory_space<hbm>> -> memref<25x80xi32, #tpu.memory_space<hbm>>
        %dma_wait3A_184 = arith.constant 0 : i32
        %dma_wait3A_185 = arith.constant 0 : i32
        %dma_wait3A_186 = tpu.memref_slice %arg4[%arg1, %scan3A_113, %dma_wait3A_184, %dma_wait3A_185] : memref<16x5x25x80xi32, #tpu.memory_space<hbm>> -> memref<1x1x25x80xi32, #tpu.memory_space<hbm>>
        %dma_wait3A_187 = tpu.memref_squeeze %dma_wait3A_186 : memref<1x1x25x80xi32, #tpu.memory_space<hbm>> -> memref<25x80xi32, #tpu.memory_space<hbm>>
        tpu.wait_dma2 semaphore(%run_scoped3A_171 : memref<!tpu.dma_semaphore, #tpu.memory_space<semaphore_mem>>) src(%dma_wait3A_187 : memref<25x80xi32, #tpu.memory_space<hbm>>) dst(%arg9 : memref<25x80xi32, #tpu.memory_space<vmem>>)
        tpu.yield
      }) : () -> ()
      %mul3A = arith.constant 10000 : i32
      %mul3A_114 = arith.muli %arg1, %mul3A : i32
      %mul3A_115 = arith.constant 2000 : i32
      %mul3A_116 = arith.muli %scan3A_113, %mul3A_115 : i32
      %add3A_117 = arith.addi %mul3A_114, %mul3A_116 : i32
      %dma_start3A = arith.constant 0 : i32
      %dma_start3A_118 = arith.constant 0 : i32
      %dma_start3A_119 = tpu.memref_slice %arg8[%dma_start3A, %dma_start3A_118] : memref<25x80xi32, #tpu.memory_space<vmem>> -> memref<1x80xi32, #tpu.memory_space<vmem>>
      %dma_start3A_120 = tpu.memref_squeeze %dma_start3A_119 : memref<1x80xi32, #tpu.memory_space<vmem>> -> memref<80xi32, #tpu.memory_space<vmem>>
      %dma_start3A_121 = arith.constant 0 : i32
      %dma_start3A_122 = arith.constant 0 : i32
      %dma_start3A_123 = tpu.memref_slice %arg2[%dma_start3A_121, %dma_start3A_122] : memref<20000x128xf32, #tpu.memory_space<hbm>> -> memref<20000x128xf32, #tpu.memory_space<hbm>>
      tpu.enqueue_indirect_dma source(%dma_start3A_123 : memref<20000x128xf32, #tpu.memory_space<hbm>>) target(%arg12 : memref<80x128xf32, #tpu.memory_space<vmem>>) offsets(%dma_start3A_120 : memref<80xi32, #tpu.memory_space<vmem>>) semaphore(%arg15 : memref<!tpu.dma_semaphore, #tpu.memory_space<semaphore_mem>>)
      %add3A_124 = arith.constant 0 : i32
      %add3A_125 = arith.addi %add3A_117, %add3A_124 : i32
      %dma_start3A_126 = arith.constant 0 : i32
      %dma_start3A_127 = tpu.memref_slice %arg5[%arg0, %add3A_125, %dma_start3A_126] : memref<2x160000x128xf32, #tpu.memory_space<hbm>> -> memref<1x80x128xf32, #tpu.memory_space<hbm>>
      %dma_start3A_128 = tpu.memref_squeeze %dma_start3A_127 : memref<1x80x128xf32, #tpu.memory_space<hbm>> -> memref<80x128xf32, #tpu.memory_space<hbm>>
      %dma_start3A_129 = arith.constant 0 : i32
      %dma_start3A_130 = tpu.memref_slice %arg5[%arg0, %add3A_125, %dma_start3A_129] : memref<2x160000x128xf32, #tpu.memory_space<hbm>> -> memref<1x80x128xf32, #tpu.memory_space<hbm>>
      %dma_start3A_131 = tpu.memref_squeeze %dma_start3A_130 : memref<1x80x128xf32, #tpu.memory_space<hbm>> -> memref<80x128xf32, #tpu.memory_space<hbm>>
      tpu.enqueue_dma source(%dma_start3A_131 : memref<80x128xf32, #tpu.memory_space<hbm>>) target(%arg10 : memref<80x128xf32, #tpu.memory_space<vmem>>) target_semaphore(%arg17 : memref<!tpu.dma_semaphore, #tpu.memory_space<semaphore_mem>>)
      %dma_start3A_132 = arith.constant 1 : i32
      %dma_start3A_133 = arith.constant 0 : i32
      %dma_start3A_134 = tpu.memref_slice %arg8[%dma_start3A_132, %dma_start3A_133] : memref<25x80xi32, #tpu.memory_space<vmem>> -> memref<1x80xi32, #tpu.memory_space<vmem>>
      %dma_start3A_135 = tpu.memref_squeeze %dma_start3A_134 : memref<1x80xi32, #tpu.memory_space<vmem>> -> memref<80xi32, #tpu.memory_space<vmem>>
      %dma_start3A_136 = arith.constant 0 : i32
      %dma_start3A_137 = arith.constant 0 : i32
      %dma_start3A_138 = tpu.memref_slice %arg2[%dma_start3A_136, %dma_start3A_137] : memref<20000x128xf32, #tpu.memory_space<hbm>> -> memref<20000x128xf32, #tpu.memory_space<hbm>>
      tpu.enqueue_indirect_dma source(%dma_start3A_138 : memref<20000x128xf32, #tpu.memory_space<hbm>>) target(%arg13 : memref<80x128xf32, #tpu.memory_space<vmem>>) offsets(%dma_start3A_135 : memref<80xi32, #tpu.memory_space<vmem>>) semaphore(%arg16 : memref<!tpu.dma_semaphore, #tpu.memory_space<semaphore_mem>>)
      %add3A_139 = arith.constant 80 : i32
      %add3A_140 = arith.addi %add3A_117, %add3A_139 : i32
      %dma_start3A_141 = arith.constant 0 : i32
      %dma_start3A_142 = tpu.memref_slice %arg5[%arg0, %add3A_140, %dma_start3A_141] : memref<2x160000x128xf32, #tpu.memory_space<hbm>> -> memref<1x80x128xf32, #tpu.memory_space<hbm>>
      %dma_start3A_143 = tpu.memref_squeeze %dma_start3A_142 : memref<1x80x128xf32, #tpu.memory_space<hbm>> -> memref<80x128xf32, #tpu.memory_space<hbm>>
      %dma_start3A_144 = arith.constant 0 : i32
      %dma_start3A_145 = tpu.memref_slice %arg5[%arg0, %add3A_140, %dma_start3A_144] : memref<2x160000x128xf32, #tpu.memory_space<hbm>> -> memref<1x80x128xf32, #tpu.memory_space<hbm>>
      %dma_start3A_146 = tpu.memref_squeeze %dma_start3A_145 : memref<1x80x128xf32, #tpu.memory_space<hbm>> -> memref<80x128xf32, #tpu.memory_space<hbm>>
      tpu.enqueue_dma source(%dma_start3A_146 : memref<80x128xf32, #tpu.memory_space<hbm>>) target(%arg11 : memref<80x128xf32, #tpu.memory_space<vmem>>) target_semaphore(%arg18 : memref<!tpu.dma_semaphore, #tpu.memory_space<semaphore_mem>>)
      %scan3A_147 = arith.constant 0 : i32
      %scan3A_148 = arith.constant 12 : i32
      %scan3A_149 = arith.addi %scan3A_147, %scan3A_148 : i32
      %scan3A_150 = arith.constant 1 : i32
      scf.for %scan3A_171 = %scan3A_147 to %scan3A_149 step %scan3A_150  : i32 {
        %mul3A_172 = arith.constant 2 : i32
        %mul3A_173 = arith.muli %scan3A_171, %mul3A_172 : i32
        %add3A_174 = arith.constant 2 : i32
        %add3A_175 = arith.addi %mul3A_173, %add3A_174 : i32
        %dma_wait3A_176 = arith.constant 0 : i32
        %dma_wait3A_177 = tpu.memref_slice %arg8[%mul3A_173, %dma_wait3A_176] : memref<25x80xi32, #tpu.memory_space<vmem>> -> memref<1x80xi32, #tpu.memory_space<vmem>>
        %dma_wait3A_178 = tpu.memref_squeeze %dma_wait3A_177 : memref<1x80xi32, #tpu.memory_space<vmem>> -> memref<80xi32, #tpu.memory_space<vmem>>
        %dma_wait3A_179 = arith.constant 0 : i32
        %dma_wait3A_180 = arith.constant 0 : i32
        %dma_wait3A_181 = tpu.memref_slice %arg2[%dma_wait3A_179, %dma_wait3A_180] : memref<20000x128xf32, #tpu.memory_space<hbm>> -> memref<20000x128xf32, #tpu.memory_space<hbm>>
        tpu.wait_indirect_dma semaphore(%arg15 : memref<!tpu.dma_semaphore, #tpu.memory_space<semaphore_mem>>) src(%dma_wait3A_181 : memref<20000x128xf32, #tpu.memory_space<hbm>>) dst(%arg12 : memref<80x128xf32, #tpu.memory_space<vmem>>)
        %mul3A_182 = arith.constant 80 : i32
        %mul3A_183 = arith.muli %mul3A_173, %mul3A_182 : i32
        %add3A_184 = arith.addi %add3A_117, %mul3A_183 : i32
        %dma_wait3A_185 = arith.constant 0 : i32
        %dma_wait3A_186 = tpu.memref_slice %arg5[%arg0, %add3A_184, %dma_wait3A_185] : memref<2x160000x128xf32, #tpu.memory_space<hbm>> -> memref<1x80x128xf32, #tpu.memory_space<hbm>>
        %dma_wait3A_187 = tpu.memref_squeeze %dma_wait3A_186 : memref<1x80x128xf32, #tpu.memory_space<hbm>> -> memref<80x128xf32, #tpu.memory_space<hbm>>
        %dma_wait3A_188 = arith.constant 0 : i32
        %dma_wait3A_189 = tpu.memref_slice %arg5[%arg0, %add3A_184, %dma_wait3A_188] : memref<2x160000x128xf32, #tpu.memory_space<hbm>> -> memref<1x80x128xf32, #tpu.memory_space<hbm>>
        %dma_wait3A_190 = tpu.memref_squeeze %dma_wait3A_189 : memref<1x80x128xf32, #tpu.memory_space<hbm>> -> memref<80x128xf32, #tpu.memory_space<hbm>>
        tpu.wait_dma2 semaphore(%arg17 : memref<!tpu.dma_semaphore, #tpu.memory_space<semaphore_mem>>) src(%dma_wait3A_190 : memref<80x128xf32, #tpu.memory_space<hbm>>) dst(%arg10 : memref<80x128xf32, #tpu.memory_space<vmem>>)
        %scan3A_191 = arith.constant 0 : i32
        %scan3A_192 = arith.constant 80 : i32
        %scan3A_193 = arith.addi %scan3A_191, %scan3A_192 : i32
        %scan3A_194 = arith.constant 1 : i32
        scf.for %scan3A_230 = %scan3A_191 to %scan3A_193 step %scan3A_194  : i32 {
          %get3A = arith.index_cast %scan3A_230 : i32 to index
          %get3A_231 = arith.constant 0 : index
          %get3A_232 = tpu.vector_load %arg10[%get3A, %get3A_231] {strides = array<i32>} : memref<80x128xf32, #tpu.memory_space<vmem>>, vector<16xf32>,
          %get3A_233 = arith.index_cast %scan3A_230 : i32 to index
          %get3A_234 = arith.constant 0 : index
          %get3A_235 = tpu.vector_load %arg12[%get3A_233, %get3A_234] {strides = array<i32>} : memref<80x128xf32, #tpu.memory_space<vmem>>, vector<16xf32>,
          %mul3A_236 = arith.mulf %get3A_232, %get3A_235 : vector<16xf32>
          %swap3A = arith.index_cast %scan3A_230 : i32 to index
          %swap3A_237 = arith.constant 0 : index
          %swap3A_238 = tpu.vector_load %arg12[%swap3A, %swap3A_237] {strides = array<i32>} : memref<80x128xf32, #tpu.memory_space<vmem>>, vector<16xf32>,
          tpu.vector_store %arg12[%swap3A, %swap3A_237], %mul3A_236 {strides = array<i32>} : memref<80x128xf32, #tpu.memory_space<vmem>>, vector<16xf32>,
          %get3A_239 = arith.index_cast %scan3A_230 : i32 to index
          %get3A_240 = arith.constant 16 : index
          %get3A_241 = tpu.vector_load %arg10[%get3A_239, %get3A_240] {strides = array<i32>} : memref<80x128xf32, #tpu.memory_space<vmem>>, vector<16xf32>,
          %get3A_242 = arith.index_cast %scan3A_230 : i32 to index
          %get3A_243 = arith.constant 16 : index
          %get3A_244 = tpu.vector_load %arg12[%get3A_242, %get3A_243] {strides = array<i32>} : memref<80x128xf32, #tpu.memory_space<vmem>>, vector<16xf32>,
          %mul3A_245 = arith.mulf %get3A_241, %get3A_244 : vector<16xf32>
          %swap3A_246 = arith.index_cast %scan3A_230 : i32 to index
          %swap3A_247 = arith.constant 16 : index
          %swap3A_248 = tpu.vector_load %arg12[%swap3A_246, %swap3A_247] {strides = array<i32>} : memref<80x128xf32, #tpu.memory_space<vmem>>, vector<16xf32>,
          tpu.vector_store %arg12[%swap3A_246, %swap3A_247], %mul3A_245 {strides = array<i32>} : memref<80x128xf32, #tpu.memory_space<vmem>>, vector<16xf32>,
          %get3A_249 = arith.index_cast %scan3A_230 : i32 to index
          %get3A_250 = arith.constant 32 : index
          %get3A_251 = tpu.vector_load %arg10[%get3A_249, %get3A_250] {strides = array<i32>} : memref<80x128xf32, #tpu.memory_space<vmem>>, vector<16xf32>,
          %get3A_252 = arith.index_cast %scan3A_230 : i32 to index
          %get3A_253 = arith.constant 32 : index
          %get3A_254 = tpu.vector_load %arg12[%get3A_252, %get3A_253] {strides = array<i32>} : memref<80x128xf32, #tpu.memory_space<vmem>>, vector<16xf32>,
          %mul3A_255 = arith.mulf %get3A_251, %get3A_254 : vector<16xf32>
          %swap3A_256 = arith.index_cast %scan3A_230 : i32 to index
          %swap3A_257 = arith.constant 32 : index
          %swap3A_258 = tpu.vector_load %arg12[%swap3A_256, %swap3A_257] {strides = array<i32>} : memref<80x128xf32, #tpu.memory_space<vmem>>, vector<16xf32>,
          tpu.vector_store %arg12[%swap3A_256, %swap3A_257], %mul3A_255 {strides = array<i32>} : memref<80x128xf32, #tpu.memory_space<vmem>>, vector<16xf32>,
          %get3A_259 = arith.index_cast %scan3A_230 : i32 to index
          %get3A_260 = arith.constant 48 : index
          %get3A_261 = tpu.vector_load %arg10[%get3A_259, %get3A_260] {strides = array<i32>} : memref<80x128xf32, #tpu.memory_space<vmem>>, vector<16xf32>,
          %get3A_262 = arith.index_cast %scan3A_230 : i32 to index
          %get3A_263 = arith.constant 48 : index
          %get3A_264 = tpu.vector_load %arg12[%get3A_262, %get3A_263] {strides = array<i32>} : memref<80x128xf32, #tpu.memory_space<vmem>>, vector<16xf32>,
          %mul3A_265 = arith.mulf %get3A_261, %get3A_264 : vector<16xf32>
          %swap3A_266 = arith.index_cast %scan3A_230 : i32 to index
          %swap3A_267 = arith.constant 48 : index
          %swap3A_268 = tpu.vector_load %arg12[%swap3A_266, %swap3A_267] {strides = array<i32>} : memref<80x128xf32, #tpu.memory_space<vmem>>, vector<16xf32>,
          tpu.vector_store %arg12[%swap3A_266, %swap3A_267], %mul3A_265 {strides = array<i32>} : memref<80x128xf32, #tpu.memory_space<vmem>>, vector<16xf32>,
          %get3A_269 = arith.index_cast %scan3A_230 : i32 to index
          %get3A_270 = arith.constant 64 : index
          %get3A_271 = tpu.vector_load %arg10[%get3A_269, %get3A_270] {strides = array<i32>} : memref<80x128xf32, #tpu.memory_space<vmem>>, vector<16xf32>,
          %get3A_272 = arith.index_cast %scan3A_230 : i32 to index
          %get3A_273 = arith.constant 64 : index
          %get3A_274 = tpu.vector_load %arg12[%get3A_272, %get3A_273] {strides = array<i32>} : memref<80x128xf32, #tpu.memory_space<vmem>>, vector<16xf32>,
          %mul3A_275 = arith.mulf %get3A_271, %get3A_274 : vector<16xf32>
          %swap3A_276 = arith.index_cast %scan3A_230 : i32 to index
          %swap3A_277 = arith.constant 64 : index
          %swap3A_278 = tpu.vector_load %arg12[%swap3A_276, %swap3A_277] {strides = array<i32>} : memref<80x128xf32, #tpu.memory_space<vmem>>, vector<16xf32>,
          tpu.vector_store %arg12[%swap3A_276, %swap3A_277], %mul3A_275 {strides = array<i32>} : memref<80x128xf32, #tpu.memory_space<vmem>>, vector<16xf32>,
          %get3A_279 = arith.index_cast %scan3A_230 : i32 to index
          %get3A_280 = arith.constant 80 : index
          %get3A_281 = tpu.vector_load %arg10[%get3A_279, %get3A_280] {strides = array<i32>} : memref<80x128xf32, #tpu.memory_space<vmem>>, vector<16xf32>,
          %get3A_282 = arith.index_cast %scan3A_230 : i32 to index
          %get3A_283 = arith.constant 80 : index
          %get3A_284 = tpu.vector_load %arg12[%get3A_282, %get3A_283] {strides = array<i32>} : memref<80x128xf32, #tpu.memory_space<vmem>>, vector<16xf32>,
          %mul3A_285 = arith.mulf %get3A_281, %get3A_284 : vector<16xf32>
          %swap3A_286 = arith.index_cast %scan3A_230 : i32 to index
          %swap3A_287 = arith.constant 80 : index
          %swap3A_288 = tpu.vector_load %arg12[%swap3A_286, %swap3A_287] {strides = array<i32>} : memref<80x128xf32, #tpu.memory_space<vmem>>, vector<16xf32>,
          tpu.vector_store %arg12[%swap3A_286, %swap3A_287], %mul3A_285 {strides = array<i32>} : memref<80x128xf32, #tpu.memory_space<vmem>>, vector<16xf32>,
          %get3A_289 = arith.index_cast %scan3A_230 : i32 to index
          %get3A_290 = arith.constant 96 : index
          %get3A_291 = tpu.vector_load %arg10[%get3A_289, %get3A_290] {strides = array<i32>} : memref<80x128xf32, #tpu.memory_space<vmem>>, vector<16xf32>,
          %get3A_292 = arith.index_cast %scan3A_230 : i32 to index
          %get3A_293 = arith.constant 96 : index
          %get3A_294 = tpu.vector_load %arg12[%get3A_292, %get3A_293] {strides = array<i32>} : memref<80x128xf32, #tpu.memory_space<vmem>>, vector<16xf32>,
          %mul3A_295 = arith.mulf %get3A_291, %get3A_294 : vector<16xf32>
          %swap3A_296 = arith.index_cast %scan3A_230 : i32 to index
          %swap3A_297 = arith.constant 96 : index
          %swap3A_298 = tpu.vector_load %arg12[%swap3A_296, %swap3A_297] {strides = array<i32>} : memref<80x128xf32, #tpu.memory_space<vmem>>, vector<16xf32>,
          tpu.vector_store %arg12[%swap3A_296, %swap3A_297], %mul3A_295 {strides = array<i32>} : memref<80x128xf32, #tpu.memory_space<vmem>>, vector<16xf32>,
          %get3A_299 = arith.index_cast %scan3A_230 : i32 to index
          %get3A_300 = arith.constant 112 : index
          %get3A_301 = tpu.vector_load %arg10[%get3A_299, %get3A_300] {strides = array<i32>} : memref<80x128xf32, #tpu.memory_space<vmem>>, vector<16xf32>,
          %get3A_302 = arith.index_cast %scan3A_230 : i32 to index
          %get3A_303 = arith.constant 112 : index
          %get3A_304 = tpu.vector_load %arg12[%get3A_302, %get3A_303] {strides = array<i32>} : memref<80x128xf32, #tpu.memory_space<vmem>>, vector<16xf32>,
          %mul3A_305 = arith.mulf %get3A_301, %get3A_304 : vector<16xf32>
          %swap3A_306 = arith.index_cast %scan3A_230 : i32 to index
          %swap3A_307 = arith.constant 112 : index
          %swap3A_308 = tpu.vector_load %arg12[%swap3A_306, %swap3A_307] {strides = array<i32>} : memref<80x128xf32, #tpu.memory_space<vmem>>, vector<16xf32>,
          tpu.vector_store %arg12[%swap3A_306, %swap3A_307], %mul3A_305 {strides = array<i32>} : memref<80x128xf32, #tpu.memory_space<vmem>>, vector<16xf32>,
        }
        %scan3A_195 = arith.constant 80 : i32
        "tpu.region"() ({
          %run_scoped3A_230 = tpu.sem_alloc : memref<!tpu.dma_semaphore, #tpu.memory_space<semaphore_mem>>
          %dma_start3A_231 = arith.constant 0 : i32
          %dma_start3A_232 = tpu.memref_slice %arg9[%mul3A_173, %dma_start3A_231] : memref<25x80xi32, #tpu.memory_space<vmem>> -> memref<1x80xi32, #tpu.memory_space<vmem>>
          %dma_start3A_233 = tpu.memref_squeeze %dma_start3A_232 : memref<1x80xi32, #tpu.memory_space<vmem>> -> memref<80xi32, #tpu.memory_space<vmem>>
          %dma_start3A_234 = arith.constant 0 : i32
          %dma_start3A_235 = arith.constant 0 : i32
          %dma_start3A_236 = tpu.memref_slice %arg14[%dma_start3A_234, %dma_start3A_235] : memref<10000x128xf32, #tpu.memory_space<vmem_shared>> -> memref<10000x128xf32, #tpu.memory_space<vmem_shared>>
          tpu.enqueue_indirect_dma source(%arg12 : memref<80x128xf32, #tpu.memory_space<vmem>>) target(%dma_start3A_236 : memref<10000x128xf32, #tpu.memory_space<vmem_shared>>) offsets(%dma_start3A_233 : memref<80xi32, #tpu.memory_space<vmem>>) semaphore(%run_scoped3A_230 : memref<!tpu.dma_semaphore, #tpu.memory_space<semaphore_mem>>) {add = true}
          %dma_wait3A_237 = arith.constant 0 : i32
          %dma_wait3A_238 = tpu.memref_slice %arg9[%mul3A_173, %dma_wait3A_237] : memref<25x80xi32, #tpu.memory_space<vmem>> -> memref<1x80xi32, #tpu.memory_space<vmem>>
          %dma_wait3A_239 = tpu.memref_squeeze %dma_wait3A_238 : memref<1x80xi32, #tpu.memory_space<vmem>> -> memref<80xi32, #tpu.memory_space<vmem>>
          %dma_wait3A_240 = arith.constant 0 : i32
          %dma_wait3A_241 = arith.constant 0 : i32
          %dma_wait3A_242 = tpu.memref_slice %arg14[%dma_wait3A_240, %dma_wait3A_241] : memref<10000x128xf32, #tpu.memory_space<vmem_shared>> -> memref<10000x128xf32, #tpu.memory_space<vmem_shared>>
          tpu.wait_indirect_dma semaphore(%run_scoped3A_230 : memref<!tpu.dma_semaphore, #tpu.memory_space<semaphore_mem>>) src(%arg12 : memref<80x128xf32, #tpu.memory_space<vmem>>) dst(%dma_wait3A_242 : memref<10000x128xf32, #tpu.memory_space<vmem_shared>>)
          tpu.yield
        }) : () -> ()
        %lt3A_196 = arith.constant 25 : i32
        %lt3A_197 = arith.cmpi slt, %add3A_175, %lt3A_196 : i32
        %convert_element_type3A_198 = arith.extui %lt3A_197 : i1 to i32
        %cond3A_199 = arith.constant 0 : i32
        %cond3A_200 = arith.cmpi ne, %convert_element_type3A_198, %cond3A_199 : i32
        scf.if %cond3A_200 {
          %dma_start3A_230 = arith.constant 0 : i32
          %dma_start3A_231 = tpu.memref_slice %arg8[%add3A_175, %dma_start3A_230] : memref<25x80xi32, #tpu.memory_space<vmem>> -> memref<1x80xi32, #tpu.memory_space<vmem>>
          %dma_start3A_232 = tpu.memref_squeeze %dma_start3A_231 : memref<1x80xi32, #tpu.memory_space<vmem>> -> memref<80xi32, #tpu.memory_space<vmem>>
          %dma_start3A_233 = arith.constant 0 : i32
          %dma_start3A_234 = arith.constant 0 : i32
          %dma_start3A_235 = tpu.memref_slice %arg2[%dma_start3A_233, %dma_start3A_234] : memref<20000x128xf32, #tpu.memory_space<hbm>> -> memref<20000x128xf32, #tpu.memory_space<hbm>>
          tpu.enqueue_indirect_dma source(%dma_start3A_235 : memref<20000x128xf32, #tpu.memory_space<hbm>>) target(%arg12 : memref<80x128xf32, #tpu.memory_space<vmem>>) offsets(%dma_start3A_232 : memref<80xi32, #tpu.memory_space<vmem>>) semaphore(%arg15 : memref<!tpu.dma_semaphore, #tpu.memory_space<semaphore_mem>>)
          %mul3A_236 = arith.constant 80 : i32
          %mul3A_237 = arith.muli %add3A_175, %mul3A_236 : i32
          %add3A_238 = arith.addi %add3A_117, %mul3A_237 : i32
          %dma_start3A_239 = arith.constant 0 : i32
          %dma_start3A_240 = tpu.memref_slice %arg5[%arg0, %add3A_238, %dma_start3A_239] : memref<2x160000x128xf32, #tpu.memory_space<hbm>> -> memref<1x80x128xf32, #tpu.memory_space<hbm>>
          %dma_start3A_241 = tpu.memref_squeeze %dma_start3A_240 : memref<1x80x128xf32, #tpu.memory_space<hbm>> -> memref<80x128xf32, #tpu.memory_space<hbm>>
          %dma_start3A_242 = arith.constant 0 : i32
          %dma_start3A_243 = tpu.memref_slice %arg5[%arg0, %add3A_238, %dma_start3A_242] : memref<2x160000x128xf32, #tpu.memory_space<hbm>> -> memref<1x80x128xf32, #tpu.memory_space<hbm>>
          %dma_start3A_244 = tpu.memref_squeeze %dma_start3A_243 : memref<1x80x128xf32, #tpu.memory_space<hbm>> -> memref<80x128xf32, #tpu.memory_space<hbm>>
          tpu.enqueue_dma source(%dma_start3A_244 : memref<80x128xf32, #tpu.memory_space<hbm>>) target(%arg10 : memref<80x128xf32, #tpu.memory_space<vmem>>) target_semaphore(%arg17 : memref<!tpu.dma_semaphore, #tpu.memory_space<semaphore_mem>>)
        } else {
        }
        %add3A_201 = arith.constant 1 : i32
        %add3A_202 = arith.addi %mul3A_173, %add3A_201 : i32
        %add3A_203 = arith.constant 3 : i32
        %add3A_204 = arith.addi %mul3A_173, %add3A_203 : i32
        %dma_wait3A_205 = arith.constant 0 : i32
        %dma_wait3A_206 = tpu.memref_slice %arg8[%add3A_202, %dma_wait3A_205] : memref<25x80xi32, #tpu.memory_space<vmem>> -> memref<1x80xi32, #tpu.memory_space<vmem>>
        %dma_wait3A_207 = tpu.memref_squeeze %dma_wait3A_206 : memref<1x80xi32, #tpu.memory_space<vmem>> -> memref<80xi32, #tpu.memory_space<vmem>>
        %dma_wait3A_208 = arith.constant 0 : i32
        %dma_wait3A_209 = arith.constant 0 : i32
        %dma_wait3A_210 = tpu.memref_slice %arg2[%dma_wait3A_208, %dma_wait3A_209] : memref<20000x128xf32, #tpu.memory_space<hbm>> -> memref<20000x128xf32, #tpu.memory_space<hbm>>
        tpu.wait_indirect_dma semaphore(%arg16 : memref<!tpu.dma_semaphore, #tpu.memory_space<semaphore_mem>>) src(%dma_wait3A_210 : memref<20000x128xf32, #tpu.memory_space<hbm>>) dst(%arg13 : memref<80x128xf32, #tpu.memory_space<vmem>>)
        %mul3A_211 = arith.constant 80 : i32
        %mul3A_212 = arith.muli %add3A_202, %mul3A_211 : i32
        %add3A_213 = arith.addi %add3A_117, %mul3A_212 : i32
        %dma_wait3A_214 = arith.constant 0 : i32
        %dma_wait3A_215 = tpu.memref_slice %arg5[%arg0, %add3A_213, %dma_wait3A_214] : memref<2x160000x128xf32, #tpu.memory_space<hbm>> -> memref<1x80x128xf32, #tpu.memory_space<hbm>>
        %dma_wait3A_216 = tpu.memref_squeeze %dma_wait3A_215 : memref<1x80x128xf32, #tpu.memory_space<hbm>> -> memref<80x128xf32, #tpu.memory_space<hbm>>
        %dma_wait3A_217 = arith.constant 0 : i32
        %dma_wait3A_218 = tpu.memref_slice %arg5[%arg0, %add3A_213, %dma_wait3A_217] : memref<2x160000x128xf32, #tpu.memory_space<hbm>> -> memref<1x80x128xf32, #tpu.memory_space<hbm>>
        %dma_wait3A_219 = tpu.memref_squeeze %dma_wait3A_218 : memref<1x80x128xf32, #tpu.memory_space<hbm>> -> memref<80x128xf32, #tpu.memory_space<hbm>>
        tpu.wait_dma2 semaphore(%arg18 : memref<!tpu.dma_semaphore, #tpu.memory_space<semaphore_mem>>) src(%dma_wait3A_219 : memref<80x128xf32, #tpu.memory_space<hbm>>) dst(%arg11 : memref<80x128xf32, #tpu.memory_space<vmem>>)
        %scan3A_220 = arith.constant 0 : i32
        %scan3A_221 = arith.constant 80 : i32
        %scan3A_222 = arith.addi %scan3A_220, %scan3A_221 : i32
        %scan3A_223 = arith.constant 1 : i32
        scf.for %scan3A_230 = %scan3A_220 to %scan3A_222 step %scan3A_223  : i32 {
          %get3A = arith.index_cast %scan3A_230 : i32 to index
          %get3A_231 = arith.constant 0 : index
          %get3A_232 = tpu.vector_load %arg11[%get3A, %get3A_231] {strides = array<i32>} : memref<80x128xf32, #tpu.memory_space<vmem>>, vector<16xf32>,
          %get3A_233 = arith.index_cast %scan3A_230 : i32 to index
          %get3A_234 = arith.constant 0 : index
          %get3A_235 = tpu.vector_load %arg13[%get3A_233, %get3A_234] {strides = array<i32>} : memref<80x128xf32, #tpu.memory_space<vmem>>, vector<16xf32>,
          %mul3A_236 = arith.mulf %get3A_232, %get3A_235 : vector<16xf32>
          %swap3A = arith.index_cast %scan3A_230 : i32 to index
          %swap3A_237 = arith.constant 0 : index
          %swap3A_238 = tpu.vector_load %arg13[%swap3A, %swap3A_237] {strides = array<i32>} : memref<80x128xf32, #tpu.memory_space<vmem>>, vector<16xf32>,
          tpu.vector_store %arg13[%swap3A, %swap3A_237], %mul3A_236 {strides = array<i32>} : memref<80x128xf32, #tpu.memory_space<vmem>>, vector<16xf32>,
          %get3A_239 = arith.index_cast %scan3A_230 : i32 to index
          %get3A_240 = arith.constant 16 : index
          %get3A_241 = tpu.vector_load %arg11[%get3A_239, %get3A_240] {strides = array<i32>} : memref<80x128xf32, #tpu.memory_space<vmem>>, vector<16xf32>,
          %get3A_242 = arith.index_cast %scan3A_230 : i32 to index
          %get3A_243 = arith.constant 16 : index
          %get3A_244 = tpu.vector_load %arg13[%get3A_242, %get3A_243] {strides = array<i32>} : memref<80x128xf32, #tpu.memory_space<vmem>>, vector<16xf32>,
          %mul3A_245 = arith.mulf %get3A_241, %get3A_244 : vector<16xf32>
          %swap3A_246 = arith.index_cast %scan3A_230 : i32 to index
          %swap3A_247 = arith.constant 16 : index
          %swap3A_248 = tpu.vector_load %arg13[%swap3A_246, %swap3A_247] {strides = array<i32>} : memref<80x128xf32, #tpu.memory_space<vmem>>, vector<16xf32>,
          tpu.vector_store %arg13[%swap3A_246, %swap3A_247], %mul3A_245 {strides = array<i32>} : memref<80x128xf32, #tpu.memory_space<vmem>>, vector<16xf32>,
          %get3A_249 = arith.index_cast %scan3A_230 : i32 to index
          %get3A_250 = arith.constant 32 : index
          %get3A_251 = tpu.vector_load %arg11[%get3A_249, %get3A_250] {strides = array<i32>} : memref<80x128xf32, #tpu.memory_space<vmem>>, vector<16xf32>,
          %get3A_252 = arith.index_cast %scan3A_230 : i32 to index
          %get3A_253 = arith.constant 32 : index
          %get3A_254 = tpu.vector_load %arg13[%get3A_252, %get3A_253] {strides = array<i32>} : memref<80x128xf32, #tpu.memory_space<vmem>>, vector<16xf32>,
          %mul3A_255 = arith.mulf %get3A_251, %get3A_254 : vector<16xf32>
          %swap3A_256 = arith.index_cast %scan3A_230 : i32 to index
          %swap3A_257 = arith.constant 32 : index
          %swap3A_258 = tpu.vector_load %arg13[%swap3A_256, %swap3A_257] {strides = array<i32>} : memref<80x128xf32, #tpu.memory_space<vmem>>, vector<16xf32>,
          tpu.vector_store %arg13[%swap3A_256, %swap3A_257], %mul3A_255 {strides = array<i32>} : memref<80x128xf32, #tpu.memory_space<vmem>>, vector<16xf32>,
          %get3A_259 = arith.index_cast %scan3A_230 : i32 to index
          %get3A_260 = arith.constant 48 : index
          %get3A_261 = tpu.vector_load %arg11[%get3A_259, %get3A_260] {strides = array<i32>} : memref<80x128xf32, #tpu.memory_space<vmem>>, vector<16xf32>,
          %get3A_262 = arith.index_cast %scan3A_230 : i32 to index
          %get3A_263 = arith.constant 48 : index
          %get3A_264 = tpu.vector_load %arg13[%get3A_262, %get3A_263] {strides = array<i32>} : memref<80x128xf32, #tpu.memory_space<vmem>>, vector<16xf32>,
          %mul3A_265 = arith.mulf %get3A_261, %get3A_264 : vector<16xf32>
          %swap3A_266 = arith.index_cast %scan3A_230 : i32 to index
          %swap3A_267 = arith.constant 48 : index
          %swap3A_268 = tpu.vector_load %arg13[%swap3A_266, %swap3A_267] {strides = array<i32>} : memref<80x128xf32, #tpu.memory_space<vmem>>, vector<16xf32>,
          tpu.vector_store %arg13[%swap3A_266, %swap3A_267], %mul3A_265 {strides = array<i32>} : memref<80x128xf32, #tpu.memory_space<vmem>>, vector<16xf32>,
          %get3A_269 = arith.index_cast %scan3A_230 : i32 to index
          %get3A_270 = arith.constant 64 : index
          %get3A_271 = tpu.vector_load %arg11[%get3A_269, %get3A_270] {strides = array<i32>} : memref<80x128xf32, #tpu.memory_space<vmem>>, vector<16xf32>,
          %get3A_272 = arith.index_cast %scan3A_230 : i32 to index
          %get3A_273 = arith.constant 64 : index
          %get3A_274 = tpu.vector_load %arg13[%get3A_272, %get3A_273] {strides = array<i32>} : memref<80x128xf32, #tpu.memory_space<vmem>>, vector<16xf32>,
          %mul3A_275 = arith.mulf %get3A_271, %get3A_274 : vector<16xf32>
          %swap3A_276 = arith.index_cast %scan3A_230 : i32 to index
          %swap3A_277 = arith.constant 64 : index
          %swap3A_278 = tpu.vector_load %arg13[%swap3A_276, %swap3A_277] {strides = array<i32>} : memref<80x128xf32, #tpu.memory_space<vmem>>, vector<16xf32>,
          tpu.vector_store %arg13[%swap3A_276, %swap3A_277], %mul3A_275 {strides = array<i32>} : memref<80x128xf32, #tpu.memory_space<vmem>>, vector<16xf32>,
          %get3A_279 = arith.index_cast %scan3A_230 : i32 to index
          %get3A_280 = arith.constant 80 : index
          %get3A_281 = tpu.vector_load %arg11[%get3A_279, %get3A_280] {strides = array<i32>} : memref<80x128xf32, #tpu.memory_space<vmem>>, vector<16xf32>,
          %get3A_282 = arith.index_cast %scan3A_230 : i32 to index
          %get3A_283 = arith.constant 80 : index
          %get3A_284 = tpu.vector_load %arg13[%get3A_282, %get3A_283] {strides = array<i32>} : memref<80x128xf32, #tpu.memory_space<vmem>>, vector<16xf32>,
          %mul3A_285 = arith.mulf %get3A_281, %get3A_284 : vector<16xf32>
          %swap3A_286 = arith.index_cast %scan3A_230 : i32 to index
          %swap3A_287 = arith.constant 80 : index
          %swap3A_288 = tpu.vector_load %arg13[%swap3A_286, %swap3A_287] {strides = array<i32>} : memref<80x128xf32, #tpu.memory_space<vmem>>, vector<16xf32>,
          tpu.vector_store %arg13[%swap3A_286, %swap3A_287], %mul3A_285 {strides = array<i32>} : memref<80x128xf32, #tpu.memory_space<vmem>>, vector<16xf32>,
          %get3A_289 = arith.index_cast %scan3A_230 : i32 to index
          %get3A_290 = arith.constant 96 : index
          %get3A_291 = tpu.vector_load %arg11[%get3A_289, %get3A_290] {strides = array<i32>} : memref<80x128xf32, #tpu.memory_space<vmem>>, vector<16xf32>,
          %get3A_292 = arith.index_cast %scan3A_230 : i32 to index
          %get3A_293 = arith.constant 96 : index
          %get3A_294 = tpu.vector_load %arg13[%get3A_292, %get3A_293] {strides = array<i32>} : memref<80x128xf32, #tpu.memory_space<vmem>>, vector<16xf32>,
          %mul3A_295 = arith.mulf %get3A_291, %get3A_294 : vector<16xf32>
          %swap3A_296 = arith.index_cast %scan3A_230 : i32 to index
          %swap3A_297 = arith.constant 96 : index
          %swap3A_298 = tpu.vector_load %arg13[%swap3A_296, %swap3A_297] {strides = array<i32>} : memref<80x128xf32, #tpu.memory_space<vmem>>, vector<16xf32>,
          tpu.vector_store %arg13[%swap3A_296, %swap3A_297], %mul3A_295 {strides = array<i32>} : memref<80x128xf32, #tpu.memory_space<vmem>>, vector<16xf32>,
          %get3A_299 = arith.index_cast %scan3A_230 : i32 to index
          %get3A_300 = arith.constant 112 : index
          %get3A_301 = tpu.vector_load %arg11[%get3A_299, %get3A_300] {strides = array<i32>} : memref<80x128xf32, #tpu.memory_space<vmem>>, vector<16xf32>,
          %get3A_302 = arith.index_cast %scan3A_230 : i32 to index
          %get3A_303 = arith.constant 112 : index
          %get3A_304 = tpu.vector_load %arg13[%get3A_302, %get3A_303] {strides = array<i32>} : memref<80x128xf32, #tpu.memory_space<vmem>>, vector<16xf32>,
          %mul3A_305 = arith.mulf %get3A_301, %get3A_304 : vector<16xf32>
          %swap3A_306 = arith.index_cast %scan3A_230 : i32 to index
          %swap3A_307 = arith.constant 112 : index
          %swap3A_308 = tpu.vector_load %arg13[%swap3A_306, %swap3A_307] {strides = array<i32>} : memref<80x128xf32, #tpu.memory_space<vmem>>, vector<16xf32>,
          tpu.vector_store %arg13[%swap3A_306, %swap3A_307], %mul3A_305 {strides = array<i32>} : memref<80x128xf32, #tpu.memory_space<vmem>>, vector<16xf32>,
        }
        %scan3A_224 = arith.constant 80 : i32
        "tpu.region"() ({
          %run_scoped3A_230 = tpu.sem_alloc : memref<!tpu.dma_semaphore, #tpu.memory_space<semaphore_mem>>
          %dma_start3A_231 = arith.constant 0 : i32
          %dma_start3A_232 = tpu.memref_slice %arg9[%add3A_202, %dma_start3A_231] : memref<25x80xi32, #tpu.memory_space<vmem>> -> memref<1x80xi32, #tpu.memory_space<vmem>>
          %dma_start3A_233 = tpu.memref_squeeze %dma_start3A_232 : memref<1x80xi32, #tpu.memory_space<vmem>> -> memref<80xi32, #tpu.memory_space<vmem>>
          %dma_start3A_234 = arith.constant 0 : i32
          %dma_start3A_235 = arith.constant 0 : i32
          %dma_start3A_236 = tpu.memref_slice %arg14[%dma_start3A_234, %dma_start3A_235] : memref<10000x128xf32, #tpu.memory_space<vmem_shared>> -> memref<10000x128xf32, #tpu.memory_space<vmem_shared>>
          tpu.enqueue_indirect_dma source(%arg13 : memref<80x128xf32, #tpu.memory_space<vmem>>) target(%dma_start3A_236 : memref<10000x128xf32, #tpu.memory_space<vmem_shared>>) offsets(%dma_start3A_233 : memref<80xi32, #tpu.memory_space<vmem>>) semaphore(%run_scoped3A_230 : memref<!tpu.dma_semaphore, #tpu.memory_space<semaphore_mem>>) {add = true}
          %dma_wait3A_237 = arith.constant 0 : i32
          %dma_wait3A_238 = tpu.memref_slice %arg9[%add3A_202, %dma_wait3A_237] : memref<25x80xi32, #tpu.memory_space<vmem>> -> memref<1x80xi32, #tpu.memory_space<vmem>>
          %dma_wait3A_239 = tpu.memref_squeeze %dma_wait3A_238 : memref<1x80xi32, #tpu.memory_space<vmem>> -> memref<80xi32, #tpu.memory_space<vmem>>
          %dma_wait3A_240 = arith.constant 0 : i32
          %dma_wait3A_241 = arith.constant 0 : i32
          %dma_wait3A_242 = tpu.memref_slice %arg14[%dma_wait3A_240, %dma_wait3A_241] : memref<10000x128xf32, #tpu.memory_space<vmem_shared>> -> memref<10000x128xf32, #tpu.memory_space<vmem_shared>>
          tpu.wait_indirect_dma semaphore(%run_scoped3A_230 : memref<!tpu.dma_semaphore, #tpu.memory_space<semaphore_mem>>) src(%arg13 : memref<80x128xf32, #tpu.memory_space<vmem>>) dst(%dma_wait3A_242 : memref<10000x128xf32, #tpu.memory_space<vmem_shared>>)
          tpu.yield
        }) : () -> ()
        %lt3A_225 = arith.constant 25 : i32
        %lt3A_226 = arith.cmpi slt, %add3A_204, %lt3A_225 : i32
        %convert_element_type3A_227 = arith.extui %lt3A_226 : i1 to i32
        %cond3A_228 = arith.constant 0 : i32
        %cond3A_229 = arith.cmpi ne, %convert_element_type3A_227, %cond3A_228 : i32
        scf.if %cond3A_229 {
          %dma_start3A_230 = arith.constant 0 : i32
          %dma_start3A_231 = tpu.memref_slice %arg8[%add3A_204, %dma_start3A_230] : memref<25x80xi32, #tpu.memory_space<vmem>> -> memref<1x80xi32, #tpu.memory_space<vmem>>
          %dma_start3A_232 = tpu.memref_squeeze %dma_start3A_231 : memref<1x80xi32, #tpu.memory_space<vmem>> -> memref<80xi32, #tpu.memory_space<vmem>>
          %dma_start3A_233 = arith.constant 0 : i32
          %dma_start3A_234 = arith.constant 0 : i32
          %dma_start3A_235 = tpu.memref_slice %arg2[%dma_start3A_233, %dma_start3A_234] : memref<20000x128xf32, #tpu.memory_space<hbm>> -> memref<20000x128xf32, #tpu.memory_space<hbm>>
          tpu.enqueue_indirect_dma source(%dma_start3A_235 : memref<20000x128xf32, #tpu.memory_space<hbm>>) target(%arg13 : memref<80x128xf32, #tpu.memory_space<vmem>>) offsets(%dma_start3A_232 : memref<80xi32, #tpu.memory_space<vmem>>) semaphore(%arg16 : memref<!tpu.dma_semaphore, #tpu.memory_space<semaphore_mem>>)
          %mul3A_236 = arith.constant 80 : i32
          %mul3A_237 = arith.muli %add3A_204, %mul3A_236 : i32
          %add3A_238 = arith.addi %add3A_117, %mul3A_237 : i32
          %dma_start3A_239 = arith.constant 0 : i32
          %dma_start3A_240 = tpu.memref_slice %arg5[%arg0, %add3A_238, %dma_start3A_239] : memref<2x160000x128xf32, #tpu.memory_space<hbm>> -> memref<1x80x128xf32, #tpu.memory_space<hbm>>
          %dma_start3A_241 = tpu.memref_squeeze %dma_start3A_240 : memref<1x80x128xf32, #tpu.memory_space<hbm>> -> memref<80x128xf32, #tpu.memory_space<hbm>>
          %dma_start3A_242 = arith.constant 0 : i32
          %dma_start3A_243 = tpu.memref_slice %arg5[%arg0, %add3A_238, %dma_start3A_242] : memref<2x160000x128xf32, #tpu.memory_space<hbm>> -> memref<1x80x128xf32, #tpu.memory_space<hbm>>
          %dma_start3A_244 = tpu.memref_squeeze %dma_start3A_243 : memref<1x80x128xf32, #tpu.memory_space<hbm>> -> memref<80x128xf32, #tpu.memory_space<hbm>>
          tpu.enqueue_dma source(%dma_start3A_244 : memref<80x128xf32, #tpu.memory_space<hbm>>) target(%arg11 : memref<80x128xf32, #tpu.memory_space<vmem>>) target_semaphore(%arg18 : memref<!tpu.dma_semaphore, #tpu.memory_space<semaphore_mem>>)
        } else {
        }
      }
      %scan3A_151 = arith.constant 12 : i32
      %dma_wait3A = arith.constant 24 : i32
      %dma_wait3A_152 = arith.constant 0 : i32
      %dma_wait3A_153 = tpu.memref_slice %arg8[%dma_wait3A, %dma_wait3A_152] : memref<25x80xi32, #tpu.memory_space<vmem>> -> memref<1x80xi32, #tpu.memory_space<vmem>>
      %dma_wait3A_154 = tpu.memref_squeeze %dma_wait3A_153 : memref<1x80xi32, #tpu.memory_space<vmem>> -> memref<80xi32, #tpu.memory_space<vmem>>
      %dma_wait3A_155 = arith.constant 0 : i32
      %dma_wait3A_156 = arith.constant 0 : i32
      %dma_wait3A_157 = tpu.memref_slice %arg2[%dma_wait3A_155, %dma_wait3A_156] : memref<20000x128xf32, #tpu.memory_space<hbm>> -> memref<20000x128xf32, #tpu.memory_space<hbm>>
      tpu.wait_indirect_dma semaphore(%arg15 : memref<!tpu.dma_semaphore, #tpu.memory_space<semaphore_mem>>) src(%dma_wait3A_157 : memref<20000x128xf32, #tpu.memory_space<hbm>>) dst(%arg12 : memref<80x128xf32, #tpu.memory_space<vmem>>)
      %add3A_158 = arith.constant 1920 : i32
      %add3A_159 = arith.addi %add3A_117, %add3A_158 : i32
      %dma_wait3A_160 = arith.constant 0 : i32
      %dma_wait3A_161 = tpu.memref_slice %arg5[%arg0, %add3A_159, %dma_wait3A_160] : memref<2x160000x128xf32, #tpu.memory_space<hbm>> -> memref<1x80x128xf32, #tpu.memory_space<hbm>>
      %dma_wait3A_162 = tpu.memref_squeeze %dma_wait3A_161 : memref<1x80x128xf32, #tpu.memory_space<hbm>> -> memref<80x128xf32, #tpu.memory_space<hbm>>
      %dma_wait3A_163 = arith.constant 0 : i32
      %dma_wait3A_164 = tpu.memref_slice %arg5[%arg0, %add3A_159, %dma_wait3A_163] : memref<2x160000x128xf32, #tpu.memory_space<hbm>> -> memref<1x80x128xf32, #tpu.memory_space<hbm>>
      %dma_wait3A_165 = tpu.memref_squeeze %dma_wait3A_164 : memref<1x80x128xf32, #tpu.memory_space<hbm>> -> memref<80x128xf32, #tpu.memory_space<hbm>>
      tpu.wait_dma2 semaphore(%arg17 : memref<!tpu.dma_semaphore, #tpu.memory_space<semaphore_mem>>) src(%dma_wait3A_165 : memref<80x128xf32, #tpu.memory_space<hbm>>) dst(%arg10 : memref<80x128xf32, #tpu.memory_space<vmem>>)
      %scan3A_166 = arith.constant 0 : i32
      %scan3A_167 = arith.constant 80 : i32
      %scan3A_168 = arith.addi %scan3A_166, %scan3A_167 : i32
      %scan3A_169 = arith.constant 1 : i32
      scf.for %scan3A_171 = %scan3A_166 to %scan3A_168 step %scan3A_169  : i32 {
        %get3A = arith.index_cast %scan3A_171 : i32 to index
        %get3A_172 = arith.constant 0 : index
        %get3A_173 = tpu.vector_load %arg10[%get3A, %get3A_172] {strides = array<i32>} : memref<80x128xf32, #tpu.memory_space<vmem>>, vector<16xf32>,
        %get3A_174 = arith.index_cast %scan3A_171 : i32 to index
        %get3A_175 = arith.constant 0 : index
        %get3A_176 = tpu.vector_load %arg12[%get3A_174, %get3A_175] {strides = array<i32>} : memref<80x128xf32, #tpu.memory_space<vmem>>, vector<16xf32>,
        %mul3A_177 = arith.mulf %get3A_173, %get3A_176 : vector<16xf32>
        %swap3A = arith.index_cast %scan3A_171 : i32 to index
        %swap3A_178 = arith.constant 0 : index
        %swap3A_179 = tpu.vector_load %arg12[%swap3A, %swap3A_178] {strides = array<i32>} : memref<80x128xf32, #tpu.memory_space<vmem>>, vector<16xf32>,
        tpu.vector_store %arg12[%swap3A, %swap3A_178], %mul3A_177 {strides = array<i32>} : memref<80x128xf32, #tpu.memory_space<vmem>>, vector<16xf32>,
        %get3A_180 = arith.index_cast %scan3A_171 : i32 to index
        %get3A_181 = arith.constant 16 : index
        %get3A_182 = tpu.vector_load %arg10[%get3A_180, %get3A_181] {strides = array<i32>} : memref<80x128xf32, #tpu.memory_space<vmem>>, vector<16xf32>,
        %get3A_183 = arith.index_cast %scan3A_171 : i32 to index
        %get3A_184 = arith.constant 16 : index
        %get3A_185 = tpu.vector_load %arg12[%get3A_183, %get3A_184] {strides = array<i32>} : memref<80x128xf32, #tpu.memory_space<vmem>>, vector<16xf32>,
        %mul3A_186 = arith.mulf %get3A_182, %get3A_185 : vector<16xf32>
        %swap3A_187 = arith.index_cast %scan3A_171 : i32 to index
        %swap3A_188 = arith.constant 16 : index
        %swap3A_189 = tpu.vector_load %arg12[%swap3A_187, %swap3A_188] {strides = array<i32>} : memref<80x128xf32, #tpu.memory_space<vmem>>, vector<16xf32>,
        tpu.vector_store %arg12[%swap3A_187, %swap3A_188], %mul3A_186 {strides = array<i32>} : memref<80x128xf32, #tpu.memory_space<vmem>>, vector<16xf32>,
        %get3A_190 = arith.index_cast %scan3A_171 : i32 to index
        %get3A_191 = arith.constant 32 : index
        %get3A_192 = tpu.vector_load %arg10[%get3A_190, %get3A_191] {strides = array<i32>} : memref<80x128xf32, #tpu.memory_space<vmem>>, vector<16xf32>,
        %get3A_193 = arith.index_cast %scan3A_171 : i32 to index
        %get3A_194 = arith.constant 32 : index
        %get3A_195 = tpu.vector_load %arg12[%get3A_193, %get3A_194] {strides = array<i32>} : memref<80x128xf32, #tpu.memory_space<vmem>>, vector<16xf32>,
        %mul3A_196 = arith.mulf %get3A_192, %get3A_195 : vector<16xf32>
        %swap3A_197 = arith.index_cast %scan3A_171 : i32 to index
        %swap3A_198 = arith.constant 32 : index
        %swap3A_199 = tpu.vector_load %arg12[%swap3A_197, %swap3A_198] {strides = array<i32>} : memref<80x128xf32, #tpu.memory_space<vmem>>, vector<16xf32>,
        tpu.vector_store %arg12[%swap3A_197, %swap3A_198], %mul3A_196 {strides = array<i32>} : memref<80x128xf32, #tpu.memory_space<vmem>>, vector<16xf32>,
        %get3A_200 = arith.index_cast %scan3A_171 : i32 to index
        %get3A_201 = arith.constant 48 : index
        %get3A_202 = tpu.vector_load %arg10[%get3A_200, %get3A_201] {strides = array<i32>} : memref<80x128xf32, #tpu.memory_space<vmem>>, vector<16xf32>,
        %get3A_203 = arith.index_cast %scan3A_171 : i32 to index
        %get3A_204 = arith.constant 48 : index
        %get3A_205 = tpu.vector_load %arg12[%get3A_203, %get3A_204] {strides = array<i32>} : memref<80x128xf32, #tpu.memory_space<vmem>>, vector<16xf32>,
        %mul3A_206 = arith.mulf %get3A_202, %get3A_205 : vector<16xf32>
        %swap3A_207 = arith.index_cast %scan3A_171 : i32 to index
        %swap3A_208 = arith.constant 48 : index
        %swap3A_209 = tpu.vector_load %arg12[%swap3A_207, %swap3A_208] {strides = array<i32>} : memref<80x128xf32, #tpu.memory_space<vmem>>, vector<16xf32>,
        tpu.vector_store %arg12[%swap3A_207, %swap3A_208], %mul3A_206 {strides = array<i32>} : memref<80x128xf32, #tpu.memory_space<vmem>>, vector<16xf32>,
        %get3A_210 = arith.index_cast %scan3A_171 : i32 to index
        %get3A_211 = arith.constant 64 : index
        %get3A_212 = tpu.vector_load %arg10[%get3A_210, %get3A_211] {strides = array<i32>} : memref<80x128xf32, #tpu.memory_space<vmem>>, vector<16xf32>,
        %get3A_213 = arith.index_cast %scan3A_171 : i32 to index
        %get3A_214 = arith.constant 64 : index
        %get3A_215 = tpu.vector_load %arg12[%get3A_213, %get3A_214] {strides = array<i32>} : memref<80x128xf32, #tpu.memory_space<vmem>>, vector<16xf32>,
        %mul3A_216 = arith.mulf %get3A_212, %get3A_215 : vector<16xf32>
        %swap3A_217 = arith.index_cast %scan3A_171 : i32 to index
        %swap3A_218 = arith.constant 64 : index
        %swap3A_219 = tpu.vector_load %arg12[%swap3A_217, %swap3A_218] {strides = array<i32>} : memref<80x128xf32, #tpu.memory_space<vmem>>, vector<16xf32>,
        tpu.vector_store %arg12[%swap3A_217, %swap3A_218], %mul3A_216 {strides = array<i32>} : memref<80x128xf32, #tpu.memory_space<vmem>>, vector<16xf32>,
        %get3A_220 = arith.index_cast %scan3A_171 : i32 to index
        %get3A_221 = arith.constant 80 : index
        %get3A_222 = tpu.vector_load %arg10[%get3A_220, %get3A_221] {strides = array<i32>} : memref<80x128xf32, #tpu.memory_space<vmem>>, vector<16xf32>,
        %get3A_223 = arith.index_cast %scan3A_171 : i32 to index
        %get3A_224 = arith.constant 80 : index
        %get3A_225 = tpu.vector_load %arg12[%get3A_223, %get3A_224] {strides = array<i32>} : memref<80x128xf32, #tpu.memory_space<vmem>>, vector<16xf32>,
        %mul3A_226 = arith.mulf %get3A_222, %get3A_225 : vector<16xf32>
        %swap3A_227 = arith.index_cast %scan3A_171 : i32 to index
        %swap3A_228 = arith.constant 80 : index
        %swap3A_229 = tpu.vector_load %arg12[%swap3A_227, %swap3A_228] {strides = array<i32>} : memref<80x128xf32, #tpu.memory_space<vmem>>, vector<16xf32>,
        tpu.vector_store %arg12[%swap3A_227, %swap3A_228], %mul3A_226 {strides = array<i32>} : memref<80x128xf32, #tpu.memory_space<vmem>>, vector<16xf32>,
        %get3A_230 = arith.index_cast %scan3A_171 : i32 to index
        %get3A_231 = arith.constant 96 : index
        %get3A_232 = tpu.vector_load %arg10[%get3A_230, %get3A_231] {strides = array<i32>} : memref<80x128xf32, #tpu.memory_space<vmem>>, vector<16xf32>,
        %get3A_233 = arith.index_cast %scan3A_171 : i32 to index
        %get3A_234 = arith.constant 96 : index
        %get3A_235 = tpu.vector_load %arg12[%get3A_233, %get3A_234] {strides = array<i32>} : memref<80x128xf32, #tpu.memory_space<vmem>>, vector<16xf32>,
        %mul3A_236 = arith.mulf %get3A_232, %get3A_235 : vector<16xf32>
        %swap3A_237 = arith.index_cast %scan3A_171 : i32 to index
        %swap3A_238 = arith.constant 96 : index
        %swap3A_239 = tpu.vector_load %arg12[%swap3A_237, %swap3A_238] {strides = array<i32>} : memref<80x128xf32, #tpu.memory_space<vmem>>, vector<16xf32>,
        tpu.vector_store %arg12[%swap3A_237, %swap3A_238], %mul3A_236 {strides = array<i32>} : memref<80x128xf32, #tpu.memory_space<vmem>>, vector<16xf32>,
        %get3A_240 = arith.index_cast %scan3A_171 : i32 to index
        %get3A_241 = arith.constant 112 : index
        %get3A_242 = tpu.vector_load %arg10[%get3A_240, %get3A_241] {strides = array<i32>} : memref<80x128xf32, #tpu.memory_space<vmem>>, vector<16xf32>,
        %get3A_243 = arith.index_cast %scan3A_171 : i32 to index
        %get3A_244 = arith.constant 112 : index
        %get3A_245 = tpu.vector_load %arg12[%get3A_243, %get3A_244] {strides = array<i32>} : memref<80x128xf32, #tpu.memory_space<vmem>>, vector<16xf32>,
        %mul3A_246 = arith.mulf %get3A_242, %get3A_245 : vector<16xf32>
        %swap3A_247 = arith.index_cast %scan3A_171 : i32 to index
        %swap3A_248 = arith.constant 112 : index
        %swap3A_249 = tpu.vector_load %arg12[%swap3A_247, %swap3A_248] {strides = array<i32>} : memref<80x128xf32, #tpu.memory_space<vmem>>, vector<16xf32>,
        tpu.vector_store %arg12[%swap3A_247, %swap3A_248], %mul3A_246 {strides = array<i32>} : memref<80x128xf32, #tpu.memory_space<vmem>>, vector<16xf32>,
      }
      %scan3A_170 = arith.constant 80 : i32
      %run_scoped3A = arith.constant 24 : i32
      "tpu.region"() ({
        %run_scoped3A_171 = tpu.sem_alloc : memref<!tpu.dma_semaphore, #tpu.memory_space<semaphore_mem>>
        %dma_start3A_172 = arith.constant 0 : i32
        %dma_start3A_173 = tpu.memref_slice %arg9[%run_scoped3A, %dma_start3A_172] : memref<25x80xi32, #tpu.memory_space<vmem>> -> memref<1x80xi32, #tpu.memory_space<vmem>>
        %dma_start3A_174 = tpu.memref_squeeze %dma_start3A_173 : memref<1x80xi32, #tpu.memory_space<vmem>> -> memref<80xi32, #tpu.memory_space<vmem>>
        %dma_start3A_175 = arith.constant 0 : i32
        %dma_start3A_176 = arith.constant 0 : i32
        %dma_start3A_177 = tpu.memref_slice %arg14[%dma_start3A_175, %dma_start3A_176] : memref<10000x128xf32, #tpu.memory_space<vmem_shared>> -> memref<10000x128xf32, #tpu.memory_space<vmem_shared>>
        tpu.enqueue_indirect_dma source(%arg12 : memref<80x128xf32, #tpu.memory_space<vmem>>) target(%dma_start3A_177 : memref<10000x128xf32, #tpu.memory_space<vmem_shared>>) offsets(%dma_start3A_174 : memref<80xi32, #tpu.memory_space<vmem>>) semaphore(%run_scoped3A_171 : memref<!tpu.dma_semaphore, #tpu.memory_space<semaphore_mem>>) {add = true}
        %dma_wait3A_178 = arith.constant 0 : i32
        %dma_wait3A_179 = tpu.memref_slice %arg9[%run_scoped3A, %dma_wait3A_178] : memref<25x80xi32, #tpu.memory_space<vmem>> -> memref<1x80xi32, #tpu.memory_space<vmem>>
        %dma_wait3A_180 = tpu.memref_squeeze %dma_wait3A_179 : memref<1x80xi32, #tpu.memory_space<vmem>> -> memref<80xi32, #tpu.memory_space<vmem>>
        %dma_wait3A_181 = arith.constant 0 : i32
        %dma_wait3A_182 = arith.constant 0 : i32
        %dma_wait3A_183 = tpu.memref_slice %arg14[%dma_wait3A_181, %dma_wait3A_182] : memref<10000x128xf32, #tpu.memory_space<vmem_shared>> -> memref<10000x128xf32, #tpu.memory_space<vmem_shared>>
        tpu.wait_indirect_dma semaphore(%run_scoped3A_171 : memref<!tpu.dma_semaphore, #tpu.memory_space<semaphore_mem>>) src(%arg12 : memref<80x128xf32, #tpu.memory_space<vmem>>) dst(%dma_wait3A_183 : memref<10000x128xf32, #tpu.memory_space<vmem_shared>>)
        tpu.yield
      }) : () -> ()
    }
    %scan3A_55 = arith.constant 5 : i32
    %barrier3A_56 = arith.constant 0 : index
    tpu.barrier barrier_id(%barrier3A_56)
    %add3A_57 = arith.constant 0 : i32
    %add3A_58 = arith.addi %arg1, %add3A_57 : i32
    %lt3A_59 = arith.constant 125 : i32
    %lt3A_60 = arith.cmpi slt, %add3A_58, %lt3A_59 : i32
    %convert_element_type3A_61 = arith.extui %lt3A_60 : i1 to i32
    %cond3A_62 = arith.constant 0 : i32
    %cond3A_63 = arith.cmpi ne, %convert_element_type3A_61, %cond3A_62 : i32
    scf.if %cond3A_63 {
      %mul3A = arith.constant 80 : i32
      %mul3A_113 = arith.muli %add3A_58, %mul3A : i32
      "tpu.region"() ({
        %run_scoped3A = tpu.sem_alloc : memref<!tpu.dma_semaphore, #tpu.memory_space<semaphore_mem>>
        %dma_start3A = arith.constant 0 : i32
        %dma_start3A_116 = tpu.memref_slice %arg14[%mul3A_113, %dma_start3A] : memref<10000x128xf32, #tpu.memory_space<vmem_shared>> -> memref<80x128xf32, #tpu.memory_space<vmem_shared>>
        %dma_start3A_117 = arith.constant 0 : i32
        %dma_start3A_118 = tpu.memref_slice %arg14[%mul3A_113, %dma_start3A_117] : memref<10000x128xf32, #tpu.memory_space<vmem_shared>> -> memref<80x128xf32, #tpu.memory_space<vmem_shared>>
        tpu.enqueue_dma source(%dma_start3A_118 : memref<80x128xf32, #tpu.memory_space<vmem_shared>>) target(%arg12 : memref<80x128xf32, #tpu.memory_space<vmem>>) target_semaphore(%run_scoped3A : memref<!tpu.dma_semaphore, #tpu.memory_space<semaphore_mem>>)
        %dma_wait3A = arith.constant 0 : i32
        %dma_wait3A_119 = tpu.memref_slice %arg14[%mul3A_113, %dma_wait3A] : memref<10000x128xf32, #tpu.memory_space<vmem_shared>> -> memref<80x128xf32, #tpu.memory_space<vmem_shared>>
        %dma_wait3A_120 = arith.constant 0 : i32
        %dma_wait3A_121 = tpu.memref_slice %arg14[%mul3A_113, %dma_wait3A_120] : memref<10000x128xf32, #tpu.memory_space<vmem_shared>> -> memref<80x128xf32, #tpu.memory_space<vmem_shared>>
        tpu.wait_dma2 semaphore(%run_scoped3A : memref<!tpu.dma_semaphore, #tpu.memory_space<semaphore_mem>>) src(%dma_wait3A_121 : memref<80x128xf32, #tpu.memory_space<vmem_shared>>) dst(%arg12 : memref<80x128xf32, #tpu.memory_space<vmem>>)
        tpu.yield
      }) : () -> ()
      %mul3A_114 = arith.constant 80 : i32
      %mul3A_115 = arith.muli %add3A_58, %mul3A_114 : i32
      "tpu.region"() ({
        %run_scoped3A = tpu.sem_alloc : memref<!tpu.dma_semaphore, #tpu.memory_space<semaphore_mem>>
        %dma_start3A = arith.constant 0 : i32
        %dma_start3A_116 = tpu.memref_slice %arg7[%arg0, %mul3A_115, %dma_start3A] : memref<2x10000x128xf32, #tpu.memory_space<hbm>> -> memref<1x80x128xf32, #tpu.memory_space<hbm>>
        %dma_start3A_117 = tpu.memref_squeeze %dma_start3A_116 : memref<1x80x128xf32, #tpu.memory_space<hbm>> -> memref<80x128xf32, #tpu.memory_space<hbm>>
        %dma_start3A_118 = arith.constant 0 : i32
        %dma_start3A_119 = tpu.memref_slice %arg7[%arg0, %mul3A_115, %dma_start3A_118] : memref<2x10000x128xf32, #tpu.memory_space<hbm>> -> memref<1x80x128xf32, #tpu.memory_space<hbm>>
        %dma_start3A_120 = tpu.memref_squeeze %dma_start3A_119 : memref<1x80x128xf32, #tpu.memory_space<hbm>> -> memref<80x128xf32, #tpu.memory_space<hbm>>
        tpu.enqueue_dma source(%arg12 : memref<80x128xf32, #tpu.memory_space<vmem>>) target(%dma_start3A_120 : memref<80x128xf32, #tpu.memory_space<hbm>>) target_semaphore(%run_scoped3A : memref<!tpu.dma_semaphore, #tpu.memory_space<semaphore_mem>>)
        %dma_wait3A = arith.constant 0 : i32
        %dma_wait3A_121 = tpu.memref_slice %arg7[%arg0, %mul3A_115, %dma_wait3A] : memref<2x10000x128xf32, #tpu.memory_space<hbm>> -> memref<1x80x128xf32, #tpu.memory_space<hbm>>
        %dma_wait3A_122 = tpu.memref_squeeze %dma_wait3A_121 : memref<1x80x128xf32, #tpu.memory_space<hbm>> -> memref<80x128xf32, #tpu.memory_space<hbm>>
        %dma_wait3A_123 = arith.constant 0 : i32
        %dma_wait3A_124 = tpu.memref_slice %arg7[%arg0, %mul3A_115, %dma_wait3A_123] : memref<2x10000x128xf32, #tpu.memory_space<hbm>> -> memref<1x80x128xf32, #tpu.memory_space<hbm>>
        %dma_wait3A_125 = tpu.memref_squeeze %dma_wait3A_124 : memref<1x80x128xf32, #tpu.memory_space<hbm>> -> memref<80x128xf32, #tpu.memory_space<hbm>>
        tpu.wait_dma2 semaphore(%run_scoped3A : memref<!tpu.dma_semaphore, #tpu.memory_space<semaphore_mem>>) src(%arg12 : memref<80x128xf32, #tpu.memory_space<vmem>>) dst(%dma_wait3A_125 : memref<80x128xf32, #tpu.memory_space<hbm>>)
        tpu.yield
      }) : () -> ()
    } else {
    }
    %add3A_64 = arith.constant 16 : i32
    %add3A_65 = arith.addi %arg1, %add3A_64 : i32
    %lt3A_66 = arith.constant 125 : i32
    %lt3A_67 = arith.cmpi slt, %add3A_65, %lt3A_66 : i32
    %convert_element_type3A_68 = arith.extui %lt3A_67 : i1 to i32
    %cond3A_69 = arith.constant 0 : i32
    %cond3A_70 = arith.cmpi ne, %convert_element_type3A_68, %cond3A_69 : i32
    scf.if %cond3A_70 {
      %mul3A = arith.constant 80 : i32
      %mul3A_113 = arith.muli %add3A_65, %mul3A : i32
      "tpu.region"() ({
        %run_scoped3A = tpu.sem_alloc : memref<!tpu.dma_semaphore, #tpu.memory_space<semaphore_mem>>
        %dma_start3A = arith.constant 0 : i32
        %dma_start3A_116 = tpu.memref_slice %arg14[%mul3A_113, %dma_start3A] : memref<10000x128xf32, #tpu.memory_space<vmem_shared>> -> memref<80x128xf32, #tpu.memory_space<vmem_shared>>
        %dma_start3A_117 = arith.constant 0 : i32
        %dma_start3A_118 = tpu.memref_slice %arg14[%mul3A_113, %dma_start3A_117] : memref<10000x128xf32, #tpu.memory_space<vmem_shared>> -> memref<80x128xf32, #tpu.memory_space<vmem_shared>>
        tpu.enqueue_dma source(%dma_start3A_118 : memref<80x128xf32, #tpu.memory_space<vmem_shared>>) target(%arg12 : memref<80x128xf32, #tpu.memory_space<vmem>>) target_semaphore(%run_scoped3A : memref<!tpu.dma_semaphore, #tpu.memory_space<semaphore_mem>>)
        %dma_wait3A = arith.constant 0 : i32
        %dma_wait3A_119 = tpu.memref_slice %arg14[%mul3A_113, %dma_wait3A] : memref<10000x128xf32, #tpu.memory_space<vmem_shared>> -> memref<80x128xf32, #tpu.memory_space<vmem_shared>>
        %dma_wait3A_120 = arith.constant 0 : i32
        %dma_wait3A_121 = tpu.memref_slice %arg14[%mul3A_113, %dma_wait3A_120] : memref<10000x128xf32, #tpu.memory_space<vmem_shared>> -> memref<80x128xf32, #tpu.memory_space<vmem_shared>>
        tpu.wait_dma2 semaphore(%run_scoped3A : memref<!tpu.dma_semaphore, #tpu.memory_space<semaphore_mem>>) src(%dma_wait3A_121 : memref<80x128xf32, #tpu.memory_space<vmem_shared>>) dst(%arg12 : memref<80x128xf32, #tpu.memory_space<vmem>>)
        tpu.yield
      }) : () -> ()
      %mul3A_114 = arith.constant 80 : i32
      %mul3A_115 = arith.muli %add3A_65, %mul3A_114 : i32
      "tpu.region"() ({
        %run_scoped3A = tpu.sem_alloc : memref<!tpu.dma_semaphore, #tpu.memory_space<semaphore_mem>>
        %dma_start3A = arith.constant 0 : i32
        %dma_start3A_116 = tpu.memref_slice %arg7[%arg0, %mul3A_115, %dma_start3A] : memref<2x10000x128xf32, #tpu.memory_space<hbm>> -> memref<1x80x128xf32, #tpu.memory_space<hbm>>
        %dma_start3A_117 = tpu.memref_squeeze %dma_start3A_116 : memref<1x80x128xf32, #tpu.memory_space<hbm>> -> memref<80x128xf32, #tpu.memory_space<hbm>>
        %dma_start3A_118 = arith.constant 0 : i32
        %dma_start3A_119 = tpu.memref_slice %arg7[%arg0, %mul3A_115, %dma_start3A_118] : memref<2x10000x128xf32, #tpu.memory_space<hbm>> -> memref<1x80x128xf32, #tpu.memory_space<hbm>>
        %dma_start3A_120 = tpu.memref_squeeze %dma_start3A_119 : memref<1x80x128xf32, #tpu.memory_space<hbm>> -> memref<80x128xf32, #tpu.memory_space<hbm>>
        tpu.enqueue_dma source(%arg12 : memref<80x128xf32, #tpu.memory_space<vmem>>) target(%dma_start3A_120 : memref<80x128xf32, #tpu.memory_space<hbm>>) target_semaphore(%run_scoped3A : memref<!tpu.dma_semaphore, #tpu.memory_space<semaphore_mem>>)
        %dma_wait3A = arith.constant 0 : i32
        %dma_wait3A_121 = tpu.memref_slice %arg7[%arg0, %mul3A_115, %dma_wait3A] : memref<2x10000x128xf32, #tpu.memory_space<hbm>> -> memref<1x80x128xf32, #tpu.memory_space<hbm>>
        %dma_wait3A_122 = tpu.memref_squeeze %dma_wait3A_121 : memref<1x80x128xf32, #tpu.memory_space<hbm>> -> memref<80x128xf32, #tpu.memory_space<hbm>>
        %dma_wait3A_123 = arith.constant 0 : i32
        %dma_wait3A_124 = tpu.memref_slice %arg7[%arg0, %mul3A_115, %dma_wait3A_123] : memref<2x10000x128xf32, #tpu.memory_space<hbm>> -> memref<1x80x128xf32, #tpu.memory_space<hbm>>
        %dma_wait3A_125 = tpu.memref_squeeze %dma_wait3A_124 : memref<1x80x128xf32, #tpu.memory_space<hbm>> -> memref<80x128xf32, #tpu.memory_space<hbm>>
        tpu.wait_dma2 semaphore(%run_scoped3A : memref<!tpu.dma_semaphore, #tpu.memory_space<semaphore_mem>>) src(%arg12 : memref<80x128xf32, #tpu.memory_space<vmem>>) dst(%dma_wait3A_125 : memref<80x128xf32, #tpu.memory_space<hbm>>)
        tpu.yield
      }) : () -> ()
    } else {
    }
    %add3A_71 = arith.constant 32 : i32
    %add3A_72 = arith.addi %arg1, %add3A_71 : i32
    %lt3A_73 = arith.constant 125 : i32
    %lt3A_74 = arith.cmpi slt, %add3A_72, %lt3A_73 : i32
    %convert_element_type3A_75 = arith.extui %lt3A_74 : i1 to i32
    %cond3A_76 = arith.constant 0 : i32
    %cond3A_77 = arith.cmpi ne, %convert_element_type3A_75, %cond3A_76 : i32
    scf.if %cond3A_77 {
      %mul3A = arith.constant 80 : i32
      %mul3A_113 = arith.muli %add3A_72, %mul3A : i32
      "tpu.region"() ({
        %run_scoped3A = tpu.sem_alloc : memref<!tpu.dma_semaphore, #tpu.memory_space<semaphore_mem>>
        %dma_start3A = arith.constant 0 : i32
        %dma_start3A_116 = tpu.memref_slice %arg14[%mul3A_113, %dma_start3A] : memref<10000x128xf32, #tpu.memory_space<vmem_shared>> -> memref<80x128xf32, #tpu.memory_space<vmem_shared>>
        %dma_start3A_117 = arith.constant 0 : i32
        %dma_start3A_118 = tpu.memref_slice %arg14[%mul3A_113, %dma_start3A_117] : memref<10000x128xf32, #tpu.memory_space<vmem_shared>> -> memref<80x128xf32, #tpu.memory_space<vmem_shared>>
        tpu.enqueue_dma source(%dma_start3A_118 : memref<80x128xf32, #tpu.memory_space<vmem_shared>>) target(%arg12 : memref<80x128xf32, #tpu.memory_space<vmem>>) target_semaphore(%run_scoped3A : memref<!tpu.dma_semaphore, #tpu.memory_space<semaphore_mem>>)
        %dma_wait3A = arith.constant 0 : i32
        %dma_wait3A_119 = tpu.memref_slice %arg14[%mul3A_113, %dma_wait3A] : memref<10000x128xf32, #tpu.memory_space<vmem_shared>> -> memref<80x128xf32, #tpu.memory_space<vmem_shared>>
        %dma_wait3A_120 = arith.constant 0 : i32
        %dma_wait3A_121 = tpu.memref_slice %arg14[%mul3A_113, %dma_wait3A_120] : memref<10000x128xf32, #tpu.memory_space<vmem_shared>> -> memref<80x128xf32, #tpu.memory_space<vmem_shared>>
        tpu.wait_dma2 semaphore(%run_scoped3A : memref<!tpu.dma_semaphore, #tpu.memory_space<semaphore_mem>>) src(%dma_wait3A_121 : memref<80x128xf32, #tpu.memory_space<vmem_shared>>) dst(%arg12 : memref<80x128xf32, #tpu.memory_space<vmem>>)
        tpu.yield
      }) : () -> ()
      %mul3A_114 = arith.constant 80 : i32
      %mul3A_115 = arith.muli %add3A_72, %mul3A_114 : i32
      "tpu.region"() ({
        %run_scoped3A = tpu.sem_alloc : memref<!tpu.dma_semaphore, #tpu.memory_space<semaphore_mem>>
        %dma_start3A = arith.constant 0 : i32
        %dma_start3A_116 = tpu.memref_slice %arg7[%arg0, %mul3A_115, %dma_start3A] : memref<2x10000x128xf32, #tpu.memory_space<hbm>> -> memref<1x80x128xf32, #tpu.memory_space<hbm>>
        %dma_start3A_117 = tpu.memref_squeeze %dma_start3A_116 : memref<1x80x128xf32, #tpu.memory_space<hbm>> -> memref<80x128xf32, #tpu.memory_space<hbm>>
        %dma_start3A_118 = arith.constant 0 : i32
        %dma_start3A_119 = tpu.memref_slice %arg7[%arg0, %mul3A_115, %dma_start3A_118] : memref<2x10000x128xf32, #tpu.memory_space<hbm>> -> memref<1x80x128xf32, #tpu.memory_space<hbm>>
        %dma_start3A_120 = tpu.memref_squeeze %dma_start3A_119 : memref<1x80x128xf32, #tpu.memory_space<hbm>> -> memref<80x128xf32, #tpu.memory_space<hbm>>
        tpu.enqueue_dma source(%arg12 : memref<80x128xf32, #tpu.memory_space<vmem>>) target(%dma_start3A_120 : memref<80x128xf32, #tpu.memory_space<hbm>>) target_semaphore(%run_scoped3A : memref<!tpu.dma_semaphore, #tpu.memory_space<semaphore_mem>>)
        %dma_wait3A = arith.constant 0 : i32
        %dma_wait3A_121 = tpu.memref_slice %arg7[%arg0, %mul3A_115, %dma_wait3A] : memref<2x10000x128xf32, #tpu.memory_space<hbm>> -> memref<1x80x128xf32, #tpu.memory_space<hbm>>
        %dma_wait3A_122 = tpu.memref_squeeze %dma_wait3A_121 : memref<1x80x128xf32, #tpu.memory_space<hbm>> -> memref<80x128xf32, #tpu.memory_space<hbm>>
        %dma_wait3A_123 = arith.constant 0 : i32
        %dma_wait3A_124 = tpu.memref_slice %arg7[%arg0, %mul3A_115, %dma_wait3A_123] : memref<2x10000x128xf32, #tpu.memory_space<hbm>> -> memref<1x80x128xf32, #tpu.memory_space<hbm>>
        %dma_wait3A_125 = tpu.memref_squeeze %dma_wait3A_124 : memref<1x80x128xf32, #tpu.memory_space<hbm>> -> memref<80x128xf32, #tpu.memory_space<hbm>>
        tpu.wait_dma2 semaphore(%run_scoped3A : memref<!tpu.dma_semaphore, #tpu.memory_space<semaphore_mem>>) src(%arg12 : memref<80x128xf32, #tpu.memory_space<vmem>>) dst(%dma_wait3A_125 : memref<80x128xf32, #tpu.memory_space<hbm>>)
        tpu.yield
      }) : () -> ()
    } else {
    }
    %add3A_78 = arith.constant 48 : i32
    %add3A_79 = arith.addi %arg1, %add3A_78 : i32
    %lt3A_80 = arith.constant 125 : i32
    %lt3A_81 = arith.cmpi slt, %add3A_79, %lt3A_80 : i32
    %convert_element_type3A_82 = arith.extui %lt3A_81 : i1 to i32
    %cond3A_83 = arith.constant 0 : i32
    %cond3A_84 = arith.cmpi ne, %convert_element_type3A_82, %cond3A_83 : i32
    scf.if %cond3A_84 {
      %mul3A = arith.constant 80 : i32
      %mul3A_113 = arith.muli %add3A_79, %mul3A : i32
      "tpu.region"() ({
        %run_scoped3A = tpu.sem_alloc : memref<!tpu.dma_semaphore, #tpu.memory_space<semaphore_mem>>
        %dma_start3A = arith.constant 0 : i32
        %dma_start3A_116 = tpu.memref_slice %arg14[%mul3A_113, %dma_start3A] : memref<10000x128xf32, #tpu.memory_space<vmem_shared>> -> memref<80x128xf32, #tpu.memory_space<vmem_shared>>
        %dma_start3A_117 = arith.constant 0 : i32
        %dma_start3A_118 = tpu.memref_slice %arg14[%mul3A_113, %dma_start3A_117] : memref<10000x128xf32, #tpu.memory_space<vmem_shared>> -> memref<80x128xf32, #tpu.memory_space<vmem_shared>>
        tpu.enqueue_dma source(%dma_start3A_118 : memref<80x128xf32, #tpu.memory_space<vmem_shared>>) target(%arg12 : memref<80x128xf32, #tpu.memory_space<vmem>>) target_semaphore(%run_scoped3A : memref<!tpu.dma_semaphore, #tpu.memory_space<semaphore_mem>>)
        %dma_wait3A = arith.constant 0 : i32
        %dma_wait3A_119 = tpu.memref_slice %arg14[%mul3A_113, %dma_wait3A] : memref<10000x128xf32, #tpu.memory_space<vmem_shared>> -> memref<80x128xf32, #tpu.memory_space<vmem_shared>>
        %dma_wait3A_120 = arith.constant 0 : i32
        %dma_wait3A_121 = tpu.memref_slice %arg14[%mul3A_113, %dma_wait3A_120] : memref<10000x128xf32, #tpu.memory_space<vmem_shared>> -> memref<80x128xf32, #tpu.memory_space<vmem_shared>>
        tpu.wait_dma2 semaphore(%run_scoped3A : memref<!tpu.dma_semaphore, #tpu.memory_space<semaphore_mem>>) src(%dma_wait3A_121 : memref<80x128xf32, #tpu.memory_space<vmem_shared>>) dst(%arg12 : memref<80x128xf32, #tpu.memory_space<vmem>>)
        tpu.yield
      }) : () -> ()
      %mul3A_114 = arith.constant 80 : i32
      %mul3A_115 = arith.muli %add3A_79, %mul3A_114 : i32
      "tpu.region"() ({
        %run_scoped3A = tpu.sem_alloc : memref<!tpu.dma_semaphore, #tpu.memory_space<semaphore_mem>>
        %dma_start3A = arith.constant 0 : i32
        %dma_start3A_116 = tpu.memref_slice %arg7[%arg0, %mul3A_115, %dma_start3A] : memref<2x10000x128xf32, #tpu.memory_space<hbm>> -> memref<1x80x128xf32, #tpu.memory_space<hbm>>
        %dma_start3A_117 = tpu.memref_squeeze %dma_start3A_116 : memref<1x80x128xf32, #tpu.memory_space<hbm>> -> memref<80x128xf32, #tpu.memory_space<hbm>>
        %dma_start3A_118 = arith.constant 0 : i32
        %dma_start3A_119 = tpu.memref_slice %arg7[%arg0, %mul3A_115, %dma_start3A_118] : memref<2x10000x128xf32, #tpu.memory_space<hbm>> -> memref<1x80x128xf32, #tpu.memory_space<hbm>>
        %dma_start3A_120 = tpu.memref_squeeze %dma_start3A_119 : memref<1x80x128xf32, #tpu.memory_space<hbm>> -> memref<80x128xf32, #tpu.memory_space<hbm>>
        tpu.enqueue_dma source(%arg12 : memref<80x128xf32, #tpu.memory_space<vmem>>) target(%dma_start3A_120 : memref<80x128xf32, #tpu.memory_space<hbm>>) target_semaphore(%run_scoped3A : memref<!tpu.dma_semaphore, #tpu.memory_space<semaphore_mem>>)
        %dma_wait3A = arith.constant 0 : i32
        %dma_wait3A_121 = tpu.memref_slice %arg7[%arg0, %mul3A_115, %dma_wait3A] : memref<2x10000x128xf32, #tpu.memory_space<hbm>> -> memref<1x80x128xf32, #tpu.memory_space<hbm>>
        %dma_wait3A_122 = tpu.memref_squeeze %dma_wait3A_121 : memref<1x80x128xf32, #tpu.memory_space<hbm>> -> memref<80x128xf32, #tpu.memory_space<hbm>>
        %dma_wait3A_123 = arith.constant 0 : i32
        %dma_wait3A_124 = tpu.memref_slice %arg7[%arg0, %mul3A_115, %dma_wait3A_123] : memref<2x10000x128xf32, #tpu.memory_space<hbm>> -> memref<1x80x128xf32, #tpu.memory_space<hbm>>
        %dma_wait3A_125 = tpu.memref_squeeze %dma_wait3A_124 : memref<1x80x128xf32, #tpu.memory_space<hbm>> -> memref<80x128xf32, #tpu.memory_space<hbm>>
        tpu.wait_dma2 semaphore(%run_scoped3A : memref<!tpu.dma_semaphore, #tpu.memory_space<semaphore_mem>>) src(%arg12 : memref<80x128xf32, #tpu.memory_space<vmem>>) dst(%dma_wait3A_125 : memref<80x128xf32, #tpu.memory_space<hbm>>)
        tpu.yield
      }) : () -> ()
    } else {
    }
    %add3A_85 = arith.constant 64 : i32
    %add3A_86 = arith.addi %arg1, %add3A_85 : i32
    %lt3A_87 = arith.constant 125 : i32
    %lt3A_88 = arith.cmpi slt, %add3A_86, %lt3A_87 : i32
    %convert_element_type3A_89 = arith.extui %lt3A_88 : i1 to i32
    %cond3A_90 = arith.constant 0 : i32
    %cond3A_91 = arith.cmpi ne, %convert_element_type3A_89, %cond3A_90 : i32
    scf.if %cond3A_91 {
      %mul3A = arith.constant 80 : i32
      %mul3A_113 = arith.muli %add3A_86, %mul3A : i32
      "tpu.region"() ({
        %run_scoped3A = tpu.sem_alloc : memref<!tpu.dma_semaphore, #tpu.memory_space<semaphore_mem>>
        %dma_start3A = arith.constant 0 : i32
        %dma_start3A_116 = tpu.memref_slice %arg14[%mul3A_113, %dma_start3A] : memref<10000x128xf32, #tpu.memory_space<vmem_shared>> -> memref<80x128xf32, #tpu.memory_space<vmem_shared>>
        %dma_start3A_117 = arith.constant 0 : i32
        %dma_start3A_118 = tpu.memref_slice %arg14[%mul3A_113, %dma_start3A_117] : memref<10000x128xf32, #tpu.memory_space<vmem_shared>> -> memref<80x128xf32, #tpu.memory_space<vmem_shared>>
        tpu.enqueue_dma source(%dma_start3A_118 : memref<80x128xf32, #tpu.memory_space<vmem_shared>>) target(%arg12 : memref<80x128xf32, #tpu.memory_space<vmem>>) target_semaphore(%run_scoped3A : memref<!tpu.dma_semaphore, #tpu.memory_space<semaphore_mem>>)
        %dma_wait3A = arith.constant 0 : i32
        %dma_wait3A_119 = tpu.memref_slice %arg14[%mul3A_113, %dma_wait3A] : memref<10000x128xf32, #tpu.memory_space<vmem_shared>> -> memref<80x128xf32, #tpu.memory_space<vmem_shared>>
        %dma_wait3A_120 = arith.constant 0 : i32
        %dma_wait3A_121 = tpu.memref_slice %arg14[%mul3A_113, %dma_wait3A_120] : memref<10000x128xf32, #tpu.memory_space<vmem_shared>> -> memref<80x128xf32, #tpu.memory_space<vmem_shared>>
        tpu.wait_dma2 semaphore(%run_scoped3A : memref<!tpu.dma_semaphore, #tpu.memory_space<semaphore_mem>>) src(%dma_wait3A_121 : memref<80x128xf32, #tpu.memory_space<vmem_shared>>) dst(%arg12 : memref<80x128xf32, #tpu.memory_space<vmem>>)
        tpu.yield
      }) : () -> ()
      %mul3A_114 = arith.constant 80 : i32
      %mul3A_115 = arith.muli %add3A_86, %mul3A_114 : i32
      "tpu.region"() ({
        %run_scoped3A = tpu.sem_alloc : memref<!tpu.dma_semaphore, #tpu.memory_space<semaphore_mem>>
        %dma_start3A = arith.constant 0 : i32
        %dma_start3A_116 = tpu.memref_slice %arg7[%arg0, %mul3A_115, %dma_start3A] : memref<2x10000x128xf32, #tpu.memory_space<hbm>> -> memref<1x80x128xf32, #tpu.memory_space<hbm>>
        %dma_start3A_117 = tpu.memref_squeeze %dma_start3A_116 : memref<1x80x128xf32, #tpu.memory_space<hbm>> -> memref<80x128xf32, #tpu.memory_space<hbm>>
        %dma_start3A_118 = arith.constant 0 : i32
        %dma_start3A_119 = tpu.memref_slice %arg7[%arg0, %mul3A_115, %dma_start3A_118] : memref<2x10000x128xf32, #tpu.memory_space<hbm>> -> memref<1x80x128xf32, #tpu.memory_space<hbm>>
        %dma_start3A_120 = tpu.memref_squeeze %dma_start3A_119 : memref<1x80x128xf32, #tpu.memory_space<hbm>> -> memref<80x128xf32, #tpu.memory_space<hbm>>
        tpu.enqueue_dma source(%arg12 : memref<80x128xf32, #tpu.memory_space<vmem>>) target(%dma_start3A_120 : memref<80x128xf32, #tpu.memory_space<hbm>>) target_semaphore(%run_scoped3A : memref<!tpu.dma_semaphore, #tpu.memory_space<semaphore_mem>>)
        %dma_wait3A = arith.constant 0 : i32
        %dma_wait3A_121 = tpu.memref_slice %arg7[%arg0, %mul3A_115, %dma_wait3A] : memref<2x10000x128xf32, #tpu.memory_space<hbm>> -> memref<1x80x128xf32, #tpu.memory_space<hbm>>
        %dma_wait3A_122 = tpu.memref_squeeze %dma_wait3A_121 : memref<1x80x128xf32, #tpu.memory_space<hbm>> -> memref<80x128xf32, #tpu.memory_space<hbm>>
        %dma_wait3A_123 = arith.constant 0 : i32
        %dma_wait3A_124 = tpu.memref_slice %arg7[%arg0, %mul3A_115, %dma_wait3A_123] : memref<2x10000x128xf32, #tpu.memory_space<hbm>> -> memref<1x80x128xf32, #tpu.memory_space<hbm>>
        %dma_wait3A_125 = tpu.memref_squeeze %dma_wait3A_124 : memref<1x80x128xf32, #tpu.memory_space<hbm>> -> memref<80x128xf32, #tpu.memory_space<hbm>>
        tpu.wait_dma2 semaphore(%run_scoped3A : memref<!tpu.dma_semaphore, #tpu.memory_space<semaphore_mem>>) src(%arg12 : memref<80x128xf32, #tpu.memory_space<vmem>>) dst(%dma_wait3A_125 : memref<80x128xf32, #tpu.memory_space<hbm>>)
        tpu.yield
      }) : () -> ()
    } else {
    }
    %add3A_92 = arith.constant 80 : i32
    %add3A_93 = arith.addi %arg1, %add3A_92 : i32
    %lt3A_94 = arith.constant 125 : i32
    %lt3A_95 = arith.cmpi slt, %add3A_93, %lt3A_94 : i32
    %convert_element_type3A_96 = arith.extui %lt3A_95 : i1 to i32
    %cond3A_97 = arith.constant 0 : i32
    %cond3A_98 = arith.cmpi ne, %convert_element_type3A_96, %cond3A_97 : i32
    scf.if %cond3A_98 {
      %mul3A = arith.constant 80 : i32
      %mul3A_113 = arith.muli %add3A_93, %mul3A : i32
      "tpu.region"() ({
        %run_scoped3A = tpu.sem_alloc : memref<!tpu.dma_semaphore, #tpu.memory_space<semaphore_mem>>
        %dma_start3A = arith.constant 0 : i32
        %dma_start3A_116 = tpu.memref_slice %arg14[%mul3A_113, %dma_start3A] : memref<10000x128xf32, #tpu.memory_space<vmem_shared>> -> memref<80x128xf32, #tpu.memory_space<vmem_shared>>
        %dma_start3A_117 = arith.constant 0 : i32
        %dma_start3A_118 = tpu.memref_slice %arg14[%mul3A_113, %dma_start3A_117] : memref<10000x128xf32, #tpu.memory_space<vmem_shared>> -> memref<80x128xf32, #tpu.memory_space<vmem_shared>>
        tpu.enqueue_dma source(%dma_start3A_118 : memref<80x128xf32, #tpu.memory_space<vmem_shared>>) target(%arg12 : memref<80x128xf32, #tpu.memory_space<vmem>>) target_semaphore(%run_scoped3A : memref<!tpu.dma_semaphore, #tpu.memory_space<semaphore_mem>>)
        %dma_wait3A = arith.constant 0 : i32
        %dma_wait3A_119 = tpu.memref_slice %arg14[%mul3A_113, %dma_wait3A] : memref<10000x128xf32, #tpu.memory_space<vmem_shared>> -> memref<80x128xf32, #tpu.memory_space<vmem_shared>>
        %dma_wait3A_120 = arith.constant 0 : i32
        %dma_wait3A_121 = tpu.memref_slice %arg14[%mul3A_113, %dma_wait3A_120] : memref<10000x128xf32, #tpu.memory_space<vmem_shared>> -> memref<80x128xf32, #tpu.memory_space<vmem_shared>>
        tpu.wait_dma2 semaphore(%run_scoped3A : memref<!tpu.dma_semaphore, #tpu.memory_space<semaphore_mem>>) src(%dma_wait3A_121 : memref<80x128xf32, #tpu.memory_space<vmem_shared>>) dst(%arg12 : memref<80x128xf32, #tpu.memory_space<vmem>>)
        tpu.yield
      }) : () -> ()
      %mul3A_114 = arith.constant 80 : i32
      %mul3A_115 = arith.muli %add3A_93, %mul3A_114 : i32
      "tpu.region"() ({
        %run_scoped3A = tpu.sem_alloc : memref<!tpu.dma_semaphore, #tpu.memory_space<semaphore_mem>>
        %dma_start3A = arith.constant 0 : i32
        %dma_start3A_116 = tpu.memref_slice %arg7[%arg0, %mul3A_115, %dma_start3A] : memref<2x10000x128xf32, #tpu.memory_space<hbm>> -> memref<1x80x128xf32, #tpu.memory_space<hbm>>
        %dma_start3A_117 = tpu.memref_squeeze %dma_start3A_116 : memref<1x80x128xf32, #tpu.memory_space<hbm>> -> memref<80x128xf32, #tpu.memory_space<hbm>>
        %dma_start3A_118 = arith.constant 0 : i32
        %dma_start3A_119 = tpu.memref_slice %arg7[%arg0, %mul3A_115, %dma_start3A_118] : memref<2x10000x128xf32, #tpu.memory_space<hbm>> -> memref<1x80x128xf32, #tpu.memory_space<hbm>>
        %dma_start3A_120 = tpu.memref_squeeze %dma_start3A_119 : memref<1x80x128xf32, #tpu.memory_space<hbm>> -> memref<80x128xf32, #tpu.memory_space<hbm>>
        tpu.enqueue_dma source(%arg12 : memref<80x128xf32, #tpu.memory_space<vmem>>) target(%dma_start3A_120 : memref<80x128xf32, #tpu.memory_space<hbm>>) target_semaphore(%run_scoped3A : memref<!tpu.dma_semaphore, #tpu.memory_space<semaphore_mem>>)
        %dma_wait3A = arith.constant 0 : i32
        %dma_wait3A_121 = tpu.memref_slice %arg7[%arg0, %mul3A_115, %dma_wait3A] : memref<2x10000x128xf32, #tpu.memory_space<hbm>> -> memref<1x80x128xf32, #tpu.memory_space<hbm>>
        %dma_wait3A_122 = tpu.memref_squeeze %dma_wait3A_121 : memref<1x80x128xf32, #tpu.memory_space<hbm>> -> memref<80x128xf32, #tpu.memory_space<hbm>>
        %dma_wait3A_123 = arith.constant 0 : i32
        %dma_wait3A_124 = tpu.memref_slice %arg7[%arg0, %mul3A_115, %dma_wait3A_123] : memref<2x10000x128xf32, #tpu.memory_space<hbm>> -> memref<1x80x128xf32, #tpu.memory_space<hbm>>
        %dma_wait3A_125 = tpu.memref_squeeze %dma_wait3A_124 : memref<1x80x128xf32, #tpu.memory_space<hbm>> -> memref<80x128xf32, #tpu.memory_space<hbm>>
        tpu.wait_dma2 semaphore(%run_scoped3A : memref<!tpu.dma_semaphore, #tpu.memory_space<semaphore_mem>>) src(%arg12 : memref<80x128xf32, #tpu.memory_space<vmem>>) dst(%dma_wait3A_125 : memref<80x128xf32, #tpu.memory_space<hbm>>)
        tpu.yield
      }) : () -> ()
    } else {
    }
    %add3A_99 = arith.constant 96 : i32
    %add3A_100 = arith.addi %arg1, %add3A_99 : i32
    %lt3A_101 = arith.constant 125 : i32
    %lt3A_102 = arith.cmpi slt, %add3A_100, %lt3A_101 : i32
    %convert_element_type3A_103 = arith.extui %lt3A_102 : i1 to i32
    %cond3A_104 = arith.constant 0 : i32
    %cond3A_105 = arith.cmpi ne, %convert_element_type3A_103, %cond3A_104 : i32
    scf.if %cond3A_105 {
      %mul3A = arith.constant 80 : i32
      %mul3A_113 = arith.muli %add3A_100, %mul3A : i32
      "tpu.region"() ({
        %run_scoped3A = tpu.sem_alloc : memref<!tpu.dma_semaphore, #tpu.memory_space<semaphore_mem>>
        %dma_start3A = arith.constant 0 : i32
        %dma_start3A_116 = tpu.memref_slice %arg14[%mul3A_113, %dma_start3A] : memref<10000x128xf32, #tpu.memory_space<vmem_shared>> -> memref<80x128xf32, #tpu.memory_space<vmem_shared>>
        %dma_start3A_117 = arith.constant 0 : i32
        %dma_start3A_118 = tpu.memref_slice %arg14[%mul3A_113, %dma_start3A_117] : memref<10000x128xf32, #tpu.memory_space<vmem_shared>> -> memref<80x128xf32, #tpu.memory_space<vmem_shared>>
        tpu.enqueue_dma source(%dma_start3A_118 : memref<80x128xf32, #tpu.memory_space<vmem_shared>>) target(%arg12 : memref<80x128xf32, #tpu.memory_space<vmem>>) target_semaphore(%run_scoped3A : memref<!tpu.dma_semaphore, #tpu.memory_space<semaphore_mem>>)
        %dma_wait3A = arith.constant 0 : i32
        %dma_wait3A_119 = tpu.memref_slice %arg14[%mul3A_113, %dma_wait3A] : memref<10000x128xf32, #tpu.memory_space<vmem_shared>> -> memref<80x128xf32, #tpu.memory_space<vmem_shared>>
        %dma_wait3A_120 = arith.constant 0 : i32
        %dma_wait3A_121 = tpu.memref_slice %arg14[%mul3A_113, %dma_wait3A_120] : memref<10000x128xf32, #tpu.memory_space<vmem_shared>> -> memref<80x128xf32, #tpu.memory_space<vmem_shared>>
        tpu.wait_dma2 semaphore(%run_scoped3A : memref<!tpu.dma_semaphore, #tpu.memory_space<semaphore_mem>>) src(%dma_wait3A_121 : memref<80x128xf32, #tpu.memory_space<vmem_shared>>) dst(%arg12 : memref<80x128xf32, #tpu.memory_space<vmem>>)
        tpu.yield
      }) : () -> ()
      %mul3A_114 = arith.constant 80 : i32
      %mul3A_115 = arith.muli %add3A_100, %mul3A_114 : i32
      "tpu.region"() ({
        %run_scoped3A = tpu.sem_alloc : memref<!tpu.dma_semaphore, #tpu.memory_space<semaphore_mem>>
        %dma_start3A = arith.constant 0 : i32
        %dma_start3A_116 = tpu.memref_slice %arg7[%arg0, %mul3A_115, %dma_start3A] : memref<2x10000x128xf32, #tpu.memory_space<hbm>> -> memref<1x80x128xf32, #tpu.memory_space<hbm>>
        %dma_start3A_117 = tpu.memref_squeeze %dma_start3A_116 : memref<1x80x128xf32, #tpu.memory_space<hbm>> -> memref<80x128xf32, #tpu.memory_space<hbm>>
        %dma_start3A_118 = arith.constant 0 : i32
        %dma_start3A_119 = tpu.memref_slice %arg7[%arg0, %mul3A_115, %dma_start3A_118] : memref<2x10000x128xf32, #tpu.memory_space<hbm>> -> memref<1x80x128xf32, #tpu.memory_space<hbm>>
        %dma_start3A_120 = tpu.memref_squeeze %dma_start3A_119 : memref<1x80x128xf32, #tpu.memory_space<hbm>> -> memref<80x128xf32, #tpu.memory_space<hbm>>
        tpu.enqueue_dma source(%arg12 : memref<80x128xf32, #tpu.memory_space<vmem>>) target(%dma_start3A_120 : memref<80x128xf32, #tpu.memory_space<hbm>>) target_semaphore(%run_scoped3A : memref<!tpu.dma_semaphore, #tpu.memory_space<semaphore_mem>>)
        %dma_wait3A = arith.constant 0 : i32
        %dma_wait3A_121 = tpu.memref_slice %arg7[%arg0, %mul3A_115, %dma_wait3A] : memref<2x10000x128xf32, #tpu.memory_space<hbm>> -> memref<1x80x128xf32, #tpu.memory_space<hbm>>
        %dma_wait3A_122 = tpu.memref_squeeze %dma_wait3A_121 : memref<1x80x128xf32, #tpu.memory_space<hbm>> -> memref<80x128xf32, #tpu.memory_space<hbm>>
        %dma_wait3A_123 = arith.constant 0 : i32
        %dma_wait3A_124 = tpu.memref_slice %arg7[%arg0, %mul3A_115, %dma_wait3A_123] : memref<2x10000x128xf32, #tpu.memory_space<hbm>> -> memref<1x80x128xf32, #tpu.memory_space<hbm>>
        %dma_wait3A_125 = tpu.memref_squeeze %dma_wait3A_124 : memref<1x80x128xf32, #tpu.memory_space<hbm>> -> memref<80x128xf32, #tpu.memory_space<hbm>>
        tpu.wait_dma2 semaphore(%run_scoped3A : memref<!tpu.dma_semaphore, #tpu.memory_space<semaphore_mem>>) src(%arg12 : memref<80x128xf32, #tpu.memory_space<vmem>>) dst(%dma_wait3A_125 : memref<80x128xf32, #tpu.memory_space<hbm>>)
        tpu.yield
      }) : () -> ()
    } else {
    }
    %add3A_106 = arith.constant 112 : i32
    %add3A_107 = arith.addi %arg1, %add3A_106 : i32
    %lt3A_108 = arith.constant 125 : i32
    %lt3A_109 = arith.cmpi slt, %add3A_107, %lt3A_108 : i32
    %convert_element_type3A_110 = arith.extui %lt3A_109 : i1 to i32
    %cond3A_111 = arith.constant 0 : i32
    %cond3A_112 = arith.cmpi ne, %convert_element_type3A_110, %cond3A_111 : i32
    scf.if %cond3A_112 {
      %mul3A = arith.constant 80 : i32
      %mul3A_113 = arith.muli %add3A_107, %mul3A : i32
      "tpu.region"() ({
        %run_scoped3A = tpu.sem_alloc : memref<!tpu.dma_semaphore, #tpu.memory_space<semaphore_mem>>
        %dma_start3A = arith.constant 0 : i32
        %dma_start3A_116 = tpu.memref_slice %arg14[%mul3A_113, %dma_start3A] : memref<10000x128xf32, #tpu.memory_space<vmem_shared>> -> memref<80x128xf32, #tpu.memory_space<vmem_shared>>
        %dma_start3A_117 = arith.constant 0 : i32
        %dma_start3A_118 = tpu.memref_slice %arg14[%mul3A_113, %dma_start3A_117] : memref<10000x128xf32, #tpu.memory_space<vmem_shared>> -> memref<80x128xf32, #tpu.memory_space<vmem_shared>>
        tpu.enqueue_dma source(%dma_start3A_118 : memref<80x128xf32, #tpu.memory_space<vmem_shared>>) target(%arg12 : memref<80x128xf32, #tpu.memory_space<vmem>>) target_semaphore(%run_scoped3A : memref<!tpu.dma_semaphore, #tpu.memory_space<semaphore_mem>>)
        %dma_wait3A = arith.constant 0 : i32
        %dma_wait3A_119 = tpu.memref_slice %arg14[%mul3A_113, %dma_wait3A] : memref<10000x128xf32, #tpu.memory_space<vmem_shared>> -> memref<80x128xf32, #tpu.memory_space<vmem_shared>>
        %dma_wait3A_120 = arith.constant 0 : i32
        %dma_wait3A_121 = tpu.memref_slice %arg14[%mul3A_113, %dma_wait3A_120] : memref<10000x128xf32, #tpu.memory_space<vmem_shared>> -> memref<80x128xf32, #tpu.memory_space<vmem_shared>>
        tpu.wait_dma2 semaphore(%run_scoped3A : memref<!tpu.dma_semaphore, #tpu.memory_space<semaphore_mem>>) src(%dma_wait3A_121 : memref<80x128xf32, #tpu.memory_space<vmem_shared>>) dst(%arg12 : memref<80x128xf32, #tpu.memory_space<vmem>>)
        tpu.yield
      }) : () -> ()
      %mul3A_114 = arith.constant 80 : i32
      %mul3A_115 = arith.muli %add3A_107, %mul3A_114 : i32
      "tpu.region"() ({
        %run_scoped3A = tpu.sem_alloc : memref<!tpu.dma_semaphore, #tpu.memory_space<semaphore_mem>>
        %dma_start3A = arith.constant 0 : i32
        %dma_start3A_116 = tpu.memref_slice %arg7[%arg0, %mul3A_115, %dma_start3A] : memref<2x10000x128xf32, #tpu.memory_space<hbm>> -> memref<1x80x128xf32, #tpu.memory_space<hbm>>
        %dma_start3A_117 = tpu.memref_squeeze %dma_start3A_116 : memref<1x80x128xf32, #tpu.memory_space<hbm>> -> memref<80x128xf32, #tpu.memory_space<hbm>>
        %dma_start3A_118 = arith.constant 0 : i32
        %dma_start3A_119 = tpu.memref_slice %arg7[%arg0, %mul3A_115, %dma_start3A_118] : memref<2x10000x128xf32, #tpu.memory_space<hbm>> -> memref<1x80x128xf32, #tpu.memory_space<hbm>>
        %dma_start3A_120 = tpu.memref_squeeze %dma_start3A_119 : memref<1x80x128xf32, #tpu.memory_space<hbm>> -> memref<80x128xf32, #tpu.memory_space<hbm>>
        tpu.enqueue_dma source(%arg12 : memref<80x128xf32, #tpu.memory_space<vmem>>) target(%dma_start3A_120 : memref<80x128xf32, #tpu.memory_space<hbm>>) target_semaphore(%run_scoped3A : memref<!tpu.dma_semaphore, #tpu.memory_space<semaphore_mem>>)
        %dma_wait3A = arith.constant 0 : i32
        %dma_wait3A_121 = tpu.memref_slice %arg7[%arg0, %mul3A_115, %dma_wait3A] : memref<2x10000x128xf32, #tpu.memory_space<hbm>> -> memref<1x80x128xf32, #tpu.memory_space<hbm>>
        %dma_wait3A_122 = tpu.memref_squeeze %dma_wait3A_121 : memref<1x80x128xf32, #tpu.memory_space<hbm>> -> memref<80x128xf32, #tpu.memory_space<hbm>>
        %dma_wait3A_123 = arith.constant 0 : i32
        %dma_wait3A_124 = tpu.memref_slice %arg7[%arg0, %mul3A_115, %dma_wait3A_123] : memref<2x10000x128xf32, #tpu.memory_space<hbm>> -> memref<1x80x128xf32, #tpu.memory_space<hbm>>
        %dma_wait3A_125 = tpu.memref_squeeze %dma_wait3A_124 : memref<1x80x128xf32, #tpu.memory_space<hbm>> -> memref<80x128xf32, #tpu.memory_space<hbm>>
        tpu.wait_dma2 semaphore(%run_scoped3A : memref<!tpu.dma_semaphore, #tpu.memory_space<semaphore_mem>>) src(%arg12 : memref<80x128xf32, #tpu.memory_space<vmem>>) dst(%dma_wait3A_125 : memref<80x128xf32, #tpu.memory_space<hbm>>)
        tpu.yield
      }) : () -> ()
    } else {
    }
    return
  }
}

#map = affine_map<(d0, d1) -> (0)>
#map1 = affine_map<(d0, d1) -> (0, 0, 0)>
module attributes {stable_mosaic.version = 14 : i64} {
  func.func @_sc_dist_body(%arg0: i32, %arg1: i32, %arg2: memref<40000xf32, #tpu.memory_space<hbm>>, %arg3: memref<2x16x10000xi32, #tpu.memory_space<hbm>>, %arg4: memref<2x16x10000xi32, #tpu.memory_space<hbm>>, %arg5: memref<2x16x10000xf32, #tpu.memory_space<hbm>>, %arg6: memref<40000xf32, #tpu.memory_space<vmem>>, %arg7: memref<10000xi32, #tpu.memory_space<vmem>>, %arg8: memref<10000xi32, #tpu.memory_space<vmem>>, %arg9: memref<10000xf32, #tpu.memory_space<vmem>>, %arg10: memref<!tpu.dma_semaphore, #tpu.memory_space<semaphore_mem>>) attributes {dimension_semantics = [#tpu.dimension_semantics<core_parallel>, #tpu.dimension_semantics<subcore_parallel>], iteration_bounds = array<i64: 2, 16>, scalar_prefetch = 0 : i64, scratch_operands = 5 : i64, tpu.core_type = #tpu.core_type<sc_vector_subcore>, window_params = [{transform_indices = #map}, {transform_indices = #map1}, {transform_indices = #map1}, {transform_indices = #map1}]} {
    "tpu.region"() ({
      %run_scoped3A = tpu.sem_alloc : memref<!tpu.dma_semaphore, #tpu.memory_space<semaphore_mem>>
      tpu.enqueue_dma source(%arg2 : memref<40000xf32, #tpu.memory_space<hbm>>) target(%arg6 : memref<40000xf32, #tpu.memory_space<vmem>>) target_semaphore(%run_scoped3A : memref<!tpu.dma_semaphore, #tpu.memory_space<semaphore_mem>>)
      tpu.wait_dma2 semaphore(%run_scoped3A : memref<!tpu.dma_semaphore, #tpu.memory_space<semaphore_mem>>) src(%arg2 : memref<40000xf32, #tpu.memory_space<hbm>>) dst(%arg6 : memref<40000xf32, #tpu.memory_space<vmem>>)
      tpu.yield
    }) : () -> ()
    "tpu.region"() ({
      %run_scoped3A = tpu.sem_alloc : memref<!tpu.dma_semaphore, #tpu.memory_space<semaphore_mem>>
      %dma_start3A = arith.constant 0 : i32
      %dma_start3A_4 = tpu.memref_slice %arg3[%arg0, %arg1, %dma_start3A] : memref<2x16x10000xi32, #tpu.memory_space<hbm>> -> memref<1x1x10000xi32, #tpu.memory_space<hbm>>
      %dma_start3A_5 = tpu.memref_squeeze %dma_start3A_4 : memref<1x1x10000xi32, #tpu.memory_space<hbm>> -> memref<10000xi32, #tpu.memory_space<hbm>>
      %dma_start3A_6 = arith.constant 0 : i32
      %dma_start3A_7 = tpu.memref_slice %arg3[%arg0, %arg1, %dma_start3A_6] : memref<2x16x10000xi32, #tpu.memory_space<hbm>> -> memref<1x1x10000xi32, #tpu.memory_space<hbm>>
      %dma_start3A_8 = tpu.memref_squeeze %dma_start3A_7 : memref<1x1x10000xi32, #tpu.memory_space<hbm>> -> memref<10000xi32, #tpu.memory_space<hbm>>
      tpu.enqueue_dma source(%dma_start3A_8 : memref<10000xi32, #tpu.memory_space<hbm>>) target(%arg7 : memref<10000xi32, #tpu.memory_space<vmem>>) target_semaphore(%run_scoped3A : memref<!tpu.dma_semaphore, #tpu.memory_space<semaphore_mem>>)
      %dma_wait3A = arith.constant 0 : i32
      %dma_wait3A_9 = tpu.memref_slice %arg3[%arg0, %arg1, %dma_wait3A] : memref<2x16x10000xi32, #tpu.memory_space<hbm>> -> memref<1x1x10000xi32, #tpu.memory_space<hbm>>
      %dma_wait3A_10 = tpu.memref_squeeze %dma_wait3A_9 : memref<1x1x10000xi32, #tpu.memory_space<hbm>> -> memref<10000xi32, #tpu.memory_space<hbm>>
      %dma_wait3A_11 = arith.constant 0 : i32
      %dma_wait3A_12 = tpu.memref_slice %arg3[%arg0, %arg1, %dma_wait3A_11] : memref<2x16x10000xi32, #tpu.memory_space<hbm>> -> memref<1x1x10000xi32, #tpu.memory_space<hbm>>
      %dma_wait3A_13 = tpu.memref_squeeze %dma_wait3A_12 : memref<1x1x10000xi32, #tpu.memory_space<hbm>> -> memref<10000xi32, #tpu.memory_space<hbm>>
      tpu.wait_dma2 semaphore(%run_scoped3A : memref<!tpu.dma_semaphore, #tpu.memory_space<semaphore_mem>>) src(%dma_wait3A_13 : memref<10000xi32, #tpu.memory_space<hbm>>) dst(%arg7 : memref<10000xi32, #tpu.memory_space<vmem>>)
      tpu.yield
    }) : () -> ()
    "tpu.region"() ({
      %run_scoped3A = tpu.sem_alloc : memref<!tpu.dma_semaphore, #tpu.memory_space<semaphore_mem>>
      %dma_start3A = arith.constant 0 : i32
      %dma_start3A_4 = tpu.memref_slice %arg4[%arg0, %arg1, %dma_start3A] : memref<2x16x10000xi32, #tpu.memory_space<hbm>> -> memref<1x1x10000xi32, #tpu.memory_space<hbm>>
      %dma_start3A_5 = tpu.memref_squeeze %dma_start3A_4 : memref<1x1x10000xi32, #tpu.memory_space<hbm>> -> memref<10000xi32, #tpu.memory_space<hbm>>
      %dma_start3A_6 = arith.constant 0 : i32
      %dma_start3A_7 = tpu.memref_slice %arg4[%arg0, %arg1, %dma_start3A_6] : memref<2x16x10000xi32, #tpu.memory_space<hbm>> -> memref<1x1x10000xi32, #tpu.memory_space<hbm>>
      %dma_start3A_8 = tpu.memref_squeeze %dma_start3A_7 : memref<1x1x10000xi32, #tpu.memory_space<hbm>> -> memref<10000xi32, #tpu.memory_space<hbm>>
      tpu.enqueue_dma source(%dma_start3A_8 : memref<10000xi32, #tpu.memory_space<hbm>>) target(%arg8 : memref<10000xi32, #tpu.memory_space<vmem>>) target_semaphore(%run_scoped3A : memref<!tpu.dma_semaphore, #tpu.memory_space<semaphore_mem>>)
      %dma_wait3A = arith.constant 0 : i32
      %dma_wait3A_9 = tpu.memref_slice %arg4[%arg0, %arg1, %dma_wait3A] : memref<2x16x10000xi32, #tpu.memory_space<hbm>> -> memref<1x1x10000xi32, #tpu.memory_space<hbm>>
      %dma_wait3A_10 = tpu.memref_squeeze %dma_wait3A_9 : memref<1x1x10000xi32, #tpu.memory_space<hbm>> -> memref<10000xi32, #tpu.memory_space<hbm>>
      %dma_wait3A_11 = arith.constant 0 : i32
      %dma_wait3A_12 = tpu.memref_slice %arg4[%arg0, %arg1, %dma_wait3A_11] : memref<2x16x10000xi32, #tpu.memory_space<hbm>> -> memref<1x1x10000xi32, #tpu.memory_space<hbm>>
      %dma_wait3A_13 = tpu.memref_squeeze %dma_wait3A_12 : memref<1x1x10000xi32, #tpu.memory_space<hbm>> -> memref<10000xi32, #tpu.memory_space<hbm>>
      tpu.wait_dma2 semaphore(%run_scoped3A : memref<!tpu.dma_semaphore, #tpu.memory_space<semaphore_mem>>) src(%dma_wait3A_13 : memref<10000xi32, #tpu.memory_space<hbm>>) dst(%arg8 : memref<10000xi32, #tpu.memory_space<vmem>>)
      tpu.yield
    }) : () -> ()
    %scan3A = arith.constant 0 : i32
    %scan3A_0 = arith.constant 625 : i32
    %scan3A_1 = arith.addi %scan3A, %scan3A_0 : i32
    %scan3A_2 = arith.constant 1 : i32
    scf.for %scan3A_4 = %scan3A to %scan3A_1 step %scan3A_2  : i32 {
      %mul3A = arith.constant 16 : i32
      %mul3A_5 = arith.muli %scan3A_4, %mul3A : i32
      %get3A = arith.index_cast %mul3A_5 : i32 to index
      %get3A_6 = tpu.vector_load %arg7[%get3A] {strides = array<i32>} : memref<10000xi32, #tpu.memory_space<vmem>>, vector<16xi32>,
      %mul3A_7 = arith.constant 4 : i32
      %mul3A_8 = vector.broadcast %mul3A_7 : i32 to vector<16xi32>
      %mul3A_9 = arith.muli %get3A_6, %mul3A_8 : vector<16xi32>
      %mul3A_10 = arith.constant 16 : i32
      %mul3A_11 = arith.muli %scan3A_4, %mul3A_10 : i32
      %get3A_12 = arith.index_cast %mul3A_11 : i32 to index
      %get3A_13 = tpu.vector_load %arg8[%get3A_12] {strides = array<i32>} : memref<10000xi32, #tpu.memory_space<vmem>>, vector<16xi32>,
      %mul3A_14 = arith.constant 4 : i32
      %mul3A_15 = vector.broadcast %mul3A_14 : i32 to vector<16xi32>
      %mul3A_16 = arith.muli %get3A_13, %mul3A_15 : vector<16xi32>
      %add3A = arith.constant 0 : i32
      %add3A_17 = vector.broadcast %add3A : i32 to vector<16xi32>
      %add3A_18 = arith.addi %mul3A_9, %add3A_17 : vector<16xi32>
      %gather3A = tpu.vector_load_idx %arg6[%add3A_18] : memref<40000xf32, #tpu.memory_space<vmem>>[vector<16xi32>], vector<16xf32>,
      %add3A_19 = arith.constant 0 : i32
      %add3A_20 = vector.broadcast %add3A_19 : i32 to vector<16xi32>
      %add3A_21 = arith.addi %mul3A_16, %add3A_20 : vector<16xi32>
      %gather3A_22 = tpu.vector_load_idx %arg6[%add3A_21] : memref<40000xf32, #tpu.memory_space<vmem>>[vector<16xi32>], vector<16xf32>,
      %sub3A = arith.subf %gather3A, %gather3A_22 : vector<16xf32>
      %add3A_23 = arith.constant 1 : i32
      %add3A_24 = vector.broadcast %add3A_23 : i32 to vector<16xi32>
      %add3A_25 = arith.addi %mul3A_9, %add3A_24 : vector<16xi32>
      %gather3A_26 = tpu.vector_load_idx %arg6[%add3A_25] : memref<40000xf32, #tpu.memory_space<vmem>>[vector<16xi32>], vector<16xf32>,
      %add3A_27 = arith.constant 1 : i32
      %add3A_28 = vector.broadcast %add3A_27 : i32 to vector<16xi32>
      %add3A_29 = arith.addi %mul3A_16, %add3A_28 : vector<16xi32>
      %gather3A_30 = tpu.vector_load_idx %arg6[%add3A_29] : memref<40000xf32, #tpu.memory_space<vmem>>[vector<16xi32>], vector<16xf32>,
      %sub3A_31 = arith.subf %gather3A_26, %gather3A_30 : vector<16xf32>
      %add3A_32 = arith.constant 2 : i32
      %add3A_33 = vector.broadcast %add3A_32 : i32 to vector<16xi32>
      %add3A_34 = arith.addi %mul3A_9, %add3A_33 : vector<16xi32>
      %gather3A_35 = tpu.vector_load_idx %arg6[%add3A_34] : memref<40000xf32, #tpu.memory_space<vmem>>[vector<16xi32>], vector<16xf32>,
      %add3A_36 = arith.constant 2 : i32
      %add3A_37 = vector.broadcast %add3A_36 : i32 to vector<16xi32>
      %add3A_38 = arith.addi %mul3A_16, %add3A_37 : vector<16xi32>
      %gather3A_39 = tpu.vector_load_idx %arg6[%add3A_38] : memref<40000xf32, #tpu.memory_space<vmem>>[vector<16xi32>], vector<16xf32>,
      %sub3A_40 = arith.subf %gather3A_35, %gather3A_39 : vector<16xf32>
      %mul3A_41 = arith.mulf %sub3A, %sub3A : vector<16xf32>
      %mul3A_42 = arith.mulf %sub3A_31, %sub3A_31 : vector<16xf32>
      %add3A_43 = arith.addf %mul3A_41, %mul3A_42 : vector<16xf32>
      %mul3A_44 = arith.mulf %sub3A_40, %sub3A_40 : vector<16xf32>
      %add3A_45 = arith.addf %add3A_43, %mul3A_44 : vector<16xf32>
      %max3A = arith.constant 1.000000e-24 : f32
      %max3A_46 = vector.broadcast %max3A : f32 to vector<16xf32>
      %max3A_47 = arith.maximumf %add3A_45, %max3A_46 : vector<16xf32>
      %bitcast3A = vector.bitcast %max3A_47 : vector<16xf32> to vector<16xi32>
      %shift_right_arithmetic3A = arith.constant 1 : i32
      %shift_right_arithmetic3A_48 = vector.broadcast %shift_right_arithmetic3A : i32 to vector<16xi32>
      %shift_right_arithmetic3A_49 = arith.shrsi %bitcast3A, %shift_right_arithmetic3A_48 : vector<16xi32>
      %sub3A_50 = arith.constant 1597463007 : i32
      %sub3A_51 = vector.broadcast %sub3A_50 : i32 to vector<16xi32>
      %sub3A_52 = arith.subi %sub3A_51, %shift_right_arithmetic3A_49 : vector<16xi32>
      %bitcast3A_53 = vector.bitcast %sub3A_52 : vector<16xi32> to vector<16xf32>
      %mul3A_54 = arith.constant 5.000000e-01 : f32
      %mul3A_55 = vector.broadcast %mul3A_54 : f32 to vector<16xf32>
      %mul3A_56 = arith.mulf %mul3A_55, %max3A_47 : vector<16xf32>
      %mul3A_57 = arith.mulf %mul3A_56, %bitcast3A_53 : vector<16xf32>
      %mul3A_58 = arith.mulf %mul3A_57, %bitcast3A_53 : vector<16xf32>
      %sub3A_59 = arith.constant 1.500000e+00 : f32
      %sub3A_60 = vector.broadcast %sub3A_59 : f32 to vector<16xf32>
      %sub3A_61 = arith.subf %sub3A_60, %mul3A_58 : vector<16xf32>
      %mul3A_62 = arith.mulf %bitcast3A_53, %sub3A_61 : vector<16xf32>
      %mul3A_63 = arith.constant 5.000000e-01 : f32
      %mul3A_64 = vector.broadcast %mul3A_63 : f32 to vector<16xf32>
      %mul3A_65 = arith.mulf %mul3A_64, %max3A_47 : vector<16xf32>
      %mul3A_66 = arith.mulf %mul3A_65, %mul3A_62 : vector<16xf32>
      %mul3A_67 = arith.mulf %mul3A_66, %mul3A_62 : vector<16xf32>
      %sub3A_68 = arith.constant 1.500000e+00 : f32
      %sub3A_69 = vector.broadcast %sub3A_68 : f32 to vector<16xf32>
      %sub3A_70 = arith.subf %sub3A_69, %mul3A_67 : vector<16xf32>
      %mul3A_71 = arith.mulf %mul3A_62, %sub3A_70 : vector<16xf32>
      %mul3A_72 = arith.constant 5.000000e-01 : f32
      %mul3A_73 = vector.broadcast %mul3A_72 : f32 to vector<16xf32>
      %mul3A_74 = arith.mulf %mul3A_73, %max3A_47 : vector<16xf32>
      %mul3A_75 = arith.mulf %mul3A_74, %mul3A_71 : vector<16xf32>
      %mul3A_76 = arith.mulf %mul3A_75, %mul3A_71 : vector<16xf32>
      %sub3A_77 = arith.constant 1.500000e+00 : f32
      %sub3A_78 = vector.broadcast %sub3A_77 : f32 to vector<16xf32>
      %sub3A_79 = arith.subf %sub3A_78, %mul3A_76 : vector<16xf32>
      %mul3A_80 = arith.mulf %mul3A_71, %sub3A_79 : vector<16xf32>
      %mul3A_81 = arith.mulf %max3A_47, %mul3A_80 : vector<16xf32>
      %mul3A_82 = arith.constant 16 : i32
      %mul3A_83 = arith.muli %scan3A_4, %mul3A_82 : i32
      %swap3A = arith.index_cast %mul3A_83 : i32 to index
      %swap3A_84 = tpu.vector_load %arg9[%swap3A] {strides = array<i32>} : memref<10000xf32, #tpu.memory_space<vmem>>, vector<16xf32>,
      tpu.vector_store %arg9[%swap3A], %mul3A_81 {strides = array<i32>} : memref<10000xf32, #tpu.memory_space<vmem>>, vector<16xf32>,
    }
    %scan3A_3 = arith.constant 625 : i32
    "tpu.region"() ({
      %run_scoped3A = tpu.sem_alloc : memref<!tpu.dma_semaphore, #tpu.memory_space<semaphore_mem>>
      %dma_start3A = arith.constant 0 : i32
      %dma_start3A_4 = tpu.memref_slice %arg5[%arg0, %arg1, %dma_start3A] : memref<2x16x10000xf32, #tpu.memory_space<hbm>> -> memref<1x1x10000xf32, #tpu.memory_space<hbm>>
      %dma_start3A_5 = tpu.memref_squeeze %dma_start3A_4 : memref<1x1x10000xf32, #tpu.memory_space<hbm>> -> memref<10000xf32, #tpu.memory_space<hbm>>
      %dma_start3A_6 = arith.constant 0 : i32
      %dma_start3A_7 = tpu.memref_slice %arg5[%arg0, %arg1, %dma_start3A_6] : memref<2x16x10000xf32, #tpu.memory_space<hbm>> -> memref<1x1x10000xf32, #tpu.memory_space<hbm>>
      %dma_start3A_8 = tpu.memref_squeeze %dma_start3A_7 : memref<1x1x10000xf32, #tpu.memory_space<hbm>> -> memref<10000xf32, #tpu.memory_space<hbm>>
      tpu.enqueue_dma source(%arg9 : memref<10000xf32, #tpu.memory_space<vmem>>) target(%dma_start3A_8 : memref<10000xf32, #tpu.memory_space<hbm>>) target_semaphore(%run_scoped3A : memref<!tpu.dma_semaphore, #tpu.memory_space<semaphore_mem>>)
      %dma_wait3A = arith.constant 0 : i32
      %dma_wait3A_9 = tpu.memref_slice %arg5[%arg0, %arg1, %dma_wait3A] : memref<2x16x10000xf32, #tpu.memory_space<hbm>> -> memref<1x1x10000xf32, #tpu.memory_space<hbm>>
      %dma_wait3A_10 = tpu.memref_squeeze %dma_wait3A_9 : memref<1x1x10000xf32, #tpu.memory_space<hbm>> -> memref<10000xf32, #tpu.memory_space<hbm>>
      %dma_wait3A_11 = arith.constant 0 : i32
      %dma_wait3A_12 = tpu.memref_slice %arg5[%arg0, %arg1, %dma_wait3A_11] : memref<2x16x10000xf32, #tpu.memory_space<hbm>> -> memref<1x1x10000xf32, #tpu.memory_space<hbm>>
      %dma_wait3A_13 = tpu.memref_squeeze %dma_wait3A_12 : memref<1x1x10000xf32, #tpu.memory_space<hbm>> -> memref<10000xf32, #tpu.memory_space<hbm>>
      tpu.wait_dma2 semaphore(%run_scoped3A : memref<!tpu.dma_semaphore, #tpu.memory_space<semaphore_mem>>) src(%arg9 : memref<10000xf32, #tpu.memory_space<vmem>>) dst(%dma_wait3A_13 : memref<10000xf32, #tpu.memory_space<hbm>>)
      tpu.yield
    }) : () -> ()
    return
  }
}

#map = affine_map<(d0, d1) -> (0, 0)>
#map1 = affine_map<(d0, d1) -> (0, 0, 0, 0, 0)>
#map2 = affine_map<(d0, d1) -> (0, 0, 0, 0)>
#map3 = affine_map<(d0, d1) -> (0, 0, 0)>
module attributes {stable_mosaic.version = 14 : i64} {
  func.func @_sc_body(%arg0: i32, %arg1: i32, %arg2: memref<20000x128xf32, #tpu.memory_space<hbm>>, %arg3: memref<2x16x5x25x80xi32, #tpu.memory_space<hbm>>, %arg4: memref<16x5x25x80xi32, #tpu.memory_space<hbm>>, %arg5: memref<2x160000x128xf32, #tpu.memory_space<hbm>>, %arg6: memref<80x128xf32, #tpu.memory_space<hbm>>, %arg7: memref<2x10000x128xf32, #tpu.memory_space<hbm>>, %arg8: memref<25x80xi32, #tpu.memory_space<vmem>>, %arg9: memref<25x80xi32, #tpu.memory_space<vmem>>, %arg10: memref<80x128xf32, #tpu.memory_space<vmem>>, %arg11: memref<80x128xf32, #tpu.memory_space<vmem>>, %arg12: memref<80x128xf32, #tpu.memory_space<vmem>>, %arg13: memref<80x128xf32, #tpu.memory_space<vmem>>, %arg14: memref<10000x128xf32, #tpu.memory_space<vmem_shared>>, %arg15: memref<!tpu.dma_semaphore, #tpu.memory_space<semaphore_mem>>, %arg16: memref<!tpu.dma_semaphore, #tpu.memory_space<semaphore_mem>>, %arg17: memref<!tpu.dma_semaphore, #tpu.memory_space<semaphore_mem>>, %arg18: memref<!tpu.dma_semaphore, #tpu.memory_space<semaphore_mem>>) attributes {dimension_semantics = [#tpu.dimension_semantics<core_parallel>, #tpu.dimension_semantics<subcore_parallel>], iteration_bounds = array<i64: 2, 16>, scalar_prefetch = 0 : i64, scratch_operands = 11 : i64, tpu.core_type = #tpu.core_type<sc_vector_subcore>, window_params = [{transform_indices = #map}, {transform_indices = #map1}, {transform_indices = #map2}, {transform_indices = #map3}, {transform_indices = #map}, {transform_indices = #map3}]} {
    %add3A = arith.constant 0 : i32
    %add3A_0 = arith.addi %arg1, %add3A : i32
    %lt3A = arith.constant 125 : i32
    %lt3A_1 = arith.cmpi slt, %add3A_0, %lt3A : i32
    %convert_element_type3A = arith.extui %lt3A_1 : i1 to i32
    %cond3A = arith.constant 0 : i32
    %cond3A_2 = arith.cmpi ne, %convert_element_type3A, %cond3A : i32
    scf.if %cond3A_2 {
      %mul3A = arith.constant 80 : i32
      %mul3A_113 = arith.muli %add3A_0, %mul3A : i32
      "tpu.region"() ({
        %run_scoped3A = tpu.sem_alloc : memref<!tpu.dma_semaphore, #tpu.memory_space<semaphore_mem>>
        %dma_start3A = arith.constant 0 : i32
        %dma_start3A_114 = tpu.memref_slice %arg14[%mul3A_113, %dma_start3A] : memref<10000x128xf32, #tpu.memory_space<vmem_shared>> -> memref<80x128xf32, #tpu.memory_space<vmem_shared>>
        tpu.enqueue_dma source(%arg6 : memref<80x128xf32, #tpu.memory_space<hbm>>) target(%dma_start3A_114 : memref<80x128xf32, #tpu.memory_space<vmem_shared>>) target_semaphore(%run_scoped3A : memref<!tpu.dma_semaphore, #tpu.memory_space<semaphore_mem>>)
        %dma_wait3A = arith.constant 0 : i32
        %dma_wait3A_115 = tpu.memref_slice %arg14[%mul3A_113, %dma_wait3A] : memref<10000x128xf32, #tpu.memory_space<vmem_shared>> -> memref<80x128xf32, #tpu.memory_space<vmem_shared>>
        tpu.wait_dma2 semaphore(%run_scoped3A : memref<!tpu.dma_semaphore, #tpu.memory_space<semaphore_mem>>) src(%arg6 : memref<80x128xf32, #tpu.memory_space<hbm>>) dst(%dma_wait3A_115 : memref<80x128xf32, #tpu.memory_space<vmem_shared>>)
        tpu.yield
      }) : () -> ()
    } else {
    }
    %add3A_3 = arith.constant 16 : i32
    %add3A_4 = arith.addi %arg1, %add3A_3 : i32
    %lt3A_5 = arith.constant 125 : i32
    %lt3A_6 = arith.cmpi slt, %add3A_4, %lt3A_5 : i32
    %convert_element_type3A_7 = arith.extui %lt3A_6 : i1 to i32
    %cond3A_8 = arith.constant 0 : i32
    %cond3A_9 = arith.cmpi ne, %convert_element_type3A_7, %cond3A_8 : i32
    scf.if %cond3A_9 {
      %mul3A = arith.constant 80 : i32
      %mul3A_113 = arith.muli %add3A_4, %mul3A : i32
      "tpu.region"() ({
        %run_scoped3A = tpu.sem_alloc : memref<!tpu.dma_semaphore, #tpu.memory_space<semaphore_mem>>
        %dma_start3A = arith.constant 0 : i32
        %dma_start3A_114 = tpu.memref_slice %arg14[%mul3A_113, %dma_start3A] : memref<10000x128xf32, #tpu.memory_space<vmem_shared>> -> memref<80x128xf32, #tpu.memory_space<vmem_shared>>
        tpu.enqueue_dma source(%arg6 : memref<80x128xf32, #tpu.memory_space<hbm>>) target(%dma_start3A_114 : memref<80x128xf32, #tpu.memory_space<vmem_shared>>) target_semaphore(%run_scoped3A : memref<!tpu.dma_semaphore, #tpu.memory_space<semaphore_mem>>)
        %dma_wait3A = arith.constant 0 : i32
        %dma_wait3A_115 = tpu.memref_slice %arg14[%mul3A_113, %dma_wait3A] : memref<10000x128xf32, #tpu.memory_space<vmem_shared>> -> memref<80x128xf32, #tpu.memory_space<vmem_shared>>
        tpu.wait_dma2 semaphore(%run_scoped3A : memref<!tpu.dma_semaphore, #tpu.memory_space<semaphore_mem>>) src(%arg6 : memref<80x128xf32, #tpu.memory_space<hbm>>) dst(%dma_wait3A_115 : memref<80x128xf32, #tpu.memory_space<vmem_shared>>)
        tpu.yield
      }) : () -> ()
    } else {
    }
    %add3A_10 = arith.constant 32 : i32
    %add3A_11 = arith.addi %arg1, %add3A_10 : i32
    %lt3A_12 = arith.constant 125 : i32
    %lt3A_13 = arith.cmpi slt, %add3A_11, %lt3A_12 : i32
    %convert_element_type3A_14 = arith.extui %lt3A_13 : i1 to i32
    %cond3A_15 = arith.constant 0 : i32
    %cond3A_16 = arith.cmpi ne, %convert_element_type3A_14, %cond3A_15 : i32
    scf.if %cond3A_16 {
      %mul3A = arith.constant 80 : i32
      %mul3A_113 = arith.muli %add3A_11, %mul3A : i32
      "tpu.region"() ({
        %run_scoped3A = tpu.sem_alloc : memref<!tpu.dma_semaphore, #tpu.memory_space<semaphore_mem>>
        %dma_start3A = arith.constant 0 : i32
        %dma_start3A_114 = tpu.memref_slice %arg14[%mul3A_113, %dma_start3A] : memref<10000x128xf32, #tpu.memory_space<vmem_shared>> -> memref<80x128xf32, #tpu.memory_space<vmem_shared>>
        tpu.enqueue_dma source(%arg6 : memref<80x128xf32, #tpu.memory_space<hbm>>) target(%dma_start3A_114 : memref<80x128xf32, #tpu.memory_space<vmem_shared>>) target_semaphore(%run_scoped3A : memref<!tpu.dma_semaphore, #tpu.memory_space<semaphore_mem>>)
        %dma_wait3A = arith.constant 0 : i32
        %dma_wait3A_115 = tpu.memref_slice %arg14[%mul3A_113, %dma_wait3A] : memref<10000x128xf32, #tpu.memory_space<vmem_shared>> -> memref<80x128xf32, #tpu.memory_space<vmem_shared>>
        tpu.wait_dma2 semaphore(%run_scoped3A : memref<!tpu.dma_semaphore, #tpu.memory_space<semaphore_mem>>) src(%arg6 : memref<80x128xf32, #tpu.memory_space<hbm>>) dst(%dma_wait3A_115 : memref<80x128xf32, #tpu.memory_space<vmem_shared>>)
        tpu.yield
      }) : () -> ()
    } else {
    }
    %add3A_17 = arith.constant 48 : i32
    %add3A_18 = arith.addi %arg1, %add3A_17 : i32
    %lt3A_19 = arith.constant 125 : i32
    %lt3A_20 = arith.cmpi slt, %add3A_18, %lt3A_19 : i32
    %convert_element_type3A_21 = arith.extui %lt3A_20 : i1 to i32
    %cond3A_22 = arith.constant 0 : i32
    %cond3A_23 = arith.cmpi ne, %convert_element_type3A_21, %cond3A_22 : i32
    scf.if %cond3A_23 {
      %mul3A = arith.constant 80 : i32
      %mul3A_113 = arith.muli %add3A_18, %mul3A : i32
      "tpu.region"() ({
        %run_scoped3A = tpu.sem_alloc : memref<!tpu.dma_semaphore, #tpu.memory_space<semaphore_mem>>
        %dma_start3A = arith.constant 0 : i32
        %dma_start3A_114 = tpu.memref_slice %arg14[%mul3A_113, %dma_start3A] : memref<10000x128xf32, #tpu.memory_space<vmem_shared>> -> memref<80x128xf32, #tpu.memory_space<vmem_shared>>
        tpu.enqueue_dma source(%arg6 : memref<80x128xf32, #tpu.memory_space<hbm>>) target(%dma_start3A_114 : memref<80x128xf32, #tpu.memory_space<vmem_shared>>) target_semaphore(%run_scoped3A : memref<!tpu.dma_semaphore, #tpu.memory_space<semaphore_mem>>)
        %dma_wait3A = arith.constant 0 : i32
        %dma_wait3A_115 = tpu.memref_slice %arg14[%mul3A_113, %dma_wait3A] : memref<10000x128xf32, #tpu.memory_space<vmem_shared>> -> memref<80x128xf32, #tpu.memory_space<vmem_shared>>
        tpu.wait_dma2 semaphore(%run_scoped3A : memref<!tpu.dma_semaphore, #tpu.memory_space<semaphore_mem>>) src(%arg6 : memref<80x128xf32, #tpu.memory_space<hbm>>) dst(%dma_wait3A_115 : memref<80x128xf32, #tpu.memory_space<vmem_shared>>)
        tpu.yield
      }) : () -> ()
    } else {
    }
    %add3A_24 = arith.constant 64 : i32
    %add3A_25 = arith.addi %arg1, %add3A_24 : i32
    %lt3A_26 = arith.constant 125 : i32
    %lt3A_27 = arith.cmpi slt, %add3A_25, %lt3A_26 : i32
    %convert_element_type3A_28 = arith.extui %lt3A_27 : i1 to i32
    %cond3A_29 = arith.constant 0 : i32
    %cond3A_30 = arith.cmpi ne, %convert_element_type3A_28, %cond3A_29 : i32
    scf.if %cond3A_30 {
      %mul3A = arith.constant 80 : i32
      %mul3A_113 = arith.muli %add3A_25, %mul3A : i32
      "tpu.region"() ({
        %run_scoped3A = tpu.sem_alloc : memref<!tpu.dma_semaphore, #tpu.memory_space<semaphore_mem>>
        %dma_start3A = arith.constant 0 : i32
        %dma_start3A_114 = tpu.memref_slice %arg14[%mul3A_113, %dma_start3A] : memref<10000x128xf32, #tpu.memory_space<vmem_shared>> -> memref<80x128xf32, #tpu.memory_space<vmem_shared>>
        tpu.enqueue_dma source(%arg6 : memref<80x128xf32, #tpu.memory_space<hbm>>) target(%dma_start3A_114 : memref<80x128xf32, #tpu.memory_space<vmem_shared>>) target_semaphore(%run_scoped3A : memref<!tpu.dma_semaphore, #tpu.memory_space<semaphore_mem>>)
        %dma_wait3A = arith.constant 0 : i32
        %dma_wait3A_115 = tpu.memref_slice %arg14[%mul3A_113, %dma_wait3A] : memref<10000x128xf32, #tpu.memory_space<vmem_shared>> -> memref<80x128xf32, #tpu.memory_space<vmem_shared>>
        tpu.wait_dma2 semaphore(%run_scoped3A : memref<!tpu.dma_semaphore, #tpu.memory_space<semaphore_mem>>) src(%arg6 : memref<80x128xf32, #tpu.memory_space<hbm>>) dst(%dma_wait3A_115 : memref<80x128xf32, #tpu.memory_space<vmem_shared>>)
        tpu.yield
      }) : () -> ()
    } else {
    }
    %add3A_31 = arith.constant 80 : i32
    %add3A_32 = arith.addi %arg1, %add3A_31 : i32
    %lt3A_33 = arith.constant 125 : i32
    %lt3A_34 = arith.cmpi slt, %add3A_32, %lt3A_33 : i32
    %convert_element_type3A_35 = arith.extui %lt3A_34 : i1 to i32
    %cond3A_36 = arith.constant 0 : i32
    %cond3A_37 = arith.cmpi ne, %convert_element_type3A_35, %cond3A_36 : i32
    scf.if %cond3A_37 {
      %mul3A = arith.constant 80 : i32
      %mul3A_113 = arith.muli %add3A_32, %mul3A : i32
      "tpu.region"() ({
        %run_scoped3A = tpu.sem_alloc : memref<!tpu.dma_semaphore, #tpu.memory_space<semaphore_mem>>
        %dma_start3A = arith.constant 0 : i32
        %dma_start3A_114 = tpu.memref_slice %arg14[%mul3A_113, %dma_start3A] : memref<10000x128xf32, #tpu.memory_space<vmem_shared>> -> memref<80x128xf32, #tpu.memory_space<vmem_shared>>
        tpu.enqueue_dma source(%arg6 : memref<80x128xf32, #tpu.memory_space<hbm>>) target(%dma_start3A_114 : memref<80x128xf32, #tpu.memory_space<vmem_shared>>) target_semaphore(%run_scoped3A : memref<!tpu.dma_semaphore, #tpu.memory_space<semaphore_mem>>)
        %dma_wait3A = arith.constant 0 : i32
        %dma_wait3A_115 = tpu.memref_slice %arg14[%mul3A_113, %dma_wait3A] : memref<10000x128xf32, #tpu.memory_space<vmem_shared>> -> memref<80x128xf32, #tpu.memory_space<vmem_shared>>
        tpu.wait_dma2 semaphore(%run_scoped3A : memref<!tpu.dma_semaphore, #tpu.memory_space<semaphore_mem>>) src(%arg6 : memref<80x128xf32, #tpu.memory_space<hbm>>) dst(%dma_wait3A_115 : memref<80x128xf32, #tpu.memory_space<vmem_shared>>)
        tpu.yield
      }) : () -> ()
    } else {
    }
    %add3A_38 = arith.constant 96 : i32
    %add3A_39 = arith.addi %arg1, %add3A_38 : i32
    %lt3A_40 = arith.constant 125 : i32
    %lt3A_41 = arith.cmpi slt, %add3A_39, %lt3A_40 : i32
    %convert_element_type3A_42 = arith.extui %lt3A_41 : i1 to i32
    %cond3A_43 = arith.constant 0 : i32
    %cond3A_44 = arith.cmpi ne, %convert_element_type3A_42, %cond3A_43 : i32
    scf.if %cond3A_44 {
      %mul3A = arith.constant 80 : i32
      %mul3A_113 = arith.muli %add3A_39, %mul3A : i32
      "tpu.region"() ({
        %run_scoped3A = tpu.sem_alloc : memref<!tpu.dma_semaphore, #tpu.memory_space<semaphore_mem>>
        %dma_start3A = arith.constant 0 : i32
        %dma_start3A_114 = tpu.memref_slice %arg14[%mul3A_113, %dma_start3A] : memref<10000x128xf32, #tpu.memory_space<vmem_shared>> -> memref<80x128xf32, #tpu.memory_space<vmem_shared>>
        tpu.enqueue_dma source(%arg6 : memref<80x128xf32, #tpu.memory_space<hbm>>) target(%dma_start3A_114 : memref<80x128xf32, #tpu.memory_space<vmem_shared>>) target_semaphore(%run_scoped3A : memref<!tpu.dma_semaphore, #tpu.memory_space<semaphore_mem>>)
        %dma_wait3A = arith.constant 0 : i32
        %dma_wait3A_115 = tpu.memref_slice %arg14[%mul3A_113, %dma_wait3A] : memref<10000x128xf32, #tpu.memory_space<vmem_shared>> -> memref<80x128xf32, #tpu.memory_space<vmem_shared>>
        tpu.wait_dma2 semaphore(%run_scoped3A : memref<!tpu.dma_semaphore, #tpu.memory_space<semaphore_mem>>) src(%arg6 : memref<80x128xf32, #tpu.memory_space<hbm>>) dst(%dma_wait3A_115 : memref<80x128xf32, #tpu.memory_space<vmem_shared>>)
        tpu.yield
      }) : () -> ()
    } else {
    }
    %add3A_45 = arith.constant 112 : i32
    %add3A_46 = arith.addi %arg1, %add3A_45 : i32
    %lt3A_47 = arith.constant 125 : i32
    %lt3A_48 = arith.cmpi slt, %add3A_46, %lt3A_47 : i32
    %convert_element_type3A_49 = arith.extui %lt3A_48 : i1 to i32
    %cond3A_50 = arith.constant 0 : i32
    %cond3A_51 = arith.cmpi ne, %convert_element_type3A_49, %cond3A_50 : i32
    scf.if %cond3A_51 {
      %mul3A = arith.constant 80 : i32
      %mul3A_113 = arith.muli %add3A_46, %mul3A : i32
      "tpu.region"() ({
        %run_scoped3A = tpu.sem_alloc : memref<!tpu.dma_semaphore, #tpu.memory_space<semaphore_mem>>
        %dma_start3A = arith.constant 0 : i32
        %dma_start3A_114 = tpu.memref_slice %arg14[%mul3A_113, %dma_start3A] : memref<10000x128xf32, #tpu.memory_space<vmem_shared>> -> memref<80x128xf32, #tpu.memory_space<vmem_shared>>
        tpu.enqueue_dma source(%arg6 : memref<80x128xf32, #tpu.memory_space<hbm>>) target(%dma_start3A_114 : memref<80x128xf32, #tpu.memory_space<vmem_shared>>) target_semaphore(%run_scoped3A : memref<!tpu.dma_semaphore, #tpu.memory_space<semaphore_mem>>)
        %dma_wait3A = arith.constant 0 : i32
        %dma_wait3A_115 = tpu.memref_slice %arg14[%mul3A_113, %dma_wait3A] : memref<10000x128xf32, #tpu.memory_space<vmem_shared>> -> memref<80x128xf32, #tpu.memory_space<vmem_shared>>
        tpu.wait_dma2 semaphore(%run_scoped3A : memref<!tpu.dma_semaphore, #tpu.memory_space<semaphore_mem>>) src(%arg6 : memref<80x128xf32, #tpu.memory_space<hbm>>) dst(%dma_wait3A_115 : memref<80x128xf32, #tpu.memory_space<vmem_shared>>)
        tpu.yield
      }) : () -> ()
    } else {
    }
    %barrier3A = arith.constant 0 : index
    tpu.barrier barrier_id(%barrier3A)
    %scan3A = arith.constant 0 : i32
    %scan3A_52 = arith.constant 5 : i32
    %scan3A_53 = arith.addi %scan3A, %scan3A_52 : i32
    %scan3A_54 = arith.constant 1 : i32
    scf.for %scan3A_113 = %scan3A to %scan3A_53 step %scan3A_54  : i32 {
      "tpu.region"() ({
        %run_scoped3A_171 = tpu.sem_alloc : memref<!tpu.dma_semaphore, #tpu.memory_space<semaphore_mem>>
        %dma_start3A_172 = arith.constant 0 : i32
        %dma_start3A_173 = arith.constant 0 : i32
        %dma_start3A_174 = tpu.memref_slice %arg3[%arg0, %arg1, %scan3A_113, %dma_start3A_172, %dma_start3A_173] : memref<2x16x5x25x80xi32, #tpu.memory_space<hbm>> -> memref<1x1x1x25x80xi32, #tpu.memory_space<hbm>>
        %dma_start3A_175 = tpu.memref_squeeze %dma_start3A_174 : memref<1x1x1x25x80xi32, #tpu.memory_space<hbm>> -> memref<25x80xi32, #tpu.memory_space<hbm>>
        %dma_start3A_176 = arith.constant 0 : i32
        %dma_start3A_177 = arith.constant 0 : i32
        %dma_start3A_178 = tpu.memref_slice %arg3[%arg0, %arg1, %scan3A_113, %dma_start3A_176, %dma_start3A_177] : memref<2x16x5x25x80xi32, #tpu.memory_space<hbm>> -> memref<1x1x1x25x80xi32, #tpu.memory_space<hbm>>
        %dma_start3A_179 = tpu.memref_squeeze %dma_start3A_178 : memref<1x1x1x25x80xi32, #tpu.memory_space<hbm>> -> memref<25x80xi32, #tpu.memory_space<hbm>>
        tpu.enqueue_dma source(%dma_start3A_179 : memref<25x80xi32, #tpu.memory_space<hbm>>) target(%arg8 : memref<25x80xi32, #tpu.memory_space<vmem>>) target_semaphore(%run_scoped3A_171 : memref<!tpu.dma_semaphore, #tpu.memory_space<semaphore_mem>>)
        %dma_wait3A_180 = arith.constant 0 : i32
        %dma_wait3A_181 = arith.constant 0 : i32
        %dma_wait3A_182 = tpu.memref_slice %arg3[%arg0, %arg1, %scan3A_113, %dma_wait3A_180, %dma_wait3A_181] : memref<2x16x5x25x80xi32, #tpu.memory_space<hbm>> -> memref<1x1x1x25x80xi32, #tpu.memory_space<hbm>>
        %dma_wait3A_183 = tpu.memref_squeeze %dma_wait3A_182 : memref<1x1x1x25x80xi32, #tpu.memory_space<hbm>> -> memref<25x80xi32, #tpu.memory_space<hbm>>
        %dma_wait3A_184 = arith.constant 0 : i32
        %dma_wait3A_185 = arith.constant 0 : i32
        %dma_wait3A_186 = tpu.memref_slice %arg3[%arg0, %arg1, %scan3A_113, %dma_wait3A_184, %dma_wait3A_185] : memref<2x16x5x25x80xi32, #tpu.memory_space<hbm>> -> memref<1x1x1x25x80xi32, #tpu.memory_space<hbm>>
        %dma_wait3A_187 = tpu.memref_squeeze %dma_wait3A_186 : memref<1x1x1x25x80xi32, #tpu.memory_space<hbm>> -> memref<25x80xi32, #tpu.memory_space<hbm>>
        tpu.wait_dma2 semaphore(%run_scoped3A_171 : memref<!tpu.dma_semaphore, #tpu.memory_space<semaphore_mem>>) src(%dma_wait3A_187 : memref<25x80xi32, #tpu.memory_space<hbm>>) dst(%arg8 : memref<25x80xi32, #tpu.memory_space<vmem>>)
        tpu.yield
      }) : () -> ()
      "tpu.region"() ({
        %run_scoped3A_171 = tpu.sem_alloc : memref<!tpu.dma_semaphore, #tpu.memory_space<semaphore_mem>>
        %dma_start3A_172 = arith.constant 0 : i32
        %dma_start3A_173 = arith.constant 0 : i32
        %dma_start3A_174 = tpu.memref_slice %arg4[%arg1, %scan3A_113, %dma_start3A_172, %dma_start3A_173] : memref<16x5x25x80xi32, #tpu.memory_space<hbm>> -> memref<1x1x25x80xi32, #tpu.memory_space<hbm>>
        %dma_start3A_175 = tpu.memref_squeeze %dma_start3A_174 : memref<1x1x25x80xi32, #tpu.memory_space<hbm>> -> memref<25x80xi32, #tpu.memory_space<hbm>>
        %dma_start3A_176 = arith.constant 0 : i32
        %dma_start3A_177 = arith.constant 0 : i32
        %dma_start3A_178 = tpu.memref_slice %arg4[%arg1, %scan3A_113, %dma_start3A_176, %dma_start3A_177] : memref<16x5x25x80xi32, #tpu.memory_space<hbm>> -> memref<1x1x25x80xi32, #tpu.memory_space<hbm>>
        %dma_start3A_179 = tpu.memref_squeeze %dma_start3A_178 : memref<1x1x25x80xi32, #tpu.memory_space<hbm>> -> memref<25x80xi32, #tpu.memory_space<hbm>>
        tpu.enqueue_dma source(%dma_start3A_179 : memref<25x80xi32, #tpu.memory_space<hbm>>) target(%arg9 : memref<25x80xi32, #tpu.memory_space<vmem>>) target_semaphore(%run_scoped3A_171 : memref<!tpu.dma_semaphore, #tpu.memory_space<semaphore_mem>>)
        %dma_wait3A_180 = arith.constant 0 : i32
        %dma_wait3A_181 = arith.constant 0 : i32
        %dma_wait3A_182 = tpu.memref_slice %arg4[%arg1, %scan3A_113, %dma_wait3A_180, %dma_wait3A_181] : memref<16x5x25x80xi32, #tpu.memory_space<hbm>> -> memref<1x1x25x80xi32, #tpu.memory_space<hbm>>
        %dma_wait3A_183 = tpu.memref_squeeze %dma_wait3A_182 : memref<1x1x25x80xi32, #tpu.memory_space<hbm>> -> memref<25x80xi32, #tpu.memory_space<hbm>>
        %dma_wait3A_184 = arith.constant 0 : i32
        %dma_wait3A_185 = arith.constant 0 : i32
        %dma_wait3A_186 = tpu.memref_slice %arg4[%arg1, %scan3A_113, %dma_wait3A_184, %dma_wait3A_185] : memref<16x5x25x80xi32, #tpu.memory_space<hbm>> -> memref<1x1x25x80xi32, #tpu.memory_space<hbm>>
        %dma_wait3A_187 = tpu.memref_squeeze %dma_wait3A_186 : memref<1x1x25x80xi32, #tpu.memory_space<hbm>> -> memref<25x80xi32, #tpu.memory_space<hbm>>
        tpu.wait_dma2 semaphore(%run_scoped3A_171 : memref<!tpu.dma_semaphore, #tpu.memory_space<semaphore_mem>>) src(%dma_wait3A_187 : memref<25x80xi32, #tpu.memory_space<hbm>>) dst(%arg9 : memref<25x80xi32, #tpu.memory_space<vmem>>)
        tpu.yield
      }) : () -> ()
      %mul3A = arith.constant 10000 : i32
      %mul3A_114 = arith.muli %arg1, %mul3A : i32
      %mul3A_115 = arith.constant 2000 : i32
      %mul3A_116 = arith.muli %scan3A_113, %mul3A_115 : i32
      %add3A_117 = arith.addi %mul3A_114, %mul3A_116 : i32
      %dma_start3A = arith.constant 0 : i32
      %dma_start3A_118 = arith.constant 0 : i32
      %dma_start3A_119 = tpu.memref_slice %arg8[%dma_start3A, %dma_start3A_118] : memref<25x80xi32, #tpu.memory_space<vmem>> -> memref<1x80xi32, #tpu.memory_space<vmem>>
      %dma_start3A_120 = tpu.memref_squeeze %dma_start3A_119 : memref<1x80xi32, #tpu.memory_space<vmem>> -> memref<80xi32, #tpu.memory_space<vmem>>
      %dma_start3A_121 = arith.constant 0 : i32
      %dma_start3A_122 = arith.constant 0 : i32
      %dma_start3A_123 = tpu.memref_slice %arg2[%dma_start3A_121, %dma_start3A_122] : memref<20000x128xf32, #tpu.memory_space<hbm>> -> memref<20000x128xf32, #tpu.memory_space<hbm>>
      tpu.enqueue_indirect_dma source(%dma_start3A_123 : memref<20000x128xf32, #tpu.memory_space<hbm>>) target(%arg12 : memref<80x128xf32, #tpu.memory_space<vmem>>) offsets(%dma_start3A_120 : memref<80xi32, #tpu.memory_space<vmem>>) semaphore(%arg15 : memref<!tpu.dma_semaphore, #tpu.memory_space<semaphore_mem>>)
      %add3A_124 = arith.constant 0 : i32
      %add3A_125 = arith.addi %add3A_117, %add3A_124 : i32
      %dma_start3A_126 = arith.constant 0 : i32
      %dma_start3A_127 = tpu.memref_slice %arg5[%arg0, %add3A_125, %dma_start3A_126] : memref<2x160000x128xf32, #tpu.memory_space<hbm>> -> memref<1x80x128xf32, #tpu.memory_space<hbm>>
      %dma_start3A_128 = tpu.memref_squeeze %dma_start3A_127 : memref<1x80x128xf32, #tpu.memory_space<hbm>> -> memref<80x128xf32, #tpu.memory_space<hbm>>
      %dma_start3A_129 = arith.constant 0 : i32
      %dma_start3A_130 = tpu.memref_slice %arg5[%arg0, %add3A_125, %dma_start3A_129] : memref<2x160000x128xf32, #tpu.memory_space<hbm>> -> memref<1x80x128xf32, #tpu.memory_space<hbm>>
      %dma_start3A_131 = tpu.memref_squeeze %dma_start3A_130 : memref<1x80x128xf32, #tpu.memory_space<hbm>> -> memref<80x128xf32, #tpu.memory_space<hbm>>
      tpu.enqueue_dma source(%dma_start3A_131 : memref<80x128xf32, #tpu.memory_space<hbm>>) target(%arg10 : memref<80x128xf32, #tpu.memory_space<vmem>>) target_semaphore(%arg17 : memref<!tpu.dma_semaphore, #tpu.memory_space<semaphore_mem>>)
      %dma_start3A_132 = arith.constant 1 : i32
      %dma_start3A_133 = arith.constant 0 : i32
      %dma_start3A_134 = tpu.memref_slice %arg8[%dma_start3A_132, %dma_start3A_133] : memref<25x80xi32, #tpu.memory_space<vmem>> -> memref<1x80xi32, #tpu.memory_space<vmem>>
      %dma_start3A_135 = tpu.memref_squeeze %dma_start3A_134 : memref<1x80xi32, #tpu.memory_space<vmem>> -> memref<80xi32, #tpu.memory_space<vmem>>
      %dma_start3A_136 = arith.constant 0 : i32
      %dma_start3A_137 = arith.constant 0 : i32
      %dma_start3A_138 = tpu.memref_slice %arg2[%dma_start3A_136, %dma_start3A_137] : memref<20000x128xf32, #tpu.memory_space<hbm>> -> memref<20000x128xf32, #tpu.memory_space<hbm>>
      tpu.enqueue_indirect_dma source(%dma_start3A_138 : memref<20000x128xf32, #tpu.memory_space<hbm>>) target(%arg13 : memref<80x128xf32, #tpu.memory_space<vmem>>) offsets(%dma_start3A_135 : memref<80xi32, #tpu.memory_space<vmem>>) semaphore(%arg16 : memref<!tpu.dma_semaphore, #tpu.memory_space<semaphore_mem>>)
      %add3A_139 = arith.constant 80 : i32
      %add3A_140 = arith.addi %add3A_117, %add3A_139 : i32
      %dma_start3A_141 = arith.constant 0 : i32
      %dma_start3A_142 = tpu.memref_slice %arg5[%arg0, %add3A_140, %dma_start3A_141] : memref<2x160000x128xf32, #tpu.memory_space<hbm>> -> memref<1x80x128xf32, #tpu.memory_space<hbm>>
      %dma_start3A_143 = tpu.memref_squeeze %dma_start3A_142 : memref<1x80x128xf32, #tpu.memory_space<hbm>> -> memref<80x128xf32, #tpu.memory_space<hbm>>
      %dma_start3A_144 = arith.constant 0 : i32
      %dma_start3A_145 = tpu.memref_slice %arg5[%arg0, %add3A_140, %dma_start3A_144] : memref<2x160000x128xf32, #tpu.memory_space<hbm>> -> memref<1x80x128xf32, #tpu.memory_space<hbm>>
      %dma_start3A_146 = tpu.memref_squeeze %dma_start3A_145 : memref<1x80x128xf32, #tpu.memory_space<hbm>> -> memref<80x128xf32, #tpu.memory_space<hbm>>
      tpu.enqueue_dma source(%dma_start3A_146 : memref<80x128xf32, #tpu.memory_space<hbm>>) target(%arg11 : memref<80x128xf32, #tpu.memory_space<vmem>>) target_semaphore(%arg18 : memref<!tpu.dma_semaphore, #tpu.memory_space<semaphore_mem>>)
      %scan3A_147 = arith.constant 0 : i32
      %scan3A_148 = arith.constant 12 : i32
      %scan3A_149 = arith.addi %scan3A_147, %scan3A_148 : i32
      %scan3A_150 = arith.constant 1 : i32
      scf.for %scan3A_171 = %scan3A_147 to %scan3A_149 step %scan3A_150  : i32 {
        %mul3A_172 = arith.constant 2 : i32
        %mul3A_173 = arith.muli %scan3A_171, %mul3A_172 : i32
        %add3A_174 = arith.constant 2 : i32
        %add3A_175 = arith.addi %mul3A_173, %add3A_174 : i32
        %dma_wait3A_176 = arith.constant 0 : i32
        %dma_wait3A_177 = tpu.memref_slice %arg8[%mul3A_173, %dma_wait3A_176] : memref<25x80xi32, #tpu.memory_space<vmem>> -> memref<1x80xi32, #tpu.memory_space<vmem>>
        %dma_wait3A_178 = tpu.memref_squeeze %dma_wait3A_177 : memref<1x80xi32, #tpu.memory_space<vmem>> -> memref<80xi32, #tpu.memory_space<vmem>>
        %dma_wait3A_179 = arith.constant 0 : i32
        %dma_wait3A_180 = arith.constant 0 : i32
        %dma_wait3A_181 = tpu.memref_slice %arg2[%dma_wait3A_179, %dma_wait3A_180] : memref<20000x128xf32, #tpu.memory_space<hbm>> -> memref<20000x128xf32, #tpu.memory_space<hbm>>
        tpu.wait_indirect_dma semaphore(%arg15 : memref<!tpu.dma_semaphore, #tpu.memory_space<semaphore_mem>>) src(%dma_wait3A_181 : memref<20000x128xf32, #tpu.memory_space<hbm>>) dst(%arg12 : memref<80x128xf32, #tpu.memory_space<vmem>>)
        %mul3A_182 = arith.constant 80 : i32
        %mul3A_183 = arith.muli %mul3A_173, %mul3A_182 : i32
        %add3A_184 = arith.addi %add3A_117, %mul3A_183 : i32
        %dma_wait3A_185 = arith.constant 0 : i32
        %dma_wait3A_186 = tpu.memref_slice %arg5[%arg0, %add3A_184, %dma_wait3A_185] : memref<2x160000x128xf32, #tpu.memory_space<hbm>> -> memref<1x80x128xf32, #tpu.memory_space<hbm>>
        %dma_wait3A_187 = tpu.memref_squeeze %dma_wait3A_186 : memref<1x80x128xf32, #tpu.memory_space<hbm>> -> memref<80x128xf32, #tpu.memory_space<hbm>>
        %dma_wait3A_188 = arith.constant 0 : i32
        %dma_wait3A_189 = tpu.memref_slice %arg5[%arg0, %add3A_184, %dma_wait3A_188] : memref<2x160000x128xf32, #tpu.memory_space<hbm>> -> memref<1x80x128xf32, #tpu.memory_space<hbm>>
        %dma_wait3A_190 = tpu.memref_squeeze %dma_wait3A_189 : memref<1x80x128xf32, #tpu.memory_space<hbm>> -> memref<80x128xf32, #tpu.memory_space<hbm>>
        tpu.wait_dma2 semaphore(%arg17 : memref<!tpu.dma_semaphore, #tpu.memory_space<semaphore_mem>>) src(%dma_wait3A_190 : memref<80x128xf32, #tpu.memory_space<hbm>>) dst(%arg10 : memref<80x128xf32, #tpu.memory_space<vmem>>)
        %scan3A_191 = arith.constant 0 : i32
        %scan3A_192 = arith.constant 80 : i32
        %scan3A_193 = arith.addi %scan3A_191, %scan3A_192 : i32
        %scan3A_194 = arith.constant 1 : i32
        scf.for %scan3A_230 = %scan3A_191 to %scan3A_193 step %scan3A_194  : i32 {
          %get3A = arith.index_cast %scan3A_230 : i32 to index
          %get3A_231 = arith.constant 0 : index
          %get3A_232 = tpu.vector_load %arg10[%get3A, %get3A_231] {strides = array<i32>} : memref<80x128xf32, #tpu.memory_space<vmem>>, vector<16xf32>,
          %get3A_233 = arith.index_cast %scan3A_230 : i32 to index
          %get3A_234 = arith.constant 0 : index
          %get3A_235 = tpu.vector_load %arg12[%get3A_233, %get3A_234] {strides = array<i32>} : memref<80x128xf32, #tpu.memory_space<vmem>>, vector<16xf32>,
          %mul3A_236 = arith.mulf %get3A_232, %get3A_235 : vector<16xf32>
          %swap3A = arith.index_cast %scan3A_230 : i32 to index
          %swap3A_237 = arith.constant 0 : index
          %swap3A_238 = tpu.vector_load %arg12[%swap3A, %swap3A_237] {strides = array<i32>} : memref<80x128xf32, #tpu.memory_space<vmem>>, vector<16xf32>,
          tpu.vector_store %arg12[%swap3A, %swap3A_237], %mul3A_236 {strides = array<i32>} : memref<80x128xf32, #tpu.memory_space<vmem>>, vector<16xf32>,
          %get3A_239 = arith.index_cast %scan3A_230 : i32 to index
          %get3A_240 = arith.constant 16 : index
          %get3A_241 = tpu.vector_load %arg10[%get3A_239, %get3A_240] {strides = array<i32>} : memref<80x128xf32, #tpu.memory_space<vmem>>, vector<16xf32>,
          %get3A_242 = arith.index_cast %scan3A_230 : i32 to index
          %get3A_243 = arith.constant 16 : index
          %get3A_244 = tpu.vector_load %arg12[%get3A_242, %get3A_243] {strides = array<i32>} : memref<80x128xf32, #tpu.memory_space<vmem>>, vector<16xf32>,
          %mul3A_245 = arith.mulf %get3A_241, %get3A_244 : vector<16xf32>
          %swap3A_246 = arith.index_cast %scan3A_230 : i32 to index
          %swap3A_247 = arith.constant 16 : index
          %swap3A_248 = tpu.vector_load %arg12[%swap3A_246, %swap3A_247] {strides = array<i32>} : memref<80x128xf32, #tpu.memory_space<vmem>>, vector<16xf32>,
          tpu.vector_store %arg12[%swap3A_246, %swap3A_247], %mul3A_245 {strides = array<i32>} : memref<80x128xf32, #tpu.memory_space<vmem>>, vector<16xf32>,
          %get3A_249 = arith.index_cast %scan3A_230 : i32 to index
          %get3A_250 = arith.constant 32 : index
          %get3A_251 = tpu.vector_load %arg10[%get3A_249, %get3A_250] {strides = array<i32>} : memref<80x128xf32, #tpu.memory_space<vmem>>, vector<16xf32>,
          %get3A_252 = arith.index_cast %scan3A_230 : i32 to index
          %get3A_253 = arith.constant 32 : index
          %get3A_254 = tpu.vector_load %arg12[%get3A_252, %get3A_253] {strides = array<i32>} : memref<80x128xf32, #tpu.memory_space<vmem>>, vector<16xf32>,
          %mul3A_255 = arith.mulf %get3A_251, %get3A_254 : vector<16xf32>
          %swap3A_256 = arith.index_cast %scan3A_230 : i32 to index
          %swap3A_257 = arith.constant 32 : index
          %swap3A_258 = tpu.vector_load %arg12[%swap3A_256, %swap3A_257] {strides = array<i32>} : memref<80x128xf32, #tpu.memory_space<vmem>>, vector<16xf32>,
          tpu.vector_store %arg12[%swap3A_256, %swap3A_257], %mul3A_255 {strides = array<i32>} : memref<80x128xf32, #tpu.memory_space<vmem>>, vector<16xf32>,
          %get3A_259 = arith.index_cast %scan3A_230 : i32 to index
          %get3A_260 = arith.constant 48 : index
          %get3A_261 = tpu.vector_load %arg10[%get3A_259, %get3A_260] {strides = array<i32>} : memref<80x128xf32, #tpu.memory_space<vmem>>, vector<16xf32>,
          %get3A_262 = arith.index_cast %scan3A_230 : i32 to index
          %get3A_263 = arith.constant 48 : index
          %get3A_264 = tpu.vector_load %arg12[%get3A_262, %get3A_263] {strides = array<i32>} : memref<80x128xf32, #tpu.memory_space<vmem>>, vector<16xf32>,
          %mul3A_265 = arith.mulf %get3A_261, %get3A_264 : vector<16xf32>
          %swap3A_266 = arith.index_cast %scan3A_230 : i32 to index
          %swap3A_267 = arith.constant 48 : index
          %swap3A_268 = tpu.vector_load %arg12[%swap3A_266, %swap3A_267] {strides = array<i32>} : memref<80x128xf32, #tpu.memory_space<vmem>>, vector<16xf32>,
          tpu.vector_store %arg12[%swap3A_266, %swap3A_267], %mul3A_265 {strides = array<i32>} : memref<80x128xf32, #tpu.memory_space<vmem>>, vector<16xf32>,
          %get3A_269 = arith.index_cast %scan3A_230 : i32 to index
          %get3A_270 = arith.constant 64 : index
          %get3A_271 = tpu.vector_load %arg10[%get3A_269, %get3A_270] {strides = array<i32>} : memref<80x128xf32, #tpu.memory_space<vmem>>, vector<16xf32>,
          %get3A_272 = arith.index_cast %scan3A_230 : i32 to index
          %get3A_273 = arith.constant 64 : index
          %get3A_274 = tpu.vector_load %arg12[%get3A_272, %get3A_273] {strides = array<i32>} : memref<80x128xf32, #tpu.memory_space<vmem>>, vector<16xf32>,
          %mul3A_275 = arith.mulf %get3A_271, %get3A_274 : vector<16xf32>
          %swap3A_276 = arith.index_cast %scan3A_230 : i32 to index
          %swap3A_277 = arith.constant 64 : index
          %swap3A_278 = tpu.vector_load %arg12[%swap3A_276, %swap3A_277] {strides = array<i32>} : memref<80x128xf32, #tpu.memory_space<vmem>>, vector<16xf32>,
          tpu.vector_store %arg12[%swap3A_276, %swap3A_277], %mul3A_275 {strides = array<i32>} : memref<80x128xf32, #tpu.memory_space<vmem>>, vector<16xf32>,
          %get3A_279 = arith.index_cast %scan3A_230 : i32 to index
          %get3A_280 = arith.constant 80 : index
          %get3A_281 = tpu.vector_load %arg10[%get3A_279, %get3A_280] {strides = array<i32>} : memref<80x128xf32, #tpu.memory_space<vmem>>, vector<16xf32>,
          %get3A_282 = arith.index_cast %scan3A_230 : i32 to index
          %get3A_283 = arith.constant 80 : index
          %get3A_284 = tpu.vector_load %arg12[%get3A_282, %get3A_283] {strides = array<i32>} : memref<80x128xf32, #tpu.memory_space<vmem>>, vector<16xf32>,
          %mul3A_285 = arith.mulf %get3A_281, %get3A_284 : vector<16xf32>
          %swap3A_286 = arith.index_cast %scan3A_230 : i32 to index
          %swap3A_287 = arith.constant 80 : index
          %swap3A_288 = tpu.vector_load %arg12[%swap3A_286, %swap3A_287] {strides = array<i32>} : memref<80x128xf32, #tpu.memory_space<vmem>>, vector<16xf32>,
          tpu.vector_store %arg12[%swap3A_286, %swap3A_287], %mul3A_285 {strides = array<i32>} : memref<80x128xf32, #tpu.memory_space<vmem>>, vector<16xf32>,
          %get3A_289 = arith.index_cast %scan3A_230 : i32 to index
          %get3A_290 = arith.constant 96 : index
          %get3A_291 = tpu.vector_load %arg10[%get3A_289, %get3A_290] {strides = array<i32>} : memref<80x128xf32, #tpu.memory_space<vmem>>, vector<16xf32>,
          %get3A_292 = arith.index_cast %scan3A_230 : i32 to index
          %get3A_293 = arith.constant 96 : index
          %get3A_294 = tpu.vector_load %arg12[%get3A_292, %get3A_293] {strides = array<i32>} : memref<80x128xf32, #tpu.memory_space<vmem>>, vector<16xf32>,
          %mul3A_295 = arith.mulf %get3A_291, %get3A_294 : vector<16xf32>
          %swap3A_296 = arith.index_cast %scan3A_230 : i32 to index
          %swap3A_297 = arith.constant 96 : index
          %swap3A_298 = tpu.vector_load %arg12[%swap3A_296, %swap3A_297] {strides = array<i32>} : memref<80x128xf32, #tpu.memory_space<vmem>>, vector<16xf32>,
          tpu.vector_store %arg12[%swap3A_296, %swap3A_297], %mul3A_295 {strides = array<i32>} : memref<80x128xf32, #tpu.memory_space<vmem>>, vector<16xf32>,
          %get3A_299 = arith.index_cast %scan3A_230 : i32 to index
          %get3A_300 = arith.constant 112 : index
          %get3A_301 = tpu.vector_load %arg10[%get3A_299, %get3A_300] {strides = array<i32>} : memref<80x128xf32, #tpu.memory_space<vmem>>, vector<16xf32>,
          %get3A_302 = arith.index_cast %scan3A_230 : i32 to index
          %get3A_303 = arith.constant 112 : index
          %get3A_304 = tpu.vector_load %arg12[%get3A_302, %get3A_303] {strides = array<i32>} : memref<80x128xf32, #tpu.memory_space<vmem>>, vector<16xf32>,
          %mul3A_305 = arith.mulf %get3A_301, %get3A_304 : vector<16xf32>
          %swap3A_306 = arith.index_cast %scan3A_230 : i32 to index
          %swap3A_307 = arith.constant 112 : index
          %swap3A_308 = tpu.vector_load %arg12[%swap3A_306, %swap3A_307] {strides = array<i32>} : memref<80x128xf32, #tpu.memory_space<vmem>>, vector<16xf32>,
          tpu.vector_store %arg12[%swap3A_306, %swap3A_307], %mul3A_305 {strides = array<i32>} : memref<80x128xf32, #tpu.memory_space<vmem>>, vector<16xf32>,
        }
        %scan3A_195 = arith.constant 80 : i32
        "tpu.region"() ({
          %run_scoped3A_230 = tpu.sem_alloc : memref<!tpu.dma_semaphore, #tpu.memory_space<semaphore_mem>>
          %dma_start3A_231 = arith.constant 0 : i32
          %dma_start3A_232 = tpu.memref_slice %arg9[%mul3A_173, %dma_start3A_231] : memref<25x80xi32, #tpu.memory_space<vmem>> -> memref<1x80xi32, #tpu.memory_space<vmem>>
          %dma_start3A_233 = tpu.memref_squeeze %dma_start3A_232 : memref<1x80xi32, #tpu.memory_space<vmem>> -> memref<80xi32, #tpu.memory_space<vmem>>
          %dma_start3A_234 = arith.constant 0 : i32
          %dma_start3A_235 = arith.constant 0 : i32
          %dma_start3A_236 = tpu.memref_slice %arg14[%dma_start3A_234, %dma_start3A_235] : memref<10000x128xf32, #tpu.memory_space<vmem_shared>> -> memref<10000x128xf32, #tpu.memory_space<vmem_shared>>
          tpu.enqueue_indirect_dma source(%arg12 : memref<80x128xf32, #tpu.memory_space<vmem>>) target(%dma_start3A_236 : memref<10000x128xf32, #tpu.memory_space<vmem_shared>>) offsets(%dma_start3A_233 : memref<80xi32, #tpu.memory_space<vmem>>) semaphore(%run_scoped3A_230 : memref<!tpu.dma_semaphore, #tpu.memory_space<semaphore_mem>>) {add = true}
          %dma_wait3A_237 = arith.constant 0 : i32
          %dma_wait3A_238 = tpu.memref_slice %arg9[%mul3A_173, %dma_wait3A_237] : memref<25x80xi32, #tpu.memory_space<vmem>> -> memref<1x80xi32, #tpu.memory_space<vmem>>
          %dma_wait3A_239 = tpu.memref_squeeze %dma_wait3A_238 : memref<1x80xi32, #tpu.memory_space<vmem>> -> memref<80xi32, #tpu.memory_space<vmem>>
          %dma_wait3A_240 = arith.constant 0 : i32
          %dma_wait3A_241 = arith.constant 0 : i32
          %dma_wait3A_242 = tpu.memref_slice %arg14[%dma_wait3A_240, %dma_wait3A_241] : memref<10000x128xf32, #tpu.memory_space<vmem_shared>> -> memref<10000x128xf32, #tpu.memory_space<vmem_shared>>
          tpu.wait_indirect_dma semaphore(%run_scoped3A_230 : memref<!tpu.dma_semaphore, #tpu.memory_space<semaphore_mem>>) src(%arg12 : memref<80x128xf32, #tpu.memory_space<vmem>>) dst(%dma_wait3A_242 : memref<10000x128xf32, #tpu.memory_space<vmem_shared>>)
          tpu.yield
        }) : () -> ()
        %lt3A_196 = arith.constant 25 : i32
        %lt3A_197 = arith.cmpi slt, %add3A_175, %lt3A_196 : i32
        %convert_element_type3A_198 = arith.extui %lt3A_197 : i1 to i32
        %cond3A_199 = arith.constant 0 : i32
        %cond3A_200 = arith.cmpi ne, %convert_element_type3A_198, %cond3A_199 : i32
        scf.if %cond3A_200 {
          %dma_start3A_230 = arith.constant 0 : i32
          %dma_start3A_231 = tpu.memref_slice %arg8[%add3A_175, %dma_start3A_230] : memref<25x80xi32, #tpu.memory_space<vmem>> -> memref<1x80xi32, #tpu.memory_space<vmem>>
          %dma_start3A_232 = tpu.memref_squeeze %dma_start3A_231 : memref<1x80xi32, #tpu.memory_space<vmem>> -> memref<80xi32, #tpu.memory_space<vmem>>
          %dma_start3A_233 = arith.constant 0 : i32
          %dma_start3A_234 = arith.constant 0 : i32
          %dma_start3A_235 = tpu.memref_slice %arg2[%dma_start3A_233, %dma_start3A_234] : memref<20000x128xf32, #tpu.memory_space<hbm>> -> memref<20000x128xf32, #tpu.memory_space<hbm>>
          tpu.enqueue_indirect_dma source(%dma_start3A_235 : memref<20000x128xf32, #tpu.memory_space<hbm>>) target(%arg12 : memref<80x128xf32, #tpu.memory_space<vmem>>) offsets(%dma_start3A_232 : memref<80xi32, #tpu.memory_space<vmem>>) semaphore(%arg15 : memref<!tpu.dma_semaphore, #tpu.memory_space<semaphore_mem>>)
          %mul3A_236 = arith.constant 80 : i32
          %mul3A_237 = arith.muli %add3A_175, %mul3A_236 : i32
          %add3A_238 = arith.addi %add3A_117, %mul3A_237 : i32
          %dma_start3A_239 = arith.constant 0 : i32
          %dma_start3A_240 = tpu.memref_slice %arg5[%arg0, %add3A_238, %dma_start3A_239] : memref<2x160000x128xf32, #tpu.memory_space<hbm>> -> memref<1x80x128xf32, #tpu.memory_space<hbm>>
          %dma_start3A_241 = tpu.memref_squeeze %dma_start3A_240 : memref<1x80x128xf32, #tpu.memory_space<hbm>> -> memref<80x128xf32, #tpu.memory_space<hbm>>
          %dma_start3A_242 = arith.constant 0 : i32
          %dma_start3A_243 = tpu.memref_slice %arg5[%arg0, %add3A_238, %dma_start3A_242] : memref<2x160000x128xf32, #tpu.memory_space<hbm>> -> memref<1x80x128xf32, #tpu.memory_space<hbm>>
          %dma_start3A_244 = tpu.memref_squeeze %dma_start3A_243 : memref<1x80x128xf32, #tpu.memory_space<hbm>> -> memref<80x128xf32, #tpu.memory_space<hbm>>
          tpu.enqueue_dma source(%dma_start3A_244 : memref<80x128xf32, #tpu.memory_space<hbm>>) target(%arg10 : memref<80x128xf32, #tpu.memory_space<vmem>>) target_semaphore(%arg17 : memref<!tpu.dma_semaphore, #tpu.memory_space<semaphore_mem>>)
        } else {
        }
        %add3A_201 = arith.constant 1 : i32
        %add3A_202 = arith.addi %mul3A_173, %add3A_201 : i32
        %add3A_203 = arith.constant 3 : i32
        %add3A_204 = arith.addi %mul3A_173, %add3A_203 : i32
        %dma_wait3A_205 = arith.constant 0 : i32
        %dma_wait3A_206 = tpu.memref_slice %arg8[%add3A_202, %dma_wait3A_205] : memref<25x80xi32, #tpu.memory_space<vmem>> -> memref<1x80xi32, #tpu.memory_space<vmem>>
        %dma_wait3A_207 = tpu.memref_squeeze %dma_wait3A_206 : memref<1x80xi32, #tpu.memory_space<vmem>> -> memref<80xi32, #tpu.memory_space<vmem>>
        %dma_wait3A_208 = arith.constant 0 : i32
        %dma_wait3A_209 = arith.constant 0 : i32
        %dma_wait3A_210 = tpu.memref_slice %arg2[%dma_wait3A_208, %dma_wait3A_209] : memref<20000x128xf32, #tpu.memory_space<hbm>> -> memref<20000x128xf32, #tpu.memory_space<hbm>>
        tpu.wait_indirect_dma semaphore(%arg16 : memref<!tpu.dma_semaphore, #tpu.memory_space<semaphore_mem>>) src(%dma_wait3A_210 : memref<20000x128xf32, #tpu.memory_space<hbm>>) dst(%arg13 : memref<80x128xf32, #tpu.memory_space<vmem>>)
        %mul3A_211 = arith.constant 80 : i32
        %mul3A_212 = arith.muli %add3A_202, %mul3A_211 : i32
        %add3A_213 = arith.addi %add3A_117, %mul3A_212 : i32
        %dma_wait3A_214 = arith.constant 0 : i32
        %dma_wait3A_215 = tpu.memref_slice %arg5[%arg0, %add3A_213, %dma_wait3A_214] : memref<2x160000x128xf32, #tpu.memory_space<hbm>> -> memref<1x80x128xf32, #tpu.memory_space<hbm>>
        %dma_wait3A_216 = tpu.memref_squeeze %dma_wait3A_215 : memref<1x80x128xf32, #tpu.memory_space<hbm>> -> memref<80x128xf32, #tpu.memory_space<hbm>>
        %dma_wait3A_217 = arith.constant 0 : i32
        %dma_wait3A_218 = tpu.memref_slice %arg5[%arg0, %add3A_213, %dma_wait3A_217] : memref<2x160000x128xf32, #tpu.memory_space<hbm>> -> memref<1x80x128xf32, #tpu.memory_space<hbm>>
        %dma_wait3A_219 = tpu.memref_squeeze %dma_wait3A_218 : memref<1x80x128xf32, #tpu.memory_space<hbm>> -> memref<80x128xf32, #tpu.memory_space<hbm>>
        tpu.wait_dma2 semaphore(%arg18 : memref<!tpu.dma_semaphore, #tpu.memory_space<semaphore_mem>>) src(%dma_wait3A_219 : memref<80x128xf32, #tpu.memory_space<hbm>>) dst(%arg11 : memref<80x128xf32, #tpu.memory_space<vmem>>)
        %scan3A_220 = arith.constant 0 : i32
        %scan3A_221 = arith.constant 80 : i32
        %scan3A_222 = arith.addi %scan3A_220, %scan3A_221 : i32
        %scan3A_223 = arith.constant 1 : i32
        scf.for %scan3A_230 = %scan3A_220 to %scan3A_222 step %scan3A_223  : i32 {
          %get3A = arith.index_cast %scan3A_230 : i32 to index
          %get3A_231 = arith.constant 0 : index
          %get3A_232 = tpu.vector_load %arg11[%get3A, %get3A_231] {strides = array<i32>} : memref<80x128xf32, #tpu.memory_space<vmem>>, vector<16xf32>,
          %get3A_233 = arith.index_cast %scan3A_230 : i32 to index
          %get3A_234 = arith.constant 0 : index
          %get3A_235 = tpu.vector_load %arg13[%get3A_233, %get3A_234] {strides = array<i32>} : memref<80x128xf32, #tpu.memory_space<vmem>>, vector<16xf32>,
          %mul3A_236 = arith.mulf %get3A_232, %get3A_235 : vector<16xf32>
          %swap3A = arith.index_cast %scan3A_230 : i32 to index
          %swap3A_237 = arith.constant 0 : index
          %swap3A_238 = tpu.vector_load %arg13[%swap3A, %swap3A_237] {strides = array<i32>} : memref<80x128xf32, #tpu.memory_space<vmem>>, vector<16xf32>,
          tpu.vector_store %arg13[%swap3A, %swap3A_237], %mul3A_236 {strides = array<i32>} : memref<80x128xf32, #tpu.memory_space<vmem>>, vector<16xf32>,
          %get3A_239 = arith.index_cast %scan3A_230 : i32 to index
          %get3A_240 = arith.constant 16 : index
          %get3A_241 = tpu.vector_load %arg11[%get3A_239, %get3A_240] {strides = array<i32>} : memref<80x128xf32, #tpu.memory_space<vmem>>, vector<16xf32>,
          %get3A_242 = arith.index_cast %scan3A_230 : i32 to index
          %get3A_243 = arith.constant 16 : index
          %get3A_244 = tpu.vector_load %arg13[%get3A_242, %get3A_243] {strides = array<i32>} : memref<80x128xf32, #tpu.memory_space<vmem>>, vector<16xf32>,
          %mul3A_245 = arith.mulf %get3A_241, %get3A_244 : vector<16xf32>
          %swap3A_246 = arith.index_cast %scan3A_230 : i32 to index
          %swap3A_247 = arith.constant 16 : index
          %swap3A_248 = tpu.vector_load %arg13[%swap3A_246, %swap3A_247] {strides = array<i32>} : memref<80x128xf32, #tpu.memory_space<vmem>>, vector<16xf32>,
          tpu.vector_store %arg13[%swap3A_246, %swap3A_247], %mul3A_245 {strides = array<i32>} : memref<80x128xf32, #tpu.memory_space<vmem>>, vector<16xf32>,
          %get3A_249 = arith.index_cast %scan3A_230 : i32 to index
          %get3A_250 = arith.constant 32 : index
          %get3A_251 = tpu.vector_load %arg11[%get3A_249, %get3A_250] {strides = array<i32>} : memref<80x128xf32, #tpu.memory_space<vmem>>, vector<16xf32>,
          %get3A_252 = arith.index_cast %scan3A_230 : i32 to index
          %get3A_253 = arith.constant 32 : index
          %get3A_254 = tpu.vector_load %arg13[%get3A_252, %get3A_253] {strides = array<i32>} : memref<80x128xf32, #tpu.memory_space<vmem>>, vector<16xf32>,
          %mul3A_255 = arith.mulf %get3A_251, %get3A_254 : vector<16xf32>
          %swap3A_256 = arith.index_cast %scan3A_230 : i32 to index
          %swap3A_257 = arith.constant 32 : index
          %swap3A_258 = tpu.vector_load %arg13[%swap3A_256, %swap3A_257] {strides = array<i32>} : memref<80x128xf32, #tpu.memory_space<vmem>>, vector<16xf32>,
          tpu.vector_store %arg13[%swap3A_256, %swap3A_257], %mul3A_255 {strides = array<i32>} : memref<80x128xf32, #tpu.memory_space<vmem>>, vector<16xf32>,
          %get3A_259 = arith.index_cast %scan3A_230 : i32 to index
          %get3A_260 = arith.constant 48 : index
          %get3A_261 = tpu.vector_load %arg11[%get3A_259, %get3A_260] {strides = array<i32>} : memref<80x128xf32, #tpu.memory_space<vmem>>, vector<16xf32>,
          %get3A_262 = arith.index_cast %scan3A_230 : i32 to index
          %get3A_263 = arith.constant 48 : index
          %get3A_264 = tpu.vector_load %arg13[%get3A_262, %get3A_263] {strides = array<i32>} : memref<80x128xf32, #tpu.memory_space<vmem>>, vector<16xf32>,
          %mul3A_265 = arith.mulf %get3A_261, %get3A_264 : vector<16xf32>
          %swap3A_266 = arith.index_cast %scan3A_230 : i32 to index
          %swap3A_267 = arith.constant 48 : index
          %swap3A_268 = tpu.vector_load %arg13[%swap3A_266, %swap3A_267] {strides = array<i32>} : memref<80x128xf32, #tpu.memory_space<vmem>>, vector<16xf32>,
          tpu.vector_store %arg13[%swap3A_266, %swap3A_267], %mul3A_265 {strides = array<i32>} : memref<80x128xf32, #tpu.memory_space<vmem>>, vector<16xf32>,
          %get3A_269 = arith.index_cast %scan3A_230 : i32 to index
          %get3A_270 = arith.constant 64 : index
          %get3A_271 = tpu.vector_load %arg11[%get3A_269, %get3A_270] {strides = array<i32>} : memref<80x128xf32, #tpu.memory_space<vmem>>, vector<16xf32>,
          %get3A_272 = arith.index_cast %scan3A_230 : i32 to index
          %get3A_273 = arith.constant 64 : index
          %get3A_274 = tpu.vector_load %arg13[%get3A_272, %get3A_273] {strides = array<i32>} : memref<80x128xf32, #tpu.memory_space<vmem>>, vector<16xf32>,
          %mul3A_275 = arith.mulf %get3A_271, %get3A_274 : vector<16xf32>
          %swap3A_276 = arith.index_cast %scan3A_230 : i32 to index
          %swap3A_277 = arith.constant 64 : index
          %swap3A_278 = tpu.vector_load %arg13[%swap3A_276, %swap3A_277] {strides = array<i32>} : memref<80x128xf32, #tpu.memory_space<vmem>>, vector<16xf32>,
          tpu.vector_store %arg13[%swap3A_276, %swap3A_277], %mul3A_275 {strides = array<i32>} : memref<80x128xf32, #tpu.memory_space<vmem>>, vector<16xf32>,
          %get3A_279 = arith.index_cast %scan3A_230 : i32 to index
          %get3A_280 = arith.constant 80 : index
          %get3A_281 = tpu.vector_load %arg11[%get3A_279, %get3A_280] {strides = array<i32>} : memref<80x128xf32, #tpu.memory_space<vmem>>, vector<16xf32>,
          %get3A_282 = arith.index_cast %scan3A_230 : i32 to index
          %get3A_283 = arith.constant 80 : index
          %get3A_284 = tpu.vector_load %arg13[%get3A_282, %get3A_283] {strides = array<i32>} : memref<80x128xf32, #tpu.memory_space<vmem>>, vector<16xf32>,
          %mul3A_285 = arith.mulf %get3A_281, %get3A_284 : vector<16xf32>
          %swap3A_286 = arith.index_cast %scan3A_230 : i32 to index
          %swap3A_287 = arith.constant 80 : index
          %swap3A_288 = tpu.vector_load %arg13[%swap3A_286, %swap3A_287] {strides = array<i32>} : memref<80x128xf32, #tpu.memory_space<vmem>>, vector<16xf32>,
          tpu.vector_store %arg13[%swap3A_286, %swap3A_287], %mul3A_285 {strides = array<i32>} : memref<80x128xf32, #tpu.memory_space<vmem>>, vector<16xf32>,
          %get3A_289 = arith.index_cast %scan3A_230 : i32 to index
          %get3A_290 = arith.constant 96 : index
          %get3A_291 = tpu.vector_load %arg11[%get3A_289, %get3A_290] {strides = array<i32>} : memref<80x128xf32, #tpu.memory_space<vmem>>, vector<16xf32>,
          %get3A_292 = arith.index_cast %scan3A_230 : i32 to index
          %get3A_293 = arith.constant 96 : index
          %get3A_294 = tpu.vector_load %arg13[%get3A_292, %get3A_293] {strides = array<i32>} : memref<80x128xf32, #tpu.memory_space<vmem>>, vector<16xf32>,
          %mul3A_295 = arith.mulf %get3A_291, %get3A_294 : vector<16xf32>
          %swap3A_296 = arith.index_cast %scan3A_230 : i32 to index
          %swap3A_297 = arith.constant 96 : index
          %swap3A_298 = tpu.vector_load %arg13[%swap3A_296, %swap3A_297] {strides = array<i32>} : memref<80x128xf32, #tpu.memory_space<vmem>>, vector<16xf32>,
          tpu.vector_store %arg13[%swap3A_296, %swap3A_297], %mul3A_295 {strides = array<i32>} : memref<80x128xf32, #tpu.memory_space<vmem>>, vector<16xf32>,
          %get3A_299 = arith.index_cast %scan3A_230 : i32 to index
          %get3A_300 = arith.constant 112 : index
          %get3A_301 = tpu.vector_load %arg11[%get3A_299, %get3A_300] {strides = array<i32>} : memref<80x128xf32, #tpu.memory_space<vmem>>, vector<16xf32>,
          %get3A_302 = arith.index_cast %scan3A_230 : i32 to index
          %get3A_303 = arith.constant 112 : index
          %get3A_304 = tpu.vector_load %arg13[%get3A_302, %get3A_303] {strides = array<i32>} : memref<80x128xf32, #tpu.memory_space<vmem>>, vector<16xf32>,
          %mul3A_305 = arith.mulf %get3A_301, %get3A_304 : vector<16xf32>
          %swap3A_306 = arith.index_cast %scan3A_230 : i32 to index
          %swap3A_307 = arith.constant 112 : index
          %swap3A_308 = tpu.vector_load %arg13[%swap3A_306, %swap3A_307] {strides = array<i32>} : memref<80x128xf32, #tpu.memory_space<vmem>>, vector<16xf32>,
          tpu.vector_store %arg13[%swap3A_306, %swap3A_307], %mul3A_305 {strides = array<i32>} : memref<80x128xf32, #tpu.memory_space<vmem>>, vector<16xf32>,
        }
        %scan3A_224 = arith.constant 80 : i32
        "tpu.region"() ({
          %run_scoped3A_230 = tpu.sem_alloc : memref<!tpu.dma_semaphore, #tpu.memory_space<semaphore_mem>>
          %dma_start3A_231 = arith.constant 0 : i32
          %dma_start3A_232 = tpu.memref_slice %arg9[%add3A_202, %dma_start3A_231] : memref<25x80xi32, #tpu.memory_space<vmem>> -> memref<1x80xi32, #tpu.memory_space<vmem>>
          %dma_start3A_233 = tpu.memref_squeeze %dma_start3A_232 : memref<1x80xi32, #tpu.memory_space<vmem>> -> memref<80xi32, #tpu.memory_space<vmem>>
          %dma_start3A_234 = arith.constant 0 : i32
          %dma_start3A_235 = arith.constant 0 : i32
          %dma_start3A_236 = tpu.memref_slice %arg14[%dma_start3A_234, %dma_start3A_235] : memref<10000x128xf32, #tpu.memory_space<vmem_shared>> -> memref<10000x128xf32, #tpu.memory_space<vmem_shared>>
          tpu.enqueue_indirect_dma source(%arg13 : memref<80x128xf32, #tpu.memory_space<vmem>>) target(%dma_start3A_236 : memref<10000x128xf32, #tpu.memory_space<vmem_shared>>) offsets(%dma_start3A_233 : memref<80xi32, #tpu.memory_space<vmem>>) semaphore(%run_scoped3A_230 : memref<!tpu.dma_semaphore, #tpu.memory_space<semaphore_mem>>) {add = true}
          %dma_wait3A_237 = arith.constant 0 : i32
          %dma_wait3A_238 = tpu.memref_slice %arg9[%add3A_202, %dma_wait3A_237] : memref<25x80xi32, #tpu.memory_space<vmem>> -> memref<1x80xi32, #tpu.memory_space<vmem>>
          %dma_wait3A_239 = tpu.memref_squeeze %dma_wait3A_238 : memref<1x80xi32, #tpu.memory_space<vmem>> -> memref<80xi32, #tpu.memory_space<vmem>>
          %dma_wait3A_240 = arith.constant 0 : i32
          %dma_wait3A_241 = arith.constant 0 : i32
          %dma_wait3A_242 = tpu.memref_slice %arg14[%dma_wait3A_240, %dma_wait3A_241] : memref<10000x128xf32, #tpu.memory_space<vmem_shared>> -> memref<10000x128xf32, #tpu.memory_space<vmem_shared>>
          tpu.wait_indirect_dma semaphore(%run_scoped3A_230 : memref<!tpu.dma_semaphore, #tpu.memory_space<semaphore_mem>>) src(%arg13 : memref<80x128xf32, #tpu.memory_space<vmem>>) dst(%dma_wait3A_242 : memref<10000x128xf32, #tpu.memory_space<vmem_shared>>)
          tpu.yield
        }) : () -> ()
        %lt3A_225 = arith.constant 25 : i32
        %lt3A_226 = arith.cmpi slt, %add3A_204, %lt3A_225 : i32
        %convert_element_type3A_227 = arith.extui %lt3A_226 : i1 to i32
        %cond3A_228 = arith.constant 0 : i32
        %cond3A_229 = arith.cmpi ne, %convert_element_type3A_227, %cond3A_228 : i32
        scf.if %cond3A_229 {
          %dma_start3A_230 = arith.constant 0 : i32
          %dma_start3A_231 = tpu.memref_slice %arg8[%add3A_204, %dma_start3A_230] : memref<25x80xi32, #tpu.memory_space<vmem>> -> memref<1x80xi32, #tpu.memory_space<vmem>>
          %dma_start3A_232 = tpu.memref_squeeze %dma_start3A_231 : memref<1x80xi32, #tpu.memory_space<vmem>> -> memref<80xi32, #tpu.memory_space<vmem>>
          %dma_start3A_233 = arith.constant 0 : i32
          %dma_start3A_234 = arith.constant 0 : i32
          %dma_start3A_235 = tpu.memref_slice %arg2[%dma_start3A_233, %dma_start3A_234] : memref<20000x128xf32, #tpu.memory_space<hbm>> -> memref<20000x128xf32, #tpu.memory_space<hbm>>
          tpu.enqueue_indirect_dma source(%dma_start3A_235 : memref<20000x128xf32, #tpu.memory_space<hbm>>) target(%arg13 : memref<80x128xf32, #tpu.memory_space<vmem>>) offsets(%dma_start3A_232 : memref<80xi32, #tpu.memory_space<vmem>>) semaphore(%arg16 : memref<!tpu.dma_semaphore, #tpu.memory_space<semaphore_mem>>)
          %mul3A_236 = arith.constant 80 : i32
          %mul3A_237 = arith.muli %add3A_204, %mul3A_236 : i32
          %add3A_238 = arith.addi %add3A_117, %mul3A_237 : i32
          %dma_start3A_239 = arith.constant 0 : i32
          %dma_start3A_240 = tpu.memref_slice %arg5[%arg0, %add3A_238, %dma_start3A_239] : memref<2x160000x128xf32, #tpu.memory_space<hbm>> -> memref<1x80x128xf32, #tpu.memory_space<hbm>>
          %dma_start3A_241 = tpu.memref_squeeze %dma_start3A_240 : memref<1x80x128xf32, #tpu.memory_space<hbm>> -> memref<80x128xf32, #tpu.memory_space<hbm>>
          %dma_start3A_242 = arith.constant 0 : i32
          %dma_start3A_243 = tpu.memref_slice %arg5[%arg0, %add3A_238, %dma_start3A_242] : memref<2x160000x128xf32, #tpu.memory_space<hbm>> -> memref<1x80x128xf32, #tpu.memory_space<hbm>>
          %dma_start3A_244 = tpu.memref_squeeze %dma_start3A_243 : memref<1x80x128xf32, #tpu.memory_space<hbm>> -> memref<80x128xf32, #tpu.memory_space<hbm>>
          tpu.enqueue_dma source(%dma_start3A_244 : memref<80x128xf32, #tpu.memory_space<hbm>>) target(%arg11 : memref<80x128xf32, #tpu.memory_space<vmem>>) target_semaphore(%arg18 : memref<!tpu.dma_semaphore, #tpu.memory_space<semaphore_mem>>)
        } else {
        }
      }
      %scan3A_151 = arith.constant 12 : i32
      %dma_wait3A = arith.constant 24 : i32
      %dma_wait3A_152 = arith.constant 0 : i32
      %dma_wait3A_153 = tpu.memref_slice %arg8[%dma_wait3A, %dma_wait3A_152] : memref<25x80xi32, #tpu.memory_space<vmem>> -> memref<1x80xi32, #tpu.memory_space<vmem>>
      %dma_wait3A_154 = tpu.memref_squeeze %dma_wait3A_153 : memref<1x80xi32, #tpu.memory_space<vmem>> -> memref<80xi32, #tpu.memory_space<vmem>>
      %dma_wait3A_155 = arith.constant 0 : i32
      %dma_wait3A_156 = arith.constant 0 : i32
      %dma_wait3A_157 = tpu.memref_slice %arg2[%dma_wait3A_155, %dma_wait3A_156] : memref<20000x128xf32, #tpu.memory_space<hbm>> -> memref<20000x128xf32, #tpu.memory_space<hbm>>
      tpu.wait_indirect_dma semaphore(%arg15 : memref<!tpu.dma_semaphore, #tpu.memory_space<semaphore_mem>>) src(%dma_wait3A_157 : memref<20000x128xf32, #tpu.memory_space<hbm>>) dst(%arg12 : memref<80x128xf32, #tpu.memory_space<vmem>>)
      %add3A_158 = arith.constant 1920 : i32
      %add3A_159 = arith.addi %add3A_117, %add3A_158 : i32
      %dma_wait3A_160 = arith.constant 0 : i32
      %dma_wait3A_161 = tpu.memref_slice %arg5[%arg0, %add3A_159, %dma_wait3A_160] : memref<2x160000x128xf32, #tpu.memory_space<hbm>> -> memref<1x80x128xf32, #tpu.memory_space<hbm>>
      %dma_wait3A_162 = tpu.memref_squeeze %dma_wait3A_161 : memref<1x80x128xf32, #tpu.memory_space<hbm>> -> memref<80x128xf32, #tpu.memory_space<hbm>>
      %dma_wait3A_163 = arith.constant 0 : i32
      %dma_wait3A_164 = tpu.memref_slice %arg5[%arg0, %add3A_159, %dma_wait3A_163] : memref<2x160000x128xf32, #tpu.memory_space<hbm>> -> memref<1x80x128xf32, #tpu.memory_space<hbm>>
      %dma_wait3A_165 = tpu.memref_squeeze %dma_wait3A_164 : memref<1x80x128xf32, #tpu.memory_space<hbm>> -> memref<80x128xf32, #tpu.memory_space<hbm>>
      tpu.wait_dma2 semaphore(%arg17 : memref<!tpu.dma_semaphore, #tpu.memory_space<semaphore_mem>>) src(%dma_wait3A_165 : memref<80x128xf32, #tpu.memory_space<hbm>>) dst(%arg10 : memref<80x128xf32, #tpu.memory_space<vmem>>)
      %scan3A_166 = arith.constant 0 : i32
      %scan3A_167 = arith.constant 80 : i32
      %scan3A_168 = arith.addi %scan3A_166, %scan3A_167 : i32
      %scan3A_169 = arith.constant 1 : i32
      scf.for %scan3A_171 = %scan3A_166 to %scan3A_168 step %scan3A_169  : i32 {
        %get3A = arith.index_cast %scan3A_171 : i32 to index
        %get3A_172 = arith.constant 0 : index
        %get3A_173 = tpu.vector_load %arg10[%get3A, %get3A_172] {strides = array<i32>} : memref<80x128xf32, #tpu.memory_space<vmem>>, vector<16xf32>,
        %get3A_174 = arith.index_cast %scan3A_171 : i32 to index
        %get3A_175 = arith.constant 0 : index
        %get3A_176 = tpu.vector_load %arg12[%get3A_174, %get3A_175] {strides = array<i32>} : memref<80x128xf32, #tpu.memory_space<vmem>>, vector<16xf32>,
        %mul3A_177 = arith.mulf %get3A_173, %get3A_176 : vector<16xf32>
        %swap3A = arith.index_cast %scan3A_171 : i32 to index
        %swap3A_178 = arith.constant 0 : index
        %swap3A_179 = tpu.vector_load %arg12[%swap3A, %swap3A_178] {strides = array<i32>} : memref<80x128xf32, #tpu.memory_space<vmem>>, vector<16xf32>,
        tpu.vector_store %arg12[%swap3A, %swap3A_178], %mul3A_177 {strides = array<i32>} : memref<80x128xf32, #tpu.memory_space<vmem>>, vector<16xf32>,
        %get3A_180 = arith.index_cast %scan3A_171 : i32 to index
        %get3A_181 = arith.constant 16 : index
        %get3A_182 = tpu.vector_load %arg10[%get3A_180, %get3A_181] {strides = array<i32>} : memref<80x128xf32, #tpu.memory_space<vmem>>, vector<16xf32>,
        %get3A_183 = arith.index_cast %scan3A_171 : i32 to index
        %get3A_184 = arith.constant 16 : index
        %get3A_185 = tpu.vector_load %arg12[%get3A_183, %get3A_184] {strides = array<i32>} : memref<80x128xf32, #tpu.memory_space<vmem>>, vector<16xf32>,
        %mul3A_186 = arith.mulf %get3A_182, %get3A_185 : vector<16xf32>
        %swap3A_187 = arith.index_cast %scan3A_171 : i32 to index
        %swap3A_188 = arith.constant 16 : index
        %swap3A_189 = tpu.vector_load %arg12[%swap3A_187, %swap3A_188] {strides = array<i32>} : memref<80x128xf32, #tpu.memory_space<vmem>>, vector<16xf32>,
        tpu.vector_store %arg12[%swap3A_187, %swap3A_188], %mul3A_186 {strides = array<i32>} : memref<80x128xf32, #tpu.memory_space<vmem>>, vector<16xf32>,
        %get3A_190 = arith.index_cast %scan3A_171 : i32 to index
        %get3A_191 = arith.constant 32 : index
        %get3A_192 = tpu.vector_load %arg10[%get3A_190, %get3A_191] {strides = array<i32>} : memref<80x128xf32, #tpu.memory_space<vmem>>, vector<16xf32>,
        %get3A_193 = arith.index_cast %scan3A_171 : i32 to index
        %get3A_194 = arith.constant 32 : index
        %get3A_195 = tpu.vector_load %arg12[%get3A_193, %get3A_194] {strides = array<i32>} : memref<80x128xf32, #tpu.memory_space<vmem>>, vector<16xf32>,
        %mul3A_196 = arith.mulf %get3A_192, %get3A_195 : vector<16xf32>
        %swap3A_197 = arith.index_cast %scan3A_171 : i32 to index
        %swap3A_198 = arith.constant 32 : index
        %swap3A_199 = tpu.vector_load %arg12[%swap3A_197, %swap3A_198] {strides = array<i32>} : memref<80x128xf32, #tpu.memory_space<vmem>>, vector<16xf32>,
        tpu.vector_store %arg12[%swap3A_197, %swap3A_198], %mul3A_196 {strides = array<i32>} : memref<80x128xf32, #tpu.memory_space<vmem>>, vector<16xf32>,
        %get3A_200 = arith.index_cast %scan3A_171 : i32 to index
        %get3A_201 = arith.constant 48 : index
        %get3A_202 = tpu.vector_load %arg10[%get3A_200, %get3A_201] {strides = array<i32>} : memref<80x128xf32, #tpu.memory_space<vmem>>, vector<16xf32>,
        %get3A_203 = arith.index_cast %scan3A_171 : i32 to index
        %get3A_204 = arith.constant 48 : index
        %get3A_205 = tpu.vector_load %arg12[%get3A_203, %get3A_204] {strides = array<i32>} : memref<80x128xf32, #tpu.memory_space<vmem>>, vector<16xf32>,
        %mul3A_206 = arith.mulf %get3A_202, %get3A_205 : vector<16xf32>
        %swap3A_207 = arith.index_cast %scan3A_171 : i32 to index
        %swap3A_208 = arith.constant 48 : index
        %swap3A_209 = tpu.vector_load %arg12[%swap3A_207, %swap3A_208] {strides = array<i32>} : memref<80x128xf32, #tpu.memory_space<vmem>>, vector<16xf32>,
        tpu.vector_store %arg12[%swap3A_207, %swap3A_208], %mul3A_206 {strides = array<i32>} : memref<80x128xf32, #tpu.memory_space<vmem>>, vector<16xf32>,
        %get3A_210 = arith.index_cast %scan3A_171 : i32 to index
        %get3A_211 = arith.constant 64 : index
        %get3A_212 = tpu.vector_load %arg10[%get3A_210, %get3A_211] {strides = array<i32>} : memref<80x128xf32, #tpu.memory_space<vmem>>, vector<16xf32>,
        %get3A_213 = arith.index_cast %scan3A_171 : i32 to index
        %get3A_214 = arith.constant 64 : index
        %get3A_215 = tpu.vector_load %arg12[%get3A_213, %get3A_214] {strides = array<i32>} : memref<80x128xf32, #tpu.memory_space<vmem>>, vector<16xf32>,
        %mul3A_216 = arith.mulf %get3A_212, %get3A_215 : vector<16xf32>
        %swap3A_217 = arith.index_cast %scan3A_171 : i32 to index
        %swap3A_218 = arith.constant 64 : index
        %swap3A_219 = tpu.vector_load %arg12[%swap3A_217, %swap3A_218] {strides = array<i32>} : memref<80x128xf32, #tpu.memory_space<vmem>>, vector<16xf32>,
        tpu.vector_store %arg12[%swap3A_217, %swap3A_218], %mul3A_216 {strides = array<i32>} : memref<80x128xf32, #tpu.memory_space<vmem>>, vector<16xf32>,
        %get3A_220 = arith.index_cast %scan3A_171 : i32 to index
        %get3A_221 = arith.constant 80 : index
        %get3A_222 = tpu.vector_load %arg10[%get3A_220, %get3A_221] {strides = array<i32>} : memref<80x128xf32, #tpu.memory_space<vmem>>, vector<16xf32>,
        %get3A_223 = arith.index_cast %scan3A_171 : i32 to index
        %get3A_224 = arith.constant 80 : index
        %get3A_225 = tpu.vector_load %arg12[%get3A_223, %get3A_224] {strides = array<i32>} : memref<80x128xf32, #tpu.memory_space<vmem>>, vector<16xf32>,
        %mul3A_226 = arith.mulf %get3A_222, %get3A_225 : vector<16xf32>
        %swap3A_227 = arith.index_cast %scan3A_171 : i32 to index
        %swap3A_228 = arith.constant 80 : index
        %swap3A_229 = tpu.vector_load %arg12[%swap3A_227, %swap3A_228] {strides = array<i32>} : memref<80x128xf32, #tpu.memory_space<vmem>>, vector<16xf32>,
        tpu.vector_store %arg12[%swap3A_227, %swap3A_228], %mul3A_226 {strides = array<i32>} : memref<80x128xf32, #tpu.memory_space<vmem>>, vector<16xf32>,
        %get3A_230 = arith.index_cast %scan3A_171 : i32 to index
        %get3A_231 = arith.constant 96 : index
        %get3A_232 = tpu.vector_load %arg10[%get3A_230, %get3A_231] {strides = array<i32>} : memref<80x128xf32, #tpu.memory_space<vmem>>, vector<16xf32>,
        %get3A_233 = arith.index_cast %scan3A_171 : i32 to index
        %get3A_234 = arith.constant 96 : index
        %get3A_235 = tpu.vector_load %arg12[%get3A_233, %get3A_234] {strides = array<i32>} : memref<80x128xf32, #tpu.memory_space<vmem>>, vector<16xf32>,
        %mul3A_236 = arith.mulf %get3A_232, %get3A_235 : vector<16xf32>
        %swap3A_237 = arith.index_cast %scan3A_171 : i32 to index
        %swap3A_238 = arith.constant 96 : index
        %swap3A_239 = tpu.vector_load %arg12[%swap3A_237, %swap3A_238] {strides = array<i32>} : memref<80x128xf32, #tpu.memory_space<vmem>>, vector<16xf32>,
        tpu.vector_store %arg12[%swap3A_237, %swap3A_238], %mul3A_236 {strides = array<i32>} : memref<80x128xf32, #tpu.memory_space<vmem>>, vector<16xf32>,
        %get3A_240 = arith.index_cast %scan3A_171 : i32 to index
        %get3A_241 = arith.constant 112 : index
        %get3A_242 = tpu.vector_load %arg10[%get3A_240, %get3A_241] {strides = array<i32>} : memref<80x128xf32, #tpu.memory_space<vmem>>, vector<16xf32>,
        %get3A_243 = arith.index_cast %scan3A_171 : i32 to index
        %get3A_244 = arith.constant 112 : index
        %get3A_245 = tpu.vector_load %arg12[%get3A_243, %get3A_244] {strides = array<i32>} : memref<80x128xf32, #tpu.memory_space<vmem>>, vector<16xf32>,
        %mul3A_246 = arith.mulf %get3A_242, %get3A_245 : vector<16xf32>
        %swap3A_247 = arith.index_cast %scan3A_171 : i32 to index
        %swap3A_248 = arith.constant 112 : index
        %swap3A_249 = tpu.vector_load %arg12[%swap3A_247, %swap3A_248] {strides = array<i32>} : memref<80x128xf32, #tpu.memory_space<vmem>>, vector<16xf32>,
        tpu.vector_store %arg12[%swap3A_247, %swap3A_248], %mul3A_246 {strides = array<i32>} : memref<80x128xf32, #tpu.memory_space<vmem>>, vector<16xf32>,
      }
      %scan3A_170 = arith.constant 80 : i32
      %run_scoped3A = arith.constant 24 : i32
      "tpu.region"() ({
        %run_scoped3A_171 = tpu.sem_alloc : memref<!tpu.dma_semaphore, #tpu.memory_space<semaphore_mem>>
        %dma_start3A_172 = arith.constant 0 : i32
        %dma_start3A_173 = tpu.memref_slice %arg9[%run_scoped3A, %dma_start3A_172] : memref<25x80xi32, #tpu.memory_space<vmem>> -> memref<1x80xi32, #tpu.memory_space<vmem>>
        %dma_start3A_174 = tpu.memref_squeeze %dma_start3A_173 : memref<1x80xi32, #tpu.memory_space<vmem>> -> memref<80xi32, #tpu.memory_space<vmem>>
        %dma_start3A_175 = arith.constant 0 : i32
        %dma_start3A_176 = arith.constant 0 : i32
        %dma_start3A_177 = tpu.memref_slice %arg14[%dma_start3A_175, %dma_start3A_176] : memref<10000x128xf32, #tpu.memory_space<vmem_shared>> -> memref<10000x128xf32, #tpu.memory_space<vmem_shared>>
        tpu.enqueue_indirect_dma source(%arg12 : memref<80x128xf32, #tpu.memory_space<vmem>>) target(%dma_start3A_177 : memref<10000x128xf32, #tpu.memory_space<vmem_shared>>) offsets(%dma_start3A_174 : memref<80xi32, #tpu.memory_space<vmem>>) semaphore(%run_scoped3A_171 : memref<!tpu.dma_semaphore, #tpu.memory_space<semaphore_mem>>) {add = true}
        %dma_wait3A_178 = arith.constant 0 : i32
        %dma_wait3A_179 = tpu.memref_slice %arg9[%run_scoped3A, %dma_wait3A_178] : memref<25x80xi32, #tpu.memory_space<vmem>> -> memref<1x80xi32, #tpu.memory_space<vmem>>
        %dma_wait3A_180 = tpu.memref_squeeze %dma_wait3A_179 : memref<1x80xi32, #tpu.memory_space<vmem>> -> memref<80xi32, #tpu.memory_space<vmem>>
        %dma_wait3A_181 = arith.constant 0 : i32
        %dma_wait3A_182 = arith.constant 0 : i32
        %dma_wait3A_183 = tpu.memref_slice %arg14[%dma_wait3A_181, %dma_wait3A_182] : memref<10000x128xf32, #tpu.memory_space<vmem_shared>> -> memref<10000x128xf32, #tpu.memory_space<vmem_shared>>
        tpu.wait_indirect_dma semaphore(%run_scoped3A_171 : memref<!tpu.dma_semaphore, #tpu.memory_space<semaphore_mem>>) src(%arg12 : memref<80x128xf32, #tpu.memory_space<vmem>>) dst(%dma_wait3A_183 : memref<10000x128xf32, #tpu.memory_space<vmem_shared>>)
        tpu.yield
      }) : () -> ()
    }
    %scan3A_55 = arith.constant 5 : i32
    %barrier3A_56 = arith.constant 0 : index
    tpu.barrier barrier_id(%barrier3A_56)
    %add3A_57 = arith.constant 0 : i32
    %add3A_58 = arith.addi %arg1, %add3A_57 : i32
    %lt3A_59 = arith.constant 125 : i32
    %lt3A_60 = arith.cmpi slt, %add3A_58, %lt3A_59 : i32
    %convert_element_type3A_61 = arith.extui %lt3A_60 : i1 to i32
    %cond3A_62 = arith.constant 0 : i32
    %cond3A_63 = arith.cmpi ne, %convert_element_type3A_61, %cond3A_62 : i32
    scf.if %cond3A_63 {
      %mul3A = arith.constant 80 : i32
      %mul3A_113 = arith.muli %add3A_58, %mul3A : i32
      "tpu.region"() ({
        %run_scoped3A = tpu.sem_alloc : memref<!tpu.dma_semaphore, #tpu.memory_space<semaphore_mem>>
        %dma_start3A = arith.constant 0 : i32
        %dma_start3A_116 = tpu.memref_slice %arg14[%mul3A_113, %dma_start3A] : memref<10000x128xf32, #tpu.memory_space<vmem_shared>> -> memref<80x128xf32, #tpu.memory_space<vmem_shared>>
        %dma_start3A_117 = arith.constant 0 : i32
        %dma_start3A_118 = tpu.memref_slice %arg14[%mul3A_113, %dma_start3A_117] : memref<10000x128xf32, #tpu.memory_space<vmem_shared>> -> memref<80x128xf32, #tpu.memory_space<vmem_shared>>
        tpu.enqueue_dma source(%dma_start3A_118 : memref<80x128xf32, #tpu.memory_space<vmem_shared>>) target(%arg12 : memref<80x128xf32, #tpu.memory_space<vmem>>) target_semaphore(%run_scoped3A : memref<!tpu.dma_semaphore, #tpu.memory_space<semaphore_mem>>)
        %dma_wait3A = arith.constant 0 : i32
        %dma_wait3A_119 = tpu.memref_slice %arg14[%mul3A_113, %dma_wait3A] : memref<10000x128xf32, #tpu.memory_space<vmem_shared>> -> memref<80x128xf32, #tpu.memory_space<vmem_shared>>
        %dma_wait3A_120 = arith.constant 0 : i32
        %dma_wait3A_121 = tpu.memref_slice %arg14[%mul3A_113, %dma_wait3A_120] : memref<10000x128xf32, #tpu.memory_space<vmem_shared>> -> memref<80x128xf32, #tpu.memory_space<vmem_shared>>
        tpu.wait_dma2 semaphore(%run_scoped3A : memref<!tpu.dma_semaphore, #tpu.memory_space<semaphore_mem>>) src(%dma_wait3A_121 : memref<80x128xf32, #tpu.memory_space<vmem_shared>>) dst(%arg12 : memref<80x128xf32, #tpu.memory_space<vmem>>)
        tpu.yield
      }) : () -> ()
      %mul3A_114 = arith.constant 80 : i32
      %mul3A_115 = arith.muli %add3A_58, %mul3A_114 : i32
      "tpu.region"() ({
        %run_scoped3A = tpu.sem_alloc : memref<!tpu.dma_semaphore, #tpu.memory_space<semaphore_mem>>
        %dma_start3A = arith.constant 0 : i32
        %dma_start3A_116 = tpu.memref_slice %arg7[%arg0, %mul3A_115, %dma_start3A] : memref<2x10000x128xf32, #tpu.memory_space<hbm>> -> memref<1x80x128xf32, #tpu.memory_space<hbm>>
        %dma_start3A_117 = tpu.memref_squeeze %dma_start3A_116 : memref<1x80x128xf32, #tpu.memory_space<hbm>> -> memref<80x128xf32, #tpu.memory_space<hbm>>
        %dma_start3A_118 = arith.constant 0 : i32
        %dma_start3A_119 = tpu.memref_slice %arg7[%arg0, %mul3A_115, %dma_start3A_118] : memref<2x10000x128xf32, #tpu.memory_space<hbm>> -> memref<1x80x128xf32, #tpu.memory_space<hbm>>
        %dma_start3A_120 = tpu.memref_squeeze %dma_start3A_119 : memref<1x80x128xf32, #tpu.memory_space<hbm>> -> memref<80x128xf32, #tpu.memory_space<hbm>>
        tpu.enqueue_dma source(%arg12 : memref<80x128xf32, #tpu.memory_space<vmem>>) target(%dma_start3A_120 : memref<80x128xf32, #tpu.memory_space<hbm>>) target_semaphore(%run_scoped3A : memref<!tpu.dma_semaphore, #tpu.memory_space<semaphore_mem>>)
        %dma_wait3A = arith.constant 0 : i32
        %dma_wait3A_121 = tpu.memref_slice %arg7[%arg0, %mul3A_115, %dma_wait3A] : memref<2x10000x128xf32, #tpu.memory_space<hbm>> -> memref<1x80x128xf32, #tpu.memory_space<hbm>>
        %dma_wait3A_122 = tpu.memref_squeeze %dma_wait3A_121 : memref<1x80x128xf32, #tpu.memory_space<hbm>> -> memref<80x128xf32, #tpu.memory_space<hbm>>
        %dma_wait3A_123 = arith.constant 0 : i32
        %dma_wait3A_124 = tpu.memref_slice %arg7[%arg0, %mul3A_115, %dma_wait3A_123] : memref<2x10000x128xf32, #tpu.memory_space<hbm>> -> memref<1x80x128xf32, #tpu.memory_space<hbm>>
        %dma_wait3A_125 = tpu.memref_squeeze %dma_wait3A_124 : memref<1x80x128xf32, #tpu.memory_space<hbm>> -> memref<80x128xf32, #tpu.memory_space<hbm>>
        tpu.wait_dma2 semaphore(%run_scoped3A : memref<!tpu.dma_semaphore, #tpu.memory_space<semaphore_mem>>) src(%arg12 : memref<80x128xf32, #tpu.memory_space<vmem>>) dst(%dma_wait3A_125 : memref<80x128xf32, #tpu.memory_space<hbm>>)
        tpu.yield
      }) : () -> ()
    } else {
    }
    %add3A_64 = arith.constant 16 : i32
    %add3A_65 = arith.addi %arg1, %add3A_64 : i32
    %lt3A_66 = arith.constant 125 : i32
    %lt3A_67 = arith.cmpi slt, %add3A_65, %lt3A_66 : i32
    %convert_element_type3A_68 = arith.extui %lt3A_67 : i1 to i32
    %cond3A_69 = arith.constant 0 : i32
    %cond3A_70 = arith.cmpi ne, %convert_element_type3A_68, %cond3A_69 : i32
    scf.if %cond3A_70 {
      %mul3A = arith.constant 80 : i32
      %mul3A_113 = arith.muli %add3A_65, %mul3A : i32
      "tpu.region"() ({
        %run_scoped3A = tpu.sem_alloc : memref<!tpu.dma_semaphore, #tpu.memory_space<semaphore_mem>>
        %dma_start3A = arith.constant 0 : i32
        %dma_start3A_116 = tpu.memref_slice %arg14[%mul3A_113, %dma_start3A] : memref<10000x128xf32, #tpu.memory_space<vmem_shared>> -> memref<80x128xf32, #tpu.memory_space<vmem_shared>>
        %dma_start3A_117 = arith.constant 0 : i32
        %dma_start3A_118 = tpu.memref_slice %arg14[%mul3A_113, %dma_start3A_117] : memref<10000x128xf32, #tpu.memory_space<vmem_shared>> -> memref<80x128xf32, #tpu.memory_space<vmem_shared>>
        tpu.enqueue_dma source(%dma_start3A_118 : memref<80x128xf32, #tpu.memory_space<vmem_shared>>) target(%arg12 : memref<80x128xf32, #tpu.memory_space<vmem>>) target_semaphore(%run_scoped3A : memref<!tpu.dma_semaphore, #tpu.memory_space<semaphore_mem>>)
        %dma_wait3A = arith.constant 0 : i32
        %dma_wait3A_119 = tpu.memref_slice %arg14[%mul3A_113, %dma_wait3A] : memref<10000x128xf32, #tpu.memory_space<vmem_shared>> -> memref<80x128xf32, #tpu.memory_space<vmem_shared>>
        %dma_wait3A_120 = arith.constant 0 : i32
        %dma_wait3A_121 = tpu.memref_slice %arg14[%mul3A_113, %dma_wait3A_120] : memref<10000x128xf32, #tpu.memory_space<vmem_shared>> -> memref<80x128xf32, #tpu.memory_space<vmem_shared>>
        tpu.wait_dma2 semaphore(%run_scoped3A : memref<!tpu.dma_semaphore, #tpu.memory_space<semaphore_mem>>) src(%dma_wait3A_121 : memref<80x128xf32, #tpu.memory_space<vmem_shared>>) dst(%arg12 : memref<80x128xf32, #tpu.memory_space<vmem>>)
        tpu.yield
      }) : () -> ()
      %mul3A_114 = arith.constant 80 : i32
      %mul3A_115 = arith.muli %add3A_65, %mul3A_114 : i32
      "tpu.region"() ({
        %run_scoped3A = tpu.sem_alloc : memref<!tpu.dma_semaphore, #tpu.memory_space<semaphore_mem>>
        %dma_start3A = arith.constant 0 : i32
        %dma_start3A_116 = tpu.memref_slice %arg7[%arg0, %mul3A_115, %dma_start3A] : memref<2x10000x128xf32, #tpu.memory_space<hbm>> -> memref<1x80x128xf32, #tpu.memory_space<hbm>>
        %dma_start3A_117 = tpu.memref_squeeze %dma_start3A_116 : memref<1x80x128xf32, #tpu.memory_space<hbm>> -> memref<80x128xf32, #tpu.memory_space<hbm>>
        %dma_start3A_118 = arith.constant 0 : i32
        %dma_start3A_119 = tpu.memref_slice %arg7[%arg0, %mul3A_115, %dma_start3A_118] : memref<2x10000x128xf32, #tpu.memory_space<hbm>> -> memref<1x80x128xf32, #tpu.memory_space<hbm>>
        %dma_start3A_120 = tpu.memref_squeeze %dma_start3A_119 : memref<1x80x128xf32, #tpu.memory_space<hbm>> -> memref<80x128xf32, #tpu.memory_space<hbm>>
        tpu.enqueue_dma source(%arg12 : memref<80x128xf32, #tpu.memory_space<vmem>>) target(%dma_start3A_120 : memref<80x128xf32, #tpu.memory_space<hbm>>) target_semaphore(%run_scoped3A : memref<!tpu.dma_semaphore, #tpu.memory_space<semaphore_mem>>)
        %dma_wait3A = arith.constant 0 : i32
        %dma_wait3A_121 = tpu.memref_slice %arg7[%arg0, %mul3A_115, %dma_wait3A] : memref<2x10000x128xf32, #tpu.memory_space<hbm>> -> memref<1x80x128xf32, #tpu.memory_space<hbm>>
        %dma_wait3A_122 = tpu.memref_squeeze %dma_wait3A_121 : memref<1x80x128xf32, #tpu.memory_space<hbm>> -> memref<80x128xf32, #tpu.memory_space<hbm>>
        %dma_wait3A_123 = arith.constant 0 : i32
        %dma_wait3A_124 = tpu.memref_slice %arg7[%arg0, %mul3A_115, %dma_wait3A_123] : memref<2x10000x128xf32, #tpu.memory_space<hbm>> -> memref<1x80x128xf32, #tpu.memory_space<hbm>>
        %dma_wait3A_125 = tpu.memref_squeeze %dma_wait3A_124 : memref<1x80x128xf32, #tpu.memory_space<hbm>> -> memref<80x128xf32, #tpu.memory_space<hbm>>
        tpu.wait_dma2 semaphore(%run_scoped3A : memref<!tpu.dma_semaphore, #tpu.memory_space<semaphore_mem>>) src(%arg12 : memref<80x128xf32, #tpu.memory_space<vmem>>) dst(%dma_wait3A_125 : memref<80x128xf32, #tpu.memory_space<hbm>>)
        tpu.yield
      }) : () -> ()
    } else {
    }
    %add3A_71 = arith.constant 32 : i32
    %add3A_72 = arith.addi %arg1, %add3A_71 : i32
    %lt3A_73 = arith.constant 125 : i32
    %lt3A_74 = arith.cmpi slt, %add3A_72, %lt3A_73 : i32
    %convert_element_type3A_75 = arith.extui %lt3A_74 : i1 to i32
    %cond3A_76 = arith.constant 0 : i32
    %cond3A_77 = arith.cmpi ne, %convert_element_type3A_75, %cond3A_76 : i32
    scf.if %cond3A_77 {
      %mul3A = arith.constant 80 : i32
      %mul3A_113 = arith.muli %add3A_72, %mul3A : i32
      "tpu.region"() ({
        %run_scoped3A = tpu.sem_alloc : memref<!tpu.dma_semaphore, #tpu.memory_space<semaphore_mem>>
        %dma_start3A = arith.constant 0 : i32
        %dma_start3A_116 = tpu.memref_slice %arg14[%mul3A_113, %dma_start3A] : memref<10000x128xf32, #tpu.memory_space<vmem_shared>> -> memref<80x128xf32, #tpu.memory_space<vmem_shared>>
        %dma_start3A_117 = arith.constant 0 : i32
        %dma_start3A_118 = tpu.memref_slice %arg14[%mul3A_113, %dma_start3A_117] : memref<10000x128xf32, #tpu.memory_space<vmem_shared>> -> memref<80x128xf32, #tpu.memory_space<vmem_shared>>
        tpu.enqueue_dma source(%dma_start3A_118 : memref<80x128xf32, #tpu.memory_space<vmem_shared>>) target(%arg12 : memref<80x128xf32, #tpu.memory_space<vmem>>) target_semaphore(%run_scoped3A : memref<!tpu.dma_semaphore, #tpu.memory_space<semaphore_mem>>)
        %dma_wait3A = arith.constant 0 : i32
        %dma_wait3A_119 = tpu.memref_slice %arg14[%mul3A_113, %dma_wait3A] : memref<10000x128xf32, #tpu.memory_space<vmem_shared>> -> memref<80x128xf32, #tpu.memory_space<vmem_shared>>
        %dma_wait3A_120 = arith.constant 0 : i32
        %dma_wait3A_121 = tpu.memref_slice %arg14[%mul3A_113, %dma_wait3A_120] : memref<10000x128xf32, #tpu.memory_space<vmem_shared>> -> memref<80x128xf32, #tpu.memory_space<vmem_shared>>
        tpu.wait_dma2 semaphore(%run_scoped3A : memref<!tpu.dma_semaphore, #tpu.memory_space<semaphore_mem>>) src(%dma_wait3A_121 : memref<80x128xf32, #tpu.memory_space<vmem_shared>>) dst(%arg12 : memref<80x128xf32, #tpu.memory_space<vmem>>)
        tpu.yield
      }) : () -> ()
      %mul3A_114 = arith.constant 80 : i32
      %mul3A_115 = arith.muli %add3A_72, %mul3A_114 : i32
      "tpu.region"() ({
        %run_scoped3A = tpu.sem_alloc : memref<!tpu.dma_semaphore, #tpu.memory_space<semaphore_mem>>
        %dma_start3A = arith.constant 0 : i32
        %dma_start3A_116 = tpu.memref_slice %arg7[%arg0, %mul3A_115, %dma_start3A] : memref<2x10000x128xf32, #tpu.memory_space<hbm>> -> memref<1x80x128xf32, #tpu.memory_space<hbm>>
        %dma_start3A_117 = tpu.memref_squeeze %dma_start3A_116 : memref<1x80x128xf32, #tpu.memory_space<hbm>> -> memref<80x128xf32, #tpu.memory_space<hbm>>
        %dma_start3A_118 = arith.constant 0 : i32
        %dma_start3A_119 = tpu.memref_slice %arg7[%arg0, %mul3A_115, %dma_start3A_118] : memref<2x10000x128xf32, #tpu.memory_space<hbm>> -> memref<1x80x128xf32, #tpu.memory_space<hbm>>
        %dma_start3A_120 = tpu.memref_squeeze %dma_start3A_119 : memref<1x80x128xf32, #tpu.memory_space<hbm>> -> memref<80x128xf32, #tpu.memory_space<hbm>>
        tpu.enqueue_dma source(%arg12 : memref<80x128xf32, #tpu.memory_space<vmem>>) target(%dma_start3A_120 : memref<80x128xf32, #tpu.memory_space<hbm>>) target_semaphore(%run_scoped3A : memref<!tpu.dma_semaphore, #tpu.memory_space<semaphore_mem>>)
        %dma_wait3A = arith.constant 0 : i32
        %dma_wait3A_121 = tpu.memref_slice %arg7[%arg0, %mul3A_115, %dma_wait3A] : memref<2x10000x128xf32, #tpu.memory_space<hbm>> -> memref<1x80x128xf32, #tpu.memory_space<hbm>>
        %dma_wait3A_122 = tpu.memref_squeeze %dma_wait3A_121 : memref<1x80x128xf32, #tpu.memory_space<hbm>> -> memref<80x128xf32, #tpu.memory_space<hbm>>
        %dma_wait3A_123 = arith.constant 0 : i32
        %dma_wait3A_124 = tpu.memref_slice %arg7[%arg0, %mul3A_115, %dma_wait3A_123] : memref<2x10000x128xf32, #tpu.memory_space<hbm>> -> memref<1x80x128xf32, #tpu.memory_space<hbm>>
        %dma_wait3A_125 = tpu.memref_squeeze %dma_wait3A_124 : memref<1x80x128xf32, #tpu.memory_space<hbm>> -> memref<80x128xf32, #tpu.memory_space<hbm>>
        tpu.wait_dma2 semaphore(%run_scoped3A : memref<!tpu.dma_semaphore, #tpu.memory_space<semaphore_mem>>) src(%arg12 : memref<80x128xf32, #tpu.memory_space<vmem>>) dst(%dma_wait3A_125 : memref<80x128xf32, #tpu.memory_space<hbm>>)
        tpu.yield
      }) : () -> ()
    } else {
    }
    %add3A_78 = arith.constant 48 : i32
    %add3A_79 = arith.addi %arg1, %add3A_78 : i32
    %lt3A_80 = arith.constant 125 : i32
    %lt3A_81 = arith.cmpi slt, %add3A_79, %lt3A_80 : i32
    %convert_element_type3A_82 = arith.extui %lt3A_81 : i1 to i32
    %cond3A_83 = arith.constant 0 : i32
    %cond3A_84 = arith.cmpi ne, %convert_element_type3A_82, %cond3A_83 : i32
    scf.if %cond3A_84 {
      %mul3A = arith.constant 80 : i32
      %mul3A_113 = arith.muli %add3A_79, %mul3A : i32
      "tpu.region"() ({
        %run_scoped3A = tpu.sem_alloc : memref<!tpu.dma_semaphore, #tpu.memory_space<semaphore_mem>>
        %dma_start3A = arith.constant 0 : i32
        %dma_start3A_116 = tpu.memref_slice %arg14[%mul3A_113, %dma_start3A] : memref<10000x128xf32, #tpu.memory_space<vmem_shared>> -> memref<80x128xf32, #tpu.memory_space<vmem_shared>>
        %dma_start3A_117 = arith.constant 0 : i32
        %dma_start3A_118 = tpu.memref_slice %arg14[%mul3A_113, %dma_start3A_117] : memref<10000x128xf32, #tpu.memory_space<vmem_shared>> -> memref<80x128xf32, #tpu.memory_space<vmem_shared>>
        tpu.enqueue_dma source(%dma_start3A_118 : memref<80x128xf32, #tpu.memory_space<vmem_shared>>) target(%arg12 : memref<80x128xf32, #tpu.memory_space<vmem>>) target_semaphore(%run_scoped3A : memref<!tpu.dma_semaphore, #tpu.memory_space<semaphore_mem>>)
        %dma_wait3A = arith.constant 0 : i32
        %dma_wait3A_119 = tpu.memref_slice %arg14[%mul3A_113, %dma_wait3A] : memref<10000x128xf32, #tpu.memory_space<vmem_shared>> -> memref<80x128xf32, #tpu.memory_space<vmem_shared>>
        %dma_wait3A_120 = arith.constant 0 : i32
        %dma_wait3A_121 = tpu.memref_slice %arg14[%mul3A_113, %dma_wait3A_120] : memref<10000x128xf32, #tpu.memory_space<vmem_shared>> -> memref<80x128xf32, #tpu.memory_space<vmem_shared>>
        tpu.wait_dma2 semaphore(%run_scoped3A : memref<!tpu.dma_semaphore, #tpu.memory_space<semaphore_mem>>) src(%dma_wait3A_121 : memref<80x128xf32, #tpu.memory_space<vmem_shared>>) dst(%arg12 : memref<80x128xf32, #tpu.memory_space<vmem>>)
        tpu.yield
      }) : () -> ()
      %mul3A_114 = arith.constant 80 : i32
      %mul3A_115 = arith.muli %add3A_79, %mul3A_114 : i32
      "tpu.region"() ({
        %run_scoped3A = tpu.sem_alloc : memref<!tpu.dma_semaphore, #tpu.memory_space<semaphore_mem>>
        %dma_start3A = arith.constant 0 : i32
        %dma_start3A_116 = tpu.memref_slice %arg7[%arg0, %mul3A_115, %dma_start3A] : memref<2x10000x128xf32, #tpu.memory_space<hbm>> -> memref<1x80x128xf32, #tpu.memory_space<hbm>>
        %dma_start3A_117 = tpu.memref_squeeze %dma_start3A_116 : memref<1x80x128xf32, #tpu.memory_space<hbm>> -> memref<80x128xf32, #tpu.memory_space<hbm>>
        %dma_start3A_118 = arith.constant 0 : i32
        %dma_start3A_119 = tpu.memref_slice %arg7[%arg0, %mul3A_115, %dma_start3A_118] : memref<2x10000x128xf32, #tpu.memory_space<hbm>> -> memref<1x80x128xf32, #tpu.memory_space<hbm>>
        %dma_start3A_120 = tpu.memref_squeeze %dma_start3A_119 : memref<1x80x128xf32, #tpu.memory_space<hbm>> -> memref<80x128xf32, #tpu.memory_space<hbm>>
        tpu.enqueue_dma source(%arg12 : memref<80x128xf32, #tpu.memory_space<vmem>>) target(%dma_start3A_120 : memref<80x128xf32, #tpu.memory_space<hbm>>) target_semaphore(%run_scoped3A : memref<!tpu.dma_semaphore, #tpu.memory_space<semaphore_mem>>)
        %dma_wait3A = arith.constant 0 : i32
        %dma_wait3A_121 = tpu.memref_slice %arg7[%arg0, %mul3A_115, %dma_wait3A] : memref<2x10000x128xf32, #tpu.memory_space<hbm>> -> memref<1x80x128xf32, #tpu.memory_space<hbm>>
        %dma_wait3A_122 = tpu.memref_squeeze %dma_wait3A_121 : memref<1x80x128xf32, #tpu.memory_space<hbm>> -> memref<80x128xf32, #tpu.memory_space<hbm>>
        %dma_wait3A_123 = arith.constant 0 : i32
        %dma_wait3A_124 = tpu.memref_slice %arg7[%arg0, %mul3A_115, %dma_wait3A_123] : memref<2x10000x128xf32, #tpu.memory_space<hbm>> -> memref<1x80x128xf32, #tpu.memory_space<hbm>>
        %dma_wait3A_125 = tpu.memref_squeeze %dma_wait3A_124 : memref<1x80x128xf32, #tpu.memory_space<hbm>> -> memref<80x128xf32, #tpu.memory_space<hbm>>
        tpu.wait_dma2 semaphore(%run_scoped3A : memref<!tpu.dma_semaphore, #tpu.memory_space<semaphore_mem>>) src(%arg12 : memref<80x128xf32, #tpu.memory_space<vmem>>) dst(%dma_wait3A_125 : memref<80x128xf32, #tpu.memory_space<hbm>>)
        tpu.yield
      }) : () -> ()
    } else {
    }
    %add3A_85 = arith.constant 64 : i32
    %add3A_86 = arith.addi %arg1, %add3A_85 : i32
    %lt3A_87 = arith.constant 125 : i32
    %lt3A_88 = arith.cmpi slt, %add3A_86, %lt3A_87 : i32
    %convert_element_type3A_89 = arith.extui %lt3A_88 : i1 to i32
    %cond3A_90 = arith.constant 0 : i32
    %cond3A_91 = arith.cmpi ne, %convert_element_type3A_89, %cond3A_90 : i32
    scf.if %cond3A_91 {
      %mul3A = arith.constant 80 : i32
      %mul3A_113 = arith.muli %add3A_86, %mul3A : i32
      "tpu.region"() ({
        %run_scoped3A = tpu.sem_alloc : memref<!tpu.dma_semaphore, #tpu.memory_space<semaphore_mem>>
        %dma_start3A = arith.constant 0 : i32
        %dma_start3A_116 = tpu.memref_slice %arg14[%mul3A_113, %dma_start3A] : memref<10000x128xf32, #tpu.memory_space<vmem_shared>> -> memref<80x128xf32, #tpu.memory_space<vmem_shared>>
        %dma_start3A_117 = arith.constant 0 : i32
        %dma_start3A_118 = tpu.memref_slice %arg14[%mul3A_113, %dma_start3A_117] : memref<10000x128xf32, #tpu.memory_space<vmem_shared>> -> memref<80x128xf32, #tpu.memory_space<vmem_shared>>
        tpu.enqueue_dma source(%dma_start3A_118 : memref<80x128xf32, #tpu.memory_space<vmem_shared>>) target(%arg12 : memref<80x128xf32, #tpu.memory_space<vmem>>) target_semaphore(%run_scoped3A : memref<!tpu.dma_semaphore, #tpu.memory_space<semaphore_mem>>)
        %dma_wait3A = arith.constant 0 : i32
        %dma_wait3A_119 = tpu.memref_slice %arg14[%mul3A_113, %dma_wait3A] : memref<10000x128xf32, #tpu.memory_space<vmem_shared>> -> memref<80x128xf32, #tpu.memory_space<vmem_shared>>
        %dma_wait3A_120 = arith.constant 0 : i32
        %dma_wait3A_121 = tpu.memref_slice %arg14[%mul3A_113, %dma_wait3A_120] : memref<10000x128xf32, #tpu.memory_space<vmem_shared>> -> memref<80x128xf32, #tpu.memory_space<vmem_shared>>
        tpu.wait_dma2 semaphore(%run_scoped3A : memref<!tpu.dma_semaphore, #tpu.memory_space<semaphore_mem>>) src(%dma_wait3A_121 : memref<80x128xf32, #tpu.memory_space<vmem_shared>>) dst(%arg12 : memref<80x128xf32, #tpu.memory_space<vmem>>)
        tpu.yield
      }) : () -> ()
      %mul3A_114 = arith.constant 80 : i32
      %mul3A_115 = arith.muli %add3A_86, %mul3A_114 : i32
      "tpu.region"() ({
        %run_scoped3A = tpu.sem_alloc : memref<!tpu.dma_semaphore, #tpu.memory_space<semaphore_mem>>
        %dma_start3A = arith.constant 0 : i32
        %dma_start3A_116 = tpu.memref_slice %arg7[%arg0, %mul3A_115, %dma_start3A] : memref<2x10000x128xf32, #tpu.memory_space<hbm>> -> memref<1x80x128xf32, #tpu.memory_space<hbm>>
        %dma_start3A_117 = tpu.memref_squeeze %dma_start3A_116 : memref<1x80x128xf32, #tpu.memory_space<hbm>> -> memref<80x128xf32, #tpu.memory_space<hbm>>
        %dma_start3A_118 = arith.constant 0 : i32
        %dma_start3A_119 = tpu.memref_slice %arg7[%arg0, %mul3A_115, %dma_start3A_118] : memref<2x10000x128xf32, #tpu.memory_space<hbm>> -> memref<1x80x128xf32, #tpu.memory_space<hbm>>
        %dma_start3A_120 = tpu.memref_squeeze %dma_start3A_119 : memref<1x80x128xf32, #tpu.memory_space<hbm>> -> memref<80x128xf32, #tpu.memory_space<hbm>>
        tpu.enqueue_dma source(%arg12 : memref<80x128xf32, #tpu.memory_space<vmem>>) target(%dma_start3A_120 : memref<80x128xf32, #tpu.memory_space<hbm>>) target_semaphore(%run_scoped3A : memref<!tpu.dma_semaphore, #tpu.memory_space<semaphore_mem>>)
        %dma_wait3A = arith.constant 0 : i32
        %dma_wait3A_121 = tpu.memref_slice %arg7[%arg0, %mul3A_115, %dma_wait3A] : memref<2x10000x128xf32, #tpu.memory_space<hbm>> -> memref<1x80x128xf32, #tpu.memory_space<hbm>>
        %dma_wait3A_122 = tpu.memref_squeeze %dma_wait3A_121 : memref<1x80x128xf32, #tpu.memory_space<hbm>> -> memref<80x128xf32, #tpu.memory_space<hbm>>
        %dma_wait3A_123 = arith.constant 0 : i32
        %dma_wait3A_124 = tpu.memref_slice %arg7[%arg0, %mul3A_115, %dma_wait3A_123] : memref<2x10000x128xf32, #tpu.memory_space<hbm>> -> memref<1x80x128xf32, #tpu.memory_space<hbm>>
        %dma_wait3A_125 = tpu.memref_squeeze %dma_wait3A_124 : memref<1x80x128xf32, #tpu.memory_space<hbm>> -> memref<80x128xf32, #tpu.memory_space<hbm>>
        tpu.wait_dma2 semaphore(%run_scoped3A : memref<!tpu.dma_semaphore, #tpu.memory_space<semaphore_mem>>) src(%arg12 : memref<80x128xf32, #tpu.memory_space<vmem>>) dst(%dma_wait3A_125 : memref<80x128xf32, #tpu.memory_space<hbm>>)
        tpu.yield
      }) : () -> ()
    } else {
    }
    %add3A_92 = arith.constant 80 : i32
    %add3A_93 = arith.addi %arg1, %add3A_92 : i32
    %lt3A_94 = arith.constant 125 : i32
    %lt3A_95 = arith.cmpi slt, %add3A_93, %lt3A_94 : i32
    %convert_element_type3A_96 = arith.extui %lt3A_95 : i1 to i32
    %cond3A_97 = arith.constant 0 : i32
    %cond3A_98 = arith.cmpi ne, %convert_element_type3A_96, %cond3A_97 : i32
    scf.if %cond3A_98 {
      %mul3A = arith.constant 80 : i32
      %mul3A_113 = arith.muli %add3A_93, %mul3A : i32
      "tpu.region"() ({
        %run_scoped3A = tpu.sem_alloc : memref<!tpu.dma_semaphore, #tpu.memory_space<semaphore_mem>>
        %dma_start3A = arith.constant 0 : i32
        %dma_start3A_116 = tpu.memref_slice %arg14[%mul3A_113, %dma_start3A] : memref<10000x128xf32, #tpu.memory_space<vmem_shared>> -> memref<80x128xf32, #tpu.memory_space<vmem_shared>>
        %dma_start3A_117 = arith.constant 0 : i32
        %dma_start3A_118 = tpu.memref_slice %arg14[%mul3A_113, %dma_start3A_117] : memref<10000x128xf32, #tpu.memory_space<vmem_shared>> -> memref<80x128xf32, #tpu.memory_space<vmem_shared>>
        tpu.enqueue_dma source(%dma_start3A_118 : memref<80x128xf32, #tpu.memory_space<vmem_shared>>) target(%arg12 : memref<80x128xf32, #tpu.memory_space<vmem>>) target_semaphore(%run_scoped3A : memref<!tpu.dma_semaphore, #tpu.memory_space<semaphore_mem>>)
        %dma_wait3A = arith.constant 0 : i32
        %dma_wait3A_119 = tpu.memref_slice %arg14[%mul3A_113, %dma_wait3A] : memref<10000x128xf32, #tpu.memory_space<vmem_shared>> -> memref<80x128xf32, #tpu.memory_space<vmem_shared>>
        %dma_wait3A_120 = arith.constant 0 : i32
        %dma_wait3A_121 = tpu.memref_slice %arg14[%mul3A_113, %dma_wait3A_120] : memref<10000x128xf32, #tpu.memory_space<vmem_shared>> -> memref<80x128xf32, #tpu.memory_space<vmem_shared>>
        tpu.wait_dma2 semaphore(%run_scoped3A : memref<!tpu.dma_semaphore, #tpu.memory_space<semaphore_mem>>) src(%dma_wait3A_121 : memref<80x128xf32, #tpu.memory_space<vmem_shared>>) dst(%arg12 : memref<80x128xf32, #tpu.memory_space<vmem>>)
        tpu.yield
      }) : () -> ()
      %mul3A_114 = arith.constant 80 : i32
      %mul3A_115 = arith.muli %add3A_93, %mul3A_114 : i32
      "tpu.region"() ({
        %run_scoped3A = tpu.sem_alloc : memref<!tpu.dma_semaphore, #tpu.memory_space<semaphore_mem>>
        %dma_start3A = arith.constant 0 : i32
        %dma_start3A_116 = tpu.memref_slice %arg7[%arg0, %mul3A_115, %dma_start3A] : memref<2x10000x128xf32, #tpu.memory_space<hbm>> -> memref<1x80x128xf32, #tpu.memory_space<hbm>>
        %dma_start3A_117 = tpu.memref_squeeze %dma_start3A_116 : memref<1x80x128xf32, #tpu.memory_space<hbm>> -> memref<80x128xf32, #tpu.memory_space<hbm>>
        %dma_start3A_118 = arith.constant 0 : i32
        %dma_start3A_119 = tpu.memref_slice %arg7[%arg0, %mul3A_115, %dma_start3A_118] : memref<2x10000x128xf32, #tpu.memory_space<hbm>> -> memref<1x80x128xf32, #tpu.memory_space<hbm>>
        %dma_start3A_120 = tpu.memref_squeeze %dma_start3A_119 : memref<1x80x128xf32, #tpu.memory_space<hbm>> -> memref<80x128xf32, #tpu.memory_space<hbm>>
        tpu.enqueue_dma source(%arg12 : memref<80x128xf32, #tpu.memory_space<vmem>>) target(%dma_start3A_120 : memref<80x128xf32, #tpu.memory_space<hbm>>) target_semaphore(%run_scoped3A : memref<!tpu.dma_semaphore, #tpu.memory_space<semaphore_mem>>)
        %dma_wait3A = arith.constant 0 : i32
        %dma_wait3A_121 = tpu.memref_slice %arg7[%arg0, %mul3A_115, %dma_wait3A] : memref<2x10000x128xf32, #tpu.memory_space<hbm>> -> memref<1x80x128xf32, #tpu.memory_space<hbm>>
        %dma_wait3A_122 = tpu.memref_squeeze %dma_wait3A_121 : memref<1x80x128xf32, #tpu.memory_space<hbm>> -> memref<80x128xf32, #tpu.memory_space<hbm>>
        %dma_wait3A_123 = arith.constant 0 : i32
        %dma_wait3A_124 = tpu.memref_slice %arg7[%arg0, %mul3A_115, %dma_wait3A_123] : memref<2x10000x128xf32, #tpu.memory_space<hbm>> -> memref<1x80x128xf32, #tpu.memory_space<hbm>>
        %dma_wait3A_125 = tpu.memref_squeeze %dma_wait3A_124 : memref<1x80x128xf32, #tpu.memory_space<hbm>> -> memref<80x128xf32, #tpu.memory_space<hbm>>
        tpu.wait_dma2 semaphore(%run_scoped3A : memref<!tpu.dma_semaphore, #tpu.memory_space<semaphore_mem>>) src(%arg12 : memref<80x128xf32, #tpu.memory_space<vmem>>) dst(%dma_wait3A_125 : memref<80x128xf32, #tpu.memory_space<hbm>>)
        tpu.yield
      }) : () -> ()
    } else {
    }
    %add3A_99 = arith.constant 96 : i32
    %add3A_100 = arith.addi %arg1, %add3A_99 : i32
    %lt3A_101 = arith.constant 125 : i32
    %lt3A_102 = arith.cmpi slt, %add3A_100, %lt3A_101 : i32
    %convert_element_type3A_103 = arith.extui %lt3A_102 : i1 to i32
    %cond3A_104 = arith.constant 0 : i32
    %cond3A_105 = arith.cmpi ne, %convert_element_type3A_103, %cond3A_104 : i32
    scf.if %cond3A_105 {
      %mul3A = arith.constant 80 : i32
      %mul3A_113 = arith.muli %add3A_100, %mul3A : i32
      "tpu.region"() ({
        %run_scoped3A = tpu.sem_alloc : memref<!tpu.dma_semaphore, #tpu.memory_space<semaphore_mem>>
        %dma_start3A = arith.constant 0 : i32
        %dma_start3A_116 = tpu.memref_slice %arg14[%mul3A_113, %dma_start3A] : memref<10000x128xf32, #tpu.memory_space<vmem_shared>> -> memref<80x128xf32, #tpu.memory_space<vmem_shared>>
        %dma_start3A_117 = arith.constant 0 : i32
        %dma_start3A_118 = tpu.memref_slice %arg14[%mul3A_113, %dma_start3A_117] : memref<10000x128xf32, #tpu.memory_space<vmem_shared>> -> memref<80x128xf32, #tpu.memory_space<vmem_shared>>
        tpu.enqueue_dma source(%dma_start3A_118 : memref<80x128xf32, #tpu.memory_space<vmem_shared>>) target(%arg12 : memref<80x128xf32, #tpu.memory_space<vmem>>) target_semaphore(%run_scoped3A : memref<!tpu.dma_semaphore, #tpu.memory_space<semaphore_mem>>)
        %dma_wait3A = arith.constant 0 : i32
        %dma_wait3A_119 = tpu.memref_slice %arg14[%mul3A_113, %dma_wait3A] : memref<10000x128xf32, #tpu.memory_space<vmem_shared>> -> memref<80x128xf32, #tpu.memory_space<vmem_shared>>
        %dma_wait3A_120 = arith.constant 0 : i32
        %dma_wait3A_121 = tpu.memref_slice %arg14[%mul3A_113, %dma_wait3A_120] : memref<10000x128xf32, #tpu.memory_space<vmem_shared>> -> memref<80x128xf32, #tpu.memory_space<vmem_shared>>
        tpu.wait_dma2 semaphore(%run_scoped3A : memref<!tpu.dma_semaphore, #tpu.memory_space<semaphore_mem>>) src(%dma_wait3A_121 : memref<80x128xf32, #tpu.memory_space<vmem_shared>>) dst(%arg12 : memref<80x128xf32, #tpu.memory_space<vmem>>)
        tpu.yield
      }) : () -> ()
      %mul3A_114 = arith.constant 80 : i32
      %mul3A_115 = arith.muli %add3A_100, %mul3A_114 : i32
      "tpu.region"() ({
        %run_scoped3A = tpu.sem_alloc : memref<!tpu.dma_semaphore, #tpu.memory_space<semaphore_mem>>
        %dma_start3A = arith.constant 0 : i32
        %dma_start3A_116 = tpu.memref_slice %arg7[%arg0, %mul3A_115, %dma_start3A] : memref<2x10000x128xf32, #tpu.memory_space<hbm>> -> memref<1x80x128xf32, #tpu.memory_space<hbm>>
        %dma_start3A_117 = tpu.memref_squeeze %dma_start3A_116 : memref<1x80x128xf32, #tpu.memory_space<hbm>> -> memref<80x128xf32, #tpu.memory_space<hbm>>
        %dma_start3A_118 = arith.constant 0 : i32
        %dma_start3A_119 = tpu.memref_slice %arg7[%arg0, %mul3A_115, %dma_start3A_118] : memref<2x10000x128xf32, #tpu.memory_space<hbm>> -> memref<1x80x128xf32, #tpu.memory_space<hbm>>
        %dma_start3A_120 = tpu.memref_squeeze %dma_start3A_119 : memref<1x80x128xf32, #tpu.memory_space<hbm>> -> memref<80x128xf32, #tpu.memory_space<hbm>>
        tpu.enqueue_dma source(%arg12 : memref<80x128xf32, #tpu.memory_space<vmem>>) target(%dma_start3A_120 : memref<80x128xf32, #tpu.memory_space<hbm>>) target_semaphore(%run_scoped3A : memref<!tpu.dma_semaphore, #tpu.memory_space<semaphore_mem>>)
        %dma_wait3A = arith.constant 0 : i32
        %dma_wait3A_121 = tpu.memref_slice %arg7[%arg0, %mul3A_115, %dma_wait3A] : memref<2x10000x128xf32, #tpu.memory_space<hbm>> -> memref<1x80x128xf32, #tpu.memory_space<hbm>>
        %dma_wait3A_122 = tpu.memref_squeeze %dma_wait3A_121 : memref<1x80x128xf32, #tpu.memory_space<hbm>> -> memref<80x128xf32, #tpu.memory_space<hbm>>
        %dma_wait3A_123 = arith.constant 0 : i32
        %dma_wait3A_124 = tpu.memref_slice %arg7[%arg0, %mul3A_115, %dma_wait3A_123] : memref<2x10000x128xf32, #tpu.memory_space<hbm>> -> memref<1x80x128xf32, #tpu.memory_space<hbm>>
        %dma_wait3A_125 = tpu.memref_squeeze %dma_wait3A_124 : memref<1x80x128xf32, #tpu.memory_space<hbm>> -> memref<80x128xf32, #tpu.memory_space<hbm>>
        tpu.wait_dma2 semaphore(%run_scoped3A : memref<!tpu.dma_semaphore, #tpu.memory_space<semaphore_mem>>) src(%arg12 : memref<80x128xf32, #tpu.memory_space<vmem>>) dst(%dma_wait3A_125 : memref<80x128xf32, #tpu.memory_space<hbm>>)
        tpu.yield
      }) : () -> ()
    } else {
    }
    %add3A_106 = arith.constant 112 : i32
    %add3A_107 = arith.addi %arg1, %add3A_106 : i32
    %lt3A_108 = arith.constant 125 : i32
    %lt3A_109 = arith.cmpi slt, %add3A_107, %lt3A_108 : i32
    %convert_element_type3A_110 = arith.extui %lt3A_109 : i1 to i32
    %cond3A_111 = arith.constant 0 : i32
    %cond3A_112 = arith.cmpi ne, %convert_element_type3A_110, %cond3A_111 : i32
    scf.if %cond3A_112 {
      %mul3A = arith.constant 80 : i32
      %mul3A_113 = arith.muli %add3A_107, %mul3A : i32
      "tpu.region"() ({
        %run_scoped3A = tpu.sem_alloc : memref<!tpu.dma_semaphore, #tpu.memory_space<semaphore_mem>>
        %dma_start3A = arith.constant 0 : i32
        %dma_start3A_116 = tpu.memref_slice %arg14[%mul3A_113, %dma_start3A] : memref<10000x128xf32, #tpu.memory_space<vmem_shared>> -> memref<80x128xf32, #tpu.memory_space<vmem_shared>>
        %dma_start3A_117 = arith.constant 0 : i32
        %dma_start3A_118 = tpu.memref_slice %arg14[%mul3A_113, %dma_start3A_117] : memref<10000x128xf32, #tpu.memory_space<vmem_shared>> -> memref<80x128xf32, #tpu.memory_space<vmem_shared>>
        tpu.enqueue_dma source(%dma_start3A_118 : memref<80x128xf32, #tpu.memory_space<vmem_shared>>) target(%arg12 : memref<80x128xf32, #tpu.memory_space<vmem>>) target_semaphore(%run_scoped3A : memref<!tpu.dma_semaphore, #tpu.memory_space<semaphore_mem>>)
        %dma_wait3A = arith.constant 0 : i32
        %dma_wait3A_119 = tpu.memref_slice %arg14[%mul3A_113, %dma_wait3A] : memref<10000x128xf32, #tpu.memory_space<vmem_shared>> -> memref<80x128xf32, #tpu.memory_space<vmem_shared>>
        %dma_wait3A_120 = arith.constant 0 : i32
        %dma_wait3A_121 = tpu.memref_slice %arg14[%mul3A_113, %dma_wait3A_120] : memref<10000x128xf32, #tpu.memory_space<vmem_shared>> -> memref<80x128xf32, #tpu.memory_space<vmem_shared>>
        tpu.wait_dma2 semaphore(%run_scoped3A : memref<!tpu.dma_semaphore, #tpu.memory_space<semaphore_mem>>) src(%dma_wait3A_121 : memref<80x128xf32, #tpu.memory_space<vmem_shared>>) dst(%arg12 : memref<80x128xf32, #tpu.memory_space<vmem>>)
        tpu.yield
      }) : () -> ()
      %mul3A_114 = arith.constant 80 : i32
      %mul3A_115 = arith.muli %add3A_107, %mul3A_114 : i32
      "tpu.region"() ({
        %run_scoped3A = tpu.sem_alloc : memref<!tpu.dma_semaphore, #tpu.memory_space<semaphore_mem>>
        %dma_start3A = arith.constant 0 : i32
        %dma_start3A_116 = tpu.memref_slice %arg7[%arg0, %mul3A_115, %dma_start3A] : memref<2x10000x128xf32, #tpu.memory_space<hbm>> -> memref<1x80x128xf32, #tpu.memory_space<hbm>>
        %dma_start3A_117 = tpu.memref_squeeze %dma_start3A_116 : memref<1x80x128xf32, #tpu.memory_space<hbm>> -> memref<80x128xf32, #tpu.memory_space<hbm>>
        %dma_start3A_118 = arith.constant 0 : i32
        %dma_start3A_119 = tpu.memref_slice %arg7[%arg0, %mul3A_115, %dma_start3A_118] : memref<2x10000x128xf32, #tpu.memory_space<hbm>> -> memref<1x80x128xf32, #tpu.memory_space<hbm>>
        %dma_start3A_120 = tpu.memref_squeeze %dma_start3A_119 : memref<1x80x128xf32, #tpu.memory_space<hbm>> -> memref<80x128xf32, #tpu.memory_space<hbm>>
        tpu.enqueue_dma source(%arg12 : memref<80x128xf32, #tpu.memory_space<vmem>>) target(%dma_start3A_120 : memref<80x128xf32, #tpu.memory_space<hbm>>) target_semaphore(%run_scoped3A : memref<!tpu.dma_semaphore, #tpu.memory_space<semaphore_mem>>)
        %dma_wait3A = arith.constant 0 : i32
        %dma_wait3A_121 = tpu.memref_slice %arg7[%arg0, %mul3A_115, %dma_wait3A] : memref<2x10000x128xf32, #tpu.memory_space<hbm>> -> memref<1x80x128xf32, #tpu.memory_space<hbm>>
        %dma_wait3A_122 = tpu.memref_squeeze %dma_wait3A_121 : memref<1x80x128xf32, #tpu.memory_space<hbm>> -> memref<80x128xf32, #tpu.memory_space<hbm>>
        %dma_wait3A_123 = arith.constant 0 : i32
        %dma_wait3A_124 = tpu.memref_slice %arg7[%arg0, %mul3A_115, %dma_wait3A_123] : memref<2x10000x128xf32, #tpu.memory_space<hbm>> -> memref<1x80x128xf32, #tpu.memory_space<hbm>>
        %dma_wait3A_125 = tpu.memref_squeeze %dma_wait3A_124 : memref<1x80x128xf32, #tpu.memory_space<hbm>> -> memref<80x128xf32, #tpu.memory_space<hbm>>
        tpu.wait_dma2 semaphore(%run_scoped3A : memref<!tpu.dma_semaphore, #tpu.memory_space<semaphore_mem>>) src(%arg12 : memref<80x128xf32, #tpu.memory_space<vmem>>) dst(%dma_wait3A_125 : memref<80x128xf32, #tpu.memory_space<hbm>>)
        tpu.yield
      }) : () -> ()
    } else {
    }
    return
  }
}

module attributes {stable_mosaic.version = 14 : i64} {
  func.func @_tc_radial_body(%arg0: i32, %arg1: memref<1600x1xf32, #tpu.memory_space<vmem>>, %arg2: memref<128x256xbf16, #tpu.memory_space<vmem>>, %arg3: memref<3x256xf32, #tpu.memory_space<vmem>>, %arg4: memref<2x1600x128xf32, #tpu.memory_space<vmem>>) attributes {dimension_semantics = [#tpu.dimension_semantics<arbitrary>], iteration_bounds = array<i64: 100>, scalar_prefetch = 0 : i64, scratch_operands = 0 : i64, tpu.core_type = #tpu.core_type<tc>, window_params = [{transform_indices = @transform_0, window_bounds = array<i64: 1600, 1>}, {pipeline_mode = #tpu.pipeline_mode<synchronous>, transform_indices = @transform_1, window_bounds = array<i64: 128, 256>}, {pipeline_mode = #tpu.pipeline_mode<synchronous>, transform_indices = @transform_2, window_bounds = array<i64: 3, 256>}, {transform_indices = @transform_3, window_bounds = array<i64: 2, 1600, 128>}]} {
    %get3A = arith.constant 0 : index
    %get3A_0 = arith.constant 0 : index
    %get3A_1 = vector.load %arg1[%get3A, %get3A_0] : memref<1600x1xf32, #tpu.memory_space<vmem>>, vector<1600x1xf32>
    %broadcast_in_dim3A = vector.shape_cast %get3A_1 : vector<1600x1xf32> to vector<1600x1xf32>
    %broadcast_in_dim3A_2 = vector.broadcast %broadcast_in_dim3A : vector<1600x1xf32> to vector<1600x128xf32>
    %iota3A = tpu.iota {dimensions = array<i32: 1>} : vector<1600x128xi32>
    %convert_element_type3A = arith.sitofp %iota3A : vector<1600x128xi32> to vector<1600x128xf32>
    %mul3A = arith.constant 1.125000e+00 : f32
    %mul3A_3 = vector.broadcast %mul3A : f32 to vector<1600x128xf32>
    %mul3A_4 = arith.mulf %convert_element_type3A, %mul3A_3 : vector<1600x128xf32>
    %sub3A = arith.subf %broadcast_in_dim3A_2, %mul3A_4 : vector<1600x128xf32>
    %lt3A = arith.constant 9 : i32
    %lt3A_5 = vector.broadcast %lt3A : i32 to vector<1600x128xi32>
    %lt3A_6 = arith.cmpi slt, %iota3A, %lt3A_5 : vector<1600x128xi32>
    %mul3A_7 = arith.mulf %sub3A, %sub3A : vector<1600x128xf32>
    %neg3A = arith.constant 0.000000e+00 : f32
    %neg3A_8 = vector.broadcast %neg3A : f32 to vector<1600x128xf32>
    %neg3A_9 = arith.subf %neg3A_8, %mul3A_7 : vector<1600x128xf32>
    %exp3A = math.exp %neg3A_9 : vector<1600x128xf32>
    %jit3A = arith.constant 0.000000e+00 : f32
    %broadcast_in_dim3A_10 = vector.broadcast %jit3A : f32 to vector<1600x128xf32>
    %select_n3A = arith.select %lt3A_6, %exp3A, %broadcast_in_dim3A_10 : vector<1600x128xi1>, vector<1600x128xf32>
    %convert_element_type3A_11 = arith.truncf %select_n3A : vector<1600x128xf32> to vector<1600x128xbf16>
    %get3A_12 = arith.constant 0 : index
    %get3A_13 = arith.constant 0 : index
    %get3A_14 = vector.load %arg2[%get3A_12, %get3A_13] : memref<128x256xbf16, #tpu.memory_space<vmem>>, vector<128x256xbf16>
    %dot_general3A = arith.constant dense<0.000000e+00> : vector<1600x256xf32>
    %dot_general3A_15 = tpu.matmul %convert_element_type3A_11, %get3A_14, %dot_general3A {dimension_numbers = #tpu.dot_dimension_numbers<[1], [0], [0], [1], [0, 0, 1, 1], [], []>, transpose_lhs_hint = false} : vector<1600x128xbf16>, vector<128x256xbf16>, vector<1600x256xf32> -> vector<1600x256xf32>
    %get3A_16 = arith.constant 0 : index
    %get3A_17 = arith.constant 0 : index
    %get3A_18 = vector.load %arg3[%get3A_16, %get3A_17] : memref<3x256xf32, #tpu.memory_space<vmem>>, vector<1x256xf32>
    %add3A = vector.broadcast %get3A_18 : vector<1x256xf32> to vector<1600x256xf32>
    %add3A_19 = arith.addf %dot_general3A_15, %add3A : vector<1600x256xf32>
    %reduce_sum3A = arith.constant dense<0.000000e+00> : vector<1600xf32>
    %reduce_sum3A_20 = vector.multi_reduction <add>, %add3A_19, %reduce_sum3A [1] : vector<1600x256xf32> to vector<1600xf32>
    %broadcast_in_dim3A_21 = vector.shape_cast %reduce_sum3A_20 : vector<1600xf32> to vector<1600x1xf32>
    %div3A = arith.constant 2.560000e+02 : f32
    %div3A_22 = vector.broadcast %div3A : f32 to vector<1600x1xf32>
    %div3A_23 = arith.divf %broadcast_in_dim3A_21, %div3A_22 : vector<1600x1xf32>
    %mul3A_24 = arith.mulf %add3A_19, %add3A_19 : vector<1600x256xf32>
    %reduce_sum3A_25 = arith.constant dense<0.000000e+00> : vector<1600xf32>
    %reduce_sum3A_26 = vector.multi_reduction <add>, %mul3A_24, %reduce_sum3A_25 [1] : vector<1600x256xf32> to vector<1600xf32>
    %broadcast_in_dim3A_27 = vector.shape_cast %reduce_sum3A_26 : vector<1600xf32> to vector<1600x1xf32>
    %div3A_28 = arith.constant 2.560000e+02 : f32
    %div3A_29 = vector.broadcast %div3A_28 : f32 to vector<1600x1xf32>
    %div3A_30 = arith.divf %broadcast_in_dim3A_27, %div3A_29 : vector<1600x1xf32>
    %mul3A_31 = arith.mulf %div3A_23, %div3A_23 : vector<1600x1xf32>
    %sub3A_32 = arith.subf %div3A_30, %mul3A_31 : vector<1600x1xf32>
    %sub3A_33 = vector.broadcast %div3A_23 : vector<1600x1xf32> to vector<1600x256xf32>
    %sub3A_34 = arith.subf %add3A_19, %sub3A_33 : vector<1600x256xf32>
    %add3A_35 = arith.constant 9.99999974E-6 : f32
    %add3A_36 = vector.broadcast %add3A_35 : f32 to vector<1600x1xf32>
    %add3A_37 = arith.addf %sub3A_32, %add3A_36 : vector<1600x1xf32>
    %rsqrt3A = math.rsqrt %add3A_37 : vector<1600x1xf32>
    %mul3A_38 = vector.broadcast %rsqrt3A : vector<1600x1xf32> to vector<1600x256xf32>
    %mul3A_39 = arith.mulf %sub3A_34, %mul3A_38 : vector<1600x256xf32>
    %get3A_40 = arith.constant 1 : index
    %get3A_41 = arith.constant 0 : index
    %get3A_42 = vector.load %arg3[%get3A_40, %get3A_41] : memref<3x256xf32, #tpu.memory_space<vmem>>, vector<1x256xf32>
    %mul3A_43 = vector.broadcast %get3A_42 : vector<1x256xf32> to vector<1600x256xf32>
    %mul3A_44 = arith.mulf %mul3A_39, %mul3A_43 : vector<1600x256xf32>
    %get3A_45 = arith.constant 2 : index
    %get3A_46 = arith.constant 0 : index
    %get3A_47 = vector.load %arg3[%get3A_45, %get3A_46] : memref<3x256xf32, #tpu.memory_space<vmem>>, vector<1x256xf32>
    %add3A_48 = vector.broadcast %get3A_47 : vector<1x256xf32> to vector<1600x256xf32>
    %add3A_49 = arith.addf %mul3A_44, %add3A_48 : vector<1600x256xf32>
    %mul3A_50 = arith.constant 1.000000e-01 : f32
    %mul3A_51 = vector.broadcast %mul3A_50 : f32 to vector<1600x256xf32>
    %mul3A_52 = arith.mulf %mul3A_51, %add3A_49 : vector<1600x256xf32>
    %max3A = arith.maximumf %add3A_49, %mul3A_52 : vector<1600x256xf32>
    %slice3A = vector.extract_strided_slice %max3A {offsets = [0, 0], sizes = [1600, 128], strides = [1, 1]} : vector<1600x256xf32> to vector<1600x128xf32>
    %swap3A = arith.constant 0 : index
    %swap3A_53 = arith.constant 0 : index
    %swap3A_54 = arith.constant 0 : index
    %swap3A_55 = vector.load %arg4[%swap3A, %swap3A_53, %swap3A_54] : memref<2x1600x128xf32, #tpu.memory_space<vmem>>, vector<1x1600x128xf32>
    %swap3A_56 = vector.shape_cast %swap3A_55 : vector<1x1600x128xf32> to vector<1600x128xf32>
    %swap3A_57 = vector.shape_cast %slice3A : vector<1600x128xf32> to vector<1x1600x128xf32>
    tpu.vector_store %arg4[%swap3A, %swap3A_53, %swap3A_54], %swap3A_57 {strides = array<i32>} : memref<2x1600x128xf32, #tpu.memory_space<vmem>>, vector<1x1600x128xf32>,
    %slice3A_58 = vector.extract_strided_slice %max3A {offsets = [0, 128], sizes = [1600, 128], strides = [1, 1]} : vector<1600x256xf32> to vector<1600x128xf32>
    %swap3A_59 = arith.constant 1 : index
    %swap3A_60 = arith.constant 0 : index
    %swap3A_61 = arith.constant 0 : index
    %swap3A_62 = vector.load %arg4[%swap3A_59, %swap3A_60, %swap3A_61] : memref<2x1600x128xf32, #tpu.memory_space<vmem>>, vector<1x1600x128xf32>
    %swap3A_63 = vector.shape_cast %swap3A_62 : vector<1x1600x128xf32> to vector<1600x128xf32>
    %swap3A_64 = vector.shape_cast %slice3A_58 : vector<1600x128xf32> to vector<1x1600x128xf32>
    tpu.vector_store %arg4[%swap3A_59, %swap3A_60, %swap3A_61], %swap3A_64 {strides = array<i32>} : memref<2x1600x128xf32, #tpu.memory_space<vmem>>, vector<1x1600x128xf32>,
    return
  }
  func.func @transform_0(%arg0: i32) -> (i32, i32) {
    %c0_i32 = arith.constant 0 : i32
    %c0_i32_0 = arith.constant 0 : i32
    return %arg0, %c0_i32 : i32, i32
  }
  func.func @transform_1(%arg0: i32) -> (i32, i32) {
    %c0_i32 = arith.constant 0 : i32
    %c0_i32_0 = arith.constant 0 : i32
    %c0_i32_1 = arith.constant 0 : i32
    return %c0_i32, %c0_i32_0 : i32, i32
  }
  func.func @transform_2(%arg0: i32) -> (i32, i32) {
    %c0_i32 = arith.constant 0 : i32
    %c0_i32_0 = arith.constant 0 : i32
    %c0_i32_1 = arith.constant 0 : i32
    return %c0_i32, %c0_i32_0 : i32, i32
  }
  func.func @transform_3(%arg0: i32) -> (i32, i32, i32) {
    %c0_i32 = arith.constant 0 : i32
    %c0_i32_0 = arith.constant 0 : i32
    %c0_i32_1 = arith.constant 0 : i32
    return %c0_i32, %arg0, %c0_i32_0 : i32, i32, i32
  }
}

module attributes {stable_mosaic.version = 14 : i64} {
  func.func @_tc_body(%arg0: i32, %arg1: memref<400x128xf32, #tpu.memory_space<vmem>>, %arg2: memref<400x128xf32, #tpu.memory_space<vmem>>, %arg3: memref<400x128xf32, #tpu.memory_space<vmem>>, %arg4: memref<400x128xf32, #tpu.memory_space<vmem>>, %arg5: memref<400x256xf32, #tpu.memory_space<vmem>>, %arg6: memref<256x256xf32, #tpu.memory_space<vmem>>, %arg7: memref<256x256xf32, #tpu.memory_space<vmem>>, %arg8: memref<6x256xf32, #tpu.memory_space<vmem>>, %arg9: memref<400x256xf32, #tpu.memory_space<vmem>>) attributes {dimension_semantics = [#tpu.dimension_semantics<arbitrary>], iteration_bounds = array<i64: 25>, scalar_prefetch = 0 : i64, scratch_operands = 0 : i64, tpu.core_type = #tpu.core_type<tc>, window_params = [{transform_indices = @transform_0, window_bounds = array<i64: 400, 128>}, {transform_indices = @transform_1, window_bounds = array<i64: 400, 128>}, {transform_indices = @transform_2, window_bounds = array<i64: 400, 128>}, {transform_indices = @transform_3, window_bounds = array<i64: 400, 128>}, {transform_indices = @transform_4, window_bounds = array<i64: 400, 256>}, {pipeline_mode = #tpu.pipeline_mode<synchronous>, transform_indices = @transform_5, window_bounds = array<i64: 256, 256>}, {pipeline_mode = #tpu.pipeline_mode<synchronous>, transform_indices = @transform_6, window_bounds = array<i64: 256, 256>}, {pipeline_mode = #tpu.pipeline_mode<synchronous>, transform_indices = @transform_7, window_bounds = array<i64: 6, 256>}, {transform_indices = @transform_8, window_bounds = array<i64: 400, 256>}]} {
    %get3A = arith.constant 0 : index
    %get3A_0 = arith.constant 0 : index
    %get3A_1 = vector.load %arg5[%get3A, %get3A_0] : memref<400x256xf32, #tpu.memory_space<vmem>>, vector<400x256xf32>
    %get3A_2 = arith.constant 0 : index
    %get3A_3 = arith.constant 0 : index
    %get3A_4 = vector.load %arg8[%get3A_2, %get3A_3] : memref<6x256xf32, #tpu.memory_space<vmem>>, vector<1x256xf32>
    %get3A_5 = arith.constant 1 : index
    %get3A_6 = arith.constant 0 : index
    %get3A_7 = vector.load %arg8[%get3A_5, %get3A_6] : memref<6x256xf32, #tpu.memory_space<vmem>>, vector<1x256xf32>
    %get3A_8 = arith.constant 2 : index
    %get3A_9 = arith.constant 0 : index
    %get3A_10 = vector.load %arg8[%get3A_8, %get3A_9] : memref<6x256xf32, #tpu.memory_space<vmem>>, vector<1x256xf32>
    %get3A_11 = arith.constant 0 : index
    %get3A_12 = arith.constant 0 : index
    %get3A_13 = vector.load %arg1[%get3A_11, %get3A_12] : memref<400x128xf32, #tpu.memory_space<vmem>>, vector<400x128xf32>
    %get3A_14 = arith.constant 0 : index
    %get3A_15 = arith.constant 0 : index
    %get3A_16 = vector.load %arg2[%get3A_14, %get3A_15] : memref<400x128xf32, #tpu.memory_space<vmem>>, vector<400x128xf32>
    %concatenate3A = tpu.concatenate %get3A_13, %get3A_16 in 1 : vector<400x128xf32>, vector<400x128xf32> -> vector<400x256xf32>
    %get3A_17 = arith.constant 0 : index
    %get3A_18 = arith.constant 0 : index
    %get3A_19 = vector.load %arg6[%get3A_17, %get3A_18] : memref<256x256xf32, #tpu.memory_space<vmem>>, vector<256x256xf32>
    %dot_general3A = arith.constant dense<0.000000e+00> : vector<400x256xf32>
    %dot_general3A_20 = tpu.matmul %concatenate3A, %get3A_19, %dot_general3A {dimension_numbers = #tpu.dot_dimension_numbers<[1], [0], [0], [1], [0, 0, 1, 1], [], []>, transpose_lhs_hint = false} : vector<400x256xf32>, vector<256x256xf32>, vector<400x256xf32> -> vector<400x256xf32>
    %add3A = vector.broadcast %get3A_4 : vector<1x256xf32> to vector<400x256xf32>
    %add3A_21 = arith.addf %dot_general3A_20, %add3A : vector<400x256xf32>
    %reduce_sum3A = arith.constant dense<0.000000e+00> : vector<400xf32>
    %reduce_sum3A_22 = vector.multi_reduction <add>, %add3A_21, %reduce_sum3A [1] : vector<400x256xf32> to vector<400xf32>
    %broadcast_in_dim3A = vector.shape_cast %reduce_sum3A_22 : vector<400xf32> to vector<400x1xf32>
    %div3A = arith.constant 2.560000e+02 : f32
    %div3A_23 = vector.broadcast %div3A : f32 to vector<400x1xf32>
    %div3A_24 = arith.divf %broadcast_in_dim3A, %div3A_23 : vector<400x1xf32>
    %mul3A = arith.mulf %add3A_21, %add3A_21 : vector<400x256xf32>
    %reduce_sum3A_25 = arith.constant dense<0.000000e+00> : vector<400xf32>
    %reduce_sum3A_26 = vector.multi_reduction <add>, %mul3A, %reduce_sum3A_25 [1] : vector<400x256xf32> to vector<400xf32>
    %broadcast_in_dim3A_27 = vector.shape_cast %reduce_sum3A_26 : vector<400xf32> to vector<400x1xf32>
    %div3A_28 = arith.constant 2.560000e+02 : f32
    %div3A_29 = vector.broadcast %div3A_28 : f32 to vector<400x1xf32>
    %div3A_30 = arith.divf %broadcast_in_dim3A_27, %div3A_29 : vector<400x1xf32>
    %mul3A_31 = arith.mulf %div3A_24, %div3A_24 : vector<400x1xf32>
    %sub3A = arith.subf %div3A_30, %mul3A_31 : vector<400x1xf32>
    %sub3A_32 = vector.broadcast %div3A_24 : vector<400x1xf32> to vector<400x256xf32>
    %sub3A_33 = arith.subf %add3A_21, %sub3A_32 : vector<400x256xf32>
    %add3A_34 = arith.constant 9.99999974E-6 : f32
    %add3A_35 = vector.broadcast %add3A_34 : f32 to vector<400x1xf32>
    %add3A_36 = arith.addf %sub3A, %add3A_35 : vector<400x1xf32>
    %rsqrt3A = math.rsqrt %add3A_36 : vector<400x1xf32>
    %mul3A_37 = vector.broadcast %rsqrt3A : vector<400x1xf32> to vector<400x256xf32>
    %mul3A_38 = arith.mulf %sub3A_33, %mul3A_37 : vector<400x256xf32>
    %mul3A_39 = vector.broadcast %get3A_7 : vector<1x256xf32> to vector<400x256xf32>
    %mul3A_40 = arith.mulf %mul3A_38, %mul3A_39 : vector<400x256xf32>
    %add3A_41 = vector.broadcast %get3A_10 : vector<1x256xf32> to vector<400x256xf32>
    %add3A_42 = arith.addf %mul3A_40, %add3A_41 : vector<400x256xf32>
    %mul3A_43 = arith.constant 1.000000e-01 : f32
    %mul3A_44 = vector.broadcast %mul3A_43 : f32 to vector<400x256xf32>
    %mul3A_45 = arith.mulf %mul3A_44, %add3A_42 : vector<400x256xf32>
    %max3A = arith.maximumf %add3A_42, %mul3A_45 : vector<400x256xf32>
    %get3A_46 = arith.constant 3 : index
    %get3A_47 = arith.constant 0 : index
    %get3A_48 = vector.load %arg8[%get3A_46, %get3A_47] : memref<6x256xf32, #tpu.memory_space<vmem>>, vector<1x256xf32>
    %get3A_49 = arith.constant 4 : index
    %get3A_50 = arith.constant 0 : index
    %get3A_51 = vector.load %arg8[%get3A_49, %get3A_50] : memref<6x256xf32, #tpu.memory_space<vmem>>, vector<1x256xf32>
    %get3A_52 = arith.constant 5 : index
    %get3A_53 = arith.constant 0 : index
    %get3A_54 = vector.load %arg8[%get3A_52, %get3A_53] : memref<6x256xf32, #tpu.memory_space<vmem>>, vector<1x256xf32>
    %get3A_55 = arith.constant 0 : index
    %get3A_56 = arith.constant 0 : index
    %get3A_57 = vector.load %arg3[%get3A_55, %get3A_56] : memref<400x128xf32, #tpu.memory_space<vmem>>, vector<400x128xf32>
    %get3A_58 = arith.constant 0 : index
    %get3A_59 = arith.constant 0 : index
    %get3A_60 = vector.load %arg4[%get3A_58, %get3A_59] : memref<400x128xf32, #tpu.memory_space<vmem>>, vector<400x128xf32>
    %concatenate3A_61 = tpu.concatenate %get3A_57, %get3A_60 in 1 : vector<400x128xf32>, vector<400x128xf32> -> vector<400x256xf32>
    %get3A_62 = arith.constant 0 : index
    %get3A_63 = arith.constant 0 : index
    %get3A_64 = vector.load %arg7[%get3A_62, %get3A_63] : memref<256x256xf32, #tpu.memory_space<vmem>>, vector<256x256xf32>
    %dot_general3A_65 = arith.constant dense<0.000000e+00> : vector<400x256xf32>
    %dot_general3A_66 = tpu.matmul %concatenate3A_61, %get3A_64, %dot_general3A_65 {dimension_numbers = #tpu.dot_dimension_numbers<[1], [0], [0], [1], [0, 0, 1, 1], [], []>, transpose_lhs_hint = false} : vector<400x256xf32>, vector<256x256xf32>, vector<400x256xf32> -> vector<400x256xf32>
    %add3A_67 = vector.broadcast %get3A_48 : vector<1x256xf32> to vector<400x256xf32>
    %add3A_68 = arith.addf %dot_general3A_66, %add3A_67 : vector<400x256xf32>
    %reduce_sum3A_69 = arith.constant dense<0.000000e+00> : vector<400xf32>
    %reduce_sum3A_70 = vector.multi_reduction <add>, %add3A_68, %reduce_sum3A_69 [1] : vector<400x256xf32> to vector<400xf32>
    %broadcast_in_dim3A_71 = vector.shape_cast %reduce_sum3A_70 : vector<400xf32> to vector<400x1xf32>
    %div3A_72 = arith.constant 2.560000e+02 : f32
    %div3A_73 = vector.broadcast %div3A_72 : f32 to vector<400x1xf32>
    %div3A_74 = arith.divf %broadcast_in_dim3A_71, %div3A_73 : vector<400x1xf32>
    %mul3A_75 = arith.mulf %add3A_68, %add3A_68 : vector<400x256xf32>
    %reduce_sum3A_76 = arith.constant dense<0.000000e+00> : vector<400xf32>
    %reduce_sum3A_77 = vector.multi_reduction <add>, %mul3A_75, %reduce_sum3A_76 [1] : vector<400x256xf32> to vector<400xf32>
    %broadcast_in_dim3A_78 = vector.shape_cast %reduce_sum3A_77 : vector<400xf32> to vector<400x1xf32>
    %div3A_79 = arith.constant 2.560000e+02 : f32
    %div3A_80 = vector.broadcast %div3A_79 : f32 to vector<400x1xf32>
    %div3A_81 = arith.divf %broadcast_in_dim3A_78, %div3A_80 : vector<400x1xf32>
    %mul3A_82 = arith.mulf %div3A_74, %div3A_74 : vector<400x1xf32>
    %sub3A_83 = arith.subf %div3A_81, %mul3A_82 : vector<400x1xf32>
    %sub3A_84 = vector.broadcast %div3A_74 : vector<400x1xf32> to vector<400x256xf32>
    %sub3A_85 = arith.subf %add3A_68, %sub3A_84 : vector<400x256xf32>
    %add3A_86 = arith.constant 9.99999974E-6 : f32
    %add3A_87 = vector.broadcast %add3A_86 : f32 to vector<400x1xf32>
    %add3A_88 = arith.addf %sub3A_83, %add3A_87 : vector<400x1xf32>
    %rsqrt3A_89 = math.rsqrt %add3A_88 : vector<400x1xf32>
    %mul3A_90 = vector.broadcast %rsqrt3A_89 : vector<400x1xf32> to vector<400x256xf32>
    %mul3A_91 = arith.mulf %sub3A_85, %mul3A_90 : vector<400x256xf32>
    %mul3A_92 = vector.broadcast %get3A_51 : vector<1x256xf32> to vector<400x256xf32>
    %mul3A_93 = arith.mulf %mul3A_91, %mul3A_92 : vector<400x256xf32>
    %add3A_94 = vector.broadcast %get3A_54 : vector<1x256xf32> to vector<400x256xf32>
    %add3A_95 = arith.addf %mul3A_93, %add3A_94 : vector<400x256xf32>
    %mul3A_96 = arith.constant 1.000000e-01 : f32
    %mul3A_97 = vector.broadcast %mul3A_96 : f32 to vector<400x256xf32>
    %mul3A_98 = arith.mulf %mul3A_97, %add3A_95 : vector<400x256xf32>
    %max3A_99 = arith.maximumf %add3A_95, %mul3A_98 : vector<400x256xf32>
    %add3A_100 = arith.addf %max3A, %max3A_99 : vector<400x256xf32>
    %mul3A_101 = arith.constant 5.000000e-01 : f32
    %mul3A_102 = vector.broadcast %mul3A_101 : f32 to vector<400x256xf32>
    %mul3A_103 = arith.mulf %mul3A_102, %add3A_100 : vector<400x256xf32>
    %add3A_104 = arith.addf %mul3A_103, %get3A_1 : vector<400x256xf32>
    %swap3A = arith.constant 0 : index
    %swap3A_105 = arith.constant 0 : index
    %swap3A_106 = vector.load %arg9[%swap3A, %swap3A_105] : memref<400x256xf32, #tpu.memory_space<vmem>>, vector<400x256xf32>
    tpu.vector_store %arg9[%swap3A, %swap3A_105], %add3A_104 {strides = array<i32>} : memref<400x256xf32, #tpu.memory_space<vmem>>, vector<400x256xf32>,
    return
  }
  func.func @transform_0(%arg0: i32) -> (i32, i32) {
    %c0_i32 = arith.constant 0 : i32
    %c0_i32_0 = arith.constant 0 : i32
    return %arg0, %c0_i32 : i32, i32
  }
  func.func @transform_1(%arg0: i32) -> (i32, i32) {
    %c0_i32 = arith.constant 0 : i32
    %c0_i32_0 = arith.constant 0 : i32
    return %arg0, %c0_i32 : i32, i32
  }
  func.func @transform_2(%arg0: i32) -> (i32, i32) {
    %c0_i32 = arith.constant 0 : i32
    %c0_i32_0 = arith.constant 0 : i32
    return %arg0, %c0_i32 : i32, i32
  }
  func.func @transform_3(%arg0: i32) -> (i32, i32) {
    %c0_i32 = arith.constant 0 : i32
    %c0_i32_0 = arith.constant 0 : i32
    return %arg0, %c0_i32 : i32, i32
  }
  func.func @transform_4(%arg0: i32) -> (i32, i32) {
    %c0_i32 = arith.constant 0 : i32
    %c0_i32_0 = arith.constant 0 : i32
    return %arg0, %c0_i32 : i32, i32
  }
  func.func @transform_5(%arg0: i32) -> (i32, i32) {
    %c0_i32 = arith.constant 0 : i32
    %c0_i32_0 = arith.constant 0 : i32
    %c0_i32_1 = arith.constant 0 : i32
    return %c0_i32, %c0_i32_0 : i32, i32
  }
  func.func @transform_6(%arg0: i32) -> (i32, i32) {
    %c0_i32 = arith.constant 0 : i32
    %c0_i32_0 = arith.constant 0 : i32
    %c0_i32_1 = arith.constant 0 : i32
    return %c0_i32, %c0_i32_0 : i32, i32
  }
  func.func @transform_7(%arg0: i32) -> (i32, i32) {
    %c0_i32 = arith.constant 0 : i32
    %c0_i32_0 = arith.constant 0 : i32
    %c0_i32_1 = arith.constant 0 : i32
    return %c0_i32, %c0_i32_0 : i32, i32
  }
  func.func @transform_8(%arg0: i32) -> (i32, i32) {
    %c0_i32 = arith.constant 0 : i32
    %c0_i32_0 = arith.constant 0 : i32
    return %arg0, %c0_i32 : i32, i32
  }
}

</mosaic_0001>

<sc_bundles>
// kernel: kernel.11.cloned.1.call-start
scs
__scs_entry_jumppad:
0x0: {  	(pc) =	sbr.rel $0x88, $3  }
0x1: {  	(tag) =	ssettag $0x0;
	lr =	simm.s32 $0x1  }
0x2: {  	[smem:$0x3F8D] =	sst lr;
	_ =	strace $0xD0000000  }
0x3: {  	_ = 	snop  }
0x4: {  	_ = 	snop  }
0x5: {  	_ = 	snop  }
0x6: {  	_ = 	snop  }
0x7: {  	_ = 	snop  }
__scs_overlays_trampoline_lowered:
0x8: {  	[smem:$0x3F9C] =	sst s0  }
0x9: {  	[smem:$0x3F9D] =	sst s1  }
0xa: {  	[smem:$0x3F9E] =	sst s2  }
0xb: {  	[smem:$0x3F9F] =	sst s3  }
0xc: {  	[smem:$0x3FA0] =	sst s4  }
0xd: {  	[smem:$0x3FA1] =	sst s5  }
0xe: {  	[smem:$0x3FA2] =	sst s6  }
0xf: {  	[smem:$0x3FA3] =	sst s7  }
0x10: {  	[smem:$0x3FA4] =	sst s8  }
0x11: {  	[smem:$0x3FA5] =	sst s9;
	s0 =	simm.s32 @!p0 $0x0  }
0x12: {  	s1 =	sld [smem:$0x3F8B];
	s0 =	simm.s32 @p0 $0x1  }
0x13: {  	[smem:$0x3FA6] =	sst s0;
	s0 =	simm.s32 @!p1 $0x0  }
0x14: {  	s2 =	sld [smem:$0x3F8A];
	s0 =	simm.s32 @p1 $0x1  }
0x15: {  	[smem:$0x3FA7] =	sst s0;
	s0 =	simm.s32 @!p2 $0x0  }
0x16: {  	s3 =	sld [smem:$0x3FDB];
	s0 =	simm.s32 @p2 $0x1  }
0x17: {  	s4 =	simm.s32 $0x1BF5;
	[smem:$0x3FA9] =	sst s0  }
0x18: {  	s0 =	sld [smem:$0x3F8C];
	_ =	swait.ge [sflag:s4], $0x0  }
0x19: {  	s7 =	sld [smem:$0x3F8D]  }
0x1a: {  	s8 =	sadd.s32 $0xFFFFE003, lr  }
0x1b: {  	s9 =	sadd.s32 $0xFFFFFEF7, lr;
	s5 =	simm.s32 $0xFFFFFFFF;
	p2 =	slt.u32 s8, $0xFFFFF086  }
0x1c: {  	p1 =	slt.u32 s9, $0xF7A;
	s5 =	simm.s32 @!p2 $0x0  }
0x1d: {  	s5 =	simm.s32 @p1 $0x1;
	p0 =	seq.s32 s7, s2  }
0x1e: {  	s7 =	smul.u32 @!p0 $0xF7A, s2;
	p2 =	seq.s32 @!p0 s5, $0x0  }
0x1f: {  	s9 =	smul.u32 $0xF7A, s1;
	s8 =	simm.s32 @!p0 $0x1BF5;
	p2 =	por !p2, p0  }
0x20: {  	[sflag:s8] =	ssyncset.s32 @!p0 $0xFFFFF086;
	s6 =	sadd.s32 @!p0 s3, s7;
	s7 =	simm.s32 @!p0 $0x108  }
0x21: {  	s3 =	sadd.s32 s3, s9;
	s6 =	sadd.s32 @!p0 $0x88, s6;
	s7 =	simm.s32 @p2 $0x1082  }
0x22: {  	[simem:s7], [sflag:s8] =	dma.local @!p0 [hbm:s6], $0xF7A  }
0x23: {  	s9 =	sor.u32 $0xD0000000, s2;
	s6 =	simm.s32 $0x108;
	_ =	swait.ge @!p0 [sflag:s8], $0x0  }
0x24: {  	s3 =	sadd.s32 $0x88, s3;
	s6 =	simm.s32 @!p1 $0x1082;
	[sflag:s4] =	ssyncset.s32 $0xFFFFF086  }
0x25: {  	[simem:s6], [sflag:s4] =	dma.local [hbm:s3], $0xF7A  }
0x26: {  	[smem:$0x3F8D] =	sst s1;
	(tag) =	ssettag s2;
	_ =	strace s9  }
0x27: {  	s1 =	sld [smem:$0x3F9D]  }
0x28: {  	s2 =	sld [smem:$0x3F9E]  }
0x29: {  	s4 =	sld [smem:$0x3FA0]  }
0x2a: {  	p0 =	seq.s32 s5, $0x0;
	s5 =	sld [smem:$0x3FA1]  }
0x2b: {  	s6 =	sld [smem:$0x3FA2]  }
0x2c: {  	s7 =	sld [smem:$0x3FA3]  }
0x2d: {  	s3 =	simm.s32 $0x108;
	s8 =	sld [smem:$0x3FA4]  }
0x2e: {  	s3 =	simm.s32 @!p0 $0x1082;
	s9 =	sld [smem:$0x3FA5]  }
0x2f: {  	lr =	sadd.s32 s0, s3;
	s0 =	sld [smem:$0x3F9C]  }
0x30: {  	s3 =	sld [smem:$0x3F9F]  }
0x31: {  	[smem:$0x3FA8] =	sst s10  }
0x32: {  	s10 =	sld [smem:$0x3FA6];
	_ =	sdelay $0x3  }
0x33: {  	p0 =	seq.s32 s10, $0x1;
	s10 =	sld [smem:$0x3FA8];
	_ =	sdelay $0x3  }
0x34: {  	[smem:$0x3FA8] =	sst s10  }
0x35: {  	s10 =	sld [smem:$0x3FA7];
	_ =	sdelay $0x3  }
0x36: {  	p1 =	seq.s32 s10, $0x1;
	s10 =	sld [smem:$0x3FA8];
	_ =	sdelay $0x3  }
0x37: {  	[smem:$0x3FA8] =	sst s10  }
0x38: {  	s10 =	sld [smem:$0x3FA9]  }
0x39: {  	_ = 	snop;
	(pc) =	sbr.ind lr, $3  }
0x3a: {  	_ = 	snop  }
0x3b: {  	_ = 	snop  }
0x3c: {  	p2 =	seq.s32 s10, $0x1;
	s10 =	sld [smem:$0x3FA8]  }
0x3d: {  	_ =	shalt  }
0x3e: {  	_ =	shalt  }
0x3f: {  	_ =	shalt  }
0x40: {  	_ =	shalt  }
0x41: {  	_ =	shalt  }
0x42: {  	_ =	shalt  }
0x43: {  	_ =	shalt  }
0x44: {  	_ =	shalt  }
0x45: {  	_ =	shalt  }
0x46: {  	_ =	shalt  }
0x47: {  	_ =	shalt  }
0x48: {  	_ =	shalt  }
0x49: {  	_ =	shalt  }
0x4a: {  	_ =	shalt  }
0x4b: {  	_ =	shalt  }
0x4c: {  	_ =	shalt  }
0x4d: {  	_ =	shalt  }
0x4e: {  	_ =	shalt  }
0x4f: {  	_ =	shalt  }
0x50: {  	_ =	shalt  }
0x51: {  	_ =	shalt  }
0x52: {  	_ =	shalt  }
0x53: {  	_ =	shalt  }
0x54: {  	_ =	shalt  }
0x55: {  	_ =	shalt  }
0x56: {  	_ =	shalt  }
0x57: {  	_ =	shalt  }
0x58: {  	_ =	shalt  }
0x59: {  	_ =	shalt  }
0x5a: {  	_ =	shalt  }
0x5b: {  	_ =	shalt  }
0x5c: {  	_ =	shalt  }
0x5d: {  	_ =	shalt  }
0x5e: {  	_ =	shalt  }
0x5f: {  	_ =	shalt  }
0x60: {  	_ =	shalt  }
0x61: {  	_ =	shalt  }
0x62: {  	_ =	shalt  }
0x63: {  	_ =	shalt  }
0x64: {  	_ =	shalt  }
0x65: {  	_ =	shalt  }
0x66: {  	_ =	shalt  }
0x67: {  	_ =	shalt  }
0x68: {  	_ =	shalt  }
0x69: {  	_ =	shalt  }
0x6a: {  	_ =	shalt  }
0x6b: {  	_ =	shalt  }
0x6c: {  	_ =	shalt  }
0x6d: {  	_ =	shalt  }
0x6e: {  	_ =	shalt  }
0x6f: {  	_ =	shalt  }
0x70: {  	_ =	shalt  }
0x71: {  	_ =	shalt  }
0x72: {  	_ =	shalt  }
0x73: {  	_ =	shalt  }
0x74: {  	_ =	shalt  }
0x75: {  	_ =	shalt  }
0x76: {  	_ =	shalt  }
0x77: {  	_ =	shalt  }
0x78: {  	_ =	shalt  }
0x79: {  	_ =	shalt  }
0x7a: {  	_ =	shalt  }
0x7b: {  	_ =	shalt  }
0x7c: {  	_ =	shalt  }
0x7d: {  	_ =	shalt  }
0x7e: {  	_ =	shalt  }
0x7f: {  	_ =	shalt  }
0x80: {  	_ =	shalt  }
0x81: {  	_ =	shalt  }
0x82: {  	_ =	shalt  }
0x83: {  	_ =	shalt  }
0x84: {  	_ =	shalt  }
0x85: {  	_ =	shalt  }
0x86: {  	_ =	shalt  }
0x87: {  	_ =	shalt  }
.Lfunc_end0:
.L_simem_size_0:
called_computation.1_lowered:
.L_overlay_start_0:
0x88: {  	s2 =	sld [smem:$0x3FD9]  }
0x89: {  	s3 =	sld [smem:$0x3FFE];
	_ =	sdelay $0x1  }
0x8a: {  	s1 =	srdreg.scid  }
0x8b: {  	s0 =	sand.u32 $0x1, s1  }
0x8c: {  	s17 =	sshll.u32 s0, $0xA;
	s2 =	sadd.s32 s3, s2  }
0x8d: {  	s2 =	sadd.s32 s2, s17  }
0x8e: {  	[smem:$0x3FB4] =	sst s2  }
0x8f: {  	_ = 	snop  }
0x90: {  	s18 =	sld [smem:$0x3FD0];
	(tm) =	ssettm $0x1  }
0x91: {  	s19 =	sld [smem:$0x3FFB];
	_ =	sdelay $0x3  }
0x92: {  	_ =	strace s19  }
0x93: {  	s2 =	sld [smem:$0x3FFC];
	_ =	sdelay $0x3  }
0x94: {  	_ =	strace s2  }
0x95: {  	s2 =	sld [smem:$0x3FFD];
	_ =	sdelay $0x3  }
0x96: {  	_ =	strace s2  }
0x97: {  	_ =	strace $0x8FFFFFFF  }
0x98: {  	s20 =	sld [smem:$0x3FDB];
	_ =	sdelay $0x1  }
0x99: {  	s4 =	simm.s32 $_scs_section_size  }
0x9a: {  	s5 =	simm.s32 $_size__tile_overlayer_lowered;
	s6 =	simm.s32 $_tile_overlayer_lowered  }
0x9b: {  	s7 =	simm.s32 $0x1BFF;
	s21 =	sshll.u32 s6, $0x1;
	s4 =	sadd.s32 s4, s20  }
0x9c: {  	s22 =	simm.s32 $0x0;
	s5 =	sshll.u32 s5, $0x1;
	s6 =	sadd.s32 s21, s4  }
0x9d: {  	[timem:s22], [sflag:s7] =	dma.local [hbm:s6], s5  }
0x9e: {  	_ =	swait.ge [sflag:s7], s5  }
0x9f: {  	s5 =	ssub.s32 $0x0, s5;
	[sflag:s7] =	ssyncset.done $0x0  }
0xa0: {  	[sflag:s7] =	ssyncadd.s32 s5;
	_ =	sdelay $0x1  }
0xa1: {  	s23 =	simm.s32 $0x1B8B  }
0xa2: {  	_ =	swait.ge [sflag:s23], $0x1  }
0xa3: {  	[sflag:s23] =	ssyncset.done $0x0  }
0xa4: {  	[sflag:s23] =	ssyncadd.s32 $0xFFFFFFFF  }
0xa5: {  	s5 =	sld [smem:$0x0]  }
0xa6: {  	s6 =	sand.u32 $0xFFFFFFFE, s1  }
0xa7: {  	p0 =	sne.s32 s1, s6  }
0xa8: {  	s6 =	sshll.u32 @p0 s6, $0xE  }
0xa9: {  	s6 =	sadd.s32 @p0 $0x11B8D, s6;
	s7 =	sshll.u32 @p0 s5, $0x11  }
0xaa: {  	s6 =	sor.u32 @p0 s7, s6  }
0xab: {  	[sflag:s6] =	ssyncadd.remote.s32 @p0 $0x1;
	_ =	sdelay $0x1  }
0xac: {  	s6 =	simm.s32 @p0 $0x1B8D  }
0xad: {  	_ =	swait.eq @p0 [sflag:s6], $0x1  }
0xae: {  	[sflag:s6] =	ssyncadd.s32 @p0 $0xFFFFFFFF  }
0xaf: {  	s7 =	sshll.u32 @!p0 s1, $0xE  }
0xb0: {  	s7 =	sor.u32 @!p0 $0x4000, s7;
	s6 =	simm.s32 @!p0 $0x1B8D  }
0xb1: {  	s5 =	sshll.u32 @!p0 s5, $0x11;
	s7 =	sadd.s32 @!p0 $0x11B8D, s7;
	_ =	swait.eq @!p0 [sflag:s6], $0x1  }
0xb2: {  	s5 =	sor.u32 @!p0 s5, s7;
	[sflag:s6] =	ssyncadd.s32 @!p0 $0xFFFFFFFF  }
0xb3: {  	s25 =	simm.s32 $0x1B8E;
	s24 =	sld [smem:$0x3FFE];
	[sflag:s5] =	ssyncadd.remote.s32 @!p0 $0x1  }
0xb4: {  	s26 =	simm.s32 $execute0_lowered;
	[smem:$0x3FD2] =	sst s25  }
0xb5: {  	s6 =	sshll.u32 s26, $0x1;
	_ =	strace $0x8000004C;
	[dreg:$0x1] =	wrdreg $0xFFFFFFFF  }
0xb6: {  	s28 =	simm.s32 $_size_execute0_lowered;
	s4 =	sadd.s32 s4, s6;
	[dreg:$0x0] =	wrdreg $0x0  }
0xb7: {  	s6 =	sshll.u32 s28, $0x1;
	[dreg:$0x2] =	wrdreg s4  }
0xb8: {  	[dreg:$0x3] =	wrdreg s6  }
0xb9: {  	[dreg:$0x4] =	wrdreg $0xC0  }
0xba: {  	_ =	task [dreg:s22], $0x5FFFF  }
0xbb: {  	[dreg:$0x1] =	wrdreg $0xFFFFFFFF  }
0xbc: {  	[dreg:$0x0] =	wrdreg $0x60  }
0xbd: {  	[dreg:$0x2] =	wrdreg s18  }
0xbe: {  	[dreg:$0x3] =	wrdreg s24  }
0xbf: {  	[dreg:$0x4] =	wrdreg $0xC0000  }
0xc0: {  	[dreg:$0x5] =	wrdreg $0x9  }
0xc1: {  	_ =	task.clear_ibuf [dreg:s22], $0x6FFFF;
	_ =	strace $0x9000004C  }
0xc2: {  	s29 =	simm.s32 $0x9;
	_ =	strace $0x8000004E  }
0xc3: {  	_ =	swait.ge [sflag:s29], $0x1  }
0xc4: {  	[sflag:s29] =	ssyncadd.s32 $0xFFFFFFFF  }
0xc5: {  	_ =	strace $0x9000004E  }
0xc6: {  	_ =	sfence  }
0xc7: {  	s30 =	sld [smem:$0x0];
	_ =	sdelay $0x2  }
0xc8: {  	s31 =	sshll.u32 s1, $0xD;
	s1 =	sshrl.u32 s1, $0x2  }
0xc9: {  	s4 =	sand.u32 $0x4000, s31;
	s1 =	sadd.s32 s1, s30  }
0xca: {  	s0 =	sor.u32 s4, s0;
	s1 =	sshll.u32 s1, $0x11  }
0xcb: {  	s0 =	sor.u32 s1, s0  }
0xcc: {  	s0 =	sadd.s32 $0x8F2B, s0  }
0xcd: {  	[sflag:s0] =	ssyncadd.remote.s32 $0x1  }
0xce: {  	_ =	sfence.sel $0xFFFF  }
0xcf: {  	[dreg:$0x0] =	wrdreg $0xFFFFFFFF;
	(pc) =	sbr.abs _section_cstart, $3  }
0xd0: {  	[dreg:$0x1] =	wrdreg $0xFFFFFFFF  }
0xd1: {  	_ =	task.clear_ibuf [dreg:s22], $0x2FFFF;
	_ =	strace $0x9FFFFFFF  }
0xd2: {  	(tm) =	ssettm $0x7FFFFFFF  }
0xd3: {  	_ =	shalt  }
tec
execute0_lowered:
.L_overlay_start_1:
0x0: {  	(tag) =	ssettag $0x1  }
0x1: {  	s24 =	stileid.u32  }
0x2: {  	s0 =	srdreg.scid;
	s9 =	smul.u32 $0x2800, s24  }
0x3: {  	s0 =	sand.u32 $0x1, s0;
	s31 =	smul.u32 $0x2710, s24  }
0x4: {  	s8 =	sor.u32 $0x10, s24;
	s7 =	smul.u32 $0x138800, s0  }
0x5: {  	s1 =	rddreg [dreg:$0x0];
	s10 =	sor.u32 $0x20, s24;
	s11 =	smul.u32 $0x2800, s8  }
0x6: {  	s6 =	rddreg [dreg:$0x1];
	s13 =	sor.u32 $0x30, s24;
	s14 =	smul.u32 $0x2800, s10  }
0x7: {  	s2 =	rddreg [dreg:$0x2];
	s16 =	sor.u32 $0x40, s24;
	s15 =	smul.u32 $0x2800, s13  }
0x8: {  	s4 =	simm.s32 $0x0;
	s18 =	sor.u32 $0x50, s24;
	s19 =	smul.u32 $0x2800, s16  }
0x9: {  	s30 =	simm.s32 $0x3;
	s21 =	sor.u32 $0x70, s24;
	s20 =	smul.u32 $0x2800, s18  }
0xa: {  	[smem:$0x7FF] =	sst s4;
	s5 =	sadd.s32 $0x17000, s6;
	s23 =	smul.u32 $0x2800, s21  }
0xb: {  	s12 =	sadd.s32 $0x9CA00, s6;
	s3 =	ssub.s32 $0x2, s0;
	s16 =	smul.u32 $0xA000, s16  }
0xc: {  	p0 =	sgt.u32 s24, $0xC;
	s18 =	smul.u32 $0xA000, s18;
	s17 =	sshrl.u32 s3, $0x1  }
0xd: {  	_ =	strace $0x8000004D;
	s29 =	smul.u32 $0x1388000, s0;
	s3 =	ssub.s32 s3, s17  }
0xe: {  	s17 =	sor.u32 $0x60, s24;
	s9 =	sadd.s32 s9, s7;
	s11 =	sadd.s32 s7, s11  }
0xf: {  	s14 =	sadd.s32 s7, s14;
	s15 =	sadd.s32 s7, s15;
	s19 =	sadd.s32 s7, s19  }
0x10: {  	s20 =	sadd.s32 s7, s20;
	s22 =	smul.u32 $0x2800, s17;
	s9 =	sshrl.u32 s9, $0x3  }
0x11: {  	s11 =	sshrl.u32 s11, $0x3;
	s14 =	sshrl.u32 s14, $0x3;
	s25 =	sshrl.u32 s15, $0x3  }
0x12: {  	s9 =	sadd.s32 s12, s9;
	s26 =	sadd.s32 s12, s25;
	s22 =	sadd.s32 s7, s22  }
0x13: {  	s7 =	sadd.s32 s7, s23;
	s23 =	smul.u32 $0xA000, s24;
	[dreg:$0x4] =	wrdreg s9  }
0x14: {  	s9 =	sadd.s32 s12, s11;
	[dreg:$0x7] =	wrdreg s26;
	s11 =	sshrl.u32 s19, $0x3  }
0x15: {  	s26 =	smul.u32 $0xA000, s13;
	[dreg:$0x5] =	wrdreg s9;
	s9 =	sadd.s32 s12, s14  }
0x16: {  	s14 =	sshrl.u32 s20, $0x3;
	s15 =	sshrl.u32 s22, $0x3;
	s20 =	smul.u32 $0xA000, s8  }
0x17: {  	s7 =	sshrl.u32 s7, $0x3;
	s22 =	smul.u32 $0xA000, s10;
	s8 =	sshrl.u32 s16, $0x2  }
0x18: {  	s16 =	smul.u32 $0x50000, s0;
	s0 =	sor.u32 $0x2800, s29;
	[dreg:$0x6] =	wrdreg s9  }
0x19: {  	s9 =	sadd.s32 s12, s11;
	s19 =	sadd.s32 s12, s15;
	s7 =	sadd.s32 s12, s7  }
0x1a: {  	s15 =	sadd.s32 $0xA12800, s6;
	s25 =	sshrl.u32 s23, $0x2;
	[dreg:$0x8] =	wrdreg s9  }
0x1b: {  	s23 =	smul.u32 $0x5000, s24;
	s9 =	sadd.s32 s12, s14;
	[dreg:$0xa] =	wrdreg s19  }
0x1c: {  	[dreg:$0xb] =	wrdreg s7;
	s14 =	sadd.s32 $0x2A00, s6;
	s6 =	sadd.s32 $0x16A00, s6  }
0x1d: {  	s12 =	sshll.u32 s24, $0x6;
	s25 =	sadd.s32 s25, s2;
	s7 =	sshrl.u32 s20, $0x2  }
0x1e: {  	s19 =	smul.u32 $0xA000, s17;
	s20 =	sshrl.u32 s26, $0x2;
	[dreg:$0x9] =	wrdreg s9  }
0x1f: {  	s17 =	sshrl.u32 s18, $0x2;
	[dreg:$0xc] =	wrdreg s6;
	s13 =	sor.u32 $0x1C05, s12  }
0x20: {  	s6 =	sshrl.u32 s22, $0x2;
	s7 =	sadd.s32 s7, s2;
	s22 =	smul.u32 $0xA000, s21  }
0x21: {  	s26 =	sadd.s32 s20, s2;
	s21 =	sadd.s32 s17, s2;
	[dreg:$0xd] =	wrdreg s25  }
0x22: {  	s28 =	sadd.s32 s16, s23;
	s9 =	simm.s32 $0x2000;
	[dreg:$0xe] =	wrdreg s13  }
0x23: {  	s12 =	simm.s32 $0x4800;
	s17 =	simm.s32 $0x2;
	[dreg:$0xf] =	wrdreg s7  }
0x24: {  	s11 =	sadd.s32 s6, s2;
	s13 =	sadd.s32 s8, s2;
	s6 =	sshrl.u32 s19, $0x2  }
0x25: {  	s19 =	smax.u32 s3, $0x1;
	s3 =	simm.s32 $0x5;
	s7 =	simm.s32 $0x50  }
0x26: {  	s8 =	simm.s32 $0x7000;
	[dreg:$0x14] =	wrdreg s19;
	s24 =	smov.u32 s11  }
0x27: {  	s10 =	smov.u32 s13;
	s20 =	sadd.s32 s6, s2;
	[dreg:$0x10] =	wrdreg s24  }
0x28: {  	s18 =	sshrl.u32 s22, $0x2;
	s11 =	simm.s32 $0x9800;
	[dreg:$0x11] =	wrdreg s10  }
0x29: {  	s13 =	simm.s32 $0x1;
	s22 =	sadd.s32 s18, s2;
	[dreg:$0x12] =	wrdreg s20  }
0x2a: {  	s19 =	simm.s32 $0x4;
	s18 =	simm.s32 $0x0;
	[dreg:$0x13] =	wrdreg s22  }
.LBB2_1:
0x2b: {  	[dreg:$0x15] =	wrdreg s18  }
0x2c: {  	s6 =	rddreg [dreg:$0xc]  }
0x2d: {  	s16 =	sshrl.u32 s25, $0x3;
	s18 =	rddreg [dreg:$0xe]  }
0x2e: {  	[spmem:s16], [sflag:s18] =	dma.local [hbm:s6], $0x500  }
0x2f: {  	_ =	swait.ge [sflag:s3], $0x500  }
0x30: {  	[sflag:s3] =	ssyncset.done $0x0;
	s25 =	rddreg [dreg:$0xf]  }
0x31: {  	[sflag:s3] =	ssyncadd.s32 $0xFFFFFB00;
	s16 =	sshrl.u32 s25, $0x3  }
0x32: {  	[spmem:s16], [sflag:s18] =	dma.local [hbm:s6], $0x500  }
0x33: {  	_ =	swait.ge [sflag:s3], $0x500  }
0x34: {  	[sflag:s3] =	ssyncset.done $0x0  }
0x35: {  	s24 =	sshrl.u32 s24, $0x3;
	[sflag:s3] =	ssyncadd.s32 $0xFFFFFB00  }
0x36: {  	[spmem:s24], [sflag:s18] =	dma.local [hbm:s6], $0x500  }
0x37: {  	_ =	swait.ge [sflag:s3], $0x500  }
0x38: {  	[sflag:s3] =	ssyncset.done $0x0  }
0x39: {  	s25 =	sshrl.u32 s26, $0x3;
	[sflag:s3] =	ssyncadd.s32 $0xFFFFFB00  }
0x3a: {  	[spmem:s25], [sflag:s18] =	dma.local [hbm:s6], $0x500  }
0x3b: {  	_ =	swait.ge [sflag:s3], $0x500  }
0x3c: {  	[sflag:s3] =	ssyncset.done $0x0  }
0x3d: {  	s10 =	sshrl.u32 s10, $0x3;
	[sflag:s3] =	ssyncadd.s32 $0xFFFFFB00  }
0x3e: {  	[spmem:s10], [sflag:s18] =	dma.local [hbm:s6], $0x500  }
0x3f: {  	_ =	swait.ge [sflag:s3], $0x500  }
0x40: {  	[sflag:s3] =	ssyncset.done $0x0  }
0x41: {  	s24 =	sshrl.u32 s21, $0x3;
	[sflag:s3] =	ssyncadd.s32 $0xFFFFFB00  }
0x42: {  	[spmem:s24], [sflag:s18] =	dma.local [hbm:s6], $0x500  }
0x43: {  	_ =	swait.ge [sflag:s3], $0x500  }
0x44: {  	[sflag:s3] =	ssyncset.done $0x0  }
0x45: {  	s25 =	sshrl.u32 s20, $0x3;
	[sflag:s3] =	ssyncadd.s32 $0xFFFFFB00  }
0x46: {  	[spmem:s25], [sflag:s18] =	dma.local [hbm:s6], $0x500  }
0x47: {  	_ =	swait.ge [sflag:s3], $0x500  }
0x48: {  	[sflag:s3] =	ssyncset.done $0x0  }
0x49: {  	s16 =	sshrl.u32 @!p0 s22, $0x3;
	[sflag:s3] =	ssyncadd.s32 $0xFFFFFB00  }
0x4a: {  	[spmem:s16], [sflag:s18] =	dma.local @!p0 [hbm:s6], $0x500  }
0x4b: {  	s16 =	simm.s32 @!p0 $0x5  }
0x4c: {  	_ =	swait.ge @!p0 [sflag:s16], $0x500  }
0x4d: {  	[sflag:s16] =	ssyncset.done @!p0 $0x0  }
0x4e: {  	[sflag:s16] =	ssyncadd.s32 @!p0 $0xFFFFFB00  }
0x4f: {  	s22 =	simm.s32 $0x0;
	[bflag:$0x0] =	sbarrier.arrive $0xFFFF  }
.LBB2_2:
0x50: {  	s16 =	sshll.u32 s22, $0xC  }
0x51: {  	s18 =	sadd.s32 s28, s16  }
0x52: {  	s18 =	sshrl.u32 s18, $0x3  }
0x53: {  	s24 =	simm.s32 $0x0;
	s18 =	sadd.s32 s5, s18  }
0x54: {  	[tilespmem:s24], [sflag:$0x5] =	stream.linear.gather [hbm4b:s18+s24], $0xC80, $0x38;
	[tilespmem:$0x1F880] =	vst v63  }
0x55: {  	s16 =	sadd.s32 s23, s16;
	s18 =	smul.u32 $0x7D0, s22;
	_ =	swait.ge [sflag:s3], $0xC80  }
0x56: {  	s6 =	simm.s32 $0x1000;
	s16 =	sshrl.u32 s16, $0x3;
	[sflag:s3] =	ssyncset.done $0x0  }
0x57: {  	s16 =	sadd.s32 s14, s16;
	s25 =	sadd.s32 s31, s18;
	[sflag:s3] =	ssyncadd.s32 $0xFFFFF380  }
0x58: {  	[tilespmem:s6], [sflag:$0x5] =	stream.linear.gather [hbm4b:s16+s24], $0xC80, $0x38;
	[tilespmem:$0x1F880] =	vst v63  }
0x59: {  	s16 =	sshll.u32 s25, $0x7;
	_ =	swait.ge [sflag:s3], $0xC80  }
0x5a: {  	s20 =	sadd.s32 s29, s16;
	[sflag:s3] =	ssyncset.done $0x0  }
0x5b: {  	s18 =	sshrl.u32 s20, $0x3;
	[sflag:s3] =	ssyncadd.s32 $0xFFFFF380  }
0x5c: {  	[tilespmem:s8], [sflag:$0x1] =	stream.indirect.gather [hbm4b:s1+s7], $0x80, s24, s7, $0xb8;
	[tilespmem:$0x1F880] =	vst v63  }
0x5d: {  	s16 =	sadd.s32 s0, s16;
	s18 =	sadd.s32 s15, s18  }
0x5e: {  	[tilespmem:s9], [sflag:$0x3] =	stream.linear.gather [hbm4b:s18+s24], $0x2800, $0x38;
	[tilespmem:$0x1F880] =	vst v63  }
0x5f: {  	s10 =	smov.u32 s26;
	s26 =	simm.s32 $0x80;
	s16 =	sshrl.u32 s16, $0x3  }
0x60: {  	[tilespmem:s11], [sflag:$0x2] =	stream.indirect.gather [hbm4b:s1+s7], $0x80, s26, s7, $0xb8;
	[tilespmem:$0x1F880] =	vst v63  }
0x61: {  	s16 =	sadd.s32 s15, s16  }
0x62: {  	[tilespmem:s12], [sflag:$0x4] =	stream.linear.gather [hbm4b:s16+s24], $0x2800, $0x38;
	[tilespmem:$0x1F880] =	vst v63  }
.LBB2_3:
0x63: {  	_ =	swait.ge [sflag:s13], $0x2800  }
0x64: {  	[sflag:s13] =	ssyncset.done $0x0  }
0x65: {  	[sflag:s13] =	ssyncadd.s32 $0xFFFFD800  }
0x66: {  	_ =	swait.ge [sflag:s30], $0x2800  }
0x67: {  	[sflag:s30] =	ssyncset.done $0x0  }
0x68: {  	s26 =	simm.s32 $0x0;
	[sflag:s30] =	ssyncadd.s32 $0xFFFFD800  }
0x69: {  	v7 =	vld [tilespmem:s26+$0x2000]  }
0x6a: {  	v11 =	vld [tilespmem:s26+$0x2010]  }
0x6b: {  	v5 =	vld [tilespmem:s26+$0x2020]  }
0x6c: {  	v4 =	vld [tilespmem:s26+$0x2030]  }
0x6d: {  	v3 =	vld [tilespmem:s26+$0x2040]  }
0x6e: {  	v2 =	vld [tilespmem:s26+$0x2050]  }
0x6f: {  	v1 =	vld [tilespmem:s26+$0x2060]  }
0x70: {  	v0 =	vld [tilespmem:s26+$0x2070]  }
0x71: {  	v12 =	vld [tilespmem:s26+$0x7000]  }
0x72: {  	v13 =	vld [tilespmem:s26+$0x7010]  }
0x73: {  	v10 =	vld [tilespmem:s26+$0x7020]  }
0x74: {  	v9 =	vld [tilespmem:s26+$0x7030]  }
0x75: {  	v8 =	vld [tilespmem:s26+$0x7040]  }
0x76: {  	v6 =	vld [tilespmem:s26+$0x7050];
	v12 =	vmul.f32 v12, v7  }
0x77: {  	s20 =	smov.u32 s21;
	s16 =	simm.s32 $0x200;
	v11 =	vmul.f32 v13, v11;
	v7 =	vld [tilespmem:s26+$0x7060]  }
.LBB2_4:
0x78: {  	s18 =	sshra.s32 s16, $0x2;
	p1 =	sne.s32 s16, $0x9E00;
	[tilespmem:s26+$0x7000] =	vst v12;
	v5 =	vmul.f32 v10, v5;
	v10 =	vld [tilespmem:s26+$0x7070]  }
0x79: {  	v12 =	vld [tilespmem:s18+$0x2000];
	[tilespmem:s26+$0x7010] =	vst v11;
	v4 =	vmul.f32 v9, v4  }
0x7a: {  	v11 =	vld [tilespmem:s18+$0x2010];
	[tilespmem:s26+$0x7020] =	vst v5;
	v3 =	vmul.f32 v8, v3  }
0x7b: {  	v5 =	vld [tilespmem:s18+$0x2020];
	[tilespmem:s26+$0x7030] =	vst v4;
	v2 =	vmul.f32 v6, v2  }
0x7c: {  	v4 =	vld [tilespmem:s18+$0x2030];
	[tilespmem:s26+$0x7040] =	vst v3;
	v1 =	vmul.f32 v7, v1  }
0x7d: {  	v3 =	vld [tilespmem:s18+$0x2040];
	[tilespmem:s26+$0x7050] =	vst v2;
	v0 =	vmul.f32 v10, v0  }
0x7e: {  	v2 =	vld [tilespmem:s18+$0x2050];
	[tilespmem:s26+$0x7060] =	vst v1  }
0x7f: {  	v1 =	vld [tilespmem:s18+$0x2060];
	[tilespmem:s26+$0x7070] =	vst v0;
	s26 =	smov.u32 s18  }
0x80: {  	v0 =	vld [tilespmem:s26+$0x2070]  }
0x81: {  	v6 =	vld [tilespmem:s26+$0x7000]  }
0x82: {  	v7 =	vld [tilespmem:s26+$0x7010]  }
.Ltmp0:
0x83: {  	v10 =	vld [tilespmem:s26+$0x7020];
	(pc) =	sbr.rel @p1 .LBB2_4-.Ltmp0, $4  }
0x84: {  	v9 =	vld [tilespmem:s26+$0x7030]  }
0x85: {  	v8 =	vld [tilespmem:s26+$0x7040]  }
0x86: {  	v12 =	vmul.f32 v6, v12;
	v6 =	vld [tilespmem:s26+$0x7050]  }
0x87: {  	s16 =	sadd.s32 $0x200, s16;
	v11 =	vmul.f32 v7, v11;
	v7 =	vld [tilespmem:s26+$0x7060]  }
0x88: {  	[tilespmem:s26+$0x7000] =	vst v12;
	v5 =	vmul.f32 v10, v5;
	v10 =	vld [tilespmem:s26+$0x7070]  }
0x89: {  	[tilespmem:s26+$0x7010] =	vst v11;
	v4 =	vmul.f32 v9, v4  }
0x8a: {  	[tilespmem:s26+$0x7020] =	vst v5;
	v3 =	vmul.f32 v8, v3  }
0x8b: {  	[tilespmem:s26+$0x7030] =	vst v4;
	v2 =	vmul.f32 v6, v2  }
0x8c: {  	[tilespmem:s26+$0x7040] =	vst v3;
	v1 =	vmul.f32 v7, v1  }
0x8d: {  	s16 =	sshll.u32 s24, $0x8;
	[tilespmem:s26+$0x7050] =	vst v2;
	v0 =	vmul.f32 v10, v0  }
0x8e: {  	s21 =	sand.u32 $0x3FFFFF00, s16;
	[tilespmem:s26+$0x7060] =	vst v1  }
0x8f: {  	s16 =	sadd.s32 $0x1000, s21;
	[tilespmem:s26+$0x7070] =	vst v0;
	s26 =	sshll.u32 s24, $0x1  }
0x90: {  	[spmem:s2] =	stream.indirect.scatter.add.f32 [tilespmem:s8], [sflag:$0x5], $0x80, s16, s7, $0xb8;
	[tilespmem:$0x1F880] =	vst v63  }
0x91: {  	s6 =	sadd.s32 $0x2, s26  }
0x92: {  	_ =	swait.ge [sflag:s3], $0x2800;
	s16 =	smul.u32 $0x50, s6  }
0x93: {  	s18 =	sshll.u32 s6, $0x7;
	[sflag:s3] =	ssyncset.done $0x0  }
0x94: {  	s18 =	sand.u32 $0x3FFFFF00, s18;
	[sflag:s3] =	ssyncadd.s32 $0xFFFFD800;
	s16 =	sadd.s32 s25, s16  }
0x95: {  	[tilespmem:s8], [sflag:$0x1] =	stream.indirect.gather [hbm4b:s1+s7], $0x80, s18, s7, $0xb8;
	[tilespmem:$0x1F880] =	vst v63  }
0x96: {  	s16 =	sshll.u32 s16, $0x7  }
0x97: {  	s16 =	sadd.s32 s29, s16  }
0x98: {  	s16 =	sshrl.u32 s16, $0x3  }
0x99: {  	s6 =	simm.s32 $0x0;
	s16 =	sadd.s32 s15, s16  }
0x9a: {  	[tilespmem:s9], [sflag:$0x3] =	stream.linear.gather [hbm4b:s16+s6], $0x2800, $0x38;
	[tilespmem:$0x1F880] =	vst v63  }
0x9b: {  	_ =	swait.ge [sflag:s17], $0x2800  }
0x9c: {  	[sflag:s17] =	ssyncset.done $0x0  }
0x9d: {  	[sflag:s17] =	ssyncadd.s32 $0xFFFFD800  }
0x9e: {  	_ =	swait.ge [sflag:s19], $0x2800  }
0x9f: {  	[sflag:s19] =	ssyncset.done $0x0  }
0xa0: {  	s16 =	simm.s32 $0x0;
	[sflag:s19] =	ssyncadd.s32 $0xFFFFD800  }
0xa1: {  	v7 =	vld [tilespmem:s16+$0x4800]  }
0xa2: {  	v11 =	vld [tilespmem:s16+$0x4810]  }
0xa3: {  	v5 =	vld [tilespmem:s16+$0x4820]  }
0xa4: {  	v4 =	vld [tilespmem:s16+$0x4830]  }
0xa5: {  	v3 =	vld [tilespmem:s16+$0x4840]  }
0xa6: {  	v2 =	vld [tilespmem:s16+$0x4850]  }
0xa7: {  	v1 =	vld [tilespmem:s16+$0x4860]  }
0xa8: {  	v0 =	vld [tilespmem:s16+$0x4870]  }
0xa9: {  	v12 =	vld [tilespmem:s16+$0x9800]  }
0xaa: {  	v13 =	vld [tilespmem:s16+$0x9810]  }
0xab: {  	v10 =	vld [tilespmem:s16+$0x9820]  }
0xac: {  	v9 =	vld [tilespmem:s16+$0x9830]  }
0xad: {  	v8 =	vld [tilespmem:s16+$0x9840]  }
0xae: {  	v6 =	vld [tilespmem:s16+$0x9850];
	v12 =	vmul.f32 v12, v7  }
0xaf: {  	s18 =	simm.s32 $0x200;
	v11 =	vmul.f32 v13, v11;
	v7 =	vld [tilespmem:s16+$0x9860]  }
.LBB2_6:
0xb0: {  	s6 =	sshra.s32 s18, $0x2;
	p1 =	sne.s32 s18, $0x9E00;
	[tilespmem:s16+$0x9800] =	vst v12;
	v5 =	vmul.f32 v10, v5;
	v10 =	vld [tilespmem:s16+$0x9870]  }
0xb1: {  	v12 =	vld [tilespmem:s6+$0x4800];
	[tilespmem:s16+$0x9810] =	vst v11;
	v4 =	vmul.f32 v9, v4  }
0xb2: {  	v11 =	vld [tilespmem:s6+$0x4810];
	[tilespmem:s16+$0x9820] =	vst v5;
	v3 =	vmul.f32 v8, v3  }
0xb3: {  	v5 =	vld [tilespmem:s6+$0x4820];
	[tilespmem:s16+$0x9830] =	vst v4;
	v2 =	vmul.f32 v6, v2  }
0xb4: {  	v4 =	vld [tilespmem:s6+$0x4830];
	[tilespmem:s16+$0x9840] =	vst v3;
	v1 =	vmul.f32 v7, v1  }
0xb5: {  	v3 =	vld [tilespmem:s6+$0x4840];
	[tilespmem:s16+$0x9850] =	vst v2;
	v0 =	vmul.f32 v10, v0  }
0xb6: {  	v2 =	vld [tilespmem:s6+$0x4850];
	[tilespmem:s16+$0x9860] =	vst v1  }
0xb7: {  	v1 =	vld [tilespmem:s6+$0x4860];
	[tilespmem:s16+$0x9870] =	vst v0;
	s16 =	smov.u32 s6  }
0xb8: {  	v0 =	vld [tilespmem:s16+$0x4870]  }
0xb9: {  	v6 =	vld [tilespmem:s16+$0x9800]  }
0xba: {  	v7 =	vld [tilespmem:s16+$0x9810]  }
.Ltmp1:
0xbb: {  	v10 =	vld [tilespmem:s16+$0x9820];
	(pc) =	sbr.rel @p1 .LBB2_6-.Ltmp1, $4  }
0xbc: {  	v9 =	vld [tilespmem:s16+$0x9830]  }
0xbd: {  	v8 =	vld [tilespmem:s16+$0x9840]  }
0xbe: {  	v12 =	vmul.f32 v6, v12;
	v6 =	vld [tilespmem:s16+$0x9850]  }
0xbf: {  	s18 =	sadd.s32 $0x200, s18;
	v11 =	vmul.f32 v7, v11;
	v7 =	vld [tilespmem:s16+$0x9860]  }
0xc0: {  	[tilespmem:s16+$0x9800] =	vst v12;
	v5 =	vmul.f32 v10, v5;
	v63 =	vld [tilespmem:s16+$0x9870]  }
0xc1: {  	[tilespmem:s16+$0x9810] =	vst v11;
	v4 =	vmul.f32 v9, v4  }
0xc2: {  	[tilespmem:s16+$0x9820] =	vst v5;
	v3 =	vmul.f32 v8, v3  }
0xc3: {  	[tilespmem:s16+$0x9830] =	vst v4;
	v2 =	vmul.f32 v6, v2  }
0xc4: {  	[tilespmem:s16+$0x9840] =	vst v3;
	v1 =	vmul.f32 v7, v1  }
0xc5: {  	[tilespmem:s16+$0x9850] =	vst v2;
	v0 =	vmul.f32 v63, v0  }
0xc6: {  	p1 =	seq.s32 s24, $0xB;
	[tilespmem:s16+$0x9860] =	vst v1  }
.Ltmp2:
0xc7: {  	s6 =	sadd.s32 $0x1080, s21;
	[tilespmem:s16+$0x9870] =	vst v0;
	(pc) =	sbr.rel @p1 .LBB2_9-.Ltmp2, $4  }
0xc8: {  	[spmem:s2] =	stream.indirect.scatter.add.f32 [tilespmem:s11], [sflag:$0x5], $0x80, s6, s7, $0xb8;
	[tilespmem:$0x1F880] =	vst v63  }
0xc9: {  	_ =	swait.ge [sflag:s3], $0x2800  }
0xca: {  	[sflag:s3] =	ssyncset.done $0x0  }
0xcb: {  	[sflag:s3] =	ssyncadd.s32 $0xFFFFD800  }
0xcc: {  	s6 =	sadd.s32 $0x3, s26  }
0xcd: {  	s16 =	sshll.u32 s6, $0x7  }
0xce: {  	s6 =	smul.u32 $0x50, s6;
	s16 =	sand.u32 $0x3FFFFF80, s16  }
0xcf: {  	[tilespmem:s11], [sflag:$0x2] =	stream.indirect.gather [hbm4b:s1+s7], $0x80, s16, s7, $0xb8;
	[tilespmem:$0x1F880] =	vst v63  }
0xd0: {  	s6 =	sadd.s32 s25, s6  }
.Ltmp3:
0xd1: {  	s6 =	sshll.u32 s6, $0x7;
	(pc) =	sbr.rel .LBB2_3-.Ltmp3, $4  }
0xd2: {  	s6 =	sadd.s32 s29, s6  }
0xd3: {  	s6 =	sshrl.u32 s6, $0x3  }
0xd4: {  	s24 =	sadd.s32 $0x1, s24;
	s21 =	smov.u32 s20;
	s6 =	sadd.s32 s15, s6  }
0xd5: {  	[tilespmem:s12], [sflag:$0x4] =	stream.linear.gather [hbm4b:s6+s4], $0x2800, $0x38;
	[tilespmem:$0x1F880] =	vst v63  }
.LBB2_9:
0xd6: {  	_ =	swait.ge [sflag:s13], $0x2800  }
0xd7: {  	[sflag:s13] =	ssyncset.done $0x0  }
0xd8: {  	[sflag:s13] =	ssyncadd.s32 $0xFFFFD800  }
0xd9: {  	_ =	swait.ge [sflag:s30], $0x2800  }
0xda: {  	[sflag:s30] =	ssyncset.done $0x0  }
0xdb: {  	s16 =	simm.s32 $0x0;
	[sflag:s30] =	ssyncadd.s32 $0xFFFFD800  }
0xdc: {  	v7 =	vld [tilespmem:s16+$0x2000]  }
0xdd: {  	v11 =	vld [tilespmem:s16+$0x2010]  }
0xde: {  	v5 =	vld [tilespmem:s16+$0x2020]  }
0xdf: {  	v4 =	vld [tilespmem:s16+$0x2030]  }
0xe0: {  	v3 =	vld [tilespmem:s16+$0x2040]  }
0xe1: {  	v2 =	vld [tilespmem:s16+$0x2050]  }
0xe2: {  	v1 =	vld [tilespmem:s16+$0x2060]  }
0xe3: {  	v0 =	vld [tilespmem:s16+$0x2070]  }
0xe4: {  	v12 =	vld [tilespmem:s16+$0x7000]  }
0xe5: {  	v13 =	vld [tilespmem:s16+$0x7010]  }
0xe6: {  	v10 =	vld [tilespmem:s16+$0x7020]  }
0xe7: {  	v9 =	vld [tilespmem:s16+$0x7030]  }
0xe8: {  	v8 =	vld [tilespmem:s16+$0x7040]  }
0xe9: {  	v6 =	vld [tilespmem:s16+$0x7050];
	v12 =	vmul.f32 v12, v7  }
0xea: {  	s18 =	simm.s32 $0x200;
	s26 =	smov.u32 s10;
	s21 =	smov.u32 s20;
	v11 =	vmul.f32 v13, v11;
	v7 =	vld [tilespmem:s16+$0x7060]  }
.LBB2_10:
0xeb: {  	s6 =	sshra.s32 s18, $0x2;
	p1 =	sne.s32 s18, $0x9E00;
	[tilespmem:s16+$0x7000] =	vst v12;
	v5 =	vmul.f32 v10, v5;
	v10 =	vld [tilespmem:s16+$0x7070]  }
0xec: {  	v12 =	vld [tilespmem:s6+$0x2000];
	[tilespmem:s16+$0x7010] =	vst v11;
	v4 =	vmul.f32 v9, v4  }
0xed: {  	v11 =	vld [tilespmem:s6+$0x2010];
	[tilespmem:s16+$0x7020] =	vst v5;
	v3 =	vmul.f32 v8, v3  }
0xee: {  	v5 =	vld [tilespmem:s6+$0x2020];
	[tilespmem:s16+$0x7030] =	vst v4;
	v2 =	vmul.f32 v6, v2  }
0xef: {  	v4 =	vld [tilespmem:s6+$0x2030];
	[tilespmem:s16+$0x7040] =	vst v3;
	v1 =	vmul.f32 v7, v1  }
0xf0: {  	v3 =	vld [tilespmem:s6+$0x2040];
	[tilespmem:s16+$0x7050] =	vst v2;
	v0 =	vmul.f32 v10, v0  }
0xf1: {  	v2 =	vld [tilespmem:s6+$0x2050];
	[tilespmem:s16+$0x7060] =	vst v1  }
0xf2: {  	v1 =	vld [tilespmem:s6+$0x2060];
	[tilespmem:s16+$0x7070] =	vst v0;
	s16 =	smov.u32 s6  }
0xf3: {  	v0 =	vld [tilespmem:s16+$0x2070]  }
0xf4: {  	v6 =	vld [tilespmem:s16+$0x7000]  }
0xf5: {  	v7 =	vld [tilespmem:s16+$0x7010]  }
.Ltmp4:
0xf6: {  	v10 =	vld [tilespmem:s16+$0x7020];
	(pc) =	sbr.rel @p1 .LBB2_10-.Ltmp4, $4  }
0xf7: {  	v9 =	vld [tilespmem:s16+$0x7030]  }
0xf8: {  	v8 =	vld [tilespmem:s16+$0x7040]  }
0xf9: {  	v12 =	vmul.f32 v6, v12;
	v6 =	vld [tilespmem:s16+$0x7050]  }
0xfa: {  	s18 =	sadd.s32 $0x200, s18;
	v11 =	vmul.f32 v7, v11;
	v7 =	vld [tilespmem:s16+$0x7060]  }
0xfb: {  	[tilespmem:s16+$0x7000] =	vst v12;
	v5 =	vmul.f32 v10, v5;
	v63 =	vld [tilespmem:s16+$0x7070]  }
0xfc: {  	[tilespmem:s16+$0x7010] =	vst v11;
	v4 =	vmul.f32 v9, v4  }
0xfd: {  	[tilespmem:s16+$0x7020] =	vst v5;
	v3 =	vmul.f32 v8, v3  }
0xfe: {  	[tilespmem:s16+$0x7030] =	vst v4;
	v2 =	vmul.f32 v6, v2  }
0xff: {  	[tilespmem:s16+$0x7040] =	vst v3;
	v1 =	vmul.f32 v7, v1  }
0x100: {  	s22 =	sadd.s32 $0x1, s22;
	[tilespmem:s16+$0x7050] =	vst v2;
	v0 =	vmul.f32 v63, v0  }
0x101: {  	p1 =	sne.s32 s22, $0x5;
	[tilespmem:s16+$0x7060] =	vst v1  }
.Ltmp5:
0x102: {  	s6 =	simm.s32 $0x1C00;
	[tilespmem:s16+$0x7070] =	vst v0;
	(pc) =	sbr.rel @p1 .LBB2_2-.Ltmp5, $4  }
0x103: {  	[spmem:s2] =	stream.indirect.scatter.add.f32 [tilespmem:s8], [sflag:$0x5], $0x80, s6, s7, $0xb8;
	[tilespmem:$0x1F880] =	vst v63  }
0x104: {  	_ =	swait.ge [sflag:s3], $0x2800  }
0x105: {  	[sflag:s3] =	ssyncset.done $0x0  }
0x106: {  	[sflag:s3] =	ssyncadd.s32 $0xFFFFD800  }
0x107: {  	[bflag:$0x0] =	sbarrier.arrive $0xFFFF  }
0x108: {  	s6 =	rddreg [dreg:$0xd]  }
0x109: {  	[tilespmem:s8], [sflag:$0x5] =	stream.linear.gather [spmem:s6], $0x2800, $0x38;
	[tilespmem:$0x1F880] =	vst v63  }
0x10a: {  	_ =	swait.ge [sflag:s3], $0x2800  }
0x10b: {  	[sflag:s3] =	ssyncset.done $0x0  }
0x10c: {  	s22 =	rddreg [dreg:$0x4];
	[sflag:s3] =	ssyncadd.s32 $0xFFFFD800  }
0x10d: {  	[hbm4b:s22+s4] =	stream.linear.scatter [tilespmem:s8], [sflag:$0x5], $0x2800, $0x38;
	[tilespmem:$0x1F880] =	vst v63  }
0x10e: {  	_ =	swait.ge [sflag:s3], $0x2800  }
0x10f: {  	[sflag:s3] =	ssyncset.done $0x0  }
0x110: {  	s24 =	rddreg [dreg:$0xf];
	[sflag:s3] =	ssyncadd.s32 $0xFFFFD800  }
0x111: {  	[tilespmem:s8], [sflag:$0x5] =	stream.linear.gather [spmem:s24], $0x2800, $0x38;
	[tilespmem:$0x1F880] =	vst v63  }
0x112: {  	_ =	swait.ge [sflag:s3], $0x2800  }
0x113: {  	[sflag:s3] =	ssyncset.done $0x0  }
0x114: {  	s25 =	rddreg [dreg:$0x5];
	[sflag:s3] =	ssyncadd.s32 $0xFFFFD800  }
0x115: {  	[hbm4b:s25+s4] =	stream.linear.scatter [tilespmem:s8], [sflag:$0x5], $0x2800, $0x38;
	[tilespmem:$0x1F880] =	vst v63  }
0x116: {  	_ =	swait.ge [sflag:s3], $0x2800  }
0x117: {  	[sflag:s3] =	ssyncset.done $0x0  }
0x118: {  	s24 =	rddreg [dreg:$0x10];
	[sflag:s3] =	ssyncadd.s32 $0xFFFFD800  }
0x119: {  	[tilespmem:s8], [sflag:$0x5] =	stream.linear.gather [spmem:s24], $0x2800, $0x38;
	[tilespmem:$0x1F880] =	vst v63  }
0x11a: {  	_ =	swait.ge [sflag:s3], $0x2800  }
0x11b: {  	[sflag:s3] =	ssyncset.done $0x0  }
0x11c: {  	s10 =	rddreg [dreg:$0x6];
	[sflag:s3] =	ssyncadd.s32 $0xFFFFD800  }
0x11d: {  	[hbm4b:s10+s4] =	stream.linear.scatter [tilespmem:s8], [sflag:$0x5], $0x2800, $0x38;
	[tilespmem:$0x1F880] =	vst v63  }
0x11e: {  	_ =	swait.ge [sflag:s3], $0x2800  }
0x11f: {  	[sflag:s3] =	ssyncset.done $0x0  }
0x120: {  	[sflag:s3] =	ssyncadd.s32 $0xFFFFD800  }
0x121: {  	[tilespmem:s8], [sflag:$0x5] =	stream.linear.gather [spmem:s26], $0x2800, $0x38;
	[tilespmem:$0x1F880] =	vst v63  }
0x122: {  	_ =	swait.ge [sflag:s3], $0x2800  }
0x123: {  	[sflag:s3] =	ssyncset.done $0x0  }
0x124: {  	s16 =	rddreg [dreg:$0x7];
	[sflag:s3] =	ssyncadd.s32 $0xFFFFD800  }
0x125: {  	[hbm4b:s16+s4] =	stream.linear.scatter [tilespmem:s8], [sflag:$0x5], $0x2800, $0x38;
	[tilespmem:$0x1F880] =	vst v63  }
0x126: {  	_ =	swait.ge [sflag:s3], $0x2800  }
0x127: {  	[sflag:s3] =	ssyncset.done $0x0  }
0x128: {  	s10 =	rddreg [dreg:$0x11];
	[sflag:s3] =	ssyncadd.s32 $0xFFFFD800  }
0x129: {  	[tilespmem:s8], [sflag:$0x5] =	stream.linear.gather [spmem:s10], $0x2800, $0x38;
	[tilespmem:$0x1F880] =	vst v63  }
0x12a: {  	_ =	swait.ge [sflag:s3], $0x2800  }
0x12b: {  	[sflag:s3] =	ssyncset.done $0x0  }
0x12c: {  	s18 =	rddreg [dreg:$0x8];
	[sflag:s3] =	ssyncadd.s32 $0xFFFFD800  }
0x12d: {  	[hbm4b:s18+s4] =	stream.linear.scatter [tilespmem:s8], [sflag:$0x5], $0x2800, $0x38;
	[tilespmem:$0x1F880] =	vst v63  }
0x12e: {  	_ =	swait.ge [sflag:s3], $0x2800  }
0x12f: {  	[sflag:s3] =	ssyncset.done $0x0  }
0x130: {  	[sflag:s3] =	ssyncadd.s32 $0xFFFFD800  }
0x131: {  	[tilespmem:s8], [sflag:$0x5] =	stream.linear.gather [spmem:s21], $0x2800, $0x38;
	[tilespmem:$0x1F880] =	vst v63  }
0x132: {  	_ =	swait.ge [sflag:s3], $0x2800  }
0x133: {  	[sflag:s3] =	ssyncset.done $0x0  }
0x134: {  	s21 =	rddreg [dreg:$0x9];
	[sflag:s3] =	ssyncadd.s32 $0xFFFFD800  }
0x135: {  	[hbm4b:s21+s4] =	stream.linear.scatter [tilespmem:s8], [sflag:$0x5], $0x2800, $0x38;
	[tilespmem:$0x1F880] =	vst v63  }
0x136: {  	_ =	swait.ge [sflag:s3], $0x2800  }
0x137: {  	[sflag:s3] =	ssyncset.done $0x0  }
0x138: {  	s25 =	rddreg [dreg:$0x12];
	[sflag:s3] =	ssyncadd.s32 $0xFFFFD800  }
0x139: {  	[tilespmem:s8], [sflag:$0x5] =	stream.linear.gather [spmem:s25], $0x2800, $0x38;
	[tilespmem:$0x1F880] =	vst v63  }
0x13a: {  	_ =	swait.ge [sflag:s3], $0x2800  }
0x13b: {  	[sflag:s3] =	ssyncset.done $0x0  }
0x13c: {  	s22 =	rddreg [dreg:$0xa];
	[sflag:s3] =	ssyncadd.s32 $0xFFFFD800  }
0x13d: {  	[hbm4b:s22+s4] =	stream.linear.scatter [tilespmem:s8], [sflag:$0x5], $0x2800, $0x38;
	[tilespmem:$0x1F880] =	vst v63  }
0x13e: {  	_ =	swait.ge [sflag:s3], $0x2800  }
0x13f: {  	s6 =	simm.s32 @!p0 $0x7000;
	[sflag:s3] =	ssyncset.done $0x0  }
0x140: {  	s16 =	simm.s32 @!p0 $0x5;
	s22 =	rddreg [dreg:$0x13];
	[sflag:s3] =	ssyncadd.s32 $0xFFFFD800  }
0x141: {  	[tilespmem:s6], [sflag:$0x5] =	stream.linear.gather @!p0 [spmem:s22], $0x2800, $0x38;
	[tilespmem:$0x1F880] =	vst v63  }
0x142: {  	_ =	swait.ge @!p0 [sflag:s16], $0x2800  }
0x143: {  	[sflag:s16] =	ssyncset.done @!p0 $0x0  }
0x144: {  	s18 =	simm.s32 @!p0 $0x0;
	s21 =	rddreg [dreg:$0xb];
	[sflag:s16] =	ssyncadd.s32 @!p0 $0xFFFFD800  }
0x145: {  	[hbm4b:s21+s18] =	stream.linear.scatter @!p0 [tilespmem:s6], [sflag:$0x5], $0x2800, $0x38;
	[tilespmem:$0x1F880] =	vst v63  }
0x146: {  	s21 =	smov.u32 s20  }
0x147: {  	s20 =	smov.u32 s25;
	s25 =	rddreg [dreg:$0xd];
	_ =	swait.ge @!p0 [sflag:s16], $0x2800  }
0x148: {  	s6 =	rddreg [dreg:$0x15]  }
0x149: {  	s18 =	sadd.s32 $0x1, s6;
	s6 =	rddreg [dreg:$0x14]  }
0x14a: {  	p1 =	sne.s32 s18, s6  }
.Ltmp6:
0x14b: {  	_ = 	snop;
	(pc) =	sbr.rel @p1 .LBB2_1-.Ltmp6, $3  }
0x14c: {  	_ =	sdelay $0x1  }
0x14d: {  	[sflag:s16] =	ssyncset.done @!p0 $0x0  }
0x14e: {  	[sflag:s16] =	ssyncadd.s32 @!p0 $0xFFFFD800  }
0x14f: {  	_ =	sfence.sel $0x180000  }
0x150: {  	[bflag:$0x0] =	sbarrier.arrive $0xFFFF  }
0x151: {  	_ =	strace $0x9000004D  }
0x152: {  	s0 =	stileid.u32;
	[bflag:$0x2] =	sbarrier.arrive $0xFFFF  }
0x153: {  	p0 =	sne.s32 s0, $0x0;
	s0 =	rddreg [dreg:$0x3]  }
0x154: {  	s0 =	sadd.s32 @!p0 $0x100000, s0  }
0x155: {  	[sflag:s0] =	ssyncadd.tile.s32 @!p0 $0x1;
	_ =	shalt  }
.Lfunc_end2:
_tile_overlayer_lowered:
.L_overlay_start_2:
0x156: {  	(tag) =	ssettag $0x2  }
0x157: {  	s0 =	rddreg [dreg:$0x0];
	s2 =	stileid.u32  }
0x158: {  	s1 =	rddreg [dreg:$0x1];
	p0 =	sne.s32 s2, $0x0  }
0x159: {  	s3 =	rddreg [dreg:$0x2];
	[bflag:$0x3] =	sbarrier.arrive $0xFFFF;
	s2 =	simm.s32 @!p0 $0x1C05  }
0x15a: {  	[timem:s3], [sflag:s2] =	dma.local @!p0 [hbm:s0], s1  }
0x15b: {  	s0 =	simm.s32 @!p0 $0x5  }
0x15c: {  	_ =	swait.ge @!p0 [sflag:s0], s1  }
0x15d: {  	s1 =	ssub.s32 @!p0 $0x0, s1;
	[sflag:s0] =	ssyncset.done @!p0 $0x0  }
0x15e: {  	[sflag:s0] =	ssyncadd.s32 @!p0 s1  }
0x15f: {  	[bflag:$0x3] =	sbarrier.arrive $0xFFFF  }
0x160: {  	_ =	shalt  }

// kernel: kernel.14.cloned.1.call-start
scs
__scs_entry_jumppad:
0x0: {  	(pc) =	sbr.rel $0x88, $3  }
0x1: {  	(tag) =	ssettag $0x0;
	lr =	simm.s32 $0x1  }
0x2: {  	[smem:$0x3F8D] =	sst lr;
	_ =	strace $0xD0000000  }
0x3: {  	_ = 	snop  }
0x4: {  	_ = 	snop  }
0x5: {  	_ = 	snop  }
0x6: {  	_ = 	snop  }
0x7: {  	_ = 	snop  }
__scs_overlays_trampoline_lowered:
0x8: {  	[smem:$0x3F9C] =	sst s0  }
0x9: {  	[smem:$0x3F9D] =	sst s1  }
0xa: {  	[smem:$0x3F9E] =	sst s2  }
0xb: {  	[smem:$0x3F9F] =	sst s3  }
0xc: {  	[smem:$0x3FA0] =	sst s4  }
0xd: {  	[smem:$0x3FA1] =	sst s5  }
0xe: {  	[smem:$0x3FA2] =	sst s6  }
0xf: {  	[smem:$0x3FA3] =	sst s7  }
0x10: {  	[smem:$0x3FA4] =	sst s8  }
0x11: {  	[smem:$0x3FA5] =	sst s9;
	s0 =	simm.s32 @!p0 $0x0  }
0x12: {  	s1 =	sld [smem:$0x3F8B];
	s0 =	simm.s32 @p0 $0x1  }
0x13: {  	[smem:$0x3FA6] =	sst s0;
	s0 =	simm.s32 @!p1 $0x0  }
0x14: {  	s2 =	sld [smem:$0x3F8A];
	s0 =	simm.s32 @p1 $0x1  }
0x15: {  	[smem:$0x3FA7] =	sst s0;
	s0 =	simm.s32 @!p2 $0x0  }
0x16: {  	s3 =	sld [smem:$0x3FDB];
	s0 =	simm.s32 @p2 $0x1  }
0x17: {  	s4 =	simm.s32 $0x1BF5;
	[smem:$0x3FA9] =	sst s0  }
0x18: {  	s0 =	sld [smem:$0x3F8C];
	_ =	swait.ge [sflag:s4], $0x0  }
0x19: {  	s7 =	sld [smem:$0x3F8D]  }
0x1a: {  	s8 =	sadd.s32 $0xFFFFE003, lr  }
0x1b: {  	s9 =	sadd.s32 $0xFFFFFEF7, lr;
	s5 =	simm.s32 $0xFFFFFFFF;
	p2 =	slt.u32 s8, $0xFFFFF086  }
0x1c: {  	p1 =	slt.u32 s9, $0xF7A;
	s5 =	simm.s32 @!p2 $0x0  }
0x1d: {  	s5 =	simm.s32 @p1 $0x1;
	p0 =	seq.s32 s7, s2  }
0x1e: {  	s7 =	smul.u32 @!p0 $0xF7A, s2;
	p2 =	seq.s32 @!p0 s5, $0x0  }
0x1f: {  	s9 =	smul.u32 $0xF7A, s1;
	s8 =	simm.s32 @!p0 $0x1BF5;
	p2 =	por !p2, p0  }
0x20: {  	[sflag:s8] =	ssyncset.s32 @!p0 $0xFFFFF086;
	s6 =	sadd.s32 @!p0 s3, s7;
	s7 =	simm.s32 @!p0 $0x108  }
0x21: {  	s3 =	sadd.s32 s3, s9;
	s6 =	sadd.s32 @!p0 $0x88, s6;
	s7 =	simm.s32 @p2 $0x1082  }
0x22: {  	[simem:s7], [sflag:s8] =	dma.local @!p0 [hbm:s6], $0xF7A  }
0x23: {  	s9 =	sor.u32 $0xD0000000, s2;
	s6 =	simm.s32 $0x108;
	_ =	swait.ge @!p0 [sflag:s8], $0x0  }
0x24: {  	s3 =	sadd.s32 $0x88, s3;
	s6 =	simm.s32 @!p1 $0x1082;
	[sflag:s4] =	ssyncset.s32 $0xFFFFF086  }
0x25: {  	[simem:s6], [sflag:s4] =	dma.local [hbm:s3], $0xF7A  }
0x26: {  	[smem:$0x3F8D] =	sst s1;
	(tag) =	ssettag s2;
	_ =	strace s9  }
0x27: {  	s1 =	sld [smem:$0x3F9D]  }
0x28: {  	s2 =	sld [smem:$0x3F9E]  }
0x29: {  	s4 =	sld [smem:$0x3FA0]  }
0x2a: {  	p0 =	seq.s32 s5, $0x0;
	s5 =	sld [smem:$0x3FA1]  }
0x2b: {  	s6 =	sld [smem:$0x3FA2]  }
0x2c: {  	s7 =	sld [smem:$0x3FA3]  }
0x2d: {  	s3 =	simm.s32 $0x108;
	s8 =	sld [smem:$0x3FA4]  }
0x2e: {  	s3 =	simm.s32 @!p0 $0x1082;
	s9 =	sld [smem:$0x3FA5]  }
0x2f: {  	lr =	sadd.s32 s0, s3;
	s0 =	sld [smem:$0x3F9C]  }
0x30: {  	s3 =	sld [smem:$0x3F9F]  }
0x31: {  	[smem:$0x3FA8] =	sst s10  }
0x32: {  	s10 =	sld [smem:$0x3FA6];
	_ =	sdelay $0x3  }
0x33: {  	p0 =	seq.s32 s10, $0x1;
	s10 =	sld [smem:$0x3FA8];
	_ =	sdelay $0x3  }
0x34: {  	[smem:$0x3FA8] =	sst s10  }
0x35: {  	s10 =	sld [smem:$0x3FA7];
	_ =	sdelay $0x3  }
0x36: {  	p1 =	seq.s32 s10, $0x1;
	s10 =	sld [smem:$0x3FA8];
	_ =	sdelay $0x3  }
0x37: {  	[smem:$0x3FA8] =	sst s10  }
0x38: {  	s10 =	sld [smem:$0x3FA9]  }
0x39: {  	_ = 	snop;
	(pc) =	sbr.ind lr, $3  }
0x3a: {  	_ = 	snop  }
0x3b: {  	_ = 	snop  }
0x3c: {  	p2 =	seq.s32 s10, $0x1;
	s10 =	sld [smem:$0x3FA8]  }
0x3d: {  	_ =	shalt  }
0x3e: {  	_ =	shalt  }
0x3f: {  	_ =	shalt  }
0x40: {  	_ =	shalt  }
0x41: {  	_ =	shalt  }
0x42: {  	_ =	shalt  }
0x43: {  	_ =	shalt  }
0x44: {  	_ =	shalt  }
0x45: {  	_ =	shalt  }
0x46: {  	_ =	shalt  }
0x47: {  	_ =	shalt  }
0x48: {  	_ =	shalt  }
0x49: {  	_ =	shalt  }
0x4a: {  	_ =	shalt  }
0x4b: {  	_ =	shalt  }
0x4c: {  	_ =	shalt  }
0x4d: {  	_ =	shalt  }
0x4e: {  	_ =	shalt  }
0x4f: {  	_ =	shalt  }
0x50: {  	_ =	shalt  }
0x51: {  	_ =	shalt  }
0x52: {  	_ =	shalt  }
0x53: {  	_ =	shalt  }
0x54: {  	_ =	shalt  }
0x55: {  	_ =	shalt  }
0x56: {  	_ =	shalt  }
0x57: {  	_ =	shalt  }
0x58: {  	_ =	shalt  }
0x59: {  	_ =	shalt  }
0x5a: {  	_ =	shalt  }
0x5b: {  	_ =	shalt  }
0x5c: {  	_ =	shalt  }
0x5d: {  	_ =	shalt  }
0x5e: {  	_ =	shalt  }
0x5f: {  	_ =	shalt  }
0x60: {  	_ =	shalt  }
0x61: {  	_ =	shalt  }
0x62: {  	_ =	shalt  }
0x63: {  	_ =	shalt  }
0x64: {  	_ =	shalt  }
0x65: {  	_ =	shalt  }
0x66: {  	_ =	shalt  }
0x67: {  	_ =	shalt  }
0x68: {  	_ =	shalt  }
0x69: {  	_ =	shalt  }
0x6a: {  	_ =	shalt  }
0x6b: {  	_ =	shalt  }
0x6c: {  	_ =	shalt  }
0x6d: {  	_ =	shalt  }
0x6e: {  	_ =	shalt  }
0x6f: {  	_ =	shalt  }
0x70: {  	_ =	shalt  }
0x71: {  	_ =	shalt  }
0x72: {  	_ =	shalt  }
0x73: {  	_ =	shalt  }
0x74: {  	_ =	shalt  }
0x75: {  	_ =	shalt  }
0x76: {  	_ =	shalt  }
0x77: {  	_ =	shalt  }
0x78: {  	_ =	shalt  }
0x79: {  	_ =	shalt  }
0x7a: {  	_ =	shalt  }
0x7b: {  	_ =	shalt  }
0x7c: {  	_ =	shalt  }
0x7d: {  	_ =	shalt  }
0x7e: {  	_ =	shalt  }
0x7f: {  	_ =	shalt  }
0x80: {  	_ =	shalt  }
0x81: {  	_ =	shalt  }
0x82: {  	_ =	shalt  }
0x83: {  	_ =	shalt  }
0x84: {  	_ =	shalt  }
0x85: {  	_ =	shalt  }
0x86: {  	_ =	shalt  }
0x87: {  	_ =	shalt  }
.Lfunc_end0:
.L_simem_size_0:
called_computation.2_lowered:
.L_overlay_start_0:
0x88: {  	s2 =	sld [smem:$0x3FD9]  }
0x89: {  	s3 =	sld [smem:$0x3FFE];
	_ =	sdelay $0x1  }
0x8a: {  	s1 =	srdreg.scid  }
0x8b: {  	s0 =	sand.u32 $0x1, s1  }
0x8c: {  	s17 =	sshll.u32 s0, $0xA;
	s2 =	sadd.s32 s3, s2  }
0x8d: {  	s2 =	sadd.s32 s2, s17  }
0x8e: {  	[smem:$0x3FB4] =	sst s2  }
0x8f: {  	_ = 	snop  }
0x90: {  	s2 =	sld [smem:$0x3FD0];
	(tm) =	ssettm $0x1  }
0x91: {  	s18 =	sld [smem:$0x3FFB];
	_ =	sdelay $0x3  }
0x92: {  	_ =	strace s18  }
0x93: {  	s3 =	sld [smem:$0x3FFC];
	_ =	sdelay $0x3  }
0x94: {  	_ =	strace s3  }
0x95: {  	s3 =	sld [smem:$0x3FFD];
	_ =	sdelay $0x3  }
0x96: {  	_ =	strace s3  }
0x97: {  	_ =	strace $0x8FFFFFFF  }
0x98: {  	s19 =	sld [smem:$0x3FDB];
	_ =	sdelay $0x1  }
0x99: {  	s4 =	simm.s32 $_scs_section_size  }
0x9a: {  	s5 =	simm.s32 $_size__tile_overlayer_lowered;
	s6 =	simm.s32 $_tile_overlayer_lowered  }
0x9b: {  	s22 =	simm.s32 $0x1BFF;
	s21 =	sshll.u32 s6, $0x1;
	s3 =	sadd.s32 s4, s19  }
0x9c: {  	s7 =	simm.s32 $0x0;
	s20 =	sshll.u32 s5, $0x1;
	s5 =	sadd.s32 s21, s3  }
0x9d: {  	[timem:s7], [sflag:s22] =	dma.local [hbm:s5], s20  }
0x9e: {  	_ =	swait.ge [sflag:s22], s20  }
0x9f: {  	s4 =	ssub.s32 $0x0, s20;
	[sflag:s22] =	ssyncset.done $0x0  }
0xa0: {  	[sflag:s22] =	ssyncadd.s32 s4;
	_ =	sdelay $0x1  }
0xa1: {  	s23 =	simm.s32 $0x1B8B  }
0xa2: {  	_ =	swait.ge [sflag:s23], $0x1  }
0xa3: {  	[sflag:s23] =	ssyncset.done $0x0  }
0xa4: {  	s25 =	simm.s32 $0x1B8E;
	s24 =	sld [smem:$0x3FFE];
	[sflag:s23] =	ssyncadd.s32 $0xFFFFFFFF  }
0xa5: {  	s26 =	simm.s32 $execute0_lowered;
	[smem:$0x3FD2] =	sst s25  }
0xa6: {  	s5 =	sshll.u32 s26, $0x1;
	_ =	strace $0x80000049;
	[dreg:$0x1] =	wrdreg $0xFFFFFFFF  }
0xa7: {  	s28 =	simm.s32 $_size_execute0_lowered;
	s3 =	sadd.s32 s3, s5;
	[dreg:$0x0] =	wrdreg $0x0  }
0xa8: {  	s5 =	sshll.u32 s28, $0x1;
	[dreg:$0x2] =	wrdreg s3  }
0xa9: {  	[dreg:$0x3] =	wrdreg s5  }
0xaa: {  	[dreg:$0x4] =	wrdreg $0xC0  }
0xab: {  	_ =	task [dreg:s7], $0x5FFFF  }
0xac: {  	[dreg:$0x1] =	wrdreg $0xFFFFFFFF  }
0xad: {  	[dreg:$0x0] =	wrdreg $0x60  }
0xae: {  	[dreg:$0x2] =	wrdreg s2  }
0xaf: {  	[dreg:$0x3] =	wrdreg s24  }
0xb0: {  	[dreg:$0x4] =	wrdreg $0xC0000  }
0xb1: {  	[dreg:$0x5] =	wrdreg $0xA  }
0xb2: {  	_ =	task.clear_ibuf [dreg:s7], $0x6FFFF;
	_ =	strace $0x90000049  }
0xb3: {  	s29 =	simm.s32 $0xA;
	_ =	strace $0x8000004B  }
0xb4: {  	_ =	swait.ge [sflag:s29], $0x1  }
0xb5: {  	[sflag:s29] =	ssyncadd.s32 $0xFFFFFFFF  }
0xb6: {  	_ =	strace $0x9000004B  }
0xb7: {  	_ =	sfence  }
0xb8: {  	s30 =	sld [smem:$0x0];
	_ =	sdelay $0x2  }
0xb9: {  	s31 =	sshll.u32 s1, $0xD;
	s1 =	sshrl.u32 s1, $0x2  }
0xba: {  	s3 =	sand.u32 $0x4000, s31;
	s1 =	sadd.s32 s1, s30  }
0xbb: {  	s0 =	sor.u32 s3, s0;
	s1 =	sshll.u32 s1, $0x11  }
0xbc: {  	s0 =	sor.u32 s1, s0  }
0xbd: {  	s0 =	sadd.s32 $0x8F2B, s0  }
0xbe: {  	[sflag:s0] =	ssyncadd.remote.s32 $0x1  }
0xbf: {  	_ =	sfence.sel $0xFFFF  }
0xc0: {  	[dreg:$0x0] =	wrdreg $0xFFFFFFFF;
	(pc) =	sbr.abs _section_cstart, $3  }
0xc1: {  	[dreg:$0x1] =	wrdreg $0xFFFFFFFF  }
0xc2: {  	_ =	task.clear_ibuf [dreg:s7], $0x2FFFF;
	_ =	strace $0x9FFFFFFF  }
0xc3: {  	(tm) =	ssettm $0x7FFFFFFF  }
tec
execute0_lowered:
.L_overlay_start_1:
0x0: {  	(tag) =	ssettag $0x1  }
0x1: {  	s24 =	stileid.u32  }
0x2: {  	s0 =	srdreg.scid;
	s9 =	smul.u32 $0x2800, s24  }
0x3: {  	s0 =	sand.u32 $0x1, s0;
	s31 =	smul.u32 $0x2710, s24  }
0x4: {  	s8 =	sor.u32 $0x10, s24;
	s7 =	smul.u32 $0x138800, s0  }
0x5: {  	s1 =	rddreg [dreg:$0x0];
	s10 =	sor.u32 $0x20, s24;
	s11 =	smul.u32 $0x2800, s8  }
0x6: {  	s6 =	rddreg [dreg:$0x1];
	s13 =	sor.u32 $0x30, s24;
	s14 =	smul.u32 $0x2800, s10  }
0x7: {  	s2 =	rddreg [dreg:$0x2];
	s16 =	sor.u32 $0x40, s24;
	s15 =	smul.u32 $0x2800, s13  }
0x8: {  	s4 =	simm.s32 $0x0;
	s18 =	sor.u32 $0x50, s24;
	s19 =	smul.u32 $0x2800, s16  }
0x9: {  	s30 =	simm.s32 $0x3;
	s21 =	sor.u32 $0x70, s24;
	s20 =	smul.u32 $0x2800, s18  }
0xa: {  	[smem:$0x7FF] =	sst s4;
	s5 =	sadd.s32 $0x3A800, s6;
	s23 =	smul.u32 $0x2800, s21  }
0xb: {  	s12 =	sadd.s32 $0x4E800, s6;
	s3 =	ssub.s32 $0x2, s0;
	s16 =	smul.u32 $0xA000, s16  }
0xc: {  	p0 =	sgt.u32 s24, $0xC;
	s18 =	smul.u32 $0xA000, s18;
	s17 =	sshrl.u32 s3, $0x1  }
0xd: {  	_ =	strace $0x8000004A;
	s29 =	smul.u32 $0x1388000, s0;
	s3 =	ssub.s32 s3, s17  }
0xe: {  	s17 =	sor.u32 $0x60, s24;
	s9 =	sadd.s32 s9, s7;
	s11 =	sadd.s32 s7, s11  }
0xf: {  	s14 =	sadd.s32 s7, s14;
	s15 =	sadd.s32 s7, s15;
	s19 =	sadd.s32 s7, s19  }
0x10: {  	s20 =	sadd.s32 s7, s20;
	s22 =	smul.u32 $0x2800, s17;
	s9 =	sshrl.u32 s9, $0x3  }
0x11: {  	s11 =	sshrl.u32 s11, $0x3;
	s14 =	sshrl.u32 s14, $0x3;
	s25 =	sshrl.u32 s15, $0x3  }
0x12: {  	s9 =	sadd.s32 s12, s9;
	s26 =	sadd.s32 s12, s25;
	s22 =	sadd.s32 s7, s22  }
0x13: {  	s7 =	sadd.s32 s7, s23;
	s23 =	smul.u32 $0xA000, s24;
	[dreg:$0x4] =	wrdreg s9  }
0x14: {  	s9 =	sadd.s32 s12, s11;
	[dreg:$0x7] =	wrdreg s26;
	s11 =	sshrl.u32 s19, $0x3  }
0x15: {  	s26 =	smul.u32 $0xA000, s13;
	[dreg:$0x5] =	wrdreg s9;
	s9 =	sadd.s32 s12, s14  }
0x16: {  	s14 =	sshrl.u32 s20, $0x3;
	s15 =	sshrl.u32 s22, $0x3;
	s20 =	smul.u32 $0xA000, s8  }
0x17: {  	s7 =	sshrl.u32 s7, $0x3;
	s22 =	smul.u32 $0xA000, s10;
	s8 =	sshrl.u32 s16, $0x2  }
0x18: {  	s16 =	smul.u32 $0x50000, s0;
	s0 =	sor.u32 $0x2800, s29;
	[dreg:$0x6] =	wrdreg s9  }
0x19: {  	s9 =	sadd.s32 s12, s11;
	s19 =	sadd.s32 s12, s15;
	s7 =	sadd.s32 s12, s7  }
0x1a: {  	s15 =	sadd.s32 $0x2BF800, s6;
	s25 =	sshrl.u32 s23, $0x2;
	[dreg:$0x8] =	wrdreg s9  }
0x1b: {  	s23 =	smul.u32 $0x5000, s24;
	s9 =	sadd.s32 s12, s14;
	[dreg:$0xa] =	wrdreg s19  }
0x1c: {  	[dreg:$0xb] =	wrdreg s7;
	s14 =	sadd.s32 $0x30800, s6;
	s6 =	sadd.s32 $0x16A00, s6  }
0x1d: {  	s12 =	sshll.u32 s24, $0x6;
	s25 =	sadd.s32 s25, s2;
	s7 =	sshrl.u32 s20, $0x2  }
0x1e: {  	s19 =	smul.u32 $0xA000, s17;
	s20 =	sshrl.u32 s26, $0x2;
	[dreg:$0x9] =	wrdreg s9  }
0x1f: {  	s17 =	sshrl.u32 s18, $0x2;
	[dreg:$0xc] =	wrdreg s6;
	s13 =	sor.u32 $0x1C05, s12  }
0x20: {  	s6 =	sshrl.u32 s22, $0x2;
	s7 =	sadd.s32 s7, s2;
	s22 =	smul.u32 $0xA000, s21  }
0x21: {  	s26 =	sadd.s32 s20, s2;
	s21 =	sadd.s32 s17, s2;
	[dreg:$0xd] =	wrdreg s25  }
0x22: {  	s28 =	sadd.s32 s16, s23;
	s9 =	simm.s32 $0x2000;
	[dreg:$0xe] =	wrdreg s13  }
0x23: {  	s12 =	simm.s32 $0x4800;
	s17 =	simm.s32 $0x2;
	[dreg:$0xf] =	wrdreg s7  }
0x24: {  	s11 =	sadd.s32 s6, s2;
	s13 =	sadd.s32 s8, s2;
	s6 =	sshrl.u32 s19, $0x2  }
0x25: {  	s19 =	smax.u32 s3, $0x1;
	s3 =	simm.s32 $0x5;
	s7 =	simm.s32 $0x50  }
0x26: {  	s8 =	simm.s32 $0x7000;
	[dreg:$0x14] =	wrdreg s19;
	s24 =	smov.u32 s11  }
0x27: {  	s10 =	smov.u32 s13;
	s20 =	sadd.s32 s6, s2;
	[dreg:$0x10] =	wrdreg s24  }
0x28: {  	s18 =	sshrl.u32 s22, $0x2;
	s11 =	simm.s32 $0x9800;
	[dreg:$0x11] =	wrdreg s10  }
0x29: {  	s13 =	simm.s32 $0x1;
	s22 =	sadd.s32 s18, s2;
	[dreg:$0x12] =	wrdreg s20  }
0x2a: {  	s19 =	simm.s32 $0x4;
	s18 =	simm.s32 $0x0;
	[dreg:$0x13] =	wrdreg s22  }
.LBB2_1:
0x2b: {  	[dreg:$0x15] =	wrdreg s18  }
0x2c: {  	s6 =	rddreg [dreg:$0xc]  }
0x2d: {  	s16 =	sshrl.u32 s25, $0x3;
	s18 =	rddreg [dreg:$0xe]  }
0x2e: {  	[spmem:s16], [sflag:s18] =	dma.local [hbm:s6], $0x500  }
0x2f: {  	_ =	swait.ge [sflag:s3], $0x500  }
0x30: {  	[sflag:s3] =	ssyncset.done $0x0;
	s25 =	rddreg [dreg:$0xf]  }
0x31: {  	[sflag:s3] =	ssyncadd.s32 $0xFFFFFB00;
	s16 =	sshrl.u32 s25, $0x3  }
0x32: {  	[spmem:s16], [sflag:s18] =	dma.local [hbm:s6], $0x500  }
0x33: {  	_ =	swait.ge [sflag:s3], $0x500  }
0x34: {  	[sflag:s3] =	ssyncset.done $0x0  }
0x35: {  	s24 =	sshrl.u32 s24, $0x3;
	[sflag:s3] =	ssyncadd.s32 $0xFFFFFB00  }
0x36: {  	[spmem:s24], [sflag:s18] =	dma.local [hbm:s6], $0x500  }
0x37: {  	_ =	swait.ge [sflag:s3], $0x500  }
0x38: {  	[sflag:s3] =	ssyncset.done $0x0  }
0x39: {  	s25 =	sshrl.u32 s26, $0x3;
	[sflag:s3] =	ssyncadd.s32 $0xFFFFFB00  }
0x3a: {  	[spmem:s25], [sflag:s18] =	dma.local [hbm:s6], $0x500  }
0x3b: {  	_ =	swait.ge [sflag:s3], $0x500  }
0x3c: {  	[sflag:s3] =	ssyncset.done $0x0  }
0x3d: {  	s10 =	sshrl.u32 s10, $0x3;
	[sflag:s3] =	ssyncadd.s32 $0xFFFFFB00  }
0x3e: {  	[spmem:s10], [sflag:s18] =	dma.local [hbm:s6], $0x500  }
0x3f: {  	_ =	swait.ge [sflag:s3], $0x500  }
0x40: {  	[sflag:s3] =	ssyncset.done $0x0  }
0x41: {  	s24 =	sshrl.u32 s21, $0x3;
	[sflag:s3] =	ssyncadd.s32 $0xFFFFFB00  }
0x42: {  	[spmem:s24], [sflag:s18] =	dma.local [hbm:s6], $0x500  }
0x43: {  	_ =	swait.ge [sflag:s3], $0x500  }
0x44: {  	[sflag:s3] =	ssyncset.done $0x0  }
0x45: {  	s25 =	sshrl.u32 s20, $0x3;
	[sflag:s3] =	ssyncadd.s32 $0xFFFFFB00  }
0x46: {  	[spmem:s25], [sflag:s18] =	dma.local [hbm:s6], $0x500  }
0x47: {  	_ =	swait.ge [sflag:s3], $0x500  }
0x48: {  	[sflag:s3] =	ssyncset.done $0x0  }
0x49: {  	s16 =	sshrl.u32 @!p0 s22, $0x3;
	[sflag:s3] =	ssyncadd.s32 $0xFFFFFB00  }
0x4a: {  	[spmem:s16], [sflag:s18] =	dma.local @!p0 [hbm:s6], $0x500  }
0x4b: {  	s16 =	simm.s32 @!p0 $0x5  }
0x4c: {  	_ =	swait.ge @!p0 [sflag:s16], $0x500  }
0x4d: {  	[sflag:s16] =	ssyncset.done @!p0 $0x0  }
0x4e: {  	[sflag:s16] =	ssyncadd.s32 @!p0 $0xFFFFFB00  }
0x4f: {  	s22 =	simm.s32 $0x0;
	[bflag:$0x0] =	sbarrier.arrive $0xFFFF  }
.LBB2_2:
0x50: {  	s16 =	sshll.u32 s22, $0xC  }
0x51: {  	s18 =	sadd.s32 s28, s16  }
0x52: {  	s18 =	sshrl.u32 s18, $0x3  }
0x53: {  	s24 =	simm.s32 $0x0;
	s18 =	sadd.s32 s5, s18  }
0x54: {  	[tilespmem:s24], [sflag:$0x5] =	stream.linear.gather [hbm4b:s18+s24], $0xC80, $0x38;
	[tilespmem:$0x1F880] =	vst v63  }
0x55: {  	s16 =	sadd.s32 s23, s16;
	s18 =	smul.u32 $0x7D0, s22;
	_ =	swait.ge [sflag:s3], $0xC80  }
0x56: {  	s6 =	simm.s32 $0x1000;
	s16 =	sshrl.u32 s16, $0x3;
	[sflag:s3] =	ssyncset.done $0x0  }
0x57: {  	s16 =	sadd.s32 s14, s16;
	s25 =	sadd.s32 s31, s18;
	[sflag:s3] =	ssyncadd.s32 $0xFFFFF380  }
0x58: {  	[tilespmem:s6], [sflag:$0x5] =	stream.linear.gather [hbm4b:s16+s24], $0xC80, $0x38;
	[tilespmem:$0x1F880] =	vst v63  }
0x59: {  	s16 =	sshll.u32 s25, $0x7;
	_ =	swait.ge [sflag:s3], $0xC80  }
0x5a: {  	s20 =	sadd.s32 s29, s16;
	[sflag:s3] =	ssyncset.done $0x0  }
0x5b: {  	s18 =	sshrl.u32 s20, $0x3;
	[sflag:s3] =	ssyncadd.s32 $0xFFFFF380  }
0x5c: {  	[tilespmem:s8], [sflag:$0x1] =	stream.indirect.gather [hbm4b:s1+s7], $0x80, s24, s7, $0xb8;
	[tilespmem:$0x1F880] =	vst v63  }
0x5d: {  	s16 =	sadd.s32 s0, s16;
	s18 =	sadd.s32 s15, s18  }
0x5e: {  	[tilespmem:s9], [sflag:$0x3] =	stream.linear.gather [hbm4b:s18+s24], $0x2800, $0x38;
	[tilespmem:$0x1F880] =	vst v63  }
0x5f: {  	s10 =	smov.u32 s26;
	s26 =	simm.s32 $0x80;
	s16 =	sshrl.u32 s16, $0x3  }
0x60: {  	[tilespmem:s11], [sflag:$0x2] =	stream.indirect.gather [hbm4b:s1+s7], $0x80, s26, s7, $0xb8;
	[tilespmem:$0x1F880] =	vst v63  }
0x61: {  	s16 =	sadd.s32 s15, s16  }
0x62: {  	[tilespmem:s12], [sflag:$0x4] =	stream.linear.gather [hbm4b:s16+s24], $0x2800, $0x38;
	[tilespmem:$0x1F880] =	vst v63  }
.LBB2_3:
0x63: {  	_ =	swait.ge [sflag:s13], $0x2800  }
0x64: {  	[sflag:s13] =	ssyncset.done $0x0  }
0x65: {  	[sflag:s13] =	ssyncadd.s32 $0xFFFFD800  }
0x66: {  	_ =	swait.ge [sflag:s30], $0x2800  }
0x67: {  	[sflag:s30] =	ssyncset.done $0x0  }
0x68: {  	s26 =	simm.s32 $0x0;
	[sflag:s30] =	ssyncadd.s32 $0xFFFFD800  }
0x69: {  	v7 =	vld [tilespmem:s26+$0x2000]  }
0x6a: {  	v11 =	vld [tilespmem:s26+$0x2010]  }
0x6b: {  	v5 =	vld [tilespmem:s26+$0x2020]  }
0x6c: {  	v4 =	vld [tilespmem:s26+$0x2030]  }
0x6d: {  	v3 =	vld [tilespmem:s26+$0x2040]  }
0x6e: {  	v2 =	vld [tilespmem:s26+$0x2050]  }
0x6f: {  	v1 =	vld [tilespmem:s26+$0x2060]  }
0x70: {  	v0 =	vld [tilespmem:s26+$0x2070]  }
0x71: {  	v12 =	vld [tilespmem:s26+$0x7000]  }
0x72: {  	v13 =	vld [tilespmem:s26+$0x7010]  }
0x73: {  	v10 =	vld [tilespmem:s26+$0x7020]  }
0x74: {  	v9 =	vld [tilespmem:s26+$0x7030]  }
0x75: {  	v8 =	vld [tilespmem:s26+$0x7040]  }
0x76: {  	v6 =	vld [tilespmem:s26+$0x7050];
	v12 =	vmul.f32 v12, v7  }
0x77: {  	s20 =	smov.u32 s21;
	s16 =	simm.s32 $0x200;
	v11 =	vmul.f32 v13, v11;
	v7 =	vld [tilespmem:s26+$0x7060]  }
.LBB2_4:
0x78: {  	s18 =	sshra.s32 s16, $0x2;
	p1 =	sne.s32 s16, $0x9E00;
	[tilespmem:s26+$0x7000] =	vst v12;
	v5 =	vmul.f32 v10, v5;
	v10 =	vld [tilespmem:s26+$0x7070]  }
0x79: {  	v12 =	vld [tilespmem:s18+$0x2000];
	[tilespmem:s26+$0x7010] =	vst v11;
	v4 =	vmul.f32 v9, v4  }
0x7a: {  	v11 =	vld [tilespmem:s18+$0x2010];
	[tilespmem:s26+$0x7020] =	vst v5;
	v3 =	vmul.f32 v8, v3  }
0x7b: {  	v5 =	vld [tilespmem:s18+$0x2020];
	[tilespmem:s26+$0x7030] =	vst v4;
	v2 =	vmul.f32 v6, v2  }
0x7c: {  	v4 =	vld [tilespmem:s18+$0x2030];
	[tilespmem:s26+$0x7040] =	vst v3;
	v1 =	vmul.f32 v7, v1  }
0x7d: {  	v3 =	vld [tilespmem:s18+$0x2040];
	[tilespmem:s26+$0x7050] =	vst v2;
	v0 =	vmul.f32 v10, v0  }
0x7e: {  	v2 =	vld [tilespmem:s18+$0x2050];
	[tilespmem:s26+$0x7060] =	vst v1  }
0x7f: {  	v1 =	vld [tilespmem:s18+$0x2060];
	[tilespmem:s26+$0x7070] =	vst v0;
	s26 =	smov.u32 s18  }
0x80: {  	v0 =	vld [tilespmem:s26+$0x2070]  }
0x81: {  	v6 =	vld [tilespmem:s26+$0x7000]  }
0x82: {  	v7 =	vld [tilespmem:s26+$0x7010]  }
.Ltmp0:
0x83: {  	v10 =	vld [tilespmem:s26+$0x7020];
	(pc) =	sbr.rel @p1 .LBB2_4-.Ltmp0, $4  }
0x84: {  	v9 =	vld [tilespmem:s26+$0x7030]  }
0x85: {  	v8 =	vld [tilespmem:s26+$0x7040]  }
0x86: {  	v12 =	vmul.f32 v6, v12;
	v6 =	vld [tilespmem:s26+$0x7050]  }
0x87: {  	s16 =	sadd.s32 $0x200, s16;
	v11 =	vmul.f32 v7, v11;
	v7 =	vld [tilespmem:s26+$0x7060]  }
0x88: {  	[tilespmem:s26+$0x7000] =	vst v12;
	v5 =	vmul.f32 v10, v5;
	v10 =	vld [tilespmem:s26+$0x7070]  }
0x89: {  	[tilespmem:s26+$0x7010] =	vst v11;
	v4 =	vmul.f32 v9, v4  }
0x8a: {  	[tilespmem:s26+$0x7020] =	vst v5;
	v3 =	vmul.f32 v8, v3  }
0x8b: {  	[tilespmem:s26+$0x7030] =	vst v4;
	v2 =	vmul.f32 v6, v2  }
0x8c: {  	[tilespmem:s26+$0x7040] =	vst v3;
	v1 =	vmul.f32 v7, v1  }
0x8d: {  	s16 =	sshll.u32 s24, $0x8;
	[tilespmem:s26+$0x7050] =	vst v2;
	v0 =	vmul.f32 v10, v0  }
0x8e: {  	s21 =	sand.u32 $0x3FFFFF00, s16;
	[tilespmem:s26+$0x7060] =	vst v1  }
0x8f: {  	s16 =	sadd.s32 $0x1000, s21;
	[tilespmem:s26+$0x7070] =	vst v0;
	s26 =	sshll.u32 s24, $0x1  }
0x90: {  	[spmem:s2] =	stream.indirect.scatter.add.f32 [tilespmem:s8], [sflag:$0x5], $0x80, s16, s7, $0xb8;
	[tilespmem:$0x1F880] =	vst v63  }
0x91: {  	s6 =	sadd.s32 $0x2, s26  }
0x92: {  	_ =	swait.ge [sflag:s3], $0x2800;
	s16 =	smul.u32 $0x50, s6  }
0x93: {  	s18 =	sshll.u32 s6, $0x7;
	[sflag:s3] =	ssyncset.done $0x0  }
0x94: {  	s18 =	sand.u32 $0x3FFFFF00, s18;
	[sflag:s3] =	ssyncadd.s32 $0xFFFFD800;
	s16 =	sadd.s32 s25, s16  }
0x95: {  	[tilespmem:s8], [sflag:$0x1] =	stream.indirect.gather [hbm4b:s1+s7], $0x80, s18, s7, $0xb8;
	[tilespmem:$0x1F880] =	vst v63  }
0x96: {  	s16 =	sshll.u32 s16, $0x7  }
0x97: {  	s16 =	sadd.s32 s29, s16  }
0x98: {  	s16 =	sshrl.u32 s16, $0x3  }
0x99: {  	s6 =	simm.s32 $0x0;
	s16 =	sadd.s32 s15, s16  }
0x9a: {  	[tilespmem:s9], [sflag:$0x3] =	stream.linear.gather [hbm4b:s16+s6], $0x2800, $0x38;
	[tilespmem:$0x1F880] =	vst v63  }
0x9b: {  	_ =	swait.ge [sflag:s17], $0x2800  }
0x9c: {  	[sflag:s17] =	ssyncset.done $0x0  }
0x9d: {  	[sflag:s17] =	ssyncadd.s32 $0xFFFFD800  }
0x9e: {  	_ =	swait.ge [sflag:s19], $0x2800  }
0x9f: {  	[sflag:s19] =	ssyncset.done $0x0  }
0xa0: {  	s16 =	simm.s32 $0x0;
	[sflag:s19] =	ssyncadd.s32 $0xFFFFD800  }
0xa1: {  	v7 =	vld [tilespmem:s16+$0x4800]  }
0xa2: {  	v11 =	vld [tilespmem:s16+$0x4810]  }
0xa3: {  	v5 =	vld [tilespmem:s16+$0x4820]  }
0xa4: {  	v4 =	vld [tilespmem:s16+$0x4830]  }
0xa5: {  	v3 =	vld [tilespmem:s16+$0x4840]  }
0xa6: {  	v2 =	vld [tilespmem:s16+$0x4850]  }
0xa7: {  	v1 =	vld [tilespmem:s16+$0x4860]  }
0xa8: {  	v0 =	vld [tilespmem:s16+$0x4870]  }
0xa9: {  	v12 =	vld [tilespmem:s16+$0x9800]  }
0xaa: {  	v13 =	vld [tilespmem:s16+$0x9810]  }
0xab: {  	v10 =	vld [tilespmem:s16+$0x9820]  }
0xac: {  	v9 =	vld [tilespmem:s16+$0x9830]  }
0xad: {  	v8 =	vld [tilespmem:s16+$0x9840]  }
0xae: {  	v6 =	vld [tilespmem:s16+$0x9850];
	v12 =	vmul.f32 v12, v7  }
0xaf: {  	s18 =	simm.s32 $0x200;
	v11 =	vmul.f32 v13, v11;
	v7 =	vld [tilespmem:s16+$0x9860]  }
.LBB2_6:
0xb0: {  	s6 =	sshra.s32 s18, $0x2;
	p1 =	sne.s32 s18, $0x9E00;
	[tilespmem:s16+$0x9800] =	vst v12;
	v5 =	vmul.f32 v10, v5;
	v10 =	vld [tilespmem:s16+$0x9870]  }
0xb1: {  	v12 =	vld [tilespmem:s6+$0x4800];
	[tilespmem:s16+$0x9810] =	vst v11;
	v4 =	vmul.f32 v9, v4  }
0xb2: {  	v11 =	vld [tilespmem:s6+$0x4810];
	[tilespmem:s16+$0x9820] =	vst v5;
	v3 =	vmul.f32 v8, v3  }
0xb3: {  	v5 =	vld [tilespmem:s6+$0x4820];
	[tilespmem:s16+$0x9830] =	vst v4;
	v2 =	vmul.f32 v6, v2  }
0xb4: {  	v4 =	vld [tilespmem:s6+$0x4830];
	[tilespmem:s16+$0x9840] =	vst v3;
	v1 =	vmul.f32 v7, v1  }
0xb5: {  	v3 =	vld [tilespmem:s6+$0x4840];
	[tilespmem:s16+$0x9850] =	vst v2;
	v0 =	vmul.f32 v10, v0  }
0xb6: {  	v2 =	vld [tilespmem:s6+$0x4850];
	[tilespmem:s16+$0x9860] =	vst v1  }
0xb7: {  	v1 =	vld [tilespmem:s6+$0x4860];
	[tilespmem:s16+$0x9870] =	vst v0;
	s16 =	smov.u32 s6  }
0xb8: {  	v0 =	vld [tilespmem:s16+$0x4870]  }
0xb9: {  	v6 =	vld [tilespmem:s16+$0x9800]  }
0xba: {  	v7 =	vld [tilespmem:s16+$0x9810]  }
.Ltmp1:
0xbb: {  	v10 =	vld [tilespmem:s16+$0x9820];
	(pc) =	sbr.rel @p1 .LBB2_6-.Ltmp1, $4  }
0xbc: {  	v9 =	vld [tilespmem:s16+$0x9830]  }
0xbd: {  	v8 =	vld [tilespmem:s16+$0x9840]  }
0xbe: {  	v12 =	vmul.f32 v6, v12;
	v6 =	vld [tilespmem:s16+$0x9850]  }
0xbf: {  	s18 =	sadd.s32 $0x200, s18;
	v11 =	vmul.f32 v7, v11;
	v7 =	vld [tilespmem:s16+$0x9860]  }
0xc0: {  	[tilespmem:s16+$0x9800] =	vst v12;
	v5 =	vmul.f32 v10, v5;
	v63 =	vld [tilespmem:s16+$0x9870]  }
0xc1: {  	[tilespmem:s16+$0x9810] =	vst v11;
	v4 =	vmul.f32 v9, v4  }
0xc2: {  	[tilespmem:s16+$0x9820] =	vst v5;
	v3 =	vmul.f32 v8, v3  }
0xc3: {  	[tilespmem:s16+$0x9830] =	vst v4;
	v2 =	vmul.f32 v6, v2  }
0xc4: {  	[tilespmem:s16+$0x9840] =	vst v3;
	v1 =	vmul.f32 v7, v1  }
0xc5: {  	[tilespmem:s16+$0x9850] =	vst v2;
	v0 =	vmul.f32 v63, v0  }
0xc6: {  	p1 =	seq.s32 s24, $0xB;
	[tilespmem:s16+$0x9860] =	vst v1  }
.Ltmp2:
0xc7: {  	s6 =	sadd.s32 $0x1080, s21;
	[tilespmem:s16+$0x9870] =	vst v0;
	(pc) =	sbr.rel @p1 .LBB2_9-.Ltmp2, $4  }
0xc8: {  	[spmem:s2] =	stream.indirect.scatter.add.f32 [tilespmem:s11], [sflag:$0x5], $0x80, s6, s7, $0xb8;
	[tilespmem:$0x1F880] =	vst v63  }
0xc9: {  	_ =	swait.ge [sflag:s3], $0x2800  }
0xca: {  	[sflag:s3] =	ssyncset.done $0x0  }
0xcb: {  	[sflag:s3] =	ssyncadd.s32 $0xFFFFD800  }
0xcc: {  	s6 =	sadd.s32 $0x3, s26  }
0xcd: {  	s16 =	sshll.u32 s6, $0x7  }
0xce: {  	s6 =	smul.u32 $0x50, s6;
	s16 =	sand.u32 $0x3FFFFF80, s16  }
0xcf: {  	[tilespmem:s11], [sflag:$0x2] =	stream.indirect.gather [hbm4b:s1+s7], $0x80, s16, s7, $0xb8;
	[tilespmem:$0x1F880] =	vst v63  }
0xd0: {  	s6 =	sadd.s32 s25, s6  }
.Ltmp3:
0xd1: {  	s6 =	sshll.u32 s6, $0x7;
	(pc) =	sbr.rel .LBB2_3-.Ltmp3, $4  }
0xd2: {  	s6 =	sadd.s32 s29, s6  }
0xd3: {  	s6 =	sshrl.u32 s6, $0x3  }
0xd4: {  	s24 =	sadd.s32 $0x1, s24;
	s21 =	smov.u32 s20;
	s6 =	sadd.s32 s15, s6  }
0xd5: {  	[tilespmem:s12], [sflag:$0x4] =	stream.linear.gather [hbm4b:s6+s4], $0x2800, $0x38;
	[tilespmem:$0x1F880] =	vst v63  }
.LBB2_9:
0xd6: {  	_ =	swait.ge [sflag:s13], $0x2800  }
0xd7: {  	[sflag:s13] =	ssyncset.done $0x0  }
0xd8: {  	[sflag:s13] =	ssyncadd.s32 $0xFFFFD800  }
0xd9: {  	_ =	swait.ge [sflag:s30], $0x2800  }
0xda: {  	[sflag:s30] =	ssyncset.done $0x0  }
0xdb: {  	s16 =	simm.s32 $0x0;
	[sflag:s30] =	ssyncadd.s32 $0xFFFFD800  }
0xdc: {  	v7 =	vld [tilespmem:s16+$0x2000]  }
0xdd: {  	v11 =	vld [tilespmem:s16+$0x2010]  }
0xde: {  	v5 =	vld [tilespmem:s16+$0x2020]  }
0xdf: {  	v4 =	vld [tilespmem:s16+$0x2030]  }
0xe0: {  	v3 =	vld [tilespmem:s16+$0x2040]  }
0xe1: {  	v2 =	vld [tilespmem:s16+$0x2050]  }
0xe2: {  	v1 =	vld [tilespmem:s16+$0x2060]  }
0xe3: {  	v0 =	vld [tilespmem:s16+$0x2070]  }
0xe4: {  	v12 =	vld [tilespmem:s16+$0x7000]  }
0xe5: {  	v13 =	vld [tilespmem:s16+$0x7010]  }
0xe6: {  	v10 =	vld [tilespmem:s16+$0x7020]  }
0xe7: {  	v9 =	vld [tilespmem:s16+$0x7030]  }
0xe8: {  	v8 =	vld [tilespmem:s16+$0x7040]  }
0xe9: {  	v6 =	vld [tilespmem:s16+$0x7050];
	v12 =	vmul.f32 v12, v7  }
0xea: {  	s18 =	simm.s32 $0x200;
	s26 =	smov.u32 s10;
	s21 =	smov.u32 s20;
	v11 =	vmul.f32 v13, v11;
	v7 =	vld [tilespmem:s16+$0x7060]  }
.LBB2_10:
0xeb: {  	s6 =	sshra.s32 s18, $0x2;
	p1 =	sne.s32 s18, $0x9E00;
	[tilespmem:s16+$0x7000] =	vst v12;
	v5 =	vmul.f32 v10, v5;
	v10 =	vld [tilespmem:s16+$0x7070]  }
0xec: {  	v12 =	vld [tilespmem:s6+$0x2000];
	[tilespmem:s16+$0x7010] =	vst v11;
	v4 =	vmul.f32 v9, v4  }
0xed: {  	v11 =	vld [tilespmem:s6+$0x2010];
	[tilespmem:s16+$0x7020] =	vst v5;
	v3 =	vmul.f32 v8, v3  }
0xee: {  	v5 =	vld [tilespmem:s6+$0x2020];
	[tilespmem:s16+$0x7030] =	vst v4;
	v2 =	vmul.f32 v6, v2  }
0xef: {  	v4 =	vld [tilespmem:s6+$0x2030];
	[tilespmem:s16+$0x7040] =	vst v3;
	v1 =	vmul.f32 v7, v1  }
0xf0: {  	v3 =	vld [tilespmem:s6+$0x2040];
	[tilespmem:s16+$0x7050] =	vst v2;
	v0 =	vmul.f32 v10, v0  }
0xf1: {  	v2 =	vld [tilespmem:s6+$0x2050];
	[tilespmem:s16+$0x7060] =	vst v1  }
0xf2: {  	v1 =	vld [tilespmem:s6+$0x2060];
	[tilespmem:s16+$0x7070] =	vst v0;
	s16 =	smov.u32 s6  }
0xf3: {  	v0 =	vld [tilespmem:s16+$0x2070]  }
0xf4: {  	v6 =	vld [tilespmem:s16+$0x7000]  }
0xf5: {  	v7 =	vld [tilespmem:s16+$0x7010]  }
.Ltmp4:
0xf6: {  	v10 =	vld [tilespmem:s16+$0x7020];
	(pc) =	sbr.rel @p1 .LBB2_10-.Ltmp4, $4  }
0xf7: {  	v9 =	vld [tilespmem:s16+$0x7030]  }
0xf8: {  	v8 =	vld [tilespmem:s16+$0x7040]  }
0xf9: {  	v12 =	vmul.f32 v6, v12;
	v6 =	vld [tilespmem:s16+$0x7050]  }
0xfa: {  	s18 =	sadd.s32 $0x200, s18;
	v11 =	vmul.f32 v7, v11;
	v7 =	vld [tilespmem:s16+$0x7060]  }
0xfb: {  	[tilespmem:s16+$0x7000] =	vst v12;
	v5 =	vmul.f32 v10, v5;
	v63 =	vld [tilespmem:s16+$0x7070]  }
0xfc: {  	[tilespmem:s16+$0x7010] =	vst v11;
	v4 =	vmul.f32 v9, v4  }
0xfd: {  	[tilespmem:s16+$0x7020] =	vst v5;
	v3 =	vmul.f32 v8, v3  }
0xfe: {  	[tilespmem:s16+$0x7030] =	vst v4;
	v2 =	vmul.f32 v6, v2  }
0xff: {  	[tilespmem:s16+$0x7040] =	vst v3;
	v1 =	vmul.f32 v7, v1  }
0x100: {  	s22 =	sadd.s32 $0x1, s22;
	[tilespmem:s16+$0x7050] =	vst v2;
	v0 =	vmul.f32 v63, v0  }
0x101: {  	p1 =	sne.s32 s22, $0x5;
	[tilespmem:s16+$0x7060] =	vst v1  }
.Ltmp5:
0x102: {  	s6 =	simm.s32 $0x1C00;
	[tilespmem:s16+$0x7070] =	vst v0;
	(pc) =	sbr.rel @p1 .LBB2_2-.Ltmp5, $4  }
0x103: {  	[spmem:s2] =	stream.indirect.scatter.add.f32 [tilespmem:s8], [sflag:$0x5], $0x80, s6, s7, $0xb8;
	[tilespmem:$0x1F880] =	vst v63  }
0x104: {  	_ =	swait.ge [sflag:s3], $0x2800  }
0x105: {  	[sflag:s3] =	ssyncset.done $0x0  }
0x106: {  	[sflag:s3] =	ssyncadd.s32 $0xFFFFD800  }
0x107: {  	[bflag:$0x0] =	sbarrier.arrive $0xFFFF  }
0x108: {  	s6 =	rddreg [dreg:$0xd]  }
0x109: {  	[tilespmem:s8], [sflag:$0x5] =	stream.linear.gather [spmem:s6], $0x2800, $0x38;
	[tilespmem:$0x1F880] =	vst v63  }
0x10a: {  	_ =	swait.ge [sflag:s3], $0x2800  }
0x10b: {  	[sflag:s3] =	ssyncset.done $0x0  }
0x10c: {  	s22 =	rddreg [dreg:$0x4];
	[sflag:s3] =	ssyncadd.s32 $0xFFFFD800  }
0x10d: {  	[hbm4b:s22+s4] =	stream.linear.scatter [tilespmem:s8], [sflag:$0x5], $0x2800, $0x38;
	[tilespmem:$0x1F880] =	vst v63  }
0x10e: {  	_ =	swait.ge [sflag:s3], $0x2800  }
0x10f: {  	[sflag:s3] =	ssyncset.done $0x0  }
0x110: {  	s24 =	rddreg [dreg:$0xf];
	[sflag:s3] =	ssyncadd.s32 $0xFFFFD800  }
0x111: {  	[tilespmem:s8], [sflag:$0x5] =	stream.linear.gather [spmem:s24], $0x2800, $0x38;
	[tilespmem:$0x1F880] =	vst v63  }
0x112: {  	_ =	swait.ge [sflag:s3], $0x2800  }
0x113: {  	[sflag:s3] =	ssyncset.done $0x0  }
0x114: {  	s25 =	rddreg [dreg:$0x5];
	[sflag:s3] =	ssyncadd.s32 $0xFFFFD800  }
0x115: {  	[hbm4b:s25+s4] =	stream.linear.scatter [tilespmem:s8], [sflag:$0x5], $0x2800, $0x38;
	[tilespmem:$0x1F880] =	vst v63  }
0x116: {  	_ =	swait.ge [sflag:s3], $0x2800  }
0x117: {  	[sflag:s3] =	ssyncset.done $0x0  }
0x118: {  	s24 =	rddreg [dreg:$0x10];
	[sflag:s3] =	ssyncadd.s32 $0xFFFFD800  }
0x119: {  	[tilespmem:s8], [sflag:$0x5] =	stream.linear.gather [spmem:s24], $0x2800, $0x38;
	[tilespmem:$0x1F880] =	vst v63  }
0x11a: {  	_ =	swait.ge [sflag:s3], $0x2800  }
0x11b: {  	[sflag:s3] =	ssyncset.done $0x0  }
0x11c: {  	s10 =	rddreg [dreg:$0x6];
	[sflag:s3] =	ssyncadd.s32 $0xFFFFD800  }
0x11d: {  	[hbm4b:s10+s4] =	stream.linear.scatter [tilespmem:s8], [sflag:$0x5], $0x2800, $0x38;
	[tilespmem:$0x1F880] =	vst v63  }
0x11e: {  	_ =	swait.ge [sflag:s3], $0x2800  }
0x11f: {  	[sflag:s3] =	ssyncset.done $0x0  }
0x120: {  	[sflag:s3] =	ssyncadd.s32 $0xFFFFD800  }
0x121: {  	[tilespmem:s8], [sflag:$0x5] =	stream.linear.gather [spmem:s26], $0x2800, $0x38;
	[tilespmem:$0x1F880] =	vst v63  }
0x122: {  	_ =	swait.ge [sflag:s3], $0x2800  }
0x123: {  	[sflag:s3] =	ssyncset.done $0x0  }
0x124: {  	s16 =	rddreg [dreg:$0x7];
	[sflag:s3] =	ssyncadd.s32 $0xFFFFD800  }
0x125: {  	[hbm4b:s16+s4] =	stream.linear.scatter [tilespmem:s8], [sflag:$0x5], $0x2800, $0x38;
	[tilespmem:$0x1F880] =	vst v63  }
0x126: {  	_ =	swait.ge [sflag:s3], $0x2800  }
0x127: {  	[sflag:s3] =	ssyncset.done $0x0  }
0x128: {  	s10 =	rddreg [dreg:$0x11];
	[sflag:s3] =	ssyncadd.s32 $0xFFFFD800  }
0x129: {  	[tilespmem:s8], [sflag:$0x5] =	stream.linear.gather [spmem:s10], $0x2800, $0x38;
	[tilespmem:$0x1F880] =	vst v63  }
0x12a: {  	_ =	swait.ge [sflag:s3], $0x2800  }
0x12b: {  	[sflag:s3] =	ssyncset.done $0x0  }
0x12c: {  	s18 =	rddreg [dreg:$0x8];
	[sflag:s3] =	ssyncadd.s32 $0xFFFFD800  }
0x12d: {  	[hbm4b:s18+s4] =	stream.linear.scatter [tilespmem:s8], [sflag:$0x5], $0x2800, $0x38;
	[tilespmem:$0x1F880] =	vst v63  }
0x12e: {  	_ =	swait.ge [sflag:s3], $0x2800  }
0x12f: {  	[sflag:s3] =	ssyncset.done $0x0  }
0x130: {  	[sflag:s3] =	ssyncadd.s32 $0xFFFFD800  }
0x131: {  	[tilespmem:s8], [sflag:$0x5] =	stream.linear.gather [spmem:s21], $0x2800, $0x38;
	[tilespmem:$0x1F880] =	vst v63  }
0x132: {  	_ =	swait.ge [sflag:s3], $0x2800  }
0x133: {  	[sflag:s3] =	ssyncset.done $0x0  }
0x134: {  	s21 =	rddreg [dreg:$0x9];
	[sflag:s3] =	ssyncadd.s32 $0xFFFFD800  }
0x135: {  	[hbm4b:s21+s4] =	stream.linear.scatter [tilespmem:s8], [sflag:$0x5], $0x2800, $0x38;
	[tilespmem:$0x1F880] =	vst v63  }
0x136: {  	_ =	swait.ge [sflag:s3], $0x2800  }
0x137: {  	[sflag:s3] =	ssyncset.done $0x0  }
0x138: {  	s25 =	rddreg [dreg:$0x12];
	[sflag:s3] =	ssyncadd.s32 $0xFFFFD800  }
0x139: {  	[tilespmem:s8], [sflag:$0x5] =	stream.linear.gather [spmem:s25], $0x2800, $0x38;
	[tilespmem:$0x1F880] =	vst v63  }
0x13a: {  	_ =	swait.ge [sflag:s3], $0x2800  }
0x13b: {  	[sflag:s3] =	ssyncset.done $0x0  }
0x13c: {  	s22 =	rddreg [dreg:$0xa];
	[sflag:s3] =	ssyncadd.s32 $0xFFFFD800  }
0x13d: {  	[hbm4b:s22+s4] =	stream.linear.scatter [tilespmem:s8], [sflag:$0x5], $0x2800, $0x38;
	[tilespmem:$0x1F880] =	vst v63  }
0x13e: {  	_ =	swait.ge [sflag:s3], $0x2800  }
0x13f: {  	s6 =	simm.s32 @!p0 $0x7000;
	[sflag:s3] =	ssyncset.done $0x0  }
0x140: {  	s16 =	simm.s32 @!p0 $0x5;
	s22 =	rddreg [dreg:$0x13];
	[sflag:s3] =	ssyncadd.s32 $0xFFFFD800  }
0x141: {  	[tilespmem:s6], [sflag:$0x5] =	stream.linear.gather @!p0 [spmem:s22], $0x2800, $0x38;
	[tilespmem:$0x1F880] =	vst v63  }
0x142: {  	_ =	swait.ge @!p0 [sflag:s16], $0x2800  }
0x143: {  	[sflag:s16] =	ssyncset.done @!p0 $0x0  }
0x144: {  	s18 =	simm.s32 @!p0 $0x0;
	s21 =	rddreg [dreg:$0xb];
	[sflag:s16] =	ssyncadd.s32 @!p0 $0xFFFFD800  }
0x145: {  	[hbm4b:s21+s18] =	stream.linear.scatter @!p0 [tilespmem:s6], [sflag:$0x5], $0x2800, $0x38;
	[tilespmem:$0x1F880] =	vst v63  }
0x146: {  	s21 =	smov.u32 s20  }
0x147: {  	s20 =	smov.u32 s25;
	s25 =	rddreg [dreg:$0xd];
	_ =	swait.ge @!p0 [sflag:s16], $0x2800  }
0x148: {  	s6 =	rddreg [dreg:$0x15]  }
0x149: {  	s18 =	sadd.s32 $0x1, s6;
	s6 =	rddreg [dreg:$0x14]  }
0x14a: {  	p1 =	sne.s32 s18, s6  }
.Ltmp6:
0x14b: {  	_ = 	snop;
	(pc) =	sbr.rel @p1 .LBB2_1-.Ltmp6, $3  }
0x14c: {  	_ =	sdelay $0x1  }
0x14d: {  	[sflag:s16] =	ssyncset.done @!p0 $0x0  }
0x14e: {  	[sflag:s16] =	ssyncadd.s32 @!p0 $0xFFFFD800  }
0x14f: {  	_ =	sfence.sel $0x180000  }
0x150: {  	[bflag:$0x0] =	sbarrier.arrive $0xFFFF  }
0x151: {  	_ =	strace $0x9000004A  }
0x152: {  	s0 =	stileid.u32;
	[bflag:$0x2] =	sbarrier.arrive $0xFFFF  }
0x153: {  	p0 =	sne.s32 s0, $0x0;
	s0 =	rddreg [dreg:$0x3]  }
0x154: {  	s0 =	sadd.s32 @!p0 $0x100000, s0  }
0x155: {  	[sflag:s0] =	ssyncadd.tile.s32 @!p0 $0x1;
	_ =	shalt  }
.Lfunc_end2:
_tile_overlayer_lowered:
.L_overlay_start_2:
0x156: {  	(tag) =	ssettag $0x2  }
0x157: {  	s0 =	rddreg [dreg:$0x0];
	s2 =	stileid.u32  }
0x158: {  	s1 =	rddreg [dreg:$0x1];
	p0 =	sne.s32 s2, $0x0  }
0x159: {  	s3 =	rddreg [dreg:$0x2];
	[bflag:$0x3] =	sbarrier.arrive $0xFFFF;
	s2 =	simm.s32 @!p0 $0x1C05  }
0x15a: {  	[timem:s3], [sflag:s2] =	dma.local @!p0 [hbm:s0], s1  }
0x15b: {  	s0 =	simm.s32 @!p0 $0x5  }
0x15c: {  	_ =	swait.ge @!p0 [sflag:s0], s1  }
0x15d: {  	s1 =	ssub.s32 @!p0 $0x0, s1;
	[sflag:s0] =	ssyncset.done @!p0 $0x0  }
0x15e: {  	[sflag:s0] =	ssyncadd.s32 @!p0 s1  }
0x15f: {  	[bflag:$0x3] =	sbarrier.arrive $0xFFFF  }
0x160: {  	_ =	shalt  }

// kernel: kernel.8.cloned.1.call-start
scs
__scs_entry_jumppad:
0x0: {  	(pc) =	sbr.rel $0x88, $3  }
0x1: {  	(tag) =	ssettag $0x0;
	lr =	simm.s32 $0x1  }
0x2: {  	[smem:$0x3F8D] =	sst lr;
	_ =	strace $0xD0000000  }
0x3: {  	_ = 	snop  }
0x4: {  	_ = 	snop  }
0x5: {  	_ = 	snop  }
0x6: {  	_ = 	snop  }
0x7: {  	_ = 	snop  }
__scs_overlays_trampoline_lowered:
0x8: {  	[smem:$0x3F9C] =	sst s0  }
0x9: {  	[smem:$0x3F9D] =	sst s1  }
0xa: {  	[smem:$0x3F9E] =	sst s2  }
0xb: {  	[smem:$0x3F9F] =	sst s3  }
0xc: {  	[smem:$0x3FA0] =	sst s4  }
0xd: {  	[smem:$0x3FA1] =	sst s5  }
0xe: {  	[smem:$0x3FA2] =	sst s6  }
0xf: {  	[smem:$0x3FA3] =	sst s7  }
0x10: {  	[smem:$0x3FA4] =	sst s8  }
0x11: {  	[smem:$0x3FA5] =	sst s9;
	s0 =	simm.s32 @!p0 $0x0  }
0x12: {  	s1 =	sld [smem:$0x3F8B];
	s0 =	simm.s32 @p0 $0x1  }
0x13: {  	[smem:$0x3FA6] =	sst s0;
	s0 =	simm.s32 @!p1 $0x0  }
0x14: {  	s2 =	sld [smem:$0x3F8A];
	s0 =	simm.s32 @p1 $0x1  }
0x15: {  	[smem:$0x3FA7] =	sst s0;
	s0 =	simm.s32 @!p2 $0x0  }
0x16: {  	s3 =	sld [smem:$0x3FDB];
	s0 =	simm.s32 @p2 $0x1  }
0x17: {  	s4 =	simm.s32 $0x1BF5;
	[smem:$0x3FA9] =	sst s0  }
0x18: {  	s0 =	sld [smem:$0x3F8C];
	_ =	swait.ge [sflag:s4], $0x0  }
0x19: {  	s7 =	sld [smem:$0x3F8D]  }
0x1a: {  	s8 =	sadd.s32 $0xFFFFE003, lr  }
0x1b: {  	s9 =	sadd.s32 $0xFFFFFEF7, lr;
	s5 =	simm.s32 $0xFFFFFFFF;
	p2 =	slt.u32 s8, $0xFFFFF086  }
0x1c: {  	p1 =	slt.u32 s9, $0xF7A;
	s5 =	simm.s32 @!p2 $0x0  }
0x1d: {  	s5 =	simm.s32 @p1 $0x1;
	p0 =	seq.s32 s7, s2  }
0x1e: {  	s7 =	smul.u32 @!p0 $0xF7A, s2;
	p2 =	seq.s32 @!p0 s5, $0x0  }
0x1f: {  	s9 =	smul.u32 $0xF7A, s1;
	s8 =	simm.s32 @!p0 $0x1BF5;
	p2 =	por !p2, p0  }
0x20: {  	[sflag:s8] =	ssyncset.s32 @!p0 $0xFFFFF086;
	s6 =	sadd.s32 @!p0 s3, s7;
	s7 =	simm.s32 @!p0 $0x108  }
0x21: {  	s3 =	sadd.s32 s3, s9;
	s6 =	sadd.s32 @!p0 $0x88, s6;
	s7 =	simm.s32 @p2 $0x1082  }
0x22: {  	[simem:s7], [sflag:s8] =	dma.local @!p0 [hbm:s6], $0xF7A  }
0x23: {  	s9 =	sor.u32 $0xD0000000, s2;
	s6 =	simm.s32 $0x108;
	_ =	swait.ge @!p0 [sflag:s8], $0x0  }
0x24: {  	s3 =	sadd.s32 $0x88, s3;
	s6 =	simm.s32 @!p1 $0x1082;
	[sflag:s4] =	ssyncset.s32 $0xFFFFF086  }
0x25: {  	[simem:s6], [sflag:s4] =	dma.local [hbm:s3], $0xF7A  }
0x26: {  	[smem:$0x3F8D] =	sst s1;
	(tag) =	ssettag s2;
	_ =	strace s9  }
0x27: {  	s1 =	sld [smem:$0x3F9D]  }
0x28: {  	s2 =	sld [smem:$0x3F9E]  }
0x29: {  	s4 =	sld [smem:$0x3FA0]  }
0x2a: {  	p0 =	seq.s32 s5, $0x0;
	s5 =	sld [smem:$0x3FA1]  }
0x2b: {  	s6 =	sld [smem:$0x3FA2]  }
0x2c: {  	s7 =	sld [smem:$0x3FA3]  }
0x2d: {  	s3 =	simm.s32 $0x108;
	s8 =	sld [smem:$0x3FA4]  }
0x2e: {  	s3 =	simm.s32 @!p0 $0x1082;
	s9 =	sld [smem:$0x3FA5]  }
0x2f: {  	lr =	sadd.s32 s0, s3;
	s0 =	sld [smem:$0x3F9C]  }
0x30: {  	s3 =	sld [smem:$0x3F9F]  }
0x31: {  	[smem:$0x3FA8] =	sst s10  }
0x32: {  	s10 =	sld [smem:$0x3FA6];
	_ =	sdelay $0x3  }
0x33: {  	p0 =	seq.s32 s10, $0x1;
	s10 =	sld [smem:$0x3FA8];
	_ =	sdelay $0x3  }
0x34: {  	[smem:$0x3FA8] =	sst s10  }
0x35: {  	s10 =	sld [smem:$0x3FA7];
	_ =	sdelay $0x3  }
0x36: {  	p1 =	seq.s32 s10, $0x1;
	s10 =	sld [smem:$0x3FA8];
	_ =	sdelay $0x3  }
0x37: {  	[smem:$0x3FA8] =	sst s10  }
0x38: {  	s10 =	sld [smem:$0x3FA9]  }
0x39: {  	_ = 	snop;
	(pc) =	sbr.ind lr, $3  }
0x3a: {  	_ = 	snop  }
0x3b: {  	_ = 	snop  }
0x3c: {  	p2 =	seq.s32 s10, $0x1;
	s10 =	sld [smem:$0x3FA8]  }
0x3d: {  	_ =	shalt  }
0x3e: {  	_ =	shalt  }
0x3f: {  	_ =	shalt  }
0x40: {  	_ =	shalt  }
0x41: {  	_ =	shalt  }
0x42: {  	_ =	shalt  }
0x43: {  	_ =	shalt  }
0x44: {  	_ =	shalt  }
0x45: {  	_ =	shalt  }
0x46: {  	_ =	shalt  }
0x47: {  	_ =	shalt  }
0x48: {  	_ =	shalt  }
0x49: {  	_ =	shalt  }
0x4a: {  	_ =	shalt  }
0x4b: {  	_ =	shalt  }
0x4c: {  	_ =	shalt  }
0x4d: {  	_ =	shalt  }
0x4e: {  	_ =	shalt  }
0x4f: {  	_ =	shalt  }
0x50: {  	_ =	shalt  }
0x51: {  	_ =	shalt  }
0x52: {  	_ =	shalt  }
0x53: {  	_ =	shalt  }
0x54: {  	_ =	shalt  }
0x55: {  	_ =	shalt  }
0x56: {  	_ =	shalt  }
0x57: {  	_ =	shalt  }
0x58: {  	_ =	shalt  }
0x59: {  	_ =	shalt  }
0x5a: {  	_ =	shalt  }
0x5b: {  	_ =	shalt  }
0x5c: {  	_ =	shalt  }
0x5d: {  	_ =	shalt  }
0x5e: {  	_ =	shalt  }
0x5f: {  	_ =	shalt  }
0x60: {  	_ =	shalt  }
0x61: {  	_ =	shalt  }
0x62: {  	_ =	shalt  }
0x63: {  	_ =	shalt  }
0x64: {  	_ =	shalt  }
0x65: {  	_ =	shalt  }
0x66: {  	_ =	shalt  }
0x67: {  	_ =	shalt  }
0x68: {  	_ =	shalt  }
0x69: {  	_ =	shalt  }
0x6a: {  	_ =	shalt  }
0x6b: {  	_ =	shalt  }
0x6c: {  	_ =	shalt  }
0x6d: {  	_ =	shalt  }
0x6e: {  	_ =	shalt  }
0x6f: {  	_ =	shalt  }
0x70: {  	_ =	shalt  }
0x71: {  	_ =	shalt  }
0x72: {  	_ =	shalt  }
0x73: {  	_ =	shalt  }
0x74: {  	_ =	shalt  }
0x75: {  	_ =	shalt  }
0x76: {  	_ =	shalt  }
0x77: {  	_ =	shalt  }
0x78: {  	_ =	shalt  }
0x79: {  	_ =	shalt  }
0x7a: {  	_ =	shalt  }
0x7b: {  	_ =	shalt  }
0x7c: {  	_ =	shalt  }
0x7d: {  	_ =	shalt  }
0x7e: {  	_ =	shalt  }
0x7f: {  	_ =	shalt  }
0x80: {  	_ =	shalt  }
0x81: {  	_ =	shalt  }
0x82: {  	_ =	shalt  }
0x83: {  	_ =	shalt  }
0x84: {  	_ =	shalt  }
0x85: {  	_ =	shalt  }
0x86: {  	_ =	shalt  }
0x87: {  	_ =	shalt  }
.Lfunc_end0:
.L_simem_size_0:
called_computation_lowered:
.L_overlay_start_0:
0x88: {  	s2 =	sld [smem:$0x3FD9]  }
0x89: {  	s3 =	sld [smem:$0x3FFE];
	_ =	sdelay $0x1  }
0x8a: {  	s1 =	srdreg.scid  }
0x8b: {  	s0 =	sand.u32 $0x1, s1  }
0x8c: {  	s16 =	sshll.u32 s0, $0xA;
	s2 =	sadd.s32 s3, s2  }
0x8d: {  	s2 =	sadd.s32 s2, s16  }
0x8e: {  	[smem:$0x3FB4] =	sst s2  }
0x8f: {  	_ = 	snop  }
0x90: {  	(tm) =	ssettm $0x1  }
0x91: {  	s17 =	sld [smem:$0x3FFB];
	_ =	sdelay $0x3  }
0x92: {  	_ =	strace s17  }
0x93: {  	s2 =	sld [smem:$0x3FFC];
	_ =	sdelay $0x3  }
0x94: {  	_ =	strace s2  }
0x95: {  	s2 =	sld [smem:$0x3FFD];
	_ =	sdelay $0x3  }
0x96: {  	_ =	strace s2  }
0x97: {  	_ =	strace $0x8FFFFFFF  }
0x98: {  	s18 =	sld [smem:$0x3FDB];
	_ =	sdelay $0x1  }
0x99: {  	s19 =	simm.s32 $_scs_section_size  }
0x9a: {  	s4 =	simm.s32 $_size__tile_overlayer_lowered;
	s5 =	simm.s32 $_tile_overlayer_lowered  }
0x9b: {  	s22 =	simm.s32 $0x1BFF;
	s21 =	sshll.u32 s5, $0x1;
	s2 =	sadd.s32 s19, s18  }
0x9c: {  	s6 =	simm.s32 $0x0;
	s20 =	sshll.u32 s4, $0x1;
	s4 =	sadd.s32 s21, s2  }
0x9d: {  	[timem:s6], [sflag:s22] =	dma.local [hbm:s4], s20  }
0x9e: {  	_ =	swait.ge [sflag:s22], s20  }
0x9f: {  	s3 =	ssub.s32 $0x0, s20;
	[sflag:s22] =	ssyncset.done $0x0  }
0xa0: {  	[sflag:s22] =	ssyncadd.s32 s3;
	_ =	sdelay $0x1  }
0xa1: {  	s23 =	simm.s32 $0x1B8B  }
0xa2: {  	_ =	swait.ge [sflag:s23], $0x1  }
0xa3: {  	[sflag:s23] =	ssyncset.done $0x0  }
0xa4: {  	s25 =	simm.s32 $0x1B8E;
	s24 =	sld [smem:$0x3FFE];
	[sflag:s23] =	ssyncadd.s32 $0xFFFFFFFF  }
0xa5: {  	s26 =	simm.s32 $execute0_lowered;
	[smem:$0x3FD2] =	sst s25  }
0xa6: {  	s4 =	sshll.u32 s26, $0x1;
	_ =	strace $0x80000046;
	[dreg:$0x1] =	wrdreg $0xFFFFFFFF  }
0xa7: {  	s28 =	simm.s32 $_size_execute0_lowered;
	s2 =	sadd.s32 s2, s4;
	[dreg:$0x0] =	wrdreg $0x0  }
0xa8: {  	s4 =	sshll.u32 s28, $0x1;
	[dreg:$0x2] =	wrdreg s2  }
0xa9: {  	[dreg:$0x3] =	wrdreg s4  }
0xaa: {  	[dreg:$0x4] =	wrdreg $0xC0  }
0xab: {  	_ =	task [dreg:s6], $0x5FFFF  }
0xac: {  	[dreg:$0x1] =	wrdreg $0xFFFFFFFF  }
0xad: {  	[dreg:$0x0] =	wrdreg $0x60  }
0xae: {  	[dreg:$0x2] =	wrdreg s24  }
0xaf: {  	[dreg:$0x3] =	wrdreg $0x9  }
0xb0: {  	_ =	task.clear_ibuf [dreg:s6], $0x4FFFF;
	_ =	strace $0x90000046  }
0xb1: {  	s29 =	simm.s32 $0x9;
	_ =	strace $0x80000048  }
0xb2: {  	_ =	swait.ge [sflag:s29], $0x1  }
0xb3: {  	[sflag:s29] =	ssyncadd.s32 $0xFFFFFFFF  }
0xb4: {  	_ =	strace $0x90000048  }
0xb5: {  	_ =	sfence  }
0xb6: {  	s30 =	sld [smem:$0x0];
	_ =	sdelay $0x2  }
0xb7: {  	s31 =	sshll.u32 s1, $0xD;
	s1 =	sshrl.u32 s1, $0x2  }
0xb8: {  	s3 =	sand.u32 $0x4000, s31;
	s1 =	sadd.s32 s1, s30  }
0xb9: {  	s0 =	sor.u32 s3, s0;
	s1 =	sshll.u32 s1, $0x11  }
0xba: {  	s0 =	sor.u32 s1, s0  }
0xbb: {  	s0 =	sadd.s32 $0x8F2B, s0  }
0xbc: {  	[sflag:s0] =	ssyncadd.remote.s32 $0x1  }
0xbd: {  	_ =	sfence.sel $0xFFFF  }
0xbe: {  	[dreg:$0x0] =	wrdreg $0xFFFFFFFF;
	(pc) =	sbr.abs _section_cstart, $3  }
0xbf: {  	[dreg:$0x1] =	wrdreg $0xFFFFFFFF  }
0xc0: {  	_ =	task.clear_ibuf [dreg:s6], $0x2FFFF;
	_ =	strace $0x9FFFFFFF  }
0xc1: {  	(tm) =	ssettm $0x7FFFFFFF  }
tec
execute0_lowered:
.L_overlay_start_1:
0x0: {  	(tag) =	ssettag $0x1  }
0x1: {  	s1 =	srdreg.scid;
	s0 =	stileid.u32  }
0x2: {  	s5 =	rddreg [dreg:$0x0];
	s2 =	simm.s32 $0x0;
	s9 =	simm.s32 $0x80  }
0x3: {  	s10 =	simm.s32 $0x400;
	s11 =	simm.s32 $0x9C80;
	s3 =	sand.u32 $0x1, s1  }
0x4: {  	s12 =	simm.s32 $0xC400;
	s26 =	sshrl.u32 s0, $0x3;
	s4 =	smul.u32 $0x27800, s3  }
0x5: {  	s13 =	simm.s32 $0xEB80;
	s1 =	rddreg [dreg:$0x1];
	s6 =	smul.u32 $0x13C00, s26  }
0x6: {  	s14 =	simm.s32 $0x0;
	s7 =	sshll.u32 s0, $0x7;
	[smem:$0x7FF] =	sst s2  }
0x7: {  	s28 =	sand.u32 $0x380, s7;
	s29 =	ssub.s32 $0x2, s3;
	s4 =	sadd.s32 s4, s6  }
0x8: {  	_ =	strace $0x80000047;
	s31 =	sshrl.u32 s29, $0x1;
	s4 =	sor.u32 s28, s4  }
0x9: {  	s3 =	sadd.s32 $0x25600, s5;
	s8 =	ssub.s32 s29, s31;
	s4 =	sshrl.u32 s4, $0x3  }
0xa: {  	s7 =	smax.u32 s8, $0x1;
	s8 =	simm.s32 $0x1;
	s30 =	sadd.s32 s4, s5  }
0xb: {  	s4 =	sadd.s32 $0x11A00, s30;
	s5 =	sadd.s32 $0x1B800, s30;
	s6 =	sadd.s32 $0x26A00, s30  }
.LBB2_1:
0xc: {  	[tilespmem:s2], [sflag:$0x1] =	stream.linear.gather [hbm4b:s3+s2], $0x9C80, $0x38;
	[tilespmem:$0x11300] =	vst v63  }
0xd: {  	_ =	swait.ge [sflag:s8], $0x9C80  }
0xe: {  	[sflag:s8] =	ssyncset.done $0x0  }
0xf: {  	[sflag:s8] =	ssyncadd.s32 $0xFFFF6380  }
0x10: {  	[tilespmem:s11], [sflag:$0x1] =	stream.strided.gather [hbm4b:s4+s9], $0x2780, s10, s9, $0x38;
	[tilespmem:$0x11300] =	vst v63  }
0x11: {  	_ =	swait.ge [sflag:s8], $0x2780  }
0x12: {  	[sflag:s8] =	ssyncset.done $0x0  }
0x13: {  	[sflag:s8] =	ssyncadd.s32 $0xFFFFD880  }
0x14: {  	[tilespmem:s12], [sflag:$0x1] =	stream.strided.gather [hbm4b:s5+s9], $0x2780, s10, s9, $0x38;
	[tilespmem:$0x11300] =	vst v63  }
0x15: {  	_ =	swait.ge [sflag:s8], $0x2780  }
0x16: {  	[sflag:s8] =	ssyncset.done $0x0  }
0x17: {  	s15 =	simm.s32 $0x0;
	[sflag:s8] =	ssyncadd.s32 $0xFFFFD880  }
0x18: {  	v0 =	vld [tilespmem:s15+$0xC400]  }
0x19: {  	v1 =	vld [tilespmem:s15+$0x9C80];
	_ =	sdelay $0x3  }
0x1a: {  	v0 =	vshll.u32 v0, $0x2  }
0x1b: {  	v1 =	vshll.u32 v1, $0x2  }
0x1c: {  	v2 =	vor.u32 $0x1, v0  }
0x1d: {  	v3 =	vor.u32 $0x1, v1  }
0x1e: {  	v4 =	vor.u32 $0x2, v0  }
0x1f: {  	v5 =	vor.u32 $0x2, v1;
	v0 =	vld.idx.msk [tilespmem:v0+s2+$0x0], $0xffff  }
0x20: {  	v1 =	vld.idx.msk [tilespmem:v1+s2+$0x0], $0xffff  }
0x21: {  	v2 =	vld.idx.msk [tilespmem:v2+s2+$0x0], $0xffff  }
0x22: {  	v3 =	vld.idx.msk [tilespmem:v3+s2+$0x0], $0xffff  }
0x23: {  	v4 =	vld.idx.msk [tilespmem:v4+s2+$0x0], $0xffff  }
0x24: {  	v5 =	vld.idx.msk [tilespmem:v5+s2+$0x0], $0xffff;
	_ =	sdelay $0x2  }
0x25: {  	v0 =	vsub.f32 v1, v0;
	v1 =	vsub.f32 v3, v2;
	_ =	sdelay $0x1  }
0x26: {  	v2 =	vsub.f32 v5, v4;
	v0 =	vmul.f32 v0, v0;
	v1 =	vmul.f32 v1, v1;
	_ =	sdelay $0x1  }
0x27: {  	v0 =	vadd.f32 v1, v0;
	v1 =	vmul.f32 v2, v2;
	_ =	sdelay $0x1  }
0x28: {  	v0 =	vadd.f32 v1, v0;
	_ =	sdelay $0x1  }
0x29: {  	v0 =	vmax.f32 v0, $1.000000020e-24  }
0x2a: {  	v1 =	vshra.s32 v0, $0x1;
	v2 =	vmul.f32 $5.000000000e-01, v0  }
0x2b: {  	v1 =	vsub.s32 $0x5F3759DF, v1  }
0x2c: {  	v3 =	vmul.f32 v1, v2;
	_ =	sdelay $0x1  }
0x2d: {  	v3 =	vmul.f32 v1, v3;
	_ =	sdelay $0x1  }
0x2e: {  	v3 =	vsub.f32 $1.500000000e+00, v3;
	_ =	sdelay $0x1  }
0x2f: {  	v1 =	vmul.f32 v1, v3;
	_ =	sdelay $0x1  }
0x30: {  	v3 =	vmul.f32 v1, v2;
	_ =	sdelay $0x1  }
0x31: {  	v3 =	vmul.f32 v3, v1;
	_ =	sdelay $0x1  }
0x32: {  	v3 =	vsub.f32 $1.500000000e+00, v3;
	_ =	sdelay $0x1  }
0x33: {  	v1 =	vmul.f32 v3, v1  }
0x34: {  	s17 =	simm.s32 $0x10  }
0x35: {  	v4 =	vmul.f32 v1, v2;
	v2 =	vld [tilespmem:s17+$0xC400]  }
0x36: {  	v3 =	vld [tilespmem:s17+$0x9C80]  }
0x37: {  	s16 =	simm.s32 $0x80;
	v4 =	vmul.f32 v4, v1  }
.LBB2_2:
0x38: {  	p0 =	sne.s32 s16, $0x9C00  }
0x39: {  	v4 =	vsub.f32 $1.500000000e+00, v4  }
0x3a: {  	v2 =	vshll.u32 v2, $0x2  }
0x3b: {  	v3 =	vshll.u32 v3, $0x2;
	v5 =	vor.u32 $0x1, v2;
	v1 =	vmul.f32 v4, v1  }
0x3c: {  	v4 =	vor.u32 $0x1, v3  }
0x3d: {  	v0 =	vmul.f32 v1, v0;
	_ =	sdelay $0x1  }
0x3e: {  	v1 =	vor.u32 $0x2, v2;
	[tilespmem:s15+$0xEB80] =	vst v0;
	s15 =	smov.u32 s17  }
0x3f: {  	v0 =	vld.idx.msk [tilespmem:v5+s2+$0x0], $0xffff;
	v5 =	vor.u32 $0x2, v3  }
0x40: {  	v4 =	vld.idx.msk [tilespmem:v4+s2+$0x0], $0xffff  }
0x41: {  	v2 =	vld.idx.msk [tilespmem:v2+s2+$0x0], $0xffff  }
0x42: {  	v3 =	vld.idx.msk [tilespmem:v3+s2+$0x0], $0xffff  }
0x43: {  	v1 =	vld.idx.msk [tilespmem:v1+s2+$0x0], $0xffff  }
0x44: {  	v5 =	vld.idx.msk [tilespmem:v5+s2+$0x0], $0xffff;
	_ =	sdelay $0x3  }
0x45: {  	v0 =	vsub.f32 v4, v0;
	v2 =	vsub.f32 v3, v2;
	_ =	sdelay $0x1  }
0x46: {  	v0 =	vmul.f32 v0, v0;
	v1 =	vsub.f32 v5, v1;
	v2 =	vmul.f32 v2, v2;
	_ =	sdelay $0x1  }
0x47: {  	v0 =	vadd.f32 v0, v2;
	v1 =	vmul.f32 v1, v1;
	_ =	sdelay $0x1  }
0x48: {  	v0 =	vadd.f32 v1, v0;
	_ =	sdelay $0x1  }
0x49: {  	v0 =	vmax.f32 v0, $1.000000020e-24  }
0x4a: {  	v1 =	vshra.s32 v0, $0x1;
	v3 =	vmul.f32 $5.000000000e-01, v0  }
0x4b: {  	v1 =	vsub.s32 $0x5F3759DF, v1  }
0x4c: {  	v2 =	vmul.f32 v1, v3;
	_ =	sdelay $0x1  }
0x4d: {  	v2 =	vmul.f32 v1, v2;
	_ =	sdelay $0x1  }
0x4e: {  	v2 =	vsub.f32 $1.500000000e+00, v2;
	_ =	sdelay $0x1  }
0x4f: {  	v1 =	vmul.f32 v1, v2;
	_ =	sdelay $0x1  }
0x50: {  	v2 =	vmul.f32 v1, v3;
	_ =	sdelay $0x1  }
0x51: {  	v2 =	vmul.f32 v2, v1;
	_ =	sdelay $0x1  }
0x52: {  	v2 =	vsub.f32 $1.500000000e+00, v2;
	_ =	sdelay $0x1  }
.Ltmp0:
0x53: {  	v1 =	vmul.f32 v2, v1;
	(pc) =	sbr.rel @p0 .LBB2_2-.Ltmp0, $4  }
0x54: {  	s17 =	sshra.s32 s16, $0x2  }
0x55: {  	v4 =	vmul.f32 v1, v3;
	v2 =	vld [tilespmem:s17+$0xC400]  }
0x56: {  	v3 =	vld [tilespmem:s17+$0x9C80]  }
0x57: {  	s16 =	sadd.s32 $0x40, s16;
	v4 =	vmul.f32 v4, v1  }
0x58: {  	_ = 	snop  }
0x59: {  	v4 =	vsub.f32 $1.500000000e+00, v4  }
0x5a: {  	v2 =	vshll.u32 v2, $0x2  }
0x5b: {  	v5 =	vor.u32 $0x1, v2;
	v1 =	vmul.f32 v4, v1;
	_ =	sdelay $0x1  }
0x5c: {  	v3 =	vshll.u32 v3, $0x2;
	v0 =	vmul.f32 v1, v0  }
0x5d: {  	v58 =	vor.u32 $0x1, v3  }
0x5e: {  	v59 =	vor.u32 $0x2, v2;
	[tilespmem:s15+$0xEB80] =	vst v0  }
0x5f: {  	v60 =	vor.u32 $0x2, v3;
	v0 =	vld.idx.msk [tilespmem:v5+s2+$0x0], $0xffff  }
0x60: {  	v2 =	vld.idx.msk [tilespmem:v2+s2+$0x0], $0xffff  }
0x61: {  	v3 =	vld.idx.msk [tilespmem:v3+s2+$0x0], $0xffff  }
0x62: {  	v4 =	vld.idx.msk [tilespmem:v58+s2+$0x0], $0xffff  }
0x63: {  	v1 =	vld.idx.msk [tilespmem:v59+s2+$0x0], $0xffff  }
0x64: {  	v5 =	vld.idx.msk [tilespmem:v60+s2+$0x0], $0xffff;
	_ =	sdelay $0x2  }
0x65: {  	v2 =	vsub.f32 v3, v2;
	v0 =	vsub.f32 v4, v0;
	_ =	sdelay $0x1  }
0x66: {  	v1 =	vsub.f32 v5, v1;
	v2 =	vmul.f32 v2, v2;
	v0 =	vmul.f32 v0, v0;
	_ =	sdelay $0x1  }
0x67: {  	v1 =	vmul.f32 v1, v1;
	v0 =	vadd.f32 v0, v2;
	_ =	sdelay $0x1  }
0x68: {  	v0 =	vadd.f32 v1, v0;
	_ =	sdelay $0x1  }
0x69: {  	v0 =	vmax.f32 v0, $1.000000020e-24  }
0x6a: {  	v61 =	vshra.s32 v0, $0x1;
	v62 =	vmul.f32 $5.000000000e-01, v0  }
0x6b: {  	v1 =	vsub.s32 $0x5F3759DF, v61  }
0x6c: {  	v63 =	vmul.f32 v1, v62;
	_ =	sdelay $0x1  }
0x6d: {  	v3 =	vmul.f32 v1, v63;
	_ =	sdelay $0x1  }
0x6e: {  	v3 =	vsub.f32 $1.500000000e+00, v3;
	_ =	sdelay $0x1  }
0x6f: {  	v1 =	vmul.f32 v1, v3;
	_ =	sdelay $0x1  }
0x70: {  	v3 =	vmul.f32 v1, v62;
	_ =	sdelay $0x1  }
0x71: {  	v3 =	vmul.f32 v3, v1;
	_ =	sdelay $0x1  }
0x72: {  	v3 =	vsub.f32 $1.500000000e+00, v3;
	_ =	sdelay $0x1  }
0x73: {  	v1 =	vmul.f32 v3, v1;
	_ =	sdelay $0x1  }
0x74: {  	v2 =	vmul.f32 v1, v62;
	_ =	sdelay $0x1  }
0x75: {  	v2 =	vmul.f32 v2, v1;
	_ =	sdelay $0x1  }
0x76: {  	v2 =	vsub.f32 $1.500000000e+00, v2;
	_ =	sdelay $0x1  }
0x77: {  	v1 =	vmul.f32 v2, v1;
	_ =	sdelay $0x1  }
0x78: {  	s14 =	sadd.s32 $0x1, s14;
	v0 =	vmul.f32 v1, v0  }
0x79: {  	p0 =	sne.s32 s14, s7  }
.Ltmp1:
0x7a: {  	[tilespmem:s17+$0xEB80] =	vst v0;
	(pc) =	sbr.rel @p0 .LBB2_1-.Ltmp1, $4  }
0x7b: {  	[hbm4b:s6+s9] =	stream.strided.scatter [tilespmem:s13], [sflag:$0x1], $0x2780, s10, s9, $0x38;
	[tilespmem:$0x11300] =	vst v63  }
0x7c: {  	_ =	swait.ge [sflag:s8], $0x2780  }
0x7d: {  	[sflag:s8] =	ssyncset.done $0x0  }
0x7e: {  	[sflag:s8] =	ssyncadd.s32 $0xFFFFD880  }
0x7f: {  	_ =	sfence.sel $0x180000  }
0x80: {  	[bflag:$0x0] =	sbarrier.arrive $0xFFFF  }
0x81: {  	p0 =	sne.s32 s0, $0x0;
	_ =	strace $0x90000047  }
0x82: {  	s0 =	sadd.s32 @!p0 $0x100000, s1;
	[bflag:$0x2] =	sbarrier.arrive $0xFFFF  }
0x83: {  	[sflag:s0] =	ssyncadd.tile.s32 @!p0 $0x1;
	_ =	shalt  }
.Lfunc_end2:
_tile_overlayer_lowered:
.L_overlay_start_2:
0x84: {  	(tag) =	ssettag $0x2  }
0x85: {  	s0 =	rddreg [dreg:$0x0];
	s2 =	stileid.u32  }
0x86: {  	s1 =	rddreg [dreg:$0x1];
	p0 =	sne.s32 s2, $0x0  }
0x87: {  	s3 =	rddreg [dreg:$0x2];
	[bflag:$0x3] =	sbarrier.arrive $0xFFFF;
	s2 =	simm.s32 @!p0 $0x1C01  }
0x88: {  	[timem:s3], [sflag:s2] =	dma.local @!p0 [hbm:s0], s1  }
0x89: {  	s0 =	simm.s32 @!p0 $0x1  }
0x8a: {  	_ =	swait.ge @!p0 [sflag:s0], s1  }
0x8b: {  	s1 =	ssub.s32 @!p0 $0x0, s1;
	[sflag:s0] =	ssyncset.done @!p0 $0x0  }
0x8c: {  	[sflag:s0] =	ssyncadd.s32 @!p0 s1  }
0x8d: {  	[bflag:$0x3] =	sbarrier.arrive $0xFFFF  }
0x8e: {  	_ =	shalt  }

</sc_bundles>
